<compile_context>
chip_gen: v7x
topology: tpu7x:2x2x1
jax: 0.10.2.dev20260603
libtpu: 0.0.44.dev20260713+nightly
codegen_flags: <defaults>
</compile_context>

<pallas_src>
import functools
import numpy as np
import jax
import jax.numpy as jnp
from jax import lax
from jax.experimental import pallas as pl
from jax.experimental.pallas import tpu as pltpu
from jax.experimental.pallas import tpu_sc as plsc

N = 10000
D = 128
E = 320000
HEADS = 8
GAT_H = 16
EPS = 1e-5

NC = 2
NS = 16
NW = NC * NS
EPT = E // NW
C = 80
NCH = EPT // C
NP = 10240
RPT = NP // NS
RP8 = RPT // 8
ZR = 16
HR = RPT // 2
PR = HR // 8

f32 = jnp.float32
i32 = jnp.int32

_PACK_SRC = np.empty(128, np.int32)
for _h in range(8):
    for _c in range(16):
        _PACK_SRC[(_c // 2) * 16 + (_c % 2) * 8 + _h] = _h * 16 + _c


def _mk_mesh():
    return plsc.VectorSubcoreMesh(core_axis_name="c", subcore_axis_name="s",
                                  num_cores=NC, num_subcores=NS)


def _wid():
    return lax.axis_index("s") * NC + lax.axis_index("c")


def _init_acc(zz_hbm, acc):
    sid = lax.axis_index("s")
    r0 = pl.multiple_of(sid * RPT, 8)
    pltpu.sync_copy(zz_hbm.at[pl.ds(r0, RPT)], acc.at[pl.ds(r0, RPT)])


def _copy_out_wide(acc, out_hbm):
    cid = lax.axis_index("c")
    sid = lax.axis_index("s")
    r0 = pl.multiple_of(sid * RPT, 8)
    pltpu.sync_copy(acc.at[pl.ds(r0, RPT)], out_hbm.at[cid, pl.ds(r0, RPT)])


def _deg_body(dst_hbm, zz_hbm, out_hbm, didx, ones_v, acc):
    def fill(i, _):
        for j in range(8):
            ones_v[i, pl.ds(j * 16, 16)] = jnp.full((16,), 1.0, f32)
        return 0
    lax.fori_loop(0, C, fill, 0)
    _init_acc(zz_hbm, acc)
    plsc.subcore_barrier()
    ebase = _wid() * EPT

    def chunk(k, _):
        b = pl.multiple_of(ebase + k * C, 8)
        pltpu.sync_copy(dst_hbm.at[pl.ds(b, C)], didx)
        pltpu.sync_copy(ones_v, acc.at[didx], add=True)
        return 0
    lax.fori_loop(0, NCH, chunk, 0)
    plsc.subcore_barrier()
    _copy_out_wide(acc, out_hbm)


def _sc_degree(dst, zz):
    kfn = pl.kernel(
        _deg_body,
        out_type=jax.ShapeDtypeStruct((NC, NP, D), f32),
        mesh=_mk_mesh(),
        scratch_types=[
            pltpu.VMEM((C,), i32),
            pltpu.VMEM((C, D), f32),
            pltpu.VMEM_SHARED((NP, D), f32),
        ],
    )
    return kfn(dst, zz)


def _segsum_body(y_hbm, src_hbm, dst_hbm, zz_hbm, out_hbm, sidx, didx, rows, acc):
    _init_acc(zz_hbm, acc)
    plsc.subcore_barrier()
    ebase = _wid() * EPT

    def chunk(k, _):
        b = pl.multiple_of(ebase + k * C, 8)
        pltpu.sync_copy(src_hbm.at[pl.ds(b, C)], sidx)
        pltpu.sync_copy(dst_hbm.at[pl.ds(b, C)], didx)
        pltpu.sync_copy(y_hbm.at[sidx], rows)
        pltpu.sync_copy(rows, acc.at[didx], add=True)
        return 0
    lax.fori_loop(0, NCH, chunk, 0)
    plsc.subcore_barrier()
    _copy_out_wide(acc, out_hbm)


def _sc_segsum(y, src, dst, zz):
    kfn = pl.kernel(
        _segsum_body,
        out_type=jax.ShapeDtypeStruct((NC, NP, D), f32),
        mesh=_mk_mesh(),
        scratch_types=[
            pltpu.VMEM((C,), i32),
            pltpu.VMEM((C,), i32),
            pltpu.VMEM((C, D), f32),
            pltpu.VMEM_SHARED((NP, D), f32),
        ],
    )
    return kfn(y, src, dst, zz)


def _gat_body(multi_head, xl_hbm, xr_hbm, att_hbm, src_hbm, dst_hbm, zz_hbm,
              num_hbm, exv_hbm,
              sidx, didx, xl_v, xr_v, pk_v, att_v, fbuf, accN):
    pltpu.sync_copy(att_hbm, att_v)
    _init_acc(zz_hbm, accN)
    fbuf[pl.ds(0, 16)] = jnp.zeros((16,), f32)
    fbuf[pl.ds(16, 16)] = jnp.zeros((16,), f32)
    fbuf[pl.ds(32, 16)] = jnp.zeros((16,), f32)
    plsc.subcore_barrier()
    ebase = _wid() * EPT

    def chunk(k, _):
        b = pl.multiple_of(ebase + k * C, 8)
        pltpu.sync_copy(src_hbm.at[pl.ds(b, C)], sidx)
        pltpu.sync_copy(dst_hbm.at[pl.ds(b, C)], didx)
        pltpu.sync_copy(xl_hbm.at[sidx], xl_v)
        pltpu.sync_copy(xr_hbm.at[didx], xr_v)

        def edge(e, _):
            avs = []
            t = jnp.zeros((16,), f32)
            for j in range(8):
                a = xl_v[e, pl.ds(j * 16, 16)]
                bb = xr_v[e, pl.ds(j * 16, 16)]
                z = a + bb
                lz = jnp.maximum(z, 0.2 * z)
                t = t + lz * att_v[pl.ds(j * 16, 16)]
                avs.append(a)
            fbuf[pl.ds(16, 16)] = t
            rot8 = fbuf[pl.ds(24, 16)] + fbuf[pl.ds(8, 16)]
            t = t + rot8
            if not multi_head:
                s = t[0] + t[1] + t[2] + t[3] + t[4] + t[5] + t[6] + t[7]
                t = jnp.full((16,), s, f32)
            exv = jnp.exp(t)
            for j in range(8):
                xl_v[e, pl.ds(j * 16, 16)] = avs[j] * exv
            pk_v[pl.ds(e * 16, 16)] = exv
            return 0

        lax.fori_loop(0, C, edge, 0)
        pltpu.sync_copy(xl_v, accN.at[didx], add=True)
        pltpu.sync_copy(pk_v, exv_hbm.at[pl.ds(b * 16, C * 16)])
        return 0
    lax.fori_loop(0, NCH, chunk, 0)
    plsc.subcore_barrier()
    _copy_out_wide(accN, num_hbm)


def _sc_gat(xl, xr, att_flat, src, dst, zz, multi_head):
    kfn = pl.kernel(
        functools.partial(_gat_body, multi_head),
        out_type=(jax.ShapeDtypeStruct((NC, NP, D), f32),
                  jax.ShapeDtypeStruct((E * 16,), f32)),
        mesh=_mk_mesh(),
        scratch_types=[
            pltpu.VMEM((C,), i32),
            pltpu.VMEM((C,), i32),
            pltpu.VMEM((C, D), f32),
            pltpu.VMEM((C, D), f32),
            pltpu.VMEM((C * 16,), f32),
            pltpu.VMEM((D,), f32),
            pltpu.VMEM((48,), f32),
            pltpu.VMEM_SHARED((NP, D), f32),
        ],
    )
    return kfn(xl, xr, att_flat, src, dst, zz)


def _den_body(exv_hbm, dst_hbm, zz_hbm, out_hbm, didx, fl_v, den_v, acc):
    _init_acc(zz_hbm, acc)
    plsc.subcore_barrier()
    ebase = _wid() * EPT

    def chunk(k, _):
        b = pl.multiple_of(ebase + k * C, 8)
        pltpu.sync_copy(dst_hbm.at[pl.ds(b, C)], didx)
        pltpu.sync_copy(exv_hbm.at[pl.ds(b * 16, C * 16)], fl_v)

        def rp(e, _):
            t = fl_v[pl.ds(e * 16, 16)]
            for j in range(8):
                den_v[e, pl.ds(j * 16, 16)] = t
            return 0
        lax.fori_loop(0, C, rp, 0)
        pltpu.sync_copy(den_v, acc.at[didx], add=True)
        return 0
    lax.fori_loop(0, NCH, chunk, 0)
    plsc.subcore_barrier()
    _copy_out_wide(acc, out_hbm)


def _sc_den(exv, dst, zz):
    kfn = pl.kernel(
        _den_body,
        out_type=jax.ShapeDtypeStruct((NC, NP, D), f32),
        mesh=_mk_mesh(),
        scratch_types=[
            pltpu.VMEM((C,), i32),
            pltpu.VMEM((C * 16,), f32),
            pltpu.VMEM((C, D), f32),
            pltpu.VMEM_SHARED((NP, D), f32),
        ],
    )
    return kfn(exv, dst, zz)


BM = 400
GRID = N // BM


def _rows_spec(bm=BM, d=D):
    return pl.BlockSpec((bm, d), lambda i: (i, 0))


def _full_spec(shape):
    return pl.BlockSpec(shape, lambda i: tuple(0 for _ in shape))


def _mm_body(x_ref, w_ref, o_ref):
    o_ref[...] = jnp.dot(x_ref[...], w_ref[...], preferred_element_type=f32)


def _tc_matmul(x, w):
    return pl.pallas_call(
        _mm_body,
        grid=(GRID,),
        in_specs=[_rows_spec(), _full_spec((D, D))],
        out_specs=_rows_spec(),
        out_shape=jax.ShapeDtypeStruct((N, D), f32),
    )(x, w)


def _y_body(xw_ref, degp_ref, y_ref):
    dsum = degp_ref[0] + degp_ref[1]
    deg = dsum[:, 0:1] + 1.0
    dinv = lax.rsqrt(deg)
    y_ref[...] = xw_ref[...] * dinv


def _tc_make_y(xw, degp):
    return pl.pallas_call(
        _y_body,
        grid=(GRID,),
        in_specs=[_rows_spec(), pl.BlockSpec((NC, BM, D), lambda i: (0, i, 0))],
        out_specs=_rows_spec(),
        out_shape=jax.ShapeDtypeStruct((N, D), f32),
    )(xw, degp)


def _stats_tail(acc_ref, h, st_ref, step):
    @pl.when(step == 0)
    def _():
        acc_ref[...] = jnp.zeros_like(acc_ref)
    acc_ref[0, :] += jnp.sum(h, axis=0)
    acc_ref[1, :] += jnp.sum(h * h, axis=0)

    @pl.when(step == GRID - 1)
    def _():
        st_ref[...] = acc_ref[...]


def _h0_body(np_ref, y_ref, degp_ref, b_ref, h_ref, st_ref, acc_ref):
    step = pl.program_id(0)
    dsum = degp_ref[0] + degp_ref[1]
    deg = dsum[:, 0:1] + 1.0
    dinv = lax.rsqrt(deg)
    agg = np_ref[0] + np_ref[1] + y_ref[...]
    h = dinv * agg + b_ref[...]
    h_ref[...] = h
    _stats_tail(acc_ref, h, st_ref, step)


def _tc_h0(nump, y, degp, b0):
    return pl.pallas_call(
        _h0_body,
        grid=(GRID,),
        in_specs=[pl.BlockSpec((NC, BM, D), lambda i: (0, i, 0)),
                  _rows_spec(),
                  pl.BlockSpec((NC, BM, D), lambda i: (0, i, 0)),
                  _full_spec((1, D))],
        out_specs=[_rows_spec(), _full_spec((2, D))],
        out_shape=[jax.ShapeDtypeStruct((N, D), f32),
                   jax.ShapeDtypeStruct((2, D), f32)],
        scratch_shapes=[pltpu.VMEM((2, D), f32)],
    )(nump, y, degp, b0)


def _head_mats():
    ii = lax.broadcasted_iota(i32, (D, HEADS), 0)
    jj = lax.broadcasted_iota(i32, (D, HEADS), 1)
    S = (ii % HEADS == jj).astype(f32)
    ii2 = lax.broadcasted_iota(i32, (HEADS, D), 0)
    jj2 = lax.broadcasted_iota(i32, (HEADS, D), 1)
    ST = (jj2 % HEADS == ii2).astype(f32)
    return S, ST


def _norm_mm_body(multi_head, hpre_ref, mean_ref, rstd_ref, w_ref, bb_ref,
                  wl_ref, wr_ref, att_ref,
                  xl_ref, xr_ref, nself_ref, dself_ref):
    h = (hpre_ref[...] - mean_ref[0, 0]) * rstd_ref[0, 0] * w_ref[...] + bb_ref[...]
    h = jnp.maximum(h, 0.0)
    xl = jnp.dot(h, wl_ref[...], preferred_element_type=f32)
    xr = jnp.dot(h, wr_ref[...], preferred_element_type=f32)
    xl_ref[...] = xl
    xr_ref[...] = xr
    z = xl + xr
    lz = jnp.maximum(z, 0.2 * z)
    m = lz * att_ref[...]
    if multi_head:
        S, ST = _head_mats()
        sc = jnp.dot(m, S, preferred_element_type=f32)
        ex = jnp.exp(sc)
        exx = jnp.dot(ex, ST, preferred_element_type=f32)
        nself_ref[...] = exx * xl
        dself_ref[...] = jnp.concatenate(
            [ex, jnp.zeros((ex.shape[0], 16 - HEADS), f32)], axis=1)
    else:
        sc = jnp.sum(m, axis=1, keepdims=True)
        ex = jnp.exp(sc)
        nself_ref[...] = ex * xl
        dself_ref[...] = ex * jnp.ones((1, 16), f32)


def _tc_norm_mm(hpre, mean, rstd, lnw, lnb, wl, wr, att_flat, multi_head):
    return pl.pallas_call(
        functools.partial(_norm_mm_body, multi_head),
        grid=(GRID,),
        in_specs=[_rows_spec(),
                  pl.BlockSpec(memory_space=pltpu.SMEM),
                  pl.BlockSpec(memory_space=pltpu.SMEM),
                  _full_spec((1, D)), _full_spec((1, D)),
                  _full_spec((D, D)), _full_spec((D, D)),
                  _full_spec((1, D))],
        out_specs=[_rows_spec(), _rows_spec(), _rows_spec(),
                   pl.BlockSpec((BM, 16), lambda i: (i, 0))],
        out_shape=[jax.ShapeDtypeStruct((N, D), f32),
                   jax.ShapeDtypeStruct((N, D), f32),
                   jax.ShapeDtypeStruct((N, D), f32),
                   jax.ShapeDtypeStruct((N, 16), f32)],
    )(hpre, mean, rstd, lnw, lnb, wl, wr, att_flat)


def _combine_body(multi_head, nump_ref, denp_ref, nself_ref, dself_ref, b_ref,
                  o_ref, st_ref, acc_ref):
    step = pl.program_id(0)
    num = nump_ref[0] + nump_ref[1] + nself_ref[...]
    den16 = (denp_ref[0][:, 0:16] + denp_ref[1][:, 0:16]
             + dself_ref[...])
    if multi_head:
        _, ST = _head_mats()
        den = jnp.dot(den16[:, 0:HEADS], ST, preferred_element_type=f32)
    else:
        den = jnp.dot(den16, jnp.full((16, D), 1.0 / 16.0, f32),
                      preferred_element_type=f32)
    h = num / (den + 1e-16) + b_ref[...]
    o_ref[...] = h
    _stats_tail(acc_ref, h, st_ref, step)


def _tc_combine(nump, denp, nself, dself, b, multi_head):
    return pl.pallas_call(
        functools.partial(_combine_body, multi_head),
        grid=(GRID,),
        in_specs=[pl.BlockSpec((NC, BM, D), lambda i: (0, i, 0)),
                  pl.BlockSpec((NC, BM, D), lambda i: (0, i, 0)),
                  _rows_spec(),
                  pl.BlockSpec((BM, 16), lambda i: (i, 0)),
                  _full_spec((1, D))],
        out_specs=[_rows_spec(), _full_spec((2, D))],
        out_shape=[jax.ShapeDtypeStruct((N, D), f32),
                   jax.ShapeDtypeStruct((2, D), f32)],
        scratch_shapes=[pltpu.VMEM((2, D), f32)],
    )(nump, denp, nself, dself, b)


def _final_body(hpre_ref, mean_ref, rstd_ref, w_ref, bb_ref, o_ref):
    o_ref[...] = ((hpre_ref[...] - mean_ref[0, 0]) * rstd_ref[0, 0]
                  * w_ref[...] + bb_ref[...])


def _tc_final(hpre, mean, rstd, lnw, lnb):
    return pl.pallas_call(
        _final_body,
        grid=(GRID,),
        in_specs=[_rows_spec(),
                  pl.BlockSpec(memory_space=pltpu.SMEM),
                  pl.BlockSpec(memory_space=pltpu.SMEM),
                  _full_spec((1, D)), _full_spec((1, D))],
        out_specs=_rows_spec(),
        out_shape=jax.ShapeDtypeStruct((N, D), f32),
    )(hpre, mean, rstd, lnw, lnb)


def _ln_scalars(st):
    tot = jnp.sum(st[0]) / (N * D)
    sq = jnp.sum(st[1]) / (N * D)
    std = jnp.sqrt(jnp.maximum(sq - tot * tot, 0.0))
    mean = jnp.reshape(tot, (1, 1))
    rstd = jnp.reshape(1.0 / (std + EPS), (1, 1))
    return mean, rstd


def kernel(x, edge_index, W0, b0, ln0_w, ln0_b, Wl1, Wr1, att1, b1,
           ln1_w, ln1_b, Wl2, Wr2, att2, b2, ln2_w, ln2_b):
    src = edge_index[0]
    dst = edge_index[1]
    row = lambda v: jnp.reshape(v, (1, D))

    zz = jnp.zeros((NP, D), f32)

    degp = _sc_degree(dst, zz)
    xw = _tc_matmul(x, W0)
    y = _tc_make_y(xw, degp)
    aggp = _sc_segsum(y, src, dst, zz)
    h0pre, st0 = _tc_h0(aggp, y, degp, row(b0))
    mean0, rstd0 = _ln_scalars(st0)

    pk = jnp.asarray(_PACK_SRC)
    att1_p = jnp.reshape(att1, (-1,))[pk]
    xl1, xr1, nself1, dself1 = _tc_norm_mm(
        h0pre, mean0, rstd0, row(ln0_w), row(ln0_b),
        Wl1[:, pk], Wr1[:, pk], jnp.reshape(att1_p, (1, D)), True)
    nump1, exv1 = _sc_gat(xl1, xr1, att1_p, src, dst, zz, True)
    denp1 = _sc_den(exv1, dst, zz)
    h1pre, st1 = _tc_combine(nump1, denp1, nself1, dself1,
                             row(b1[pk]), True)
    mean1, rstd1 = _ln_scalars(st1)

    xl2, xr2, nself2, dself2 = _tc_norm_mm(
        h1pre, mean1, rstd1, row(ln1_w[pk]), row(ln1_b[pk]),
        Wl2[pk, :], Wr2[pk, :], jnp.reshape(att2, (1, D)), False)
    nump2, exv2 = _sc_gat(xl2, xr2, jnp.reshape(att2, (-1,)), src, dst,
                          zz, False)
    denp2 = _sc_den(exv2, dst, zz)
    h2pre, st2 = _tc_combine(nump2, denp2, nself2, dself2,
                             row(b2), False)
    mean2, rstd2 = _ln_scalars(st2)

    return _tc_final(h2pre, mean2, rstd2, row(ln2_w), row(ln2_b))

# --- scband reference (transcript-rebuilt; emitter-appended) ---
"""Pipeline reference for scband-hybrid-gcngatmodel-8770323218998 (READ-ONLY COPY).

The authoritative reference and input builder live on the scoring server;
editing this copy changes nothing except your own understanding.
"""

import jax, jax.numpy as jnp
import numpy as np

N_NODES = 10000
N_EDGES = 320000
D = 128
HEADS = 8
GAT_H = 16
EPS = 1e-5

def glorot(key, shape):
    s = (6.0 / (shape[0] + shape[-1])) ** 0.5
    return jax.random.uniform(key, shape, jnp.float32, -s, s)

def add_self_loops(src, dst, n):
    loop = jnp.arange(n, dtype=src.dtype)
    return jnp.concatenate([src, loop]), jnp.concatenate([dst, loop])

def gcn_conv(x, src, dst, W, b):
    n = x.shape[0]
    s, d = add_self_loops(src, dst, n)
    ones = jnp.ones(s.shape[0], jnp.float32)
    deg = jax.ops.segment_sum(ones, d, n)
    dinv = jnp.where(deg > 0, jax.lax.rsqrt(jnp.maximum(deg, 1e-12)), 0.0)
    norm = dinv[s] * dinv[d]
    xw = x @ W
    msg = xw[s] * norm[:, None]
    return jax.ops.segment_sum(msg, d, n) + b

def gatv2_conv(x, src, dst, Wl, Wr, att, b, heads, ch, concat):
    n = x.shape[0]
    s, d = add_self_loops(src, dst, n)
    xl = (x @ Wl).reshape(n, heads, ch)
    xr = (x @ Wr).reshape(n, heads, ch)
    e = jax.nn.leaky_relu(xl[s] + xr[d], 0.2)
    score = jnp.sum(e * att[None, :, :], axis=-1)
    smax = jax.lax.stop_gradient(jax.ops.segment_max(score, d, n))
    ex = jnp.exp(score - smax[d])
    denom = jax.ops.segment_sum(ex, d, n)
    alpha = ex / (denom[d] + 1e-16)
    out = jax.ops.segment_sum(alpha[:, :, None] * xl[s], d, n)
    if concat:
        out = out.reshape(n, heads * ch)
    else:
        out = out.mean(axis=1)
    return out + b

def graph_layer_norm(x, w, b):
    xc = x - jnp.mean(x)
    std = jnp.sqrt(jnp.mean(xc * xc))
    return xc / (std + EPS) * w + b

def setup_inputs(seed: int = 0):
    key = jax.random.key(seed)
    ks = jax.random.split(key, 12)
    inp = {}
    inp['x'] = jax.random.normal(ks[0], (N_NODES, D), jnp.float32)
    inp['edge_index'] = jax.random.randint(ks[1], (2, N_EDGES), 0, N_NODES, dtype=jnp.int32)
    inp['W0'] = glorot(ks[2], (D, D))
    inp['b0'] = jnp.zeros((D,), jnp.float32)
    inp['ln0_w'] = jnp.ones((D,), jnp.float32)
    inp['ln0_b'] = jnp.zeros((D,), jnp.float32)
    inp['Wl1'] = glorot(ks[3], (D, HEADS * GAT_H))
    inp['Wr1'] = glorot(ks[4], (D, HEADS * GAT_H))
    inp['att1'] = glorot(ks[5], (HEADS, GAT_H))
    inp['b1'] = jnp.zeros((HEADS * GAT_H,), jnp.float32)
    inp['ln1_w'] = jnp.ones((HEADS * GAT_H,), jnp.float32)
    inp['ln1_b'] = jnp.zeros((HEADS * GAT_H,), jnp.float32)
    inp['Wl2'] = glorot(ks[6], (D, D))
    inp['Wr2'] = glorot(ks[7], (D, D))
    inp['att2'] = glorot(ks[8], (1, D))
    inp['b2'] = jnp.zeros((D,), jnp.float32)
    inp['ln2_w'] = jnp.ones((D,), jnp.float32)
    inp['ln2_b'] = jnp.zeros((D,), jnp.float32)
    return inp

def reference(x, edge_index, W0, b0, ln0_w, ln0_b, Wl1, Wr1, att1, b1, ln1_w, ln1_b, Wl2, Wr2, att2, b2, ln2_w, ln2_b):
    src, dst = edge_index[0], edge_index[1]
    h = gcn_conv(x, src, dst, W0, b0)
    h = graph_layer_norm(h, ln0_w, ln0_b)
    h = jax.nn.relu(h)
    h = gatv2_conv(h, src, dst, Wl1, Wr1, att1, b1, HEADS, GAT_H, True)
    h = graph_layer_norm(h, ln1_w, ln1_b)
    h = jax.nn.relu(h)
    h = gatv2_conv(h, src, dst, Wl2, Wr2, att2, b2, 1, D, False)
    h = graph_layer_norm(h, ln2_w, ln2_b)
    return h

if __name__ == "__main__":
    import jax
    _d = setup_inputs()
    print(jax.jit(kernel)(*tuple(_d.values())))

</pallas_src>

<mosaic_0001>
#map = affine_map<(d0, d1) -> (0, 0)>
#map1 = affine_map<(d0, d1) -> (0)>
#map2 = affine_map<(d0, d1) -> (0, 0, 0)>
module attributes {stable_mosaic.version = 14 : i64} {
  func.func @_segsum_body(%arg0: i32, %arg1: i32, %arg2: memref<10000x128xf32, #tpu.memory_space<hbm>>, %arg3: memref<320000xi32, #tpu.memory_space<hbm>>, %arg4: memref<320000xi32, #tpu.memory_space<hbm>>, %arg5: memref<10240x128xf32, #tpu.memory_space<hbm>>, %arg6: memref<2x10240x128xf32, #tpu.memory_space<hbm>>, %arg7: memref<80xi32, #tpu.memory_space<vmem>>, %arg8: memref<80xi32, #tpu.memory_space<vmem>>, %arg9: memref<80x128xf32, #tpu.memory_space<vmem>>, %arg10: memref<10240x128xf32, #tpu.memory_space<vmem_shared>>) attributes {dimension_semantics = [#tpu.dimension_semantics<core_parallel>, #tpu.dimension_semantics<subcore_parallel>], iteration_bounds = array<i64: 2, 16>, scalar_prefetch = 0 : i64, scratch_operands = 4 : i64, tpu.core_type = #tpu.core_type<sc_vector_subcore>, window_params = [{transform_indices = #map}, {transform_indices = #map1}, {transform_indices = #map1}, {transform_indices = #map}, {transform_indices = #map2}]} {
    %mul3A = arith.constant 640 : i32
    %mul3A_0 = arith.muli %arg1, %mul3A : i32
    %multiple_of3A = tpu.assume_multiple %mul3A_0, 8 : i32
    "tpu.region"() ({
      %run_scoped3A = tpu.sem_alloc : memref<!tpu.dma_semaphore, #tpu.memory_space<semaphore_mem>>
      %dma_start3A = arith.constant 0 : i32
      %dma_start3A_15 = tpu.memref_slice %arg10[%multiple_of3A, %dma_start3A] : memref<10240x128xf32, #tpu.memory_space<vmem_shared>> -> memref<640x128xf32, #tpu.memory_space<vmem_shared>>
      %dma_start3A_16 = arith.constant 0 : i32
      %dma_start3A_17 = tpu.memref_slice %arg5[%multiple_of3A, %dma_start3A_16] : memref<10240x128xf32, #tpu.memory_space<hbm>> -> memref<640x128xf32, #tpu.memory_space<hbm>>
      tpu.enqueue_dma source(%dma_start3A_17 : memref<640x128xf32, #tpu.memory_space<hbm>>) target(%dma_start3A_15 : memref<640x128xf32, #tpu.memory_space<vmem_shared>>) target_semaphore(%run_scoped3A : memref<!tpu.dma_semaphore, #tpu.memory_space<semaphore_mem>>)
      %dma_wait3A = arith.constant 0 : i32
      %dma_wait3A_18 = tpu.memref_slice %arg10[%multiple_of3A, %dma_wait3A] : memref<10240x128xf32, #tpu.memory_space<vmem_shared>> -> memref<640x128xf32, #tpu.memory_space<vmem_shared>>
      %dma_wait3A_19 = arith.constant 0 : i32
      %dma_wait3A_20 = tpu.memref_slice %arg5[%multiple_of3A, %dma_wait3A_19] : memref<10240x128xf32, #tpu.memory_space<hbm>> -> memref<640x128xf32, #tpu.memory_space<hbm>>
      tpu.wait_dma2 semaphore(%run_scoped3A : memref<!tpu.dma_semaphore, #tpu.memory_space<semaphore_mem>>) src(%dma_wait3A_20 : memref<640x128xf32, #tpu.memory_space<hbm>>) dst(%dma_wait3A_18 : memref<640x128xf32, #tpu.memory_space<vmem_shared>>)
      tpu.yield
    }) : () -> ()
    %barrier3A = arith.constant 0 : index
    tpu.barrier barrier_id(%barrier3A)
    %mul3A_1 = arith.constant 2 : i32
    %mul3A_2 = arith.muli %arg1, %mul3A_1 : i32
    %add3A = arith.addi %mul3A_2, %arg0 : i32
    %mul3A_3 = arith.constant 10000 : i32
    %mul3A_4 = arith.muli %add3A, %mul3A_3 : i32
    %scan3A = arith.constant 0 : i32
    %scan3A_5 = arith.constant 0 : i32
    %scan3A_6 = arith.constant 125 : i32
    %scan3A_7 = arith.addi %scan3A_5, %scan3A_6 : i32
    %scan3A_8 = arith.constant 1 : i32
    %scan3A_9 = scf.for %scan3A_15 = %scan3A_5 to %scan3A_7 step %scan3A_8 iter_args(%scan3A_16 = %scan3A) -> (i32)  : i32 {
      %mul3A_17 = arith.constant 80 : i32
      %mul3A_18 = arith.muli %scan3A_15, %mul3A_17 : i32
      %add3A_19 = arith.addi %mul3A_4, %mul3A_18 : i32
      %multiple_of3A_20 = tpu.assume_multiple %add3A_19, 8 : i32
      "tpu.region"() ({
        %run_scoped3A = tpu.sem_alloc : memref<!tpu.dma_semaphore, #tpu.memory_space<semaphore_mem>>
        %dma_start3A = tpu.memref_slice %arg3[%multiple_of3A_20] : memref<320000xi32, #tpu.memory_space<hbm>> -> memref<80xi32, #tpu.memory_space<hbm>>
        %dma_start3A_22 = tpu.memref_slice %arg3[%multiple_of3A_20] : memref<320000xi32, #tpu.memory_space<hbm>> -> memref<80xi32, #tpu.memory_space<hbm>>
        tpu.enqueue_dma source(%dma_start3A_22 : memref<80xi32, #tpu.memory_space<hbm>>) target(%arg7 : memref<80xi32, #tpu.memory_space<vmem>>) target_semaphore(%run_scoped3A : memref<!tpu.dma_semaphore, #tpu.memory_space<semaphore_mem>>)
        %dma_wait3A = tpu.memref_slice %arg3[%multiple_of3A_20] : memref<320000xi32, #tpu.memory_space<hbm>> -> memref<80xi32, #tpu.memory_space<hbm>>
        %dma_wait3A_23 = tpu.memref_slice %arg3[%multiple_of3A_20] : memref<320000xi32, #tpu.memory_space<hbm>> -> memref<80xi32, #tpu.memory_space<hbm>>
        tpu.wait_dma2 semaphore(%run_scoped3A : memref<!tpu.dma_semaphore, #tpu.memory_space<semaphore_mem>>) src(%dma_wait3A_23 : memref<80xi32, #tpu.memory_space<hbm>>) dst(%arg7 : memref<80xi32, #tpu.memory_space<vmem>>)
        tpu.yield
      }) : () -> ()
      "tpu.region"() ({
        %run_scoped3A = tpu.sem_alloc : memref<!tpu.dma_semaphore, #tpu.memory_space<semaphore_mem>>
        %dma_start3A = tpu.memref_slice %arg4[%multiple_of3A_20] : memref<320000xi32, #tpu.memory_space<hbm>> -> memref<80xi32, #tpu.memory_space<hbm>>
        %dma_start3A_22 = tpu.memref_slice %arg4[%multiple_of3A_20] : memref<320000xi32, #tpu.memory_space<hbm>> -> memref<80xi32, #tpu.memory_space<hbm>>
        tpu.enqueue_dma source(%dma_start3A_22 : memref<80xi32, #tpu.memory_space<hbm>>) target(%arg8 : memref<80xi32, #tpu.memory_space<vmem>>) target_semaphore(%run_scoped3A : memref<!tpu.dma_semaphore, #tpu.memory_space<semaphore_mem>>)
        %dma_wait3A = tpu.memref_slice %arg4[%multiple_of3A_20] : memref<320000xi32, #tpu.memory_space<hbm>> -> memref<80xi32, #tpu.memory_space<hbm>>
        %dma_wait3A_23 = tpu.memref_slice %arg4[%multiple_of3A_20] : memref<320000xi32, #tpu.memory_space<hbm>> -> memref<80xi32, #tpu.memory_space<hbm>>
        tpu.wait_dma2 semaphore(%run_scoped3A : memref<!tpu.dma_semaphore, #tpu.memory_space<semaphore_mem>>) src(%dma_wait3A_23 : memref<80xi32, #tpu.memory_space<hbm>>) dst(%arg8 : memref<80xi32, #tpu.memory_space<vmem>>)
        tpu.yield
      }) : () -> ()
      "tpu.region"() ({
        %run_scoped3A = tpu.sem_alloc : memref<!tpu.dma_semaphore, #tpu.memory_space<semaphore_mem>>
        %dma_start3A = arith.constant 0 : i32
        %dma_start3A_22 = arith.constant 0 : i32
        %dma_start3A_23 = tpu.memref_slice %arg2[%dma_start3A, %dma_start3A_22] : memref<10000x128xf32, #tpu.memory_space<hbm>> -> memref<10000x128xf32, #tpu.memory_space<hbm>>
        tpu.enqueue_indirect_dma source(%dma_start3A_23 : memref<10000x128xf32, #tpu.memory_space<hbm>>) target(%arg9 : memref<80x128xf32, #tpu.memory_space<vmem>>) offsets(%arg7 : memref<80xi32, #tpu.memory_space<vmem>>) semaphore(%run_scoped3A : memref<!tpu.dma_semaphore, #tpu.memory_space<semaphore_mem>>)
        %dma_wait3A = arith.constant 0 : i32
        %dma_wait3A_24 = arith.constant 0 : i32
        %dma_wait3A_25 = tpu.memref_slice %arg2[%dma_wait3A, %dma_wait3A_24] : memref<10000x128xf32, #tpu.memory_space<hbm>> -> memref<10000x128xf32, #tpu.memory_space<hbm>>
        tpu.wait_indirect_dma semaphore(%run_scoped3A : memref<!tpu.dma_semaphore, #tpu.memory_space<semaphore_mem>>) src(%dma_wait3A_25 : memref<10000x128xf32, #tpu.memory_space<hbm>>) dst(%arg9 : memref<80x128xf32, #tpu.memory_space<vmem>>)
        tpu.yield
      }) : () -> ()
      "tpu.region"() ({
        %run_scoped3A = tpu.sem_alloc : memref<!tpu.dma_semaphore, #tpu.memory_space<semaphore_mem>>
        %dma_start3A = arith.constant 0 : i32
        %dma_start3A_22 = arith.constant 0 : i32
        %dma_start3A_23 = tpu.memref_slice %arg10[%dma_start3A, %dma_start3A_22] : memref<10240x128xf32, #tpu.memory_space<vmem_shared>> -> memref<10240x128xf32, #tpu.memory_space<vmem_shared>>
        tpu.enqueue_indirect_dma source(%arg9 : memref<80x128xf32, #tpu.memory_space<vmem>>) target(%dma_start3A_23 : memref<10240x128xf32, #tpu.memory_space<vmem_shared>>) offsets(%arg8 : memref<80xi32, #tpu.memory_space<vmem>>) semaphore(%run_scoped3A : memref<!tpu.dma_semaphore, #tpu.memory_space<semaphore_mem>>) {add = true}
        %dma_wait3A = arith.constant 0 : i32
        %dma_wait3A_24 = arith.constant 0 : i32
        %dma_wait3A_25 = tpu.memref_slice %arg10[%dma_wait3A, %dma_wait3A_24] : memref<10240x128xf32, #tpu.memory_space<vmem_shared>> -> memref<10240x128xf32, #tpu.memory_space<vmem_shared>>
        tpu.wait_indirect_dma semaphore(%run_scoped3A : memref<!tpu.dma_semaphore, #tpu.memory_space<semaphore_mem>>) src(%arg9 : memref<80x128xf32, #tpu.memory_space<vmem>>) dst(%dma_wait3A_25 : memref<10240x128xf32, #tpu.memory_space<vmem_shared>>)
        tpu.yield
      }) : () -> ()
      %scan3A_21 = arith.constant 0 : i32
      scf.yield %scan3A_21 : i32
    }
    %scan3A_10 = arith.constant 125 : i32
    %barrier3A_11 = arith.constant 0 : index
    tpu.barrier barrier_id(%barrier3A_11)
    %mul3A_12 = arith.constant 640 : i32
    %mul3A_13 = arith.muli %arg1, %mul3A_12 : i32
    %multiple_of3A_14 = tpu.assume_multiple %mul3A_13, 8 : i32
    "tpu.region"() ({
      %run_scoped3A = tpu.sem_alloc : memref<!tpu.dma_semaphore, #tpu.memory_space<semaphore_mem>>
      %dma_start3A = arith.constant 0 : i32
      %dma_start3A_15 = tpu.memref_slice %arg6[%arg0, %multiple_of3A_14, %dma_start3A] : memref<2x10240x128xf32, #tpu.memory_space<hbm>> -> memref<1x640x128xf32, #tpu.memory_space<hbm>>
      %dma_start3A_16 = tpu.memref_squeeze %dma_start3A_15 : memref<1x640x128xf32, #tpu.memory_space<hbm>> -> memref<640x128xf32, #tpu.memory_space<hbm>>
      %dma_start3A_17 = arith.constant 0 : i32
      %dma_start3A_18 = tpu.memref_slice %arg10[%multiple_of3A_14, %dma_start3A_17] : memref<10240x128xf32, #tpu.memory_space<vmem_shared>> -> memref<640x128xf32, #tpu.memory_space<vmem_shared>>
      tpu.enqueue_dma source(%dma_start3A_18 : memref<640x128xf32, #tpu.memory_space<vmem_shared>>) target(%dma_start3A_16 : memref<640x128xf32, #tpu.memory_space<hbm>>) target_semaphore(%run_scoped3A : memref<!tpu.dma_semaphore, #tpu.memory_space<semaphore_mem>>)
      %dma_wait3A = arith.constant 0 : i32
      %dma_wait3A_19 = tpu.memref_slice %arg6[%arg0, %multiple_of3A_14, %dma_wait3A] : memref<2x10240x128xf32, #tpu.memory_space<hbm>> -> memref<1x640x128xf32, #tpu.memory_space<hbm>>
      %dma_wait3A_20 = tpu.memref_squeeze %dma_wait3A_19 : memref<1x640x128xf32, #tpu.memory_space<hbm>> -> memref<640x128xf32, #tpu.memory_space<hbm>>
      %dma_wait3A_21 = arith.constant 0 : i32
      %dma_wait3A_22 = tpu.memref_slice %arg10[%multiple_of3A_14, %dma_wait3A_21] : memref<10240x128xf32, #tpu.memory_space<vmem_shared>> -> memref<640x128xf32, #tpu.memory_space<vmem_shared>>
      tpu.wait_dma2 semaphore(%run_scoped3A : memref<!tpu.dma_semaphore, #tpu.memory_space<semaphore_mem>>) src(%dma_wait3A_22 : memref<640x128xf32, #tpu.memory_space<vmem_shared>>) dst(%dma_wait3A_20 : memref<640x128xf32, #tpu.memory_space<hbm>>)
      tpu.yield
    }) : () -> ()
    return
  }
}

#map = affine_map<(d0, d1) -> (0)>
#map1 = affine_map<(d0, d1) -> (0, 0)>
#map2 = affine_map<(d0, d1) -> (0, 0, 0)>
module attributes {stable_mosaic.version = 14 : i64} {
  func.func @_den_body(%arg0: i32, %arg1: i32, %arg2: memref<5120000xf32, #tpu.memory_space<hbm>>, %arg3: memref<320000xi32, #tpu.memory_space<hbm>>, %arg4: memref<10240x128xf32, #tpu.memory_space<hbm>>, %arg5: memref<2x10240x128xf32, #tpu.memory_space<hbm>>, %arg6: memref<80xi32, #tpu.memory_space<vmem>>, %arg7: memref<1280xf32, #tpu.memory_space<vmem>>, %arg8: memref<80x128xf32, #tpu.memory_space<vmem>>, %arg9: memref<10240x128xf32, #tpu.memory_space<vmem_shared>>) attributes {dimension_semantics = [#tpu.dimension_semantics<core_parallel>, #tpu.dimension_semantics<subcore_parallel>], iteration_bounds = array<i64: 2, 16>, scalar_prefetch = 0 : i64, scratch_operands = 4 : i64, tpu.core_type = #tpu.core_type<sc_vector_subcore>, window_params = [{transform_indices = #map}, {transform_indices = #map}, {transform_indices = #map1}, {transform_indices = #map2}]} {
    %mul3A = arith.constant 640 : i32
    %mul3A_0 = arith.muli %arg1, %mul3A : i32
    %multiple_of3A = tpu.assume_multiple %mul3A_0, 8 : i32
    "tpu.region"() ({
      %run_scoped3A = tpu.sem_alloc : memref<!tpu.dma_semaphore, #tpu.memory_space<semaphore_mem>>
      %dma_start3A = arith.constant 0 : i32
      %dma_start3A_15 = tpu.memref_slice %arg9[%multiple_of3A, %dma_start3A] : memref<10240x128xf32, #tpu.memory_space<vmem_shared>> -> memref<640x128xf32, #tpu.memory_space<vmem_shared>>
      %dma_start3A_16 = arith.constant 0 : i32
      %dma_start3A_17 = tpu.memref_slice %arg4[%multiple_of3A, %dma_start3A_16] : memref<10240x128xf32, #tpu.memory_space<hbm>> -> memref<640x128xf32, #tpu.memory_space<hbm>>
      tpu.enqueue_dma source(%dma_start3A_17 : memref<640x128xf32, #tpu.memory_space<hbm>>) target(%dma_start3A_15 : memref<640x128xf32, #tpu.memory_space<vmem_shared>>) target_semaphore(%run_scoped3A : memref<!tpu.dma_semaphore, #tpu.memory_space<semaphore_mem>>)
      %dma_wait3A = arith.constant 0 : i32
      %dma_wait3A_18 = tpu.memref_slice %arg9[%multiple_of3A, %dma_wait3A] : memref<10240x128xf32, #tpu.memory_space<vmem_shared>> -> memref<640x128xf32, #tpu.memory_space<vmem_shared>>
      %dma_wait3A_19 = arith.constant 0 : i32
      %dma_wait3A_20 = tpu.memref_slice %arg4[%multiple_of3A, %dma_wait3A_19] : memref<10240x128xf32, #tpu.memory_space<hbm>> -> memref<640x128xf32, #tpu.memory_space<hbm>>
      tpu.wait_dma2 semaphore(%run_scoped3A : memref<!tpu.dma_semaphore, #tpu.memory_space<semaphore_mem>>) src(%dma_wait3A_20 : memref<640x128xf32, #tpu.memory_space<hbm>>) dst(%dma_wait3A_18 : memref<640x128xf32, #tpu.memory_space<vmem_shared>>)
      tpu.yield
    }) : () -> ()
    %barrier3A = arith.constant 0 : index
    tpu.barrier barrier_id(%barrier3A)
    %mul3A_1 = arith.constant 2 : i32
    %mul3A_2 = arith.muli %arg1, %mul3A_1 : i32
    %add3A = arith.addi %mul3A_2, %arg0 : i32
    %mul3A_3 = arith.constant 10000 : i32
    %mul3A_4 = arith.muli %add3A, %mul3A_3 : i32
    %scan3A = arith.constant 0 : i32
    %scan3A_5 = arith.constant 0 : i32
    %scan3A_6 = arith.constant 125 : i32
    %scan3A_7 = arith.addi %scan3A_5, %scan3A_6 : i32
    %scan3A_8 = arith.constant 1 : i32
    %scan3A_9 = scf.for %scan3A_15 = %scan3A_5 to %scan3A_7 step %scan3A_8 iter_args(%scan3A_16 = %scan3A) -> (i32)  : i32 {
      %mul3A_17 = arith.constant 80 : i32
      %mul3A_18 = arith.muli %scan3A_15, %mul3A_17 : i32
      %add3A_19 = arith.addi %mul3A_4, %mul3A_18 : i32
      %multiple_of3A_20 = tpu.assume_multiple %add3A_19, 8 : i32
      "tpu.region"() ({
        %run_scoped3A = tpu.sem_alloc : memref<!tpu.dma_semaphore, #tpu.memory_space<semaphore_mem>>
        %dma_start3A = tpu.memref_slice %arg3[%multiple_of3A_20] : memref<320000xi32, #tpu.memory_space<hbm>> -> memref<80xi32, #tpu.memory_space<hbm>>
        %dma_start3A_31 = tpu.memref_slice %arg3[%multiple_of3A_20] : memref<320000xi32, #tpu.memory_space<hbm>> -> memref<80xi32, #tpu.memory_space<hbm>>
        tpu.enqueue_dma source(%dma_start3A_31 : memref<80xi32, #tpu.memory_space<hbm>>) target(%arg6 : memref<80xi32, #tpu.memory_space<vmem>>) target_semaphore(%run_scoped3A : memref<!tpu.dma_semaphore, #tpu.memory_space<semaphore_mem>>)
        %dma_wait3A = tpu.memref_slice %arg3[%multiple_of3A_20] : memref<320000xi32, #tpu.memory_space<hbm>> -> memref<80xi32, #tpu.memory_space<hbm>>
        %dma_wait3A_32 = tpu.memref_slice %arg3[%multiple_of3A_20] : memref<320000xi32, #tpu.memory_space<hbm>> -> memref<80xi32, #tpu.memory_space<hbm>>
        tpu.wait_dma2 semaphore(%run_scoped3A : memref<!tpu.dma_semaphore, #tpu.memory_space<semaphore_mem>>) src(%dma_wait3A_32 : memref<80xi32, #tpu.memory_space<hbm>>) dst(%arg6 : memref<80xi32, #tpu.memory_space<vmem>>)
        tpu.yield
      }) : () -> ()
      %mul3A_21 = arith.constant 16 : i32
      %mul3A_22 = arith.muli %multiple_of3A_20, %mul3A_21 : i32
      "tpu.region"() ({
        %run_scoped3A = tpu.sem_alloc : memref<!tpu.dma_semaphore, #tpu.memory_space<semaphore_mem>>
        %dma_start3A = tpu.memref_slice %arg2[%mul3A_22] : memref<5120000xf32, #tpu.memory_space<hbm>> -> memref<1280xf32, #tpu.memory_space<hbm>>
        %dma_start3A_31 = tpu.memref_slice %arg2[%mul3A_22] : memref<5120000xf32, #tpu.memory_space<hbm>> -> memref<1280xf32, #tpu.memory_space<hbm>>
        tpu.enqueue_dma source(%dma_start3A_31 : memref<1280xf32, #tpu.memory_space<hbm>>) target(%arg7 : memref<1280xf32, #tpu.memory_space<vmem>>) target_semaphore(%run_scoped3A : memref<!tpu.dma_semaphore, #tpu.memory_space<semaphore_mem>>)
        %dma_wait3A = tpu.memref_slice %arg2[%mul3A_22] : memref<5120000xf32, #tpu.memory_space<hbm>> -> memref<1280xf32, #tpu.memory_space<hbm>>
        %dma_wait3A_32 = tpu.memref_slice %arg2[%mul3A_22] : memref<5120000xf32, #tpu.memory_space<hbm>> -> memref<1280xf32, #tpu.memory_space<hbm>>
        tpu.wait_dma2 semaphore(%run_scoped3A : memref<!tpu.dma_semaphore, #tpu.memory_space<semaphore_mem>>) src(%dma_wait3A_32 : memref<1280xf32, #tpu.memory_space<hbm>>) dst(%arg7 : memref<1280xf32, #tpu.memory_space<vmem>>)
        tpu.yield
      }) : () -> ()
      %scan3A_23 = arith.constant 0 : i32
      %scan3A_24 = arith.constant 0 : i32
      %scan3A_25 = arith.constant 80 : i32
      %scan3A_26 = arith.addi %scan3A_24, %scan3A_25 : i32
      %scan3A_27 = arith.constant 1 : i32
      %scan3A_28 = scf.for %scan3A_31 = %scan3A_24 to %scan3A_26 step %scan3A_27 iter_args(%scan3A_32 = %scan3A_23) -> (i32)  : i32 {
        %mul3A_33 = arith.constant 16 : i32
        %mul3A_34 = arith.muli %scan3A_31, %mul3A_33 : i32
        %get3A = arith.index_cast %mul3A_34 : i32 to index
        %get3A_35 = tpu.vector_load %arg7[%get3A] {strides = array<i32>} : memref<1280xf32, #tpu.memory_space<vmem>>, vector<16xf32>,
        %get3A_36 = vector.shape_cast %get3A_35 : vector<16xf32> to vector<16xf32>
        %swap3A = arith.index_cast %scan3A_31 : i32 to index
        %swap3A_37 = arith.constant 0 : index
        %swap3A_38 = tpu.vector_load %arg8[%swap3A, %swap3A_37] {strides = array<i32>} : memref<80x128xf32, #tpu.memory_space<vmem>>, vector<1x16xf32>,
        %swap3A_39 = vector.shape_cast %swap3A_38 : vector<1x16xf32> to vector<16xf32>
        %swap3A_40 = vector.shape_cast %get3A_36 : vector<16xf32> to vector<1x16xf32>
        tpu.vector_store %arg8[%swap3A, %swap3A_37], %swap3A_40 {strides = array<i32>} : memref<80x128xf32, #tpu.memory_space<vmem>>, vector<1x16xf32>,
        %swap3A_41 = arith.index_cast %scan3A_31 : i32 to index
        %swap3A_42 = arith.constant 16 : index
        %swap3A_43 = tpu.vector_load %arg8[%swap3A_41, %swap3A_42] {strides = array<i32>} : memref<80x128xf32, #tpu.memory_space<vmem>>, vector<1x16xf32>,
        %swap3A_44 = vector.shape_cast %swap3A_43 : vector<1x16xf32> to vector<16xf32>
        %swap3A_45 = vector.shape_cast %get3A_36 : vector<16xf32> to vector<1x16xf32>
        tpu.vector_store %arg8[%swap3A_41, %swap3A_42], %swap3A_45 {strides = array<i32>} : memref<80x128xf32, #tpu.memory_space<vmem>>, vector<1x16xf32>,
        %swap3A_46 = arith.index_cast %scan3A_31 : i32 to index
        %swap3A_47 = arith.constant 32 : index
        %swap3A_48 = tpu.vector_load %arg8[%swap3A_46, %swap3A_47] {strides = array<i32>} : memref<80x128xf32, #tpu.memory_space<vmem>>, vector<1x16xf32>,
        %swap3A_49 = vector.shape_cast %swap3A_48 : vector<1x16xf32> to vector<16xf32>
        %swap3A_50 = vector.shape_cast %get3A_36 : vector<16xf32> to vector<1x16xf32>
        tpu.vector_store %arg8[%swap3A_46, %swap3A_47], %swap3A_50 {strides = array<i32>} : memref<80x128xf32, #tpu.memory_space<vmem>>, vector<1x16xf32>,
        %swap3A_51 = arith.index_cast %scan3A_31 : i32 to index
        %swap3A_52 = arith.constant 48 : index
        %swap3A_53 = tpu.vector_load %arg8[%swap3A_51, %swap3A_52] {strides = array<i32>} : memref<80x128xf32, #tpu.memory_space<vmem>>, vector<1x16xf32>,
        %swap3A_54 = vector.shape_cast %swap3A_53 : vector<1x16xf32> to vector<16xf32>
        %swap3A_55 = vector.shape_cast %get3A_36 : vector<16xf32> to vector<1x16xf32>
        tpu.vector_store %arg8[%swap3A_51, %swap3A_52], %swap3A_55 {strides = array<i32>} : memref<80x128xf32, #tpu.memory_space<vmem>>, vector<1x16xf32>,
        %swap3A_56 = arith.index_cast %scan3A_31 : i32 to index
        %swap3A_57 = arith.constant 64 : index
        %swap3A_58 = tpu.vector_load %arg8[%swap3A_56, %swap3A_57] {strides = array<i32>} : memref<80x128xf32, #tpu.memory_space<vmem>>, vector<1x16xf32>,
        %swap3A_59 = vector.shape_cast %swap3A_58 : vector<1x16xf32> to vector<16xf32>
        %swap3A_60 = vector.shape_cast %get3A_36 : vector<16xf32> to vector<1x16xf32>
        tpu.vector_store %arg8[%swap3A_56, %swap3A_57], %swap3A_60 {strides = array<i32>} : memref<80x128xf32, #tpu.memory_space<vmem>>, vector<1x16xf32>,
        %swap3A_61 = arith.index_cast %scan3A_31 : i32 to index
        %swap3A_62 = arith.constant 80 : index
        %swap3A_63 = tpu.vector_load %arg8[%swap3A_61, %swap3A_62] {strides = array<i32>} : memref<80x128xf32, #tpu.memory_space<vmem>>, vector<1x16xf32>,
        %swap3A_64 = vector.shape_cast %swap3A_63 : vector<1x16xf32> to vector<16xf32>
        %swap3A_65 = vector.shape_cast %get3A_36 : vector<16xf32> to vector<1x16xf32>
        tpu.vector_store %arg8[%swap3A_61, %swap3A_62], %swap3A_65 {strides = array<i32>} : memref<80x128xf32, #tpu.memory_space<vmem>>, vector<1x16xf32>,
        %swap3A_66 = arith.index_cast %scan3A_31 : i32 to index
        %swap3A_67 = arith.constant 96 : index
        %swap3A_68 = tpu.vector_load %arg8[%swap3A_66, %swap3A_67] {strides = array<i32>} : memref<80x128xf32, #tpu.memory_space<vmem>>, vector<1x16xf32>,
        %swap3A_69 = vector.shape_cast %swap3A_68 : vector<1x16xf32> to vector<16xf32>
        %swap3A_70 = vector.shape_cast %get3A_36 : vector<16xf32> to vector<1x16xf32>
        tpu.vector_store %arg8[%swap3A_66, %swap3A_67], %swap3A_70 {strides = array<i32>} : memref<80x128xf32, #tpu.memory_space<vmem>>, vector<1x16xf32>,
        %swap3A_71 = arith.index_cast %scan3A_31 : i32 to index
        %swap3A_72 = arith.constant 112 : index
        %swap3A_73 = tpu.vector_load %arg8[%swap3A_71, %swap3A_72] {strides = array<i32>} : memref<80x128xf32, #tpu.memory_space<vmem>>, vector<1x16xf32>,
        %swap3A_74 = vector.shape_cast %swap3A_73 : vector<1x16xf32> to vector<16xf32>
        %swap3A_75 = vector.shape_cast %get3A_36 : vector<16xf32> to vector<1x16xf32>
        tpu.vector_store %arg8[%swap3A_71, %swap3A_72], %swap3A_75 {strides = array<i32>} : memref<80x128xf32, #tpu.memory_space<vmem>>, vector<1x16xf32>,
        %scan3A_76 = arith.constant 0 : i32
        scf.yield %scan3A_76 : i32
      }
      %scan3A_29 = arith.constant 80 : i32
      "tpu.region"() ({
        %run_scoped3A = tpu.sem_alloc : memref<!tpu.dma_semaphore, #tpu.memory_space<semaphore_mem>>
        %dma_start3A = arith.constant 0 : i32
        %dma_start3A_31 = arith.constant 0 : i32
        %dma_start3A_32 = tpu.memref_slice %arg9[%dma_start3A, %dma_start3A_31] : memref<10240x128xf32, #tpu.memory_space<vmem_shared>> -> memref<10240x128xf32, #tpu.memory_space<vmem_shared>>
        tpu.enqueue_indirect_dma source(%arg8 : memref<80x128xf32, #tpu.memory_space<vmem>>) target(%dma_start3A_32 : memref<10240x128xf32, #tpu.memory_space<vmem_shared>>) offsets(%arg6 : memref<80xi32, #tpu.memory_space<vmem>>) semaphore(%run_scoped3A : memref<!tpu.dma_semaphore, #tpu.memory_space<semaphore_mem>>) {add = true}
        %dma_wait3A = arith.constant 0 : i32
        %dma_wait3A_33 = arith.constant 0 : i32
        %dma_wait3A_34 = tpu.memref_slice %arg9[%dma_wait3A, %dma_wait3A_33] : memref<10240x128xf32, #tpu.memory_space<vmem_shared>> -> memref<10240x128xf32, #tpu.memory_space<vmem_shared>>
        tpu.wait_indirect_dma semaphore(%run_scoped3A : memref<!tpu.dma_semaphore, #tpu.memory_space<semaphore_mem>>) src(%arg8 : memref<80x128xf32, #tpu.memory_space<vmem>>) dst(%dma_wait3A_34 : memref<10240x128xf32, #tpu.memory_space<vmem_shared>>)
        tpu.yield
      }) : () -> ()
      %scan3A_30 = arith.constant 0 : i32
      scf.yield %scan3A_30 : i32
    }
    %scan3A_10 = arith.constant 125 : i32
    %barrier3A_11 = arith.constant 0 : index
    tpu.barrier barrier_id(%barrier3A_11)
    %mul3A_12 = arith.constant 640 : i32
    %mul3A_13 = arith.muli %arg1, %mul3A_12 : i32
    %multiple_of3A_14 = tpu.assume_multiple %mul3A_13, 8 : i32
    "tpu.region"() ({
      %run_scoped3A = tpu.sem_alloc : memref<!tpu.dma_semaphore, #tpu.memory_space<semaphore_mem>>
      %dma_start3A = arith.constant 0 : i32
      %dma_start3A_15 = tpu.memref_slice %arg5[%arg0, %multiple_of3A_14, %dma_start3A] : memref<2x10240x128xf32, #tpu.memory_space<hbm>> -> memref<1x640x128xf32, #tpu.memory_space<hbm>>
      %dma_start3A_16 = tpu.memref_squeeze %dma_start3A_15 : memref<1x640x128xf32, #tpu.memory_space<hbm>> -> memref<640x128xf32, #tpu.memory_space<hbm>>
      %dma_start3A_17 = arith.constant 0 : i32
      %dma_start3A_18 = tpu.memref_slice %arg9[%multiple_of3A_14, %dma_start3A_17] : memref<10240x128xf32, #tpu.memory_space<vmem_shared>> -> memref<640x128xf32, #tpu.memory_space<vmem_shared>>
      tpu.enqueue_dma source(%dma_start3A_18 : memref<640x128xf32, #tpu.memory_space<vmem_shared>>) target(%dma_start3A_16 : memref<640x128xf32, #tpu.memory_space<hbm>>) target_semaphore(%run_scoped3A : memref<!tpu.dma_semaphore, #tpu.memory_space<semaphore_mem>>)
      %dma_wait3A = arith.constant 0 : i32
      %dma_wait3A_19 = tpu.memref_slice %arg5[%arg0, %multiple_of3A_14, %dma_wait3A] : memref<2x10240x128xf32, #tpu.memory_space<hbm>> -> memref<1x640x128xf32, #tpu.memory_space<hbm>>
      %dma_wait3A_20 = tpu.memref_squeeze %dma_wait3A_19 : memref<1x640x128xf32, #tpu.memory_space<hbm>> -> memref<640x128xf32, #tpu.memory_space<hbm>>
      %dma_wait3A_21 = arith.constant 0 : i32
      %dma_wait3A_22 = tpu.memref_slice %arg9[%multiple_of3A_14, %dma_wait3A_21] : memref<10240x128xf32, #tpu.memory_space<vmem_shared>> -> memref<640x128xf32, #tpu.memory_space<vmem_shared>>
      tpu.wait_dma2 semaphore(%run_scoped3A : memref<!tpu.dma_semaphore, #tpu.memory_space<semaphore_mem>>) src(%dma_wait3A_22 : memref<640x128xf32, #tpu.memory_space<vmem_shared>>) dst(%dma_wait3A_20 : memref<640x128xf32, #tpu.memory_space<hbm>>)
      tpu.yield
    }) : () -> ()
    return
  }
}

#map = affine_map<(d0, d1) -> (0)>
#map1 = affine_map<(d0, d1) -> (0, 0)>
#map2 = affine_map<(d0, d1) -> (0, 0, 0)>
module attributes {stable_mosaic.version = 14 : i64} {
  func.func @_deg_body(%arg0: i32, %arg1: i32, %arg2: memref<320000xi32, #tpu.memory_space<hbm>>, %arg3: memref<10240x128xf32, #tpu.memory_space<hbm>>, %arg4: memref<2x10240x128xf32, #tpu.memory_space<hbm>>, %arg5: memref<80xi32, #tpu.memory_space<vmem>>, %arg6: memref<80x128xf32, #tpu.memory_space<vmem>>, %arg7: memref<10240x128xf32, #tpu.memory_space<vmem_shared>>) attributes {dimension_semantics = [#tpu.dimension_semantics<core_parallel>, #tpu.dimension_semantics<subcore_parallel>], iteration_bounds = array<i64: 2, 16>, scalar_prefetch = 0 : i64, scratch_operands = 3 : i64, tpu.core_type = #tpu.core_type<sc_vector_subcore>, window_params = [{transform_indices = #map}, {transform_indices = #map1}, {transform_indices = #map2}]} {
    %scan3A = arith.constant 0 : i32
    %scan3A_0 = arith.constant 0 : i32
    %scan3A_1 = arith.constant 80 : i32
    %scan3A_2 = arith.addi %scan3A_0, %scan3A_1 : i32
    %scan3A_3 = arith.constant 1 : i32
    %scan3A_4 = scf.for %scan3A_22 = %scan3A_0 to %scan3A_2 step %scan3A_3 iter_args(%scan3A_23 = %scan3A) -> (i32)  : i32 {
      %broadcast_in_dim3A = arith.constant 1.000000e+00 : f32
      %broadcast_in_dim3A_24 = vector.broadcast %broadcast_in_dim3A : f32 to vector<16xf32>
      %swap3A = arith.index_cast %scan3A_22 : i32 to index
      %swap3A_25 = arith.constant 0 : index
      %swap3A_26 = tpu.vector_load %arg6[%swap3A, %swap3A_25] {strides = array<i32>} : memref<80x128xf32, #tpu.memory_space<vmem>>, vector<1x16xf32>,
      %swap3A_27 = vector.shape_cast %swap3A_26 : vector<1x16xf32> to vector<16xf32>
      %swap3A_28 = vector.shape_cast %broadcast_in_dim3A_24 : vector<16xf32> to vector<1x16xf32>
      tpu.vector_store %arg6[%swap3A, %swap3A_25], %swap3A_28 {strides = array<i32>} : memref<80x128xf32, #tpu.memory_space<vmem>>, vector<1x16xf32>,
      %broadcast_in_dim3A_29 = arith.constant 1.000000e+00 : f32
      %broadcast_in_dim3A_30 = vector.broadcast %broadcast_in_dim3A_29 : f32 to vector<16xf32>
      %swap3A_31 = arith.index_cast %scan3A_22 : i32 to index
      %swap3A_32 = arith.constant 16 : index
      %swap3A_33 = tpu.vector_load %arg6[%swap3A_31, %swap3A_32] {strides = array<i32>} : memref<80x128xf32, #tpu.memory_space<vmem>>, vector<1x16xf32>,
      %swap3A_34 = vector.shape_cast %swap3A_33 : vector<1x16xf32> to vector<16xf32>
      %swap3A_35 = vector.shape_cast %broadcast_in_dim3A_30 : vector<16xf32> to vector<1x16xf32>
      tpu.vector_store %arg6[%swap3A_31, %swap3A_32], %swap3A_35 {strides = array<i32>} : memref<80x128xf32, #tpu.memory_space<vmem>>, vector<1x16xf32>,
      %broadcast_in_dim3A_36 = arith.constant 1.000000e+00 : f32
      %broadcast_in_dim3A_37 = vector.broadcast %broadcast_in_dim3A_36 : f32 to vector<16xf32>
      %swap3A_38 = arith.index_cast %scan3A_22 : i32 to index
      %swap3A_39 = arith.constant 32 : index
      %swap3A_40 = tpu.vector_load %arg6[%swap3A_38, %swap3A_39] {strides = array<i32>} : memref<80x128xf32, #tpu.memory_space<vmem>>, vector<1x16xf32>,
      %swap3A_41 = vector.shape_cast %swap3A_40 : vector<1x16xf32> to vector<16xf32>
      %swap3A_42 = vector.shape_cast %broadcast_in_dim3A_37 : vector<16xf32> to vector<1x16xf32>
      tpu.vector_store %arg6[%swap3A_38, %swap3A_39], %swap3A_42 {strides = array<i32>} : memref<80x128xf32, #tpu.memory_space<vmem>>, vector<1x16xf32>,
      %broadcast_in_dim3A_43 = arith.constant 1.000000e+00 : f32
      %broadcast_in_dim3A_44 = vector.broadcast %broadcast_in_dim3A_43 : f32 to vector<16xf32>
      %swap3A_45 = arith.index_cast %scan3A_22 : i32 to index
      %swap3A_46 = arith.constant 48 : index
      %swap3A_47 = tpu.vector_load %arg6[%swap3A_45, %swap3A_46] {strides = array<i32>} : memref<80x128xf32, #tpu.memory_space<vmem>>, vector<1x16xf32>,
      %swap3A_48 = vector.shape_cast %swap3A_47 : vector<1x16xf32> to vector<16xf32>
      %swap3A_49 = vector.shape_cast %broadcast_in_dim3A_44 : vector<16xf32> to vector<1x16xf32>
      tpu.vector_store %arg6[%swap3A_45, %swap3A_46], %swap3A_49 {strides = array<i32>} : memref<80x128xf32, #tpu.memory_space<vmem>>, vector<1x16xf32>,
      %broadcast_in_dim3A_50 = arith.constant 1.000000e+00 : f32
      %broadcast_in_dim3A_51 = vector.broadcast %broadcast_in_dim3A_50 : f32 to vector<16xf32>
      %swap3A_52 = arith.index_cast %scan3A_22 : i32 to index
      %swap3A_53 = arith.constant 64 : index
      %swap3A_54 = tpu.vector_load %arg6[%swap3A_52, %swap3A_53] {strides = array<i32>} : memref<80x128xf32, #tpu.memory_space<vmem>>, vector<1x16xf32>,
      %swap3A_55 = vector.shape_cast %swap3A_54 : vector<1x16xf32> to vector<16xf32>
      %swap3A_56 = vector.shape_cast %broadcast_in_dim3A_51 : vector<16xf32> to vector<1x16xf32>
      tpu.vector_store %arg6[%swap3A_52, %swap3A_53], %swap3A_56 {strides = array<i32>} : memref<80x128xf32, #tpu.memory_space<vmem>>, vector<1x16xf32>,
      %broadcast_in_dim3A_57 = arith.constant 1.000000e+00 : f32
      %broadcast_in_dim3A_58 = vector.broadcast %broadcast_in_dim3A_57 : f32 to vector<16xf32>
      %swap3A_59 = arith.index_cast %scan3A_22 : i32 to index
      %swap3A_60 = arith.constant 80 : index
      %swap3A_61 = tpu.vector_load %arg6[%swap3A_59, %swap3A_60] {strides = array<i32>} : memref<80x128xf32, #tpu.memory_space<vmem>>, vector<1x16xf32>,
      %swap3A_62 = vector.shape_cast %swap3A_61 : vector<1x16xf32> to vector<16xf32>
      %swap3A_63 = vector.shape_cast %broadcast_in_dim3A_58 : vector<16xf32> to vector<1x16xf32>
      tpu.vector_store %arg6[%swap3A_59, %swap3A_60], %swap3A_63 {strides = array<i32>} : memref<80x128xf32, #tpu.memory_space<vmem>>, vector<1x16xf32>,
      %broadcast_in_dim3A_64 = arith.constant 1.000000e+00 : f32
      %broadcast_in_dim3A_65 = vector.broadcast %broadcast_in_dim3A_64 : f32 to vector<16xf32>
      %swap3A_66 = arith.index_cast %scan3A_22 : i32 to index
      %swap3A_67 = arith.constant 96 : index
      %swap3A_68 = tpu.vector_load %arg6[%swap3A_66, %swap3A_67] {strides = array<i32>} : memref<80x128xf32, #tpu.memory_space<vmem>>, vector<1x16xf32>,
      %swap3A_69 = vector.shape_cast %swap3A_68 : vector<1x16xf32> to vector<16xf32>
      %swap3A_70 = vector.shape_cast %broadcast_in_dim3A_65 : vector<16xf32> to vector<1x16xf32>
      tpu.vector_store %arg6[%swap3A_66, %swap3A_67], %swap3A_70 {strides = array<i32>} : memref<80x128xf32, #tpu.memory_space<vmem>>, vector<1x16xf32>,
      %broadcast_in_dim3A_71 = arith.constant 1.000000e+00 : f32
      %broadcast_in_dim3A_72 = vector.broadcast %broadcast_in_dim3A_71 : f32 to vector<16xf32>
      %swap3A_73 = arith.index_cast %scan3A_22 : i32 to index
      %swap3A_74 = arith.constant 112 : index
      %swap3A_75 = tpu.vector_load %arg6[%swap3A_73, %swap3A_74] {strides = array<i32>} : memref<80x128xf32, #tpu.memory_space<vmem>>, vector<1x16xf32>,
      %swap3A_76 = vector.shape_cast %swap3A_75 : vector<1x16xf32> to vector<16xf32>
      %swap3A_77 = vector.shape_cast %broadcast_in_dim3A_72 : vector<16xf32> to vector<1x16xf32>
      tpu.vector_store %arg6[%swap3A_73, %swap3A_74], %swap3A_77 {strides = array<i32>} : memref<80x128xf32, #tpu.memory_space<vmem>>, vector<1x16xf32>,
      %scan3A_78 = arith.constant 0 : i32
      scf.yield %scan3A_78 : i32
    }
    %scan3A_5 = arith.constant 80 : i32
    %mul3A = arith.constant 640 : i32
    %mul3A_6 = arith.muli %arg1, %mul3A : i32
    %multiple_of3A = tpu.assume_multiple %mul3A_6, 8 : i32
    "tpu.region"() ({
      %run_scoped3A = tpu.sem_alloc : memref<!tpu.dma_semaphore, #tpu.memory_space<semaphore_mem>>
      %dma_start3A = arith.constant 0 : i32
      %dma_start3A_22 = tpu.memref_slice %arg7[%multiple_of3A, %dma_start3A] : memref<10240x128xf32, #tpu.memory_space<vmem_shared>> -> memref<640x128xf32, #tpu.memory_space<vmem_shared>>
      %dma_start3A_23 = arith.constant 0 : i32
      %dma_start3A_24 = tpu.memref_slice %arg3[%multiple_of3A, %dma_start3A_23] : memref<10240x128xf32, #tpu.memory_space<hbm>> -> memref<640x128xf32, #tpu.memory_space<hbm>>
      tpu.enqueue_dma source(%dma_start3A_24 : memref<640x128xf32, #tpu.memory_space<hbm>>) target(%dma_start3A_22 : memref<640x128xf32, #tpu.memory_space<vmem_shared>>) target_semaphore(%run_scoped3A : memref<!tpu.dma_semaphore, #tpu.memory_space<semaphore_mem>>)
      %dma_wait3A = arith.constant 0 : i32
      %dma_wait3A_25 = tpu.memref_slice %arg7[%multiple_of3A, %dma_wait3A] : memref<10240x128xf32, #tpu.memory_space<vmem_shared>> -> memref<640x128xf32, #tpu.memory_space<vmem_shared>>
      %dma_wait3A_26 = arith.constant 0 : i32
      %dma_wait3A_27 = tpu.memref_slice %arg3[%multiple_of3A, %dma_wait3A_26] : memref<10240x128xf32, #tpu.memory_space<hbm>> -> memref<640x128xf32, #tpu.memory_space<hbm>>
      tpu.wait_dma2 semaphore(%run_scoped3A : memref<!tpu.dma_semaphore, #tpu.memory_space<semaphore_mem>>) src(%dma_wait3A_27 : memref<640x128xf32, #tpu.memory_space<hbm>>) dst(%dma_wait3A_25 : memref<640x128xf32, #tpu.memory_space<vmem_shared>>)
      tpu.yield
    }) : () -> ()
    %barrier3A = arith.constant 0 : index
    tpu.barrier barrier_id(%barrier3A)
    %mul3A_7 = arith.constant 2 : i32
    %mul3A_8 = arith.muli %arg1, %mul3A_7 : i32
    %add3A = arith.addi %mul3A_8, %arg0 : i32
    %mul3A_9 = arith.constant 10000 : i32
    %mul3A_10 = arith.muli %add3A, %mul3A_9 : i32
    %scan3A_11 = arith.constant 0 : i32
    %scan3A_12 = arith.constant 0 : i32
    %scan3A_13 = arith.constant 125 : i32
    %scan3A_14 = arith.addi %scan3A_12, %scan3A_13 : i32
    %scan3A_15 = arith.constant 1 : i32
    %scan3A_16 = scf.for %scan3A_22 = %scan3A_12 to %scan3A_14 step %scan3A_15 iter_args(%scan3A_23 = %scan3A_11) -> (i32)  : i32 {
      %mul3A_24 = arith.constant 80 : i32
      %mul3A_25 = arith.muli %scan3A_22, %mul3A_24 : i32
      %add3A_26 = arith.addi %mul3A_10, %mul3A_25 : i32
      %multiple_of3A_27 = tpu.assume_multiple %add3A_26, 8 : i32
      "tpu.region"() ({
        %run_scoped3A = tpu.sem_alloc : memref<!tpu.dma_semaphore, #tpu.memory_space<semaphore_mem>>
        %dma_start3A = tpu.memref_slice %arg2[%multiple_of3A_27] : memref<320000xi32, #tpu.memory_space<hbm>> -> memref<80xi32, #tpu.memory_space<hbm>>
        %dma_start3A_29 = tpu.memref_slice %arg2[%multiple_of3A_27] : memref<320000xi32, #tpu.memory_space<hbm>> -> memref<80xi32, #tpu.memory_space<hbm>>
        tpu.enqueue_dma source(%dma_start3A_29 : memref<80xi32, #tpu.memory_space<hbm>>) target(%arg5 : memref<80xi32, #tpu.memory_space<vmem>>) target_semaphore(%run_scoped3A : memref<!tpu.dma_semaphore, #tpu.memory_space<semaphore_mem>>)
        %dma_wait3A = tpu.memref_slice %arg2[%multiple_of3A_27] : memref<320000xi32, #tpu.memory_space<hbm>> -> memref<80xi32, #tpu.memory_space<hbm>>
        %dma_wait3A_30 = tpu.memref_slice %arg2[%multiple_of3A_27] : memref<320000xi32, #tpu.memory_space<hbm>> -> memref<80xi32, #tpu.memory_space<hbm>>
        tpu.wait_dma2 semaphore(%run_scoped3A : memref<!tpu.dma_semaphore, #tpu.memory_space<semaphore_mem>>) src(%dma_wait3A_30 : memref<80xi32, #tpu.memory_space<hbm>>) dst(%arg5 : memref<80xi32, #tpu.memory_space<vmem>>)
        tpu.yield
      }) : () -> ()
      "tpu.region"() ({
        %run_scoped3A = tpu.sem_alloc : memref<!tpu.dma_semaphore, #tpu.memory_space<semaphore_mem>>
        %dma_start3A = arith.constant 0 : i32
        %dma_start3A_29 = arith.constant 0 : i32
        %dma_start3A_30 = tpu.memref_slice %arg7[%dma_start3A, %dma_start3A_29] : memref<10240x128xf32, #tpu.memory_space<vmem_shared>> -> memref<10240x128xf32, #tpu.memory_space<vmem_shared>>
        tpu.enqueue_indirect_dma source(%arg6 : memref<80x128xf32, #tpu.memory_space<vmem>>) target(%dma_start3A_30 : memref<10240x128xf32, #tpu.memory_space<vmem_shared>>) offsets(%arg5 : memref<80xi32, #tpu.memory_space<vmem>>) semaphore(%run_scoped3A : memref<!tpu.dma_semaphore, #tpu.memory_space<semaphore_mem>>) {add = true}
        %dma_wait3A = arith.constant 0 : i32
        %dma_wait3A_31 = arith.constant 0 : i32
        %dma_wait3A_32 = tpu.memref_slice %arg7[%dma_wait3A, %dma_wait3A_31] : memref<10240x128xf32, #tpu.memory_space<vmem_shared>> -> memref<10240x128xf32, #tpu.memory_space<vmem_shared>>
        tpu.wait_indirect_dma semaphore(%run_scoped3A : memref<!tpu.dma_semaphore, #tpu.memory_space<semaphore_mem>>) src(%arg6 : memref<80x128xf32, #tpu.memory_space<vmem>>) dst(%dma_wait3A_32 : memref<10240x128xf32, #tpu.memory_space<vmem_shared>>)
        tpu.yield
      }) : () -> ()
      %scan3A_28 = arith.constant 0 : i32
      scf.yield %scan3A_28 : i32
    }
    %scan3A_17 = arith.constant 125 : i32
    %barrier3A_18 = arith.constant 0 : index
    tpu.barrier barrier_id(%barrier3A_18)
    %mul3A_19 = arith.constant 640 : i32
    %mul3A_20 = arith.muli %arg1, %mul3A_19 : i32
    %multiple_of3A_21 = tpu.assume_multiple %mul3A_20, 8 : i32
    "tpu.region"() ({
      %run_scoped3A = tpu.sem_alloc : memref<!tpu.dma_semaphore, #tpu.memory_space<semaphore_mem>>
      %dma_start3A = arith.constant 0 : i32
      %dma_start3A_22 = tpu.memref_slice %arg4[%arg0, %multiple_of3A_21, %dma_start3A] : memref<2x10240x128xf32, #tpu.memory_space<hbm>> -> memref<1x640x128xf32, #tpu.memory_space<hbm>>
      %dma_start3A_23 = tpu.memref_squeeze %dma_start3A_22 : memref<1x640x128xf32, #tpu.memory_space<hbm>> -> memref<640x128xf32, #tpu.memory_space<hbm>>
      %dma_start3A_24 = arith.constant 0 : i32
      %dma_start3A_25 = tpu.memref_slice %arg7[%multiple_of3A_21, %dma_start3A_24] : memref<10240x128xf32, #tpu.memory_space<vmem_shared>> -> memref<640x128xf32, #tpu.memory_space<vmem_shared>>
      tpu.enqueue_dma source(%dma_start3A_25 : memref<640x128xf32, #tpu.memory_space<vmem_shared>>) target(%dma_start3A_23 : memref<640x128xf32, #tpu.memory_space<hbm>>) target_semaphore(%run_scoped3A : memref<!tpu.dma_semaphore, #tpu.memory_space<semaphore_mem>>)
      %dma_wait3A = arith.constant 0 : i32
      %dma_wait3A_26 = tpu.memref_slice %arg4[%arg0, %multiple_of3A_21, %dma_wait3A] : memref<2x10240x128xf32, #tpu.memory_space<hbm>> -> memref<1x640x128xf32, #tpu.memory_space<hbm>>
      %dma_wait3A_27 = tpu.memref_squeeze %dma_wait3A_26 : memref<1x640x128xf32, #tpu.memory_space<hbm>> -> memref<640x128xf32, #tpu.memory_space<hbm>>
      %dma_wait3A_28 = arith.constant 0 : i32
      %dma_wait3A_29 = tpu.memref_slice %arg7[%multiple_of3A_21, %dma_wait3A_28] : memref<10240x128xf32, #tpu.memory_space<vmem_shared>> -> memref<640x128xf32, #tpu.memory_space<vmem_shared>>
      tpu.wait_dma2 semaphore(%run_scoped3A : memref<!tpu.dma_semaphore, #tpu.memory_space<semaphore_mem>>) src(%dma_wait3A_29 : memref<640x128xf32, #tpu.memory_space<vmem_shared>>) dst(%dma_wait3A_27 : memref<640x128xf32, #tpu.memory_space<hbm>>)
      tpu.yield
    }) : () -> ()
    return
  }
}

#map = affine_map<(d0, d1) -> (0, 0)>
#map1 = affine_map<(d0, d1) -> (0)>
#map2 = affine_map<(d0, d1) -> (0, 0, 0)>
module attributes {stable_mosaic.version = 14 : i64} {
  func.func @_gat_body(%arg0: i32, %arg1: i32, %arg2: memref<10000x128xf32, #tpu.memory_space<hbm>>, %arg3: memref<10000x128xf32, #tpu.memory_space<hbm>>, %arg4: memref<128xf32, #tpu.memory_space<hbm>>, %arg5: memref<320000xi32, #tpu.memory_space<hbm>>, %arg6: memref<320000xi32, #tpu.memory_space<hbm>>, %arg7: memref<10240x128xf32, #tpu.memory_space<hbm>>, %arg8: memref<2x10240x128xf32, #tpu.memory_space<hbm>>, %arg9: memref<5120000xf32, #tpu.memory_space<hbm>>, %arg10: memref<80xi32, #tpu.memory_space<vmem>>, %arg11: memref<80xi32, #tpu.memory_space<vmem>>, %arg12: memref<80x128xf32, #tpu.memory_space<vmem>>, %arg13: memref<80x128xf32, #tpu.memory_space<vmem>>, %arg14: memref<1280xf32, #tpu.memory_space<vmem>>, %arg15: memref<128xf32, #tpu.memory_space<vmem>>, %arg16: memref<48xf32, #tpu.memory_space<vmem>>, %arg17: memref<10240x128xf32, #tpu.memory_space<vmem_shared>>) attributes {dimension_semantics = [#tpu.dimension_semantics<core_parallel>, #tpu.dimension_semantics<subcore_parallel>], iteration_bounds = array<i64: 2, 16>, scalar_prefetch = 0 : i64, scratch_operands = 8 : i64, tpu.core_type = #tpu.core_type<sc_vector_subcore>, window_params = [{transform_indices = #map}, {transform_indices = #map}, {transform_indices = #map1}, {transform_indices = #map1}, {transform_indices = #map1}, {transform_indices = #map}, {transform_indices = #map2}, {transform_indices = #map1}]} {
    "tpu.region"() ({
      %run_scoped3A = tpu.sem_alloc : memref<!tpu.dma_semaphore, #tpu.memory_space<semaphore_mem>>
      tpu.enqueue_dma source(%arg4 : memref<128xf32, #tpu.memory_space<hbm>>) target(%arg15 : memref<128xf32, #tpu.memory_space<vmem>>) target_semaphore(%run_scoped3A : memref<!tpu.dma_semaphore, #tpu.memory_space<semaphore_mem>>)
      tpu.wait_dma2 semaphore(%run_scoped3A : memref<!tpu.dma_semaphore, #tpu.memory_space<semaphore_mem>>) src(%arg4 : memref<128xf32, #tpu.memory_space<hbm>>) dst(%arg15 : memref<128xf32, #tpu.memory_space<vmem>>)
      tpu.yield
    }) : () -> ()
    %mul3A = arith.constant 640 : i32
    %mul3A_0 = arith.muli %arg1, %mul3A : i32
    %multiple_of3A = tpu.assume_multiple %mul3A_0, 8 : i32
    "tpu.region"() ({
      %run_scoped3A = tpu.sem_alloc : memref<!tpu.dma_semaphore, #tpu.memory_space<semaphore_mem>>
      %dma_start3A = arith.constant 0 : i32
      %dma_start3A_31 = tpu.memref_slice %arg17[%multiple_of3A, %dma_start3A] : memref<10240x128xf32, #tpu.memory_space<vmem_shared>> -> memref<640x128xf32, #tpu.memory_space<vmem_shared>>
      %dma_start3A_32 = arith.constant 0 : i32
      %dma_start3A_33 = tpu.memref_slice %arg7[%multiple_of3A, %dma_start3A_32] : memref<10240x128xf32, #tpu.memory_space<hbm>> -> memref<640x128xf32, #tpu.memory_space<hbm>>
      tpu.enqueue_dma source(%dma_start3A_33 : memref<640x128xf32, #tpu.memory_space<hbm>>) target(%dma_start3A_31 : memref<640x128xf32, #tpu.memory_space<vmem_shared>>) target_semaphore(%run_scoped3A : memref<!tpu.dma_semaphore, #tpu.memory_space<semaphore_mem>>)
      %dma_wait3A = arith.constant 0 : i32
      %dma_wait3A_34 = tpu.memref_slice %arg17[%multiple_of3A, %dma_wait3A] : memref<10240x128xf32, #tpu.memory_space<vmem_shared>> -> memref<640x128xf32, #tpu.memory_space<vmem_shared>>
      %dma_wait3A_35 = arith.constant 0 : i32
      %dma_wait3A_36 = tpu.memref_slice %arg7[%multiple_of3A, %dma_wait3A_35] : memref<10240x128xf32, #tpu.memory_space<hbm>> -> memref<640x128xf32, #tpu.memory_space<hbm>>
      tpu.wait_dma2 semaphore(%run_scoped3A : memref<!tpu.dma_semaphore, #tpu.memory_space<semaphore_mem>>) src(%dma_wait3A_36 : memref<640x128xf32, #tpu.memory_space<hbm>>) dst(%dma_wait3A_34 : memref<640x128xf32, #tpu.memory_space<vmem_shared>>)
      tpu.yield
    }) : () -> ()
    %broadcast_in_dim3A = arith.constant 0.000000e+00 : f32
    %broadcast_in_dim3A_1 = vector.broadcast %broadcast_in_dim3A : f32 to vector<16xf32>
    %swap3A = arith.constant 0 : index
    %swap3A_2 = tpu.vector_load %arg16[%swap3A] {strides = array<i32>} : memref<48xf32, #tpu.memory_space<vmem>>, vector<16xf32>,
    %swap3A_3 = vector.shape_cast %swap3A_2 : vector<16xf32> to vector<16xf32>
    %swap3A_4 = vector.shape_cast %broadcast_in_dim3A_1 : vector<16xf32> to vector<16xf32>
    tpu.vector_store %arg16[%swap3A], %swap3A_4 {strides = array<i32>} : memref<48xf32, #tpu.memory_space<vmem>>, vector<16xf32>,
    %broadcast_in_dim3A_5 = arith.constant 0.000000e+00 : f32
    %broadcast_in_dim3A_6 = vector.broadcast %broadcast_in_dim3A_5 : f32 to vector<16xf32>
    %swap3A_7 = arith.constant 16 : index
    %swap3A_8 = tpu.vector_load %arg16[%swap3A_7] {strides = array<i32>} : memref<48xf32, #tpu.memory_space<vmem>>, vector<16xf32>,
    %swap3A_9 = vector.shape_cast %swap3A_8 : vector<16xf32> to vector<16xf32>
    %swap3A_10 = vector.shape_cast %broadcast_in_dim3A_6 : vector<16xf32> to vector<16xf32>
    tpu.vector_store %arg16[%swap3A_7], %swap3A_10 {strides = array<i32>} : memref<48xf32, #tpu.memory_space<vmem>>, vector<16xf32>,
    %broadcast_in_dim3A_11 = arith.constant 0.000000e+00 : f32
    %broadcast_in_dim3A_12 = vector.broadcast %broadcast_in_dim3A_11 : f32 to vector<16xf32>
    %swap3A_13 = arith.constant 32 : index
    %swap3A_14 = tpu.vector_load %arg16[%swap3A_13] {strides = array<i32>} : memref<48xf32, #tpu.memory_space<vmem>>, vector<16xf32>,
    %swap3A_15 = vector.shape_cast %swap3A_14 : vector<16xf32> to vector<16xf32>
    %swap3A_16 = vector.shape_cast %broadcast_in_dim3A_12 : vector<16xf32> to vector<16xf32>
    tpu.vector_store %arg16[%swap3A_13], %swap3A_16 {strides = array<i32>} : memref<48xf32, #tpu.memory_space<vmem>>, vector<16xf32>,
    %barrier3A = arith.constant 0 : index
    tpu.barrier barrier_id(%barrier3A)
    %mul3A_17 = arith.constant 2 : i32
    %mul3A_18 = arith.muli %arg1, %mul3A_17 : i32
    %add3A = arith.addi %mul3A_18, %arg0 : i32
    %mul3A_19 = arith.constant 10000 : i32
    %mul3A_20 = arith.muli %add3A, %mul3A_19 : i32
    %scan3A = arith.constant 0 : i32
    %scan3A_21 = arith.constant 0 : i32
    %scan3A_22 = arith.constant 125 : i32
    %scan3A_23 = arith.addi %scan3A_21, %scan3A_22 : i32
    %scan3A_24 = arith.constant 1 : i32
    %scan3A_25 = scf.for %scan3A_31 = %scan3A_21 to %scan3A_23 step %scan3A_24 iter_args(%scan3A_32 = %scan3A) -> (i32)  : i32 {
      %mul3A_33 = arith.constant 80 : i32
      %mul3A_34 = arith.muli %scan3A_31, %mul3A_33 : i32
      %add3A_35 = arith.addi %mul3A_20, %mul3A_34 : i32
      %multiple_of3A_36 = tpu.assume_multiple %add3A_35, 8 : i32
      "tpu.region"() ({
        %run_scoped3A = tpu.sem_alloc : memref<!tpu.dma_semaphore, #tpu.memory_space<semaphore_mem>>
        %dma_start3A = tpu.memref_slice %arg5[%multiple_of3A_36] : memref<320000xi32, #tpu.memory_space<hbm>> -> memref<80xi32, #tpu.memory_space<hbm>>
        %dma_start3A_47 = tpu.memref_slice %arg5[%multiple_of3A_36] : memref<320000xi32, #tpu.memory_space<hbm>> -> memref<80xi32, #tpu.memory_space<hbm>>
        tpu.enqueue_dma source(%dma_start3A_47 : memref<80xi32, #tpu.memory_space<hbm>>) target(%arg10 : memref<80xi32, #tpu.memory_space<vmem>>) target_semaphore(%run_scoped3A : memref<!tpu.dma_semaphore, #tpu.memory_space<semaphore_mem>>)
        %dma_wait3A = tpu.memref_slice %arg5[%multiple_of3A_36] : memref<320000xi32, #tpu.memory_space<hbm>> -> memref<80xi32, #tpu.memory_space<hbm>>
        %dma_wait3A_48 = tpu.memref_slice %arg5[%multiple_of3A_36] : memref<320000xi32, #tpu.memory_space<hbm>> -> memref<80xi32, #tpu.memory_space<hbm>>
        tpu.wait_dma2 semaphore(%run_scoped3A : memref<!tpu.dma_semaphore, #tpu.memory_space<semaphore_mem>>) src(%dma_wait3A_48 : memref<80xi32, #tpu.memory_space<hbm>>) dst(%arg10 : memref<80xi32, #tpu.memory_space<vmem>>)
        tpu.yield
      }) : () -> ()
      "tpu.region"() ({
        %run_scoped3A = tpu.sem_alloc : memref<!tpu.dma_semaphore, #tpu.memory_space<semaphore_mem>>
        %dma_start3A = tpu.memref_slice %arg6[%multiple_of3A_36] : memref<320000xi32, #tpu.memory_space<hbm>> -> memref<80xi32, #tpu.memory_space<hbm>>
        %dma_start3A_47 = tpu.memref_slice %arg6[%multiple_of3A_36] : memref<320000xi32, #tpu.memory_space<hbm>> -> memref<80xi32, #tpu.memory_space<hbm>>
        tpu.enqueue_dma source(%dma_start3A_47 : memref<80xi32, #tpu.memory_space<hbm>>) target(%arg11 : memref<80xi32, #tpu.memory_space<vmem>>) target_semaphore(%run_scoped3A : memref<!tpu.dma_semaphore, #tpu.memory_space<semaphore_mem>>)
        %dma_wait3A = tpu.memref_slice %arg6[%multiple_of3A_36] : memref<320000xi32, #tpu.memory_space<hbm>> -> memref<80xi32, #tpu.memory_space<hbm>>
        %dma_wait3A_48 = tpu.memref_slice %arg6[%multiple_of3A_36] : memref<320000xi32, #tpu.memory_space<hbm>> -> memref<80xi32, #tpu.memory_space<hbm>>
        tpu.wait_dma2 semaphore(%run_scoped3A : memref<!tpu.dma_semaphore, #tpu.memory_space<semaphore_mem>>) src(%dma_wait3A_48 : memref<80xi32, #tpu.memory_space<hbm>>) dst(%arg11 : memref<80xi32, #tpu.memory_space<vmem>>)
        tpu.yield
      }) : () -> ()
      "tpu.region"() ({
        %run_scoped3A = tpu.sem_alloc : memref<!tpu.dma_semaphore, #tpu.memory_space<semaphore_mem>>
        %dma_start3A = arith.constant 0 : i32
        %dma_start3A_47 = arith.constant 0 : i32
        %dma_start3A_48 = tpu.memref_slice %arg2[%dma_start3A, %dma_start3A_47] : memref<10000x128xf32, #tpu.memory_space<hbm>> -> memref<10000x128xf32, #tpu.memory_space<hbm>>
        tpu.enqueue_indirect_dma source(%dma_start3A_48 : memref<10000x128xf32, #tpu.memory_space<hbm>>) target(%arg12 : memref<80x128xf32, #tpu.memory_space<vmem>>) offsets(%arg10 : memref<80xi32, #tpu.memory_space<vmem>>) semaphore(%run_scoped3A : memref<!tpu.dma_semaphore, #tpu.memory_space<semaphore_mem>>)
        %dma_wait3A = arith.constant 0 : i32
        %dma_wait3A_49 = arith.constant 0 : i32
        %dma_wait3A_50 = tpu.memref_slice %arg2[%dma_wait3A, %dma_wait3A_49] : memref<10000x128xf32, #tpu.memory_space<hbm>> -> memref<10000x128xf32, #tpu.memory_space<hbm>>
        tpu.wait_indirect_dma semaphore(%run_scoped3A : memref<!tpu.dma_semaphore, #tpu.memory_space<semaphore_mem>>) src(%dma_wait3A_50 : memref<10000x128xf32, #tpu.memory_space<hbm>>) dst(%arg12 : memref<80x128xf32, #tpu.memory_space<vmem>>)
        tpu.yield
      }) : () -> ()
      "tpu.region"() ({
        %run_scoped3A = tpu.sem_alloc : memref<!tpu.dma_semaphore, #tpu.memory_space<semaphore_mem>>
        %dma_start3A = arith.constant 0 : i32
        %dma_start3A_47 = arith.constant 0 : i32
        %dma_start3A_48 = tpu.memref_slice %arg3[%dma_start3A, %dma_start3A_47] : memref<10000x128xf32, #tpu.memory_space<hbm>> -> memref<10000x128xf32, #tpu.memory_space<hbm>>
        tpu.enqueue_indirect_dma source(%dma_start3A_48 : memref<10000x128xf32, #tpu.memory_space<hbm>>) target(%arg13 : memref<80x128xf32, #tpu.memory_space<vmem>>) offsets(%arg11 : memref<80xi32, #tpu.memory_space<vmem>>) semaphore(%run_scoped3A : memref<!tpu.dma_semaphore, #tpu.memory_space<semaphore_mem>>)
        %dma_wait3A = arith.constant 0 : i32
        %dma_wait3A_49 = arith.constant 0 : i32
        %dma_wait3A_50 = tpu.memref_slice %arg3[%dma_wait3A, %dma_wait3A_49] : memref<10000x128xf32, #tpu.memory_space<hbm>> -> memref<10000x128xf32, #tpu.memory_space<hbm>>
        tpu.wait_indirect_dma semaphore(%run_scoped3A : memref<!tpu.dma_semaphore, #tpu.memory_space<semaphore_mem>>) src(%dma_wait3A_50 : memref<10000x128xf32, #tpu.memory_space<hbm>>) dst(%arg13 : memref<80x128xf32, #tpu.memory_space<vmem>>)
        tpu.yield
      }) : () -> ()
      %scan3A_37 = arith.constant 0 : i32
      %scan3A_38 = arith.constant 0 : i32
      %scan3A_39 = arith.constant 80 : i32
      %scan3A_40 = arith.addi %scan3A_38, %scan3A_39 : i32
      %scan3A_41 = arith.constant 1 : i32
      %scan3A_42 = scf.for %scan3A_47 = %scan3A_38 to %scan3A_40 step %scan3A_41 iter_args(%scan3A_48 = %scan3A_37) -> (i32)  : i32 {
        %broadcast_in_dim3A_49 = arith.constant 0.000000e+00 : f32
        %broadcast_in_dim3A_50 = vector.broadcast %broadcast_in_dim3A_49 : f32 to vector<16xf32>
        %get3A = arith.index_cast %scan3A_47 : i32 to index
        %get3A_51 = arith.constant 0 : index
        %get3A_52 = tpu.vector_load %arg12[%get3A, %get3A_51] {strides = array<i32>} : memref<80x128xf32, #tpu.memory_space<vmem>>, vector<1x16xf32>,
        %get3A_53 = vector.shape_cast %get3A_52 : vector<1x16xf32> to vector<16xf32>
        %get3A_54 = arith.index_cast %scan3A_47 : i32 to index
        %get3A_55 = arith.constant 0 : index
        %get3A_56 = tpu.vector_load %arg13[%get3A_54, %get3A_55] {strides = array<i32>} : memref<80x128xf32, #tpu.memory_space<vmem>>, vector<1x16xf32>,
        %get3A_57 = vector.shape_cast %get3A_56 : vector<1x16xf32> to vector<16xf32>
        %add3A_58 = arith.addf %get3A_53, %get3A_57 : vector<16xf32>
        %mul3A_59 = arith.constant 2.000000e-01 : f32
        %mul3A_60 = vector.broadcast %mul3A_59 : f32 to vector<16xf32>
        %mul3A_61 = arith.mulf %mul3A_60, %add3A_58 : vector<16xf32>
        %max3A = arith.maximumf %add3A_58, %mul3A_61 : vector<16xf32>
        %get3A_62 = arith.constant 0 : index
        %get3A_63 = tpu.vector_load %arg15[%get3A_62] {strides = array<i32>} : memref<128xf32, #tpu.memory_space<vmem>>, vector<16xf32>,
        %get3A_64 = vector.shape_cast %get3A_63 : vector<16xf32> to vector<16xf32>
        %mul3A_65 = arith.mulf %max3A, %get3A_64 : vector<16xf32>
        %add3A_66 = arith.addf %broadcast_in_dim3A_50, %mul3A_65 : vector<16xf32>
        %get3A_67 = arith.index_cast %scan3A_47 : i32 to index
        %get3A_68 = arith.constant 16 : index
        %get3A_69 = tpu.vector_load %arg12[%get3A_67, %get3A_68] {strides = array<i32>} : memref<80x128xf32, #tpu.memory_space<vmem>>, vector<1x16xf32>,
        %get3A_70 = vector.shape_cast %get3A_69 : vector<1x16xf32> to vector<16xf32>
        %get3A_71 = arith.index_cast %scan3A_47 : i32 to index
        %get3A_72 = arith.constant 16 : index
        %get3A_73 = tpu.vector_load %arg13[%get3A_71, %get3A_72] {strides = array<i32>} : memref<80x128xf32, #tpu.memory_space<vmem>>, vector<1x16xf32>,
        %get3A_74 = vector.shape_cast %get3A_73 : vector<1x16xf32> to vector<16xf32>
        %add3A_75 = arith.addf %get3A_70, %get3A_74 : vector<16xf32>
        %mul3A_76 = arith.constant 2.000000e-01 : f32
        %mul3A_77 = vector.broadcast %mul3A_76 : f32 to vector<16xf32>
        %mul3A_78 = arith.mulf %mul3A_77, %add3A_75 : vector<16xf32>
        %max3A_79 = arith.maximumf %add3A_75, %mul3A_78 : vector<16xf32>
        %get3A_80 = arith.constant 16 : index
        %get3A_81 = tpu.vector_load %arg15[%get3A_80] {strides = array<i32>} : memref<128xf32, #tpu.memory_space<vmem>>, vector<16xf32>,
        %get3A_82 = vector.shape_cast %get3A_81 : vector<16xf32> to vector<16xf32>
        %mul3A_83 = arith.mulf %max3A_79, %get3A_82 : vector<16xf32>
        %add3A_84 = arith.addf %add3A_66, %mul3A_83 : vector<16xf32>
        %get3A_85 = arith.index_cast %scan3A_47 : i32 to index
        %get3A_86 = arith.constant 32 : index
        %get3A_87 = tpu.vector_load %arg12[%get3A_85, %get3A_86] {strides = array<i32>} : memref<80x128xf32, #tpu.memory_space<vmem>>, vector<1x16xf32>,
        %get3A_88 = vector.shape_cast %get3A_87 : vector<1x16xf32> to vector<16xf32>
        %get3A_89 = arith.index_cast %scan3A_47 : i32 to index
        %get3A_90 = arith.constant 32 : index
        %get3A_91 = tpu.vector_load %arg13[%get3A_89, %get3A_90] {strides = array<i32>} : memref<80x128xf32, #tpu.memory_space<vmem>>, vector<1x16xf32>,
        %get3A_92 = vector.shape_cast %get3A_91 : vector<1x16xf32> to vector<16xf32>
        %add3A_93 = arith.addf %get3A_88, %get3A_92 : vector<16xf32>
        %mul3A_94 = arith.constant 2.000000e-01 : f32
        %mul3A_95 = vector.broadcast %mul3A_94 : f32 to vector<16xf32>
        %mul3A_96 = arith.mulf %mul3A_95, %add3A_93 : vector<16xf32>
        %max3A_97 = arith.maximumf %add3A_93, %mul3A_96 : vector<16xf32>
        %get3A_98 = arith.constant 32 : index
        %get3A_99 = tpu.vector_load %arg15[%get3A_98] {strides = array<i32>} : memref<128xf32, #tpu.memory_space<vmem>>, vector<16xf32>,
        %get3A_100 = vector.shape_cast %get3A_99 : vector<16xf32> to vector<16xf32>
        %mul3A_101 = arith.mulf %max3A_97, %get3A_100 : vector<16xf32>
        %add3A_102 = arith.addf %add3A_84, %mul3A_101 : vector<16xf32>
        %get3A_103 = arith.index_cast %scan3A_47 : i32 to index
        %get3A_104 = arith.constant 48 : index
        %get3A_105 = tpu.vector_load %arg12[%get3A_103, %get3A_104] {strides = array<i32>} : memref<80x128xf32, #tpu.memory_space<vmem>>, vector<1x16xf32>,
        %get3A_106 = vector.shape_cast %get3A_105 : vector<1x16xf32> to vector<16xf32>
        %get3A_107 = arith.index_cast %scan3A_47 : i32 to index
        %get3A_108 = arith.constant 48 : index
        %get3A_109 = tpu.vector_load %arg13[%get3A_107, %get3A_108] {strides = array<i32>} : memref<80x128xf32, #tpu.memory_space<vmem>>, vector<1x16xf32>,
        %get3A_110 = vector.shape_cast %get3A_109 : vector<1x16xf32> to vector<16xf32>
        %add3A_111 = arith.addf %get3A_106, %get3A_110 : vector<16xf32>
        %mul3A_112 = arith.constant 2.000000e-01 : f32
        %mul3A_113 = vector.broadcast %mul3A_112 : f32 to vector<16xf32>
        %mul3A_114 = arith.mulf %mul3A_113, %add3A_111 : vector<16xf32>
        %max3A_115 = arith.maximumf %add3A_111, %mul3A_114 : vector<16xf32>
        %get3A_116 = arith.constant 48 : index
        %get3A_117 = tpu.vector_load %arg15[%get3A_116] {strides = array<i32>} : memref<128xf32, #tpu.memory_space<vmem>>, vector<16xf32>,
        %get3A_118 = vector.shape_cast %get3A_117 : vector<16xf32> to vector<16xf32>
        %mul3A_119 = arith.mulf %max3A_115, %get3A_118 : vector<16xf32>
        %add3A_120 = arith.addf %add3A_102, %mul3A_119 : vector<16xf32>
        %get3A_121 = arith.index_cast %scan3A_47 : i32 to index
        %get3A_122 = arith.constant 64 : index
        %get3A_123 = tpu.vector_load %arg12[%get3A_121, %get3A_122] {strides = array<i32>} : memref<80x128xf32, #tpu.memory_space<vmem>>, vector<1x16xf32>,
        %get3A_124 = vector.shape_cast %get3A_123 : vector<1x16xf32> to vector<16xf32>
        %get3A_125 = arith.index_cast %scan3A_47 : i32 to index
        %get3A_126 = arith.constant 64 : index
        %get3A_127 = tpu.vector_load %arg13[%get3A_125, %get3A_126] {strides = array<i32>} : memref<80x128xf32, #tpu.memory_space<vmem>>, vector<1x16xf32>,
        %get3A_128 = vector.shape_cast %get3A_127 : vector<1x16xf32> to vector<16xf32>
        %add3A_129 = arith.addf %get3A_124, %get3A_128 : vector<16xf32>
        %mul3A_130 = arith.constant 2.000000e-01 : f32
        %mul3A_131 = vector.broadcast %mul3A_130 : f32 to vector<16xf32>
        %mul3A_132 = arith.mulf %mul3A_131, %add3A_129 : vector<16xf32>
        %max3A_133 = arith.maximumf %add3A_129, %mul3A_132 : vector<16xf32>
        %get3A_134 = arith.constant 64 : index
        %get3A_135 = tpu.vector_load %arg15[%get3A_134] {strides = array<i32>} : memref<128xf32, #tpu.memory_space<vmem>>, vector<16xf32>,
        %get3A_136 = vector.shape_cast %get3A_135 : vector<16xf32> to vector<16xf32>
        %mul3A_137 = arith.mulf %max3A_133, %get3A_136 : vector<16xf32>
        %add3A_138 = arith.addf %add3A_120, %mul3A_137 : vector<16xf32>
        %get3A_139 = arith.index_cast %scan3A_47 : i32 to index
        %get3A_140 = arith.constant 80 : index
        %get3A_141 = tpu.vector_load %arg12[%get3A_139, %get3A_140] {strides = array<i32>} : memref<80x128xf32, #tpu.memory_space<vmem>>, vector<1x16xf32>,
        %get3A_142 = vector.shape_cast %get3A_141 : vector<1x16xf32> to vector<16xf32>
        %get3A_143 = arith.index_cast %scan3A_47 : i32 to index
        %get3A_144 = arith.constant 80 : index
        %get3A_145 = tpu.vector_load %arg13[%get3A_143, %get3A_144] {strides = array<i32>} : memref<80x128xf32, #tpu.memory_space<vmem>>, vector<1x16xf32>,
        %get3A_146 = vector.shape_cast %get3A_145 : vector<1x16xf32> to vector<16xf32>
        %add3A_147 = arith.addf %get3A_142, %get3A_146 : vector<16xf32>
        %mul3A_148 = arith.constant 2.000000e-01 : f32
        %mul3A_149 = vector.broadcast %mul3A_148 : f32 to vector<16xf32>
        %mul3A_150 = arith.mulf %mul3A_149, %add3A_147 : vector<16xf32>
        %max3A_151 = arith.maximumf %add3A_147, %mul3A_150 : vector<16xf32>
        %get3A_152 = arith.constant 80 : index
        %get3A_153 = tpu.vector_load %arg15[%get3A_152] {strides = array<i32>} : memref<128xf32, #tpu.memory_space<vmem>>, vector<16xf32>,
        %get3A_154 = vector.shape_cast %get3A_153 : vector<16xf32> to vector<16xf32>
        %mul3A_155 = arith.mulf %max3A_151, %get3A_154 : vector<16xf32>
        %add3A_156 = arith.addf %add3A_138, %mul3A_155 : vector<16xf32>
        %get3A_157 = arith.index_cast %scan3A_47 : i32 to index
        %get3A_158 = arith.constant 96 : index
        %get3A_159 = tpu.vector_load %arg12[%get3A_157, %get3A_158] {strides = array<i32>} : memref<80x128xf32, #tpu.memory_space<vmem>>, vector<1x16xf32>,
        %get3A_160 = vector.shape_cast %get3A_159 : vector<1x16xf32> to vector<16xf32>
        %get3A_161 = arith.index_cast %scan3A_47 : i32 to index
        %get3A_162 = arith.constant 96 : index
        %get3A_163 = tpu.vector_load %arg13[%get3A_161, %get3A_162] {strides = array<i32>} : memref<80x128xf32, #tpu.memory_space<vmem>>, vector<1x16xf32>,
        %get3A_164 = vector.shape_cast %get3A_163 : vector<1x16xf32> to vector<16xf32>
        %add3A_165 = arith.addf %get3A_160, %get3A_164 : vector<16xf32>
        %mul3A_166 = arith.constant 2.000000e-01 : f32
        %mul3A_167 = vector.broadcast %mul3A_166 : f32 to vector<16xf32>
        %mul3A_168 = arith.mulf %mul3A_167, %add3A_165 : vector<16xf32>
        %max3A_169 = arith.maximumf %add3A_165, %mul3A_168 : vector<16xf32>
        %get3A_170 = arith.constant 96 : index
        %get3A_171 = tpu.vector_load %arg15[%get3A_170] {strides = array<i32>} : memref<128xf32, #tpu.memory_space<vmem>>, vector<16xf32>,
        %get3A_172 = vector.shape_cast %get3A_171 : vector<16xf32> to vector<16xf32>
        %mul3A_173 = arith.mulf %max3A_169, %get3A_172 : vector<16xf32>
        %add3A_174 = arith.addf %add3A_156, %mul3A_173 : vector<16xf32>
        %get3A_175 = arith.index_cast %scan3A_47 : i32 to index
        %get3A_176 = arith.constant 112 : index
        %get3A_177 = tpu.vector_load %arg12[%get3A_175, %get3A_176] {strides = array<i32>} : memref<80x128xf32, #tpu.memory_space<vmem>>, vector<1x16xf32>,
        %get3A_178 = vector.shape_cast %get3A_177 : vector<1x16xf32> to vector<16xf32>
        %get3A_179 = arith.index_cast %scan3A_47 : i32 to index
        %get3A_180 = arith.constant 112 : index
        %get3A_181 = tpu.vector_load %arg13[%get3A_179, %get3A_180] {strides = array<i32>} : memref<80x128xf32, #tpu.memory_space<vmem>>, vector<1x16xf32>,
        %get3A_182 = vector.shape_cast %get3A_181 : vector<1x16xf32> to vector<16xf32>
        %add3A_183 = arith.addf %get3A_178, %get3A_182 : vector<16xf32>
        %mul3A_184 = arith.constant 2.000000e-01 : f32
        %mul3A_185 = vector.broadcast %mul3A_184 : f32 to vector<16xf32>
        %mul3A_186 = arith.mulf %mul3A_185, %add3A_183 : vector<16xf32>
        %max3A_187 = arith.maximumf %add3A_183, %mul3A_186 : vector<16xf32>
        %get3A_188 = arith.constant 112 : index
        %get3A_189 = tpu.vector_load %arg15[%get3A_188] {strides = array<i32>} : memref<128xf32, #tpu.memory_space<vmem>>, vector<16xf32>,
        %get3A_190 = vector.shape_cast %get3A_189 : vector<16xf32> to vector<16xf32>
        %mul3A_191 = arith.mulf %max3A_187, %get3A_190 : vector<16xf32>
        %add3A_192 = arith.addf %add3A_174, %mul3A_191 : vector<16xf32>
        %swap3A_193 = arith.constant 16 : index
        %swap3A_194 = tpu.vector_load %arg16[%swap3A_193] {strides = array<i32>} : memref<48xf32, #tpu.memory_space<vmem>>, vector<16xf32>,
        %swap3A_195 = vector.shape_cast %swap3A_194 : vector<16xf32> to vector<16xf32>
        %swap3A_196 = vector.shape_cast %add3A_192 : vector<16xf32> to vector<16xf32>
        tpu.vector_store %arg16[%swap3A_193], %swap3A_196 {strides = array<i32>} : memref<48xf32, #tpu.memory_space<vmem>>, vector<16xf32>,
        %get3A_197 = arith.constant 24 : index
        %get3A_198 = tpu.vector_load %arg16[%get3A_197] {strides = array<i32>} : memref<48xf32, #tpu.memory_space<vmem>>, vector<16xf32>,
        %get3A_199 = vector.shape_cast %get3A_198 : vector<16xf32> to vector<16xf32>
        %get3A_200 = arith.constant 8 : index
        %get3A_201 = tpu.vector_load %arg16[%get3A_200] {strides = array<i32>} : memref<48xf32, #tpu.memory_space<vmem>>, vector<16xf32>,
        %get3A_202 = vector.shape_cast %get3A_201 : vector<16xf32> to vector<16xf32>
        %add3A_203 = arith.addf %get3A_199, %get3A_202 : vector<16xf32>
        %add3A_204 = arith.addf %add3A_192, %add3A_203 : vector<16xf32>
        %exp3A = math.exp %add3A_204 : vector<16xf32>
        %mul3A_205 = arith.mulf %get3A_53, %exp3A : vector<16xf32>
        %swap3A_206 = arith.index_cast %scan3A_47 : i32 to index
        %swap3A_207 = arith.constant 0 : index
        %swap3A_208 = tpu.vector_load %arg12[%swap3A_206, %swap3A_207] {strides = array<i32>} : memref<80x128xf32, #tpu.memory_space<vmem>>, vector<1x16xf32>,
        %swap3A_209 = vector.shape_cast %swap3A_208 : vector<1x16xf32> to vector<16xf32>
        %swap3A_210 = vector.shape_cast %mul3A_205 : vector<16xf32> to vector<1x16xf32>
        tpu.vector_store %arg12[%swap3A_206, %swap3A_207], %swap3A_210 {strides = array<i32>} : memref<80x128xf32, #tpu.memory_space<vmem>>, vector<1x16xf32>,
        %mul3A_211 = arith.mulf %get3A_70, %exp3A : vector<16xf32>
        %swap3A_212 = arith.index_cast %scan3A_47 : i32 to index
        %swap3A_213 = arith.constant 16 : index
        %swap3A_214 = tpu.vector_load %arg12[%swap3A_212, %swap3A_213] {strides = array<i32>} : memref<80x128xf32, #tpu.memory_space<vmem>>, vector<1x16xf32>,
        %swap3A_215 = vector.shape_cast %swap3A_214 : vector<1x16xf32> to vector<16xf32>
        %swap3A_216 = vector.shape_cast %mul3A_211 : vector<16xf32> to vector<1x16xf32>
        tpu.vector_store %arg12[%swap3A_212, %swap3A_213], %swap3A_216 {strides = array<i32>} : memref<80x128xf32, #tpu.memory_space<vmem>>, vector<1x16xf32>,
        %mul3A_217 = arith.mulf %get3A_88, %exp3A : vector<16xf32>
        %swap3A_218 = arith.index_cast %scan3A_47 : i32 to index
        %swap3A_219 = arith.constant 32 : index
        %swap3A_220 = tpu.vector_load %arg12[%swap3A_218, %swap3A_219] {strides = array<i32>} : memref<80x128xf32, #tpu.memory_space<vmem>>, vector<1x16xf32>,
        %swap3A_221 = vector.shape_cast %swap3A_220 : vector<1x16xf32> to vector<16xf32>
        %swap3A_222 = vector.shape_cast %mul3A_217 : vector<16xf32> to vector<1x16xf32>
        tpu.vector_store %arg12[%swap3A_218, %swap3A_219], %swap3A_222 {strides = array<i32>} : memref<80x128xf32, #tpu.memory_space<vmem>>, vector<1x16xf32>,
        %mul3A_223 = arith.mulf %get3A_106, %exp3A : vector<16xf32>
        %swap3A_224 = arith.index_cast %scan3A_47 : i32 to index
        %swap3A_225 = arith.constant 48 : index
        %swap3A_226 = tpu.vector_load %arg12[%swap3A_224, %swap3A_225] {strides = array<i32>} : memref<80x128xf32, #tpu.memory_space<vmem>>, vector<1x16xf32>,
        %swap3A_227 = vector.shape_cast %swap3A_226 : vector<1x16xf32> to vector<16xf32>
        %swap3A_228 = vector.shape_cast %mul3A_223 : vector<16xf32> to vector<1x16xf32>
        tpu.vector_store %arg12[%swap3A_224, %swap3A_225], %swap3A_228 {strides = array<i32>} : memref<80x128xf32, #tpu.memory_space<vmem>>, vector<1x16xf32>,
        %mul3A_229 = arith.mulf %get3A_124, %exp3A : vector<16xf32>
        %swap3A_230 = arith.index_cast %scan3A_47 : i32 to index
        %swap3A_231 = arith.constant 64 : index
        %swap3A_232 = tpu.vector_load %arg12[%swap3A_230, %swap3A_231] {strides = array<i32>} : memref<80x128xf32, #tpu.memory_space<vmem>>, vector<1x16xf32>,
        %swap3A_233 = vector.shape_cast %swap3A_232 : vector<1x16xf32> to vector<16xf32>
        %swap3A_234 = vector.shape_cast %mul3A_229 : vector<16xf32> to vector<1x16xf32>
        tpu.vector_store %arg12[%swap3A_230, %swap3A_231], %swap3A_234 {strides = array<i32>} : memref<80x128xf32, #tpu.memory_space<vmem>>, vector<1x16xf32>,
        %mul3A_235 = arith.mulf %get3A_142, %exp3A : vector<16xf32>
        %swap3A_236 = arith.index_cast %scan3A_47 : i32 to index
        %swap3A_237 = arith.constant 80 : index
        %swap3A_238 = tpu.vector_load %arg12[%swap3A_236, %swap3A_237] {strides = array<i32>} : memref<80x128xf32, #tpu.memory_space<vmem>>, vector<1x16xf32>,
        %swap3A_239 = vector.shape_cast %swap3A_238 : vector<1x16xf32> to vector<16xf32>
        %swap3A_240 = vector.shape_cast %mul3A_235 : vector<16xf32> to vector<1x16xf32>
        tpu.vector_store %arg12[%swap3A_236, %swap3A_237], %swap3A_240 {strides = array<i32>} : memref<80x128xf32, #tpu.memory_space<vmem>>, vector<1x16xf32>,
        %mul3A_241 = arith.mulf %get3A_160, %exp3A : vector<16xf32>
        %swap3A_242 = arith.index_cast %scan3A_47 : i32 to index
        %swap3A_243 = arith.constant 96 : index
        %swap3A_244 = tpu.vector_load %arg12[%swap3A_242, %swap3A_243] {strides = array<i32>} : memref<80x128xf32, #tpu.memory_space<vmem>>, vector<1x16xf32>,
        %swap3A_245 = vector.shape_cast %swap3A_244 : vector<1x16xf32> to vector<16xf32>
        %swap3A_246 = vector.shape_cast %mul3A_241 : vector<16xf32> to vector<1x16xf32>
        tpu.vector_store %arg12[%swap3A_242, %swap3A_243], %swap3A_246 {strides = array<i32>} : memref<80x128xf32, #tpu.memory_space<vmem>>, vector<1x16xf32>,
        %mul3A_247 = arith.mulf %get3A_178, %exp3A : vector<16xf32>
        %swap3A_248 = arith.index_cast %scan3A_47 : i32 to index
        %swap3A_249 = arith.constant 112 : index
        %swap3A_250 = tpu.vector_load %arg12[%swap3A_248, %swap3A_249] {strides = array<i32>} : memref<80x128xf32, #tpu.memory_space<vmem>>, vector<1x16xf32>,
        %swap3A_251 = vector.shape_cast %swap3A_250 : vector<1x16xf32> to vector<16xf32>
        %swap3A_252 = vector.shape_cast %mul3A_247 : vector<16xf32> to vector<1x16xf32>
        tpu.vector_store %arg12[%swap3A_248, %swap3A_249], %swap3A_252 {strides = array<i32>} : memref<80x128xf32, #tpu.memory_space<vmem>>, vector<1x16xf32>,
        %mul3A_253 = arith.constant 16 : i32
        %mul3A_254 = arith.muli %scan3A_47, %mul3A_253 : i32
        %swap3A_255 = arith.index_cast %mul3A_254 : i32 to index
        %swap3A_256 = tpu.vector_load %arg14[%swap3A_255] {strides = array<i32>} : memref<1280xf32, #tpu.memory_space<vmem>>, vector<16xf32>,
        %swap3A_257 = vector.shape_cast %swap3A_256 : vector<16xf32> to vector<16xf32>
        %swap3A_258 = vector.shape_cast %exp3A : vector<16xf32> to vector<16xf32>
        tpu.vector_store %arg14[%swap3A_255], %swap3A_258 {strides = array<i32>} : memref<1280xf32, #tpu.memory_space<vmem>>, vector<16xf32>,
        %scan3A_259 = arith.constant 0 : i32
        scf.yield %scan3A_259 : i32
      }
      %scan3A_43 = arith.constant 80 : i32
      "tpu.region"() ({
        %run_scoped3A = tpu.sem_alloc : memref<!tpu.dma_semaphore, #tpu.memory_space<semaphore_mem>>
        %dma_start3A = arith.constant 0 : i32
        %dma_start3A_47 = arith.constant 0 : i32
        %dma_start3A_48 = tpu.memref_slice %arg17[%dma_start3A, %dma_start3A_47] : memref<10240x128xf32, #tpu.memory_space<vmem_shared>> -> memref<10240x128xf32, #tpu.memory_space<vmem_shared>>
        tpu.enqueue_indirect_dma source(%arg12 : memref<80x128xf32, #tpu.memory_space<vmem>>) target(%dma_start3A_48 : memref<10240x128xf32, #tpu.memory_space<vmem_shared>>) offsets(%arg11 : memref<80xi32, #tpu.memory_space<vmem>>) semaphore(%run_scoped3A : memref<!tpu.dma_semaphore, #tpu.memory_space<semaphore_mem>>) {add = true}
        %dma_wait3A = arith.constant 0 : i32
        %dma_wait3A_49 = arith.constant 0 : i32
        %dma_wait3A_50 = tpu.memref_slice %arg17[%dma_wait3A, %dma_wait3A_49] : memref<10240x128xf32, #tpu.memory_space<vmem_shared>> -> memref<10240x128xf32, #tpu.memory_space<vmem_shared>>
        tpu.wait_indirect_dma semaphore(%run_scoped3A : memref<!tpu.dma_semaphore, #tpu.memory_space<semaphore_mem>>) src(%arg12 : memref<80x128xf32, #tpu.memory_space<vmem>>) dst(%dma_wait3A_50 : memref<10240x128xf32, #tpu.memory_space<vmem_shared>>)
        tpu.yield
      }) : () -> ()
      %mul3A_44 = arith.constant 16 : i32
      %mul3A_45 = arith.muli %multiple_of3A_36, %mul3A_44 : i32
      "tpu.region"() ({
        %run_scoped3A = tpu.sem_alloc : memref<!tpu.dma_semaphore, #tpu.memory_space<semaphore_mem>>
        %dma_start3A = tpu.memref_slice %arg9[%mul3A_45] : memref<5120000xf32, #tpu.memory_space<hbm>> -> memref<1280xf32, #tpu.memory_space<hbm>>
        %dma_start3A_47 = tpu.memref_slice %arg9[%mul3A_45] : memref<5120000xf32, #tpu.memory_space<hbm>> -> memref<1280xf32, #tpu.memory_space<hbm>>
        tpu.enqueue_dma source(%arg14 : memref<1280xf32, #tpu.memory_space<vmem>>) target(%dma_start3A_47 : memref<1280xf32, #tpu.memory_space<hbm>>) target_semaphore(%run_scoped3A : memref<!tpu.dma_semaphore, #tpu.memory_space<semaphore_mem>>)
        %dma_wait3A = tpu.memref_slice %arg9[%mul3A_45] : memref<5120000xf32, #tpu.memory_space<hbm>> -> memref<1280xf32, #tpu.memory_space<hbm>>
        %dma_wait3A_48 = tpu.memref_slice %arg9[%mul3A_45] : memref<5120000xf32, #tpu.memory_space<hbm>> -> memref<1280xf32, #tpu.memory_space<hbm>>
        tpu.wait_dma2 semaphore(%run_scoped3A : memref<!tpu.dma_semaphore, #tpu.memory_space<semaphore_mem>>) src(%arg14 : memref<1280xf32, #tpu.memory_space<vmem>>) dst(%dma_wait3A_48 : memref<1280xf32, #tpu.memory_space<hbm>>)
        tpu.yield
      }) : () -> ()
      %scan3A_46 = arith.constant 0 : i32
      scf.yield %scan3A_46 : i32
    }
    %scan3A_26 = arith.constant 125 : i32
    %barrier3A_27 = arith.constant 0 : index
    tpu.barrier barrier_id(%barrier3A_27)
    %mul3A_28 = arith.constant 640 : i32
    %mul3A_29 = arith.muli %arg1, %mul3A_28 : i32
    %multiple_of3A_30 = tpu.assume_multiple %mul3A_29, 8 : i32
    "tpu.region"() ({
      %run_scoped3A = tpu.sem_alloc : memref<!tpu.dma_semaphore, #tpu.memory_space<semaphore_mem>>
      %dma_start3A = arith.constant 0 : i32
      %dma_start3A_31 = tpu.memref_slice %arg8[%arg0, %multiple_of3A_30, %dma_start3A] : memref<2x10240x128xf32, #tpu.memory_space<hbm>> -> memref<1x640x128xf32, #tpu.memory_space<hbm>>
      %dma_start3A_32 = tpu.memref_squeeze %dma_start3A_31 : memref<1x640x128xf32, #tpu.memory_space<hbm>> -> memref<640x128xf32, #tpu.memory_space<hbm>>
      %dma_start3A_33 = arith.constant 0 : i32
      %dma_start3A_34 = tpu.memref_slice %arg17[%multiple_of3A_30, %dma_start3A_33] : memref<10240x128xf32, #tpu.memory_space<vmem_shared>> -> memref<640x128xf32, #tpu.memory_space<vmem_shared>>
      tpu.enqueue_dma source(%dma_start3A_34 : memref<640x128xf32, #tpu.memory_space<vmem_shared>>) target(%dma_start3A_32 : memref<640x128xf32, #tpu.memory_space<hbm>>) target_semaphore(%run_scoped3A : memref<!tpu.dma_semaphore, #tpu.memory_space<semaphore_mem>>)
      %dma_wait3A = arith.constant 0 : i32
      %dma_wait3A_35 = tpu.memref_slice %arg8[%arg0, %multiple_of3A_30, %dma_wait3A] : memref<2x10240x128xf32, #tpu.memory_space<hbm>> -> memref<1x640x128xf32, #tpu.memory_space<hbm>>
      %dma_wait3A_36 = tpu.memref_squeeze %dma_wait3A_35 : memref<1x640x128xf32, #tpu.memory_space<hbm>> -> memref<640x128xf32, #tpu.memory_space<hbm>>
      %dma_wait3A_37 = arith.constant 0 : i32
      %dma_wait3A_38 = tpu.memref_slice %arg17[%multiple_of3A_30, %dma_wait3A_37] : memref<10240x128xf32, #tpu.memory_space<vmem_shared>> -> memref<640x128xf32, #tpu.memory_space<vmem_shared>>
      tpu.wait_dma2 semaphore(%run_scoped3A : memref<!tpu.dma_semaphore, #tpu.memory_space<semaphore_mem>>) src(%dma_wait3A_38 : memref<640x128xf32, #tpu.memory_space<vmem_shared>>) dst(%dma_wait3A_36 : memref<640x128xf32, #tpu.memory_space<hbm>>)
      tpu.yield
    }) : () -> ()
    return
  }
}

#map = affine_map<(d0, d1) -> (0, 0)>
#map1 = affine_map<(d0, d1) -> (0)>
#map2 = affine_map<(d0, d1) -> (0, 0, 0)>
module attributes {stable_mosaic.version = 14 : i64} {
  func.func @_gat_body(%arg0: i32, %arg1: i32, %arg2: memref<10000x128xf32, #tpu.memory_space<hbm>>, %arg3: memref<10000x128xf32, #tpu.memory_space<hbm>>, %arg4: memref<128xf32, #tpu.memory_space<hbm>>, %arg5: memref<320000xi32, #tpu.memory_space<hbm>>, %arg6: memref<320000xi32, #tpu.memory_space<hbm>>, %arg7: memref<10240x128xf32, #tpu.memory_space<hbm>>, %arg8: memref<2x10240x128xf32, #tpu.memory_space<hbm>>, %arg9: memref<5120000xf32, #tpu.memory_space<hbm>>, %arg10: memref<80xi32, #tpu.memory_space<vmem>>, %arg11: memref<80xi32, #tpu.memory_space<vmem>>, %arg12: memref<80x128xf32, #tpu.memory_space<vmem>>, %arg13: memref<80x128xf32, #tpu.memory_space<vmem>>, %arg14: memref<1280xf32, #tpu.memory_space<vmem>>, %arg15: memref<128xf32, #tpu.memory_space<vmem>>, %arg16: memref<48xf32, #tpu.memory_space<vmem>>, %arg17: memref<10240x128xf32, #tpu.memory_space<vmem_shared>>) attributes {dimension_semantics = [#tpu.dimension_semantics<core_parallel>, #tpu.dimension_semantics<subcore_parallel>], iteration_bounds = array<i64: 2, 16>, scalar_prefetch = 0 : i64, scratch_operands = 8 : i64, tpu.core_type = #tpu.core_type<sc_vector_subcore>, window_params = [{transform_indices = #map}, {transform_indices = #map}, {transform_indices = #map1}, {transform_indices = #map1}, {transform_indices = #map1}, {transform_indices = #map}, {transform_indices = #map2}, {transform_indices = #map1}]} {
    "tpu.region"() ({
      %run_scoped3A = tpu.sem_alloc : memref<!tpu.dma_semaphore, #tpu.memory_space<semaphore_mem>>
      tpu.enqueue_dma source(%arg4 : memref<128xf32, #tpu.memory_space<hbm>>) target(%arg15 : memref<128xf32, #tpu.memory_space<vmem>>) target_semaphore(%run_scoped3A : memref<!tpu.dma_semaphore, #tpu.memory_space<semaphore_mem>>)
      tpu.wait_dma2 semaphore(%run_scoped3A : memref<!tpu.dma_semaphore, #tpu.memory_space<semaphore_mem>>) src(%arg4 : memref<128xf32, #tpu.memory_space<hbm>>) dst(%arg15 : memref<128xf32, #tpu.memory_space<vmem>>)
      tpu.yield
    }) : () -> ()
    %mul3A = arith.constant 640 : i32
    %mul3A_0 = arith.muli %arg1, %mul3A : i32
    %multiple_of3A = tpu.assume_multiple %mul3A_0, 8 : i32
    "tpu.region"() ({
      %run_scoped3A = tpu.sem_alloc : memref<!tpu.dma_semaphore, #tpu.memory_space<semaphore_mem>>
      %dma_start3A = arith.constant 0 : i32
      %dma_start3A_31 = tpu.memref_slice %arg17[%multiple_of3A, %dma_start3A] : memref<10240x128xf32, #tpu.memory_space<vmem_shared>> -> memref<640x128xf32, #tpu.memory_space<vmem_shared>>
      %dma_start3A_32 = arith.constant 0 : i32
      %dma_start3A_33 = tpu.memref_slice %arg7[%multiple_of3A, %dma_start3A_32] : memref<10240x128xf32, #tpu.memory_space<hbm>> -> memref<640x128xf32, #tpu.memory_space<hbm>>
      tpu.enqueue_dma source(%dma_start3A_33 : memref<640x128xf32, #tpu.memory_space<hbm>>) target(%dma_start3A_31 : memref<640x128xf32, #tpu.memory_space<vmem_shared>>) target_semaphore(%run_scoped3A : memref<!tpu.dma_semaphore, #tpu.memory_space<semaphore_mem>>)
      %dma_wait3A = arith.constant 0 : i32
      %dma_wait3A_34 = tpu.memref_slice %arg17[%multiple_of3A, %dma_wait3A] : memref<10240x128xf32, #tpu.memory_space<vmem_shared>> -> memref<640x128xf32, #tpu.memory_space<vmem_shared>>
      %dma_wait3A_35 = arith.constant 0 : i32
      %dma_wait3A_36 = tpu.memref_slice %arg7[%multiple_of3A, %dma_wait3A_35] : memref<10240x128xf32, #tpu.memory_space<hbm>> -> memref<640x128xf32, #tpu.memory_space<hbm>>
      tpu.wait_dma2 semaphore(%run_scoped3A : memref<!tpu.dma_semaphore, #tpu.memory_space<semaphore_mem>>) src(%dma_wait3A_36 : memref<640x128xf32, #tpu.memory_space<hbm>>) dst(%dma_wait3A_34 : memref<640x128xf32, #tpu.memory_space<vmem_shared>>)
      tpu.yield
    }) : () -> ()
    %broadcast_in_dim3A = arith.constant 0.000000e+00 : f32
    %broadcast_in_dim3A_1 = vector.broadcast %broadcast_in_dim3A : f32 to vector<16xf32>
    %swap3A = arith.constant 0 : index
    %swap3A_2 = tpu.vector_load %arg16[%swap3A] {strides = array<i32>} : memref<48xf32, #tpu.memory_space<vmem>>, vector<16xf32>,
    %swap3A_3 = vector.shape_cast %swap3A_2 : vector<16xf32> to vector<16xf32>
    %swap3A_4 = vector.shape_cast %broadcast_in_dim3A_1 : vector<16xf32> to vector<16xf32>
    tpu.vector_store %arg16[%swap3A], %swap3A_4 {strides = array<i32>} : memref<48xf32, #tpu.memory_space<vmem>>, vector<16xf32>,
    %broadcast_in_dim3A_5 = arith.constant 0.000000e+00 : f32
    %broadcast_in_dim3A_6 = vector.broadcast %broadcast_in_dim3A_5 : f32 to vector<16xf32>
    %swap3A_7 = arith.constant 16 : index
    %swap3A_8 = tpu.vector_load %arg16[%swap3A_7] {strides = array<i32>} : memref<48xf32, #tpu.memory_space<vmem>>, vector<16xf32>,
    %swap3A_9 = vector.shape_cast %swap3A_8 : vector<16xf32> to vector<16xf32>
    %swap3A_10 = vector.shape_cast %broadcast_in_dim3A_6 : vector<16xf32> to vector<16xf32>
    tpu.vector_store %arg16[%swap3A_7], %swap3A_10 {strides = array<i32>} : memref<48xf32, #tpu.memory_space<vmem>>, vector<16xf32>,
    %broadcast_in_dim3A_11 = arith.constant 0.000000e+00 : f32
    %broadcast_in_dim3A_12 = vector.broadcast %broadcast_in_dim3A_11 : f32 to vector<16xf32>
    %swap3A_13 = arith.constant 32 : index
    %swap3A_14 = tpu.vector_load %arg16[%swap3A_13] {strides = array<i32>} : memref<48xf32, #tpu.memory_space<vmem>>, vector<16xf32>,
    %swap3A_15 = vector.shape_cast %swap3A_14 : vector<16xf32> to vector<16xf32>
    %swap3A_16 = vector.shape_cast %broadcast_in_dim3A_12 : vector<16xf32> to vector<16xf32>
    tpu.vector_store %arg16[%swap3A_13], %swap3A_16 {strides = array<i32>} : memref<48xf32, #tpu.memory_space<vmem>>, vector<16xf32>,
    %barrier3A = arith.constant 0 : index
    tpu.barrier barrier_id(%barrier3A)
    %mul3A_17 = arith.constant 2 : i32
    %mul3A_18 = arith.muli %arg1, %mul3A_17 : i32
    %add3A = arith.addi %mul3A_18, %arg0 : i32
    %mul3A_19 = arith.constant 10000 : i32
    %mul3A_20 = arith.muli %add3A, %mul3A_19 : i32
    %scan3A = arith.constant 0 : i32
    %scan3A_21 = arith.constant 0 : i32
    %scan3A_22 = arith.constant 125 : i32
    %scan3A_23 = arith.addi %scan3A_21, %scan3A_22 : i32
    %scan3A_24 = arith.constant 1 : i32
    %scan3A_25 = scf.for %scan3A_31 = %scan3A_21 to %scan3A_23 step %scan3A_24 iter_args(%scan3A_32 = %scan3A) -> (i32)  : i32 {
      %mul3A_33 = arith.constant 80 : i32
      %mul3A_34 = arith.muli %scan3A_31, %mul3A_33 : i32
      %add3A_35 = arith.addi %mul3A_20, %mul3A_34 : i32
      %multiple_of3A_36 = tpu.assume_multiple %add3A_35, 8 : i32
      "tpu.region"() ({
        %run_scoped3A = tpu.sem_alloc : memref<!tpu.dma_semaphore, #tpu.memory_space<semaphore_mem>>
        %dma_start3A = tpu.memref_slice %arg5[%multiple_of3A_36] : memref<320000xi32, #tpu.memory_space<hbm>> -> memref<80xi32, #tpu.memory_space<hbm>>
        %dma_start3A_47 = tpu.memref_slice %arg5[%multiple_of3A_36] : memref<320000xi32, #tpu.memory_space<hbm>> -> memref<80xi32, #tpu.memory_space<hbm>>
        tpu.enqueue_dma source(%dma_start3A_47 : memref<80xi32, #tpu.memory_space<hbm>>) target(%arg10 : memref<80xi32, #tpu.memory_space<vmem>>) target_semaphore(%run_scoped3A : memref<!tpu.dma_semaphore, #tpu.memory_space<semaphore_mem>>)
        %dma_wait3A = tpu.memref_slice %arg5[%multiple_of3A_36] : memref<320000xi32, #tpu.memory_space<hbm>> -> memref<80xi32, #tpu.memory_space<hbm>>
        %dma_wait3A_48 = tpu.memref_slice %arg5[%multiple_of3A_36] : memref<320000xi32, #tpu.memory_space<hbm>> -> memref<80xi32, #tpu.memory_space<hbm>>
        tpu.wait_dma2 semaphore(%run_scoped3A : memref<!tpu.dma_semaphore, #tpu.memory_space<semaphore_mem>>) src(%dma_wait3A_48 : memref<80xi32, #tpu.memory_space<hbm>>) dst(%arg10 : memref<80xi32, #tpu.memory_space<vmem>>)
        tpu.yield
      }) : () -> ()
      "tpu.region"() ({
        %run_scoped3A = tpu.sem_alloc : memref<!tpu.dma_semaphore, #tpu.memory_space<semaphore_mem>>
        %dma_start3A = tpu.memref_slice %arg6[%multiple_of3A_36] : memref<320000xi32, #tpu.memory_space<hbm>> -> memref<80xi32, #tpu.memory_space<hbm>>
        %dma_start3A_47 = tpu.memref_slice %arg6[%multiple_of3A_36] : memref<320000xi32, #tpu.memory_space<hbm>> -> memref<80xi32, #tpu.memory_space<hbm>>
        tpu.enqueue_dma source(%dma_start3A_47 : memref<80xi32, #tpu.memory_space<hbm>>) target(%arg11 : memref<80xi32, #tpu.memory_space<vmem>>) target_semaphore(%run_scoped3A : memref<!tpu.dma_semaphore, #tpu.memory_space<semaphore_mem>>)
        %dma_wait3A = tpu.memref_slice %arg6[%multiple_of3A_36] : memref<320000xi32, #tpu.memory_space<hbm>> -> memref<80xi32, #tpu.memory_space<hbm>>
        %dma_wait3A_48 = tpu.memref_slice %arg6[%multiple_of3A_36] : memref<320000xi32, #tpu.memory_space<hbm>> -> memref<80xi32, #tpu.memory_space<hbm>>
        tpu.wait_dma2 semaphore(%run_scoped3A : memref<!tpu.dma_semaphore, #tpu.memory_space<semaphore_mem>>) src(%dma_wait3A_48 : memref<80xi32, #tpu.memory_space<hbm>>) dst(%arg11 : memref<80xi32, #tpu.memory_space<vmem>>)
        tpu.yield
      }) : () -> ()
      "tpu.region"() ({
        %run_scoped3A = tpu.sem_alloc : memref<!tpu.dma_semaphore, #tpu.memory_space<semaphore_mem>>
        %dma_start3A = arith.constant 0 : i32
        %dma_start3A_47 = arith.constant 0 : i32
        %dma_start3A_48 = tpu.memref_slice %arg2[%dma_start3A, %dma_start3A_47] : memref<10000x128xf32, #tpu.memory_space<hbm>> -> memref<10000x128xf32, #tpu.memory_space<hbm>>
        tpu.enqueue_indirect_dma source(%dma_start3A_48 : memref<10000x128xf32, #tpu.memory_space<hbm>>) target(%arg12 : memref<80x128xf32, #tpu.memory_space<vmem>>) offsets(%arg10 : memref<80xi32, #tpu.memory_space<vmem>>) semaphore(%run_scoped3A : memref<!tpu.dma_semaphore, #tpu.memory_space<semaphore_mem>>)
        %dma_wait3A = arith.constant 0 : i32
        %dma_wait3A_49 = arith.constant 0 : i32
        %dma_wait3A_50 = tpu.memref_slice %arg2[%dma_wait3A, %dma_wait3A_49] : memref<10000x128xf32, #tpu.memory_space<hbm>> -> memref<10000x128xf32, #tpu.memory_space<hbm>>
        tpu.wait_indirect_dma semaphore(%run_scoped3A : memref<!tpu.dma_semaphore, #tpu.memory_space<semaphore_mem>>) src(%dma_wait3A_50 : memref<10000x128xf32, #tpu.memory_space<hbm>>) dst(%arg12 : memref<80x128xf32, #tpu.memory_space<vmem>>)
        tpu.yield
      }) : () -> ()
      "tpu.region"() ({
        %run_scoped3A = tpu.sem_alloc : memref<!tpu.dma_semaphore, #tpu.memory_space<semaphore_mem>>
        %dma_start3A = arith.constant 0 : i32
        %dma_start3A_47 = arith.constant 0 : i32
        %dma_start3A_48 = tpu.memref_slice %arg3[%dma_start3A, %dma_start3A_47] : memref<10000x128xf32, #tpu.memory_space<hbm>> -> memref<10000x128xf32, #tpu.memory_space<hbm>>
        tpu.enqueue_indirect_dma source(%dma_start3A_48 : memref<10000x128xf32, #tpu.memory_space<hbm>>) target(%arg13 : memref<80x128xf32, #tpu.memory_space<vmem>>) offsets(%arg11 : memref<80xi32, #tpu.memory_space<vmem>>) semaphore(%run_scoped3A : memref<!tpu.dma_semaphore, #tpu.memory_space<semaphore_mem>>)
        %dma_wait3A = arith.constant 0 : i32
        %dma_wait3A_49 = arith.constant 0 : i32
        %dma_wait3A_50 = tpu.memref_slice %arg3[%dma_wait3A, %dma_wait3A_49] : memref<10000x128xf32, #tpu.memory_space<hbm>> -> memref<10000x128xf32, #tpu.memory_space<hbm>>
        tpu.wait_indirect_dma semaphore(%run_scoped3A : memref<!tpu.dma_semaphore, #tpu.memory_space<semaphore_mem>>) src(%dma_wait3A_50 : memref<10000x128xf32, #tpu.memory_space<hbm>>) dst(%arg13 : memref<80x128xf32, #tpu.memory_space<vmem>>)
        tpu.yield
      }) : () -> ()
      %scan3A_37 = arith.constant 0 : i32
      %scan3A_38 = arith.constant 0 : i32
      %scan3A_39 = arith.constant 80 : i32
      %scan3A_40 = arith.addi %scan3A_38, %scan3A_39 : i32
      %scan3A_41 = arith.constant 1 : i32
      %scan3A_42 = scf.for %scan3A_47 = %scan3A_38 to %scan3A_40 step %scan3A_41 iter_args(%scan3A_48 = %scan3A_37) -> (i32)  : i32 {
        %broadcast_in_dim3A_49 = arith.constant 0.000000e+00 : f32
        %broadcast_in_dim3A_50 = vector.broadcast %broadcast_in_dim3A_49 : f32 to vector<16xf32>
        %get3A = arith.index_cast %scan3A_47 : i32 to index
        %get3A_51 = arith.constant 0 : index
        %get3A_52 = tpu.vector_load %arg12[%get3A, %get3A_51] {strides = array<i32>} : memref<80x128xf32, #tpu.memory_space<vmem>>, vector<1x16xf32>,
        %get3A_53 = vector.shape_cast %get3A_52 : vector<1x16xf32> to vector<16xf32>
        %get3A_54 = arith.index_cast %scan3A_47 : i32 to index
        %get3A_55 = arith.constant 0 : index
        %get3A_56 = tpu.vector_load %arg13[%get3A_54, %get3A_55] {strides = array<i32>} : memref<80x128xf32, #tpu.memory_space<vmem>>, vector<1x16xf32>,
        %get3A_57 = vector.shape_cast %get3A_56 : vector<1x16xf32> to vector<16xf32>
        %add3A_58 = arith.addf %get3A_53, %get3A_57 : vector<16xf32>
        %mul3A_59 = arith.constant 2.000000e-01 : f32
        %mul3A_60 = vector.broadcast %mul3A_59 : f32 to vector<16xf32>
        %mul3A_61 = arith.mulf %mul3A_60, %add3A_58 : vector<16xf32>
        %max3A = arith.maximumf %add3A_58, %mul3A_61 : vector<16xf32>
        %get3A_62 = arith.constant 0 : index
        %get3A_63 = tpu.vector_load %arg15[%get3A_62] {strides = array<i32>} : memref<128xf32, #tpu.memory_space<vmem>>, vector<16xf32>,
        %get3A_64 = vector.shape_cast %get3A_63 : vector<16xf32> to vector<16xf32>
        %mul3A_65 = arith.mulf %max3A, %get3A_64 : vector<16xf32>
        %add3A_66 = arith.addf %broadcast_in_dim3A_50, %mul3A_65 : vector<16xf32>
        %get3A_67 = arith.index_cast %scan3A_47 : i32 to index
        %get3A_68 = arith.constant 16 : index
        %get3A_69 = tpu.vector_load %arg12[%get3A_67, %get3A_68] {strides = array<i32>} : memref<80x128xf32, #tpu.memory_space<vmem>>, vector<1x16xf32>,
        %get3A_70 = vector.shape_cast %get3A_69 : vector<1x16xf32> to vector<16xf32>
        %get3A_71 = arith.index_cast %scan3A_47 : i32 to index
        %get3A_72 = arith.constant 16 : index
        %get3A_73 = tpu.vector_load %arg13[%get3A_71, %get3A_72] {strides = array<i32>} : memref<80x128xf32, #tpu.memory_space<vmem>>, vector<1x16xf32>,
        %get3A_74 = vector.shape_cast %get3A_73 : vector<1x16xf32> to vector<16xf32>
        %add3A_75 = arith.addf %get3A_70, %get3A_74 : vector<16xf32>
        %mul3A_76 = arith.constant 2.000000e-01 : f32
        %mul3A_77 = vector.broadcast %mul3A_76 : f32 to vector<16xf32>
        %mul3A_78 = arith.mulf %mul3A_77, %add3A_75 : vector<16xf32>
        %max3A_79 = arith.maximumf %add3A_75, %mul3A_78 : vector<16xf32>
        %get3A_80 = arith.constant 16 : index
        %get3A_81 = tpu.vector_load %arg15[%get3A_80] {strides = array<i32>} : memref<128xf32, #tpu.memory_space<vmem>>, vector<16xf32>,
        %get3A_82 = vector.shape_cast %get3A_81 : vector<16xf32> to vector<16xf32>
        %mul3A_83 = arith.mulf %max3A_79, %get3A_82 : vector<16xf32>
        %add3A_84 = arith.addf %add3A_66, %mul3A_83 : vector<16xf32>
        %get3A_85 = arith.index_cast %scan3A_47 : i32 to index
        %get3A_86 = arith.constant 32 : index
        %get3A_87 = tpu.vector_load %arg12[%get3A_85, %get3A_86] {strides = array<i32>} : memref<80x128xf32, #tpu.memory_space<vmem>>, vector<1x16xf32>,
        %get3A_88 = vector.shape_cast %get3A_87 : vector<1x16xf32> to vector<16xf32>
        %get3A_89 = arith.index_cast %scan3A_47 : i32 to index
        %get3A_90 = arith.constant 32 : index
        %get3A_91 = tpu.vector_load %arg13[%get3A_89, %get3A_90] {strides = array<i32>} : memref<80x128xf32, #tpu.memory_space<vmem>>, vector<1x16xf32>,
        %get3A_92 = vector.shape_cast %get3A_91 : vector<1x16xf32> to vector<16xf32>
        %add3A_93 = arith.addf %get3A_88, %get3A_92 : vector<16xf32>
        %mul3A_94 = arith.constant 2.000000e-01 : f32
        %mul3A_95 = vector.broadcast %mul3A_94 : f32 to vector<16xf32>
        %mul3A_96 = arith.mulf %mul3A_95, %add3A_93 : vector<16xf32>
        %max3A_97 = arith.maximumf %add3A_93, %mul3A_96 : vector<16xf32>
        %get3A_98 = arith.constant 32 : index
        %get3A_99 = tpu.vector_load %arg15[%get3A_98] {strides = array<i32>} : memref<128xf32, #tpu.memory_space<vmem>>, vector<16xf32>,
        %get3A_100 = vector.shape_cast %get3A_99 : vector<16xf32> to vector<16xf32>
        %mul3A_101 = arith.mulf %max3A_97, %get3A_100 : vector<16xf32>
        %add3A_102 = arith.addf %add3A_84, %mul3A_101 : vector<16xf32>
        %get3A_103 = arith.index_cast %scan3A_47 : i32 to index
        %get3A_104 = arith.constant 48 : index
        %get3A_105 = tpu.vector_load %arg12[%get3A_103, %get3A_104] {strides = array<i32>} : memref<80x128xf32, #tpu.memory_space<vmem>>, vector<1x16xf32>,
        %get3A_106 = vector.shape_cast %get3A_105 : vector<1x16xf32> to vector<16xf32>
        %get3A_107 = arith.index_cast %scan3A_47 : i32 to index
        %get3A_108 = arith.constant 48 : index
        %get3A_109 = tpu.vector_load %arg13[%get3A_107, %get3A_108] {strides = array<i32>} : memref<80x128xf32, #tpu.memory_space<vmem>>, vector<1x16xf32>,
        %get3A_110 = vector.shape_cast %get3A_109 : vector<1x16xf32> to vector<16xf32>
        %add3A_111 = arith.addf %get3A_106, %get3A_110 : vector<16xf32>
        %mul3A_112 = arith.constant 2.000000e-01 : f32
        %mul3A_113 = vector.broadcast %mul3A_112 : f32 to vector<16xf32>
        %mul3A_114 = arith.mulf %mul3A_113, %add3A_111 : vector<16xf32>
        %max3A_115 = arith.maximumf %add3A_111, %mul3A_114 : vector<16xf32>
        %get3A_116 = arith.constant 48 : index
        %get3A_117 = tpu.vector_load %arg15[%get3A_116] {strides = array<i32>} : memref<128xf32, #tpu.memory_space<vmem>>, vector<16xf32>,
        %get3A_118 = vector.shape_cast %get3A_117 : vector<16xf32> to vector<16xf32>
        %mul3A_119 = arith.mulf %max3A_115, %get3A_118 : vector<16xf32>
        %add3A_120 = arith.addf %add3A_102, %mul3A_119 : vector<16xf32>
        %get3A_121 = arith.index_cast %scan3A_47 : i32 to index
        %get3A_122 = arith.constant 64 : index
        %get3A_123 = tpu.vector_load %arg12[%get3A_121, %get3A_122] {strides = array<i32>} : memref<80x128xf32, #tpu.memory_space<vmem>>, vector<1x16xf32>,
        %get3A_124 = vector.shape_cast %get3A_123 : vector<1x16xf32> to vector<16xf32>
        %get3A_125 = arith.index_cast %scan3A_47 : i32 to index
        %get3A_126 = arith.constant 64 : index
        %get3A_127 = tpu.vector_load %arg13[%get3A_125, %get3A_126] {strides = array<i32>} : memref<80x128xf32, #tpu.memory_space<vmem>>, vector<1x16xf32>,
        %get3A_128 = vector.shape_cast %get3A_127 : vector<1x16xf32> to vector<16xf32>
        %add3A_129 = arith.addf %get3A_124, %get3A_128 : vector<16xf32>
        %mul3A_130 = arith.constant 2.000000e-01 : f32
        %mul3A_131 = vector.broadcast %mul3A_130 : f32 to vector<16xf32>
        %mul3A_132 = arith.mulf %mul3A_131, %add3A_129 : vector<16xf32>
        %max3A_133 = arith.maximumf %add3A_129, %mul3A_132 : vector<16xf32>
        %get3A_134 = arith.constant 64 : index
        %get3A_135 = tpu.vector_load %arg15[%get3A_134] {strides = array<i32>} : memref<128xf32, #tpu.memory_space<vmem>>, vector<16xf32>,
        %get3A_136 = vector.shape_cast %get3A_135 : vector<16xf32> to vector<16xf32>
        %mul3A_137 = arith.mulf %max3A_133, %get3A_136 : vector<16xf32>
        %add3A_138 = arith.addf %add3A_120, %mul3A_137 : vector<16xf32>
        %get3A_139 = arith.index_cast %scan3A_47 : i32 to index
        %get3A_140 = arith.constant 80 : index
        %get3A_141 = tpu.vector_load %arg12[%get3A_139, %get3A_140] {strides = array<i32>} : memref<80x128xf32, #tpu.memory_space<vmem>>, vector<1x16xf32>,
        %get3A_142 = vector.shape_cast %get3A_141 : vector<1x16xf32> to vector<16xf32>
        %get3A_143 = arith.index_cast %scan3A_47 : i32 to index
        %get3A_144 = arith.constant 80 : index
        %get3A_145 = tpu.vector_load %arg13[%get3A_143, %get3A_144] {strides = array<i32>} : memref<80x128xf32, #tpu.memory_space<vmem>>, vector<1x16xf32>,
        %get3A_146 = vector.shape_cast %get3A_145 : vector<1x16xf32> to vector<16xf32>
        %add3A_147 = arith.addf %get3A_142, %get3A_146 : vector<16xf32>
        %mul3A_148 = arith.constant 2.000000e-01 : f32
        %mul3A_149 = vector.broadcast %mul3A_148 : f32 to vector<16xf32>
        %mul3A_150 = arith.mulf %mul3A_149, %add3A_147 : vector<16xf32>
        %max3A_151 = arith.maximumf %add3A_147, %mul3A_150 : vector<16xf32>
        %get3A_152 = arith.constant 80 : index
        %get3A_153 = tpu.vector_load %arg15[%get3A_152] {strides = array<i32>} : memref<128xf32, #tpu.memory_space<vmem>>, vector<16xf32>,
        %get3A_154 = vector.shape_cast %get3A_153 : vector<16xf32> to vector<16xf32>
        %mul3A_155 = arith.mulf %max3A_151, %get3A_154 : vector<16xf32>
        %add3A_156 = arith.addf %add3A_138, %mul3A_155 : vector<16xf32>
        %get3A_157 = arith.index_cast %scan3A_47 : i32 to index
        %get3A_158 = arith.constant 96 : index
        %get3A_159 = tpu.vector_load %arg12[%get3A_157, %get3A_158] {strides = array<i32>} : memref<80x128xf32, #tpu.memory_space<vmem>>, vector<1x16xf32>,
        %get3A_160 = vector.shape_cast %get3A_159 : vector<1x16xf32> to vector<16xf32>
        %get3A_161 = arith.index_cast %scan3A_47 : i32 to index
        %get3A_162 = arith.constant 96 : index
        %get3A_163 = tpu.vector_load %arg13[%get3A_161, %get3A_162] {strides = array<i32>} : memref<80x128xf32, #tpu.memory_space<vmem>>, vector<1x16xf32>,
        %get3A_164 = vector.shape_cast %get3A_163 : vector<1x16xf32> to vector<16xf32>
        %add3A_165 = arith.addf %get3A_160, %get3A_164 : vector<16xf32>
        %mul3A_166 = arith.constant 2.000000e-01 : f32
        %mul3A_167 = vector.broadcast %mul3A_166 : f32 to vector<16xf32>
        %mul3A_168 = arith.mulf %mul3A_167, %add3A_165 : vector<16xf32>
        %max3A_169 = arith.maximumf %add3A_165, %mul3A_168 : vector<16xf32>
        %get3A_170 = arith.constant 96 : index
        %get3A_171 = tpu.vector_load %arg15[%get3A_170] {strides = array<i32>} : memref<128xf32, #tpu.memory_space<vmem>>, vector<16xf32>,
        %get3A_172 = vector.shape_cast %get3A_171 : vector<16xf32> to vector<16xf32>
        %mul3A_173 = arith.mulf %max3A_169, %get3A_172 : vector<16xf32>
        %add3A_174 = arith.addf %add3A_156, %mul3A_173 : vector<16xf32>
        %get3A_175 = arith.index_cast %scan3A_47 : i32 to index
        %get3A_176 = arith.constant 112 : index
        %get3A_177 = tpu.vector_load %arg12[%get3A_175, %get3A_176] {strides = array<i32>} : memref<80x128xf32, #tpu.memory_space<vmem>>, vector<1x16xf32>,
        %get3A_178 = vector.shape_cast %get3A_177 : vector<1x16xf32> to vector<16xf32>
        %get3A_179 = arith.index_cast %scan3A_47 : i32 to index
        %get3A_180 = arith.constant 112 : index
        %get3A_181 = tpu.vector_load %arg13[%get3A_179, %get3A_180] {strides = array<i32>} : memref<80x128xf32, #tpu.memory_space<vmem>>, vector<1x16xf32>,
        %get3A_182 = vector.shape_cast %get3A_181 : vector<1x16xf32> to vector<16xf32>
        %add3A_183 = arith.addf %get3A_178, %get3A_182 : vector<16xf32>
        %mul3A_184 = arith.constant 2.000000e-01 : f32
        %mul3A_185 = vector.broadcast %mul3A_184 : f32 to vector<16xf32>
        %mul3A_186 = arith.mulf %mul3A_185, %add3A_183 : vector<16xf32>
        %max3A_187 = arith.maximumf %add3A_183, %mul3A_186 : vector<16xf32>
        %get3A_188 = arith.constant 112 : index
        %get3A_189 = tpu.vector_load %arg15[%get3A_188] {strides = array<i32>} : memref<128xf32, #tpu.memory_space<vmem>>, vector<16xf32>,
        %get3A_190 = vector.shape_cast %get3A_189 : vector<16xf32> to vector<16xf32>
        %mul3A_191 = arith.mulf %max3A_187, %get3A_190 : vector<16xf32>
        %add3A_192 = arith.addf %add3A_174, %mul3A_191 : vector<16xf32>
        %swap3A_193 = arith.constant 16 : index
        %swap3A_194 = tpu.vector_load %arg16[%swap3A_193] {strides = array<i32>} : memref<48xf32, #tpu.memory_space<vmem>>, vector<16xf32>,
        %swap3A_195 = vector.shape_cast %swap3A_194 : vector<16xf32> to vector<16xf32>
        %swap3A_196 = vector.shape_cast %add3A_192 : vector<16xf32> to vector<16xf32>
        tpu.vector_store %arg16[%swap3A_193], %swap3A_196 {strides = array<i32>} : memref<48xf32, #tpu.memory_space<vmem>>, vector<16xf32>,
        %get3A_197 = arith.constant 24 : index
        %get3A_198 = tpu.vector_load %arg16[%get3A_197] {strides = array<i32>} : memref<48xf32, #tpu.memory_space<vmem>>, vector<16xf32>,
        %get3A_199 = vector.shape_cast %get3A_198 : vector<16xf32> to vector<16xf32>
        %get3A_200 = arith.constant 8 : index
        %get3A_201 = tpu.vector_load %arg16[%get3A_200] {strides = array<i32>} : memref<48xf32, #tpu.memory_space<vmem>>, vector<16xf32>,
        %get3A_202 = vector.shape_cast %get3A_201 : vector<16xf32> to vector<16xf32>
        %add3A_203 = arith.addf %get3A_199, %get3A_202 : vector<16xf32>
        %add3A_204 = arith.addf %add3A_192, %add3A_203 : vector<16xf32>
        %slice3A = vector.extract_strided_slice %add3A_204 {offsets = [0], sizes = [1], strides = [1]} : vector<16xf32> to vector<1xf32>
        %squeeze3A = vector.extract %slice3A[0] : f32 from vector<1xf32>
        %slice3A_205 = vector.extract_strided_slice %add3A_204 {offsets = [1], sizes = [1], strides = [1]} : vector<16xf32> to vector<1xf32>
        %squeeze3A_206 = vector.extract %slice3A_205[0] : f32 from vector<1xf32>
        %add3A_207 = arith.addf %squeeze3A, %squeeze3A_206 : f32
        %slice3A_208 = vector.extract_strided_slice %add3A_204 {offsets = [2], sizes = [1], strides = [1]} : vector<16xf32> to vector<1xf32>
        %squeeze3A_209 = vector.extract %slice3A_208[0] : f32 from vector<1xf32>
        %add3A_210 = arith.addf %add3A_207, %squeeze3A_209 : f32
        %slice3A_211 = vector.extract_strided_slice %add3A_204 {offsets = [3], sizes = [1], strides = [1]} : vector<16xf32> to vector<1xf32>
        %squeeze3A_212 = vector.extract %slice3A_211[0] : f32 from vector<1xf32>
        %add3A_213 = arith.addf %add3A_210, %squeeze3A_212 : f32
        %slice3A_214 = vector.extract_strided_slice %add3A_204 {offsets = [4], sizes = [1], strides = [1]} : vector<16xf32> to vector<1xf32>
        %squeeze3A_215 = vector.extract %slice3A_214[0] : f32 from vector<1xf32>
        %add3A_216 = arith.addf %add3A_213, %squeeze3A_215 : f32
        %slice3A_217 = vector.extract_strided_slice %add3A_204 {offsets = [5], sizes = [1], strides = [1]} : vector<16xf32> to vector<1xf32>
        %squeeze3A_218 = vector.extract %slice3A_217[0] : f32 from vector<1xf32>
        %add3A_219 = arith.addf %add3A_216, %squeeze3A_218 : f32
        %slice3A_220 = vector.extract_strided_slice %add3A_204 {offsets = [6], sizes = [1], strides = [1]} : vector<16xf32> to vector<1xf32>
        %squeeze3A_221 = vector.extract %slice3A_220[0] : f32 from vector<1xf32>
        %add3A_222 = arith.addf %add3A_219, %squeeze3A_221 : f32
        %slice3A_223 = vector.extract_strided_slice %add3A_204 {offsets = [7], sizes = [1], strides = [1]} : vector<16xf32> to vector<1xf32>
        %squeeze3A_224 = vector.extract %slice3A_223[0] : f32 from vector<1xf32>
        %add3A_225 = arith.addf %add3A_222, %squeeze3A_224 : f32
        %broadcast_in_dim3A_226 = vector.broadcast %add3A_225 : f32 to vector<16xf32>
        %exp3A = math.exp %broadcast_in_dim3A_226 : vector<16xf32>
        %mul3A_227 = arith.mulf %get3A_53, %exp3A : vector<16xf32>
        %swap3A_228 = arith.index_cast %scan3A_47 : i32 to index
        %swap3A_229 = arith.constant 0 : index
        %swap3A_230 = tpu.vector_load %arg12[%swap3A_228, %swap3A_229] {strides = array<i32>} : memref<80x128xf32, #tpu.memory_space<vmem>>, vector<1x16xf32>,
        %swap3A_231 = vector.shape_cast %swap3A_230 : vector<1x16xf32> to vector<16xf32>
        %swap3A_232 = vector.shape_cast %mul3A_227 : vector<16xf32> to vector<1x16xf32>
        tpu.vector_store %arg12[%swap3A_228, %swap3A_229], %swap3A_232 {strides = array<i32>} : memref<80x128xf32, #tpu.memory_space<vmem>>, vector<1x16xf32>,
        %mul3A_233 = arith.mulf %get3A_70, %exp3A : vector<16xf32>
        %swap3A_234 = arith.index_cast %scan3A_47 : i32 to index
        %swap3A_235 = arith.constant 16 : index
        %swap3A_236 = tpu.vector_load %arg12[%swap3A_234, %swap3A_235] {strides = array<i32>} : memref<80x128xf32, #tpu.memory_space<vmem>>, vector<1x16xf32>,
        %swap3A_237 = vector.shape_cast %swap3A_236 : vector<1x16xf32> to vector<16xf32>
        %swap3A_238 = vector.shape_cast %mul3A_233 : vector<16xf32> to vector<1x16xf32>
        tpu.vector_store %arg12[%swap3A_234, %swap3A_235], %swap3A_238 {strides = array<i32>} : memref<80x128xf32, #tpu.memory_space<vmem>>, vector<1x16xf32>,
        %mul3A_239 = arith.mulf %get3A_88, %exp3A : vector<16xf32>
        %swap3A_240 = arith.index_cast %scan3A_47 : i32 to index
        %swap3A_241 = arith.constant 32 : index
        %swap3A_242 = tpu.vector_load %arg12[%swap3A_240, %swap3A_241] {strides = array<i32>} : memref<80x128xf32, #tpu.memory_space<vmem>>, vector<1x16xf32>,
        %swap3A_243 = vector.shape_cast %swap3A_242 : vector<1x16xf32> to vector<16xf32>
        %swap3A_244 = vector.shape_cast %mul3A_239 : vector<16xf32> to vector<1x16xf32>
        tpu.vector_store %arg12[%swap3A_240, %swap3A_241], %swap3A_244 {strides = array<i32>} : memref<80x128xf32, #tpu.memory_space<vmem>>, vector<1x16xf32>,
        %mul3A_245 = arith.mulf %get3A_106, %exp3A : vector<16xf32>
        %swap3A_246 = arith.index_cast %scan3A_47 : i32 to index
        %swap3A_247 = arith.constant 48 : index
        %swap3A_248 = tpu.vector_load %arg12[%swap3A_246, %swap3A_247] {strides = array<i32>} : memref<80x128xf32, #tpu.memory_space<vmem>>, vector<1x16xf32>,
        %swap3A_249 = vector.shape_cast %swap3A_248 : vector<1x16xf32> to vector<16xf32>
        %swap3A_250 = vector.shape_cast %mul3A_245 : vector<16xf32> to vector<1x16xf32>
        tpu.vector_store %arg12[%swap3A_246, %swap3A_247], %swap3A_250 {strides = array<i32>} : memref<80x128xf32, #tpu.memory_space<vmem>>, vector<1x16xf32>,
        %mul3A_251 = arith.mulf %get3A_124, %exp3A : vector<16xf32>
        %swap3A_252 = arith.index_cast %scan3A_47 : i32 to index
        %swap3A_253 = arith.constant 64 : index
        %swap3A_254 = tpu.vector_load %arg12[%swap3A_252, %swap3A_253] {strides = array<i32>} : memref<80x128xf32, #tpu.memory_space<vmem>>, vector<1x16xf32>,
        %swap3A_255 = vector.shape_cast %swap3A_254 : vector<1x16xf32> to vector<16xf32>
        %swap3A_256 = vector.shape_cast %mul3A_251 : vector<16xf32> to vector<1x16xf32>
        tpu.vector_store %arg12[%swap3A_252, %swap3A_253], %swap3A_256 {strides = array<i32>} : memref<80x128xf32, #tpu.memory_space<vmem>>, vector<1x16xf32>,
        %mul3A_257 = arith.mulf %get3A_142, %exp3A : vector<16xf32>
        %swap3A_258 = arith.index_cast %scan3A_47 : i32 to index
        %swap3A_259 = arith.constant 80 : index
        %swap3A_260 = tpu.vector_load %arg12[%swap3A_258, %swap3A_259] {strides = array<i32>} : memref<80x128xf32, #tpu.memory_space<vmem>>, vector<1x16xf32>,
        %swap3A_261 = vector.shape_cast %swap3A_260 : vector<1x16xf32> to vector<16xf32>
        %swap3A_262 = vector.shape_cast %mul3A_257 : vector<16xf32> to vector<1x16xf32>
        tpu.vector_store %arg12[%swap3A_258, %swap3A_259], %swap3A_262 {strides = array<i32>} : memref<80x128xf32, #tpu.memory_space<vmem>>, vector<1x16xf32>,
        %mul3A_263 = arith.mulf %get3A_160, %exp3A : vector<16xf32>
        %swap3A_264 = arith.index_cast %scan3A_47 : i32 to index
        %swap3A_265 = arith.constant 96 : index
        %swap3A_266 = tpu.vector_load %arg12[%swap3A_264, %swap3A_265] {strides = array<i32>} : memref<80x128xf32, #tpu.memory_space<vmem>>, vector<1x16xf32>,
        %swap3A_267 = vector.shape_cast %swap3A_266 : vector<1x16xf32> to vector<16xf32>
        %swap3A_268 = vector.shape_cast %mul3A_263 : vector<16xf32> to vector<1x16xf32>
        tpu.vector_store %arg12[%swap3A_264, %swap3A_265], %swap3A_268 {strides = array<i32>} : memref<80x128xf32, #tpu.memory_space<vmem>>, vector<1x16xf32>,
        %mul3A_269 = arith.mulf %get3A_178, %exp3A : vector<16xf32>
        %swap3A_270 = arith.index_cast %scan3A_47 : i32 to index
        %swap3A_271 = arith.constant 112 : index
        %swap3A_272 = tpu.vector_load %arg12[%swap3A_270, %swap3A_271] {strides = array<i32>} : memref<80x128xf32, #tpu.memory_space<vmem>>, vector<1x16xf32>,
        %swap3A_273 = vector.shape_cast %swap3A_272 : vector<1x16xf32> to vector<16xf32>
        %swap3A_274 = vector.shape_cast %mul3A_269 : vector<16xf32> to vector<1x16xf32>
        tpu.vector_store %arg12[%swap3A_270, %swap3A_271], %swap3A_274 {strides = array<i32>} : memref<80x128xf32, #tpu.memory_space<vmem>>, vector<1x16xf32>,
        %mul3A_275 = arith.constant 16 : i32
        %mul3A_276 = arith.muli %scan3A_47, %mul3A_275 : i32
        %swap3A_277 = arith.index_cast %mul3A_276 : i32 to index
        %swap3A_278 = tpu.vector_load %arg14[%swap3A_277] {strides = array<i32>} : memref<1280xf32, #tpu.memory_space<vmem>>, vector<16xf32>,
        %swap3A_279 = vector.shape_cast %swap3A_278 : vector<16xf32> to vector<16xf32>
        %swap3A_280 = vector.shape_cast %exp3A : vector<16xf32> to vector<16xf32>
        tpu.vector_store %arg14[%swap3A_277], %swap3A_280 {strides = array<i32>} : memref<1280xf32, #tpu.memory_space<vmem>>, vector<16xf32>,
        %scan3A_281 = arith.constant 0 : i32
        scf.yield %scan3A_281 : i32
      }
      %scan3A_43 = arith.constant 80 : i32
      "tpu.region"() ({
        %run_scoped3A = tpu.sem_alloc : memref<!tpu.dma_semaphore, #tpu.memory_space<semaphore_mem>>
        %dma_start3A = arith.constant 0 : i32
        %dma_start3A_47 = arith.constant 0 : i32
        %dma_start3A_48 = tpu.memref_slice %arg17[%dma_start3A, %dma_start3A_47] : memref<10240x128xf32, #tpu.memory_space<vmem_shared>> -> memref<10240x128xf32, #tpu.memory_space<vmem_shared>>
        tpu.enqueue_indirect_dma source(%arg12 : memref<80x128xf32, #tpu.memory_space<vmem>>) target(%dma_start3A_48 : memref<10240x128xf32, #tpu.memory_space<vmem_shared>>) offsets(%arg11 : memref<80xi32, #tpu.memory_space<vmem>>) semaphore(%run_scoped3A : memref<!tpu.dma_semaphore, #tpu.memory_space<semaphore_mem>>) {add = true}
        %dma_wait3A = arith.constant 0 : i32
        %dma_wait3A_49 = arith.constant 0 : i32
        %dma_wait3A_50 = tpu.memref_slice %arg17[%dma_wait3A, %dma_wait3A_49] : memref<10240x128xf32, #tpu.memory_space<vmem_shared>> -> memref<10240x128xf32, #tpu.memory_space<vmem_shared>>
        tpu.wait_indirect_dma semaphore(%run_scoped3A : memref<!tpu.dma_semaphore, #tpu.memory_space<semaphore_mem>>) src(%arg12 : memref<80x128xf32, #tpu.memory_space<vmem>>) dst(%dma_wait3A_50 : memref<10240x128xf32, #tpu.memory_space<vmem_shared>>)
        tpu.yield
      }) : () -> ()
      %mul3A_44 = arith.constant 16 : i32
      %mul3A_45 = arith.muli %multiple_of3A_36, %mul3A_44 : i32
      "tpu.region"() ({
        %run_scoped3A = tpu.sem_alloc : memref<!tpu.dma_semaphore, #tpu.memory_space<semaphore_mem>>
        %dma_start3A = tpu.memref_slice %arg9[%mul3A_45] : memref<5120000xf32, #tpu.memory_space<hbm>> -> memref<1280xf32, #tpu.memory_space<hbm>>
        %dma_start3A_47 = tpu.memref_slice %arg9[%mul3A_45] : memref<5120000xf32, #tpu.memory_space<hbm>> -> memref<1280xf32, #tpu.memory_space<hbm>>
        tpu.enqueue_dma source(%arg14 : memref<1280xf32, #tpu.memory_space<vmem>>) target(%dma_start3A_47 : memref<1280xf32, #tpu.memory_space<hbm>>) target_semaphore(%run_scoped3A : memref<!tpu.dma_semaphore, #tpu.memory_space<semaphore_mem>>)
        %dma_wait3A = tpu.memref_slice %arg9[%mul3A_45] : memref<5120000xf32, #tpu.memory_space<hbm>> -> memref<1280xf32, #tpu.memory_space<hbm>>
        %dma_wait3A_48 = tpu.memref_slice %arg9[%mul3A_45] : memref<5120000xf32, #tpu.memory_space<hbm>> -> memref<1280xf32, #tpu.memory_space<hbm>>
        tpu.wait_dma2 semaphore(%run_scoped3A : memref<!tpu.dma_semaphore, #tpu.memory_space<semaphore_mem>>) src(%arg14 : memref<1280xf32, #tpu.memory_space<vmem>>) dst(%dma_wait3A_48 : memref<1280xf32, #tpu.memory_space<hbm>>)
        tpu.yield
      }) : () -> ()
      %scan3A_46 = arith.constant 0 : i32
      scf.yield %scan3A_46 : i32
    }
    %scan3A_26 = arith.constant 125 : i32
    %barrier3A_27 = arith.constant 0 : index
    tpu.barrier barrier_id(%barrier3A_27)
    %mul3A_28 = arith.constant 640 : i32
    %mul3A_29 = arith.muli %arg1, %mul3A_28 : i32
    %multiple_of3A_30 = tpu.assume_multiple %mul3A_29, 8 : i32
    "tpu.region"() ({
      %run_scoped3A = tpu.sem_alloc : memref<!tpu.dma_semaphore, #tpu.memory_space<semaphore_mem>>
      %dma_start3A = arith.constant 0 : i32
      %dma_start3A_31 = tpu.memref_slice %arg8[%arg0, %multiple_of3A_30, %dma_start3A] : memref<2x10240x128xf32, #tpu.memory_space<hbm>> -> memref<1x640x128xf32, #tpu.memory_space<hbm>>
      %dma_start3A_32 = tpu.memref_squeeze %dma_start3A_31 : memref<1x640x128xf32, #tpu.memory_space<hbm>> -> memref<640x128xf32, #tpu.memory_space<hbm>>
      %dma_start3A_33 = arith.constant 0 : i32
      %dma_start3A_34 = tpu.memref_slice %arg17[%multiple_of3A_30, %dma_start3A_33] : memref<10240x128xf32, #tpu.memory_space<vmem_shared>> -> memref<640x128xf32, #tpu.memory_space<vmem_shared>>
      tpu.enqueue_dma source(%dma_start3A_34 : memref<640x128xf32, #tpu.memory_space<vmem_shared>>) target(%dma_start3A_32 : memref<640x128xf32, #tpu.memory_space<hbm>>) target_semaphore(%run_scoped3A : memref<!tpu.dma_semaphore, #tpu.memory_space<semaphore_mem>>)
      %dma_wait3A = arith.constant 0 : i32
      %dma_wait3A_35 = tpu.memref_slice %arg8[%arg0, %multiple_of3A_30, %dma_wait3A] : memref<2x10240x128xf32, #tpu.memory_space<hbm>> -> memref<1x640x128xf32, #tpu.memory_space<hbm>>
      %dma_wait3A_36 = tpu.memref_squeeze %dma_wait3A_35 : memref<1x640x128xf32, #tpu.memory_space<hbm>> -> memref<640x128xf32, #tpu.memory_space<hbm>>
      %dma_wait3A_37 = arith.constant 0 : i32
      %dma_wait3A_38 = tpu.memref_slice %arg17[%multiple_of3A_30, %dma_wait3A_37] : memref<10240x128xf32, #tpu.memory_space<vmem_shared>> -> memref<640x128xf32, #tpu.memory_space<vmem_shared>>
      tpu.wait_dma2 semaphore(%run_scoped3A : memref<!tpu.dma_semaphore, #tpu.memory_space<semaphore_mem>>) src(%dma_wait3A_38 : memref<640x128xf32, #tpu.memory_space<vmem_shared>>) dst(%dma_wait3A_36 : memref<640x128xf32, #tpu.memory_space<hbm>>)
      tpu.yield
    }) : () -> ()
    return
  }
}

#map = affine_map<(d0, d1) -> (0)>
#map1 = affine_map<(d0, d1) -> (0, 0)>
#map2 = affine_map<(d0, d1) -> (0, 0, 0)>
module attributes {stable_mosaic.version = 14 : i64} {
  func.func @_den_body(%arg0: i32, %arg1: i32, %arg2: memref<5120000xf32, #tpu.memory_space<hbm>>, %arg3: memref<320000xi32, #tpu.memory_space<hbm>>, %arg4: memref<10240x128xf32, #tpu.memory_space<hbm>>, %arg5: memref<2x10240x128xf32, #tpu.memory_space<hbm>>, %arg6: memref<80xi32, #tpu.memory_space<vmem>>, %arg7: memref<1280xf32, #tpu.memory_space<vmem>>, %arg8: memref<80x128xf32, #tpu.memory_space<vmem>>, %arg9: memref<10240x128xf32, #tpu.memory_space<vmem_shared>>) attributes {dimension_semantics = [#tpu.dimension_semantics<core_parallel>, #tpu.dimension_semantics<subcore_parallel>], iteration_bounds = array<i64: 2, 16>, scalar_prefetch = 0 : i64, scratch_operands = 4 : i64, tpu.core_type = #tpu.core_type<sc_vector_subcore>, window_params = [{transform_indices = #map}, {transform_indices = #map}, {transform_indices = #map1}, {transform_indices = #map2}]} {
    %mul3A = arith.constant 640 : i32
    %mul3A_0 = arith.muli %arg1, %mul3A : i32
    %multiple_of3A = tpu.assume_multiple %mul3A_0, 8 : i32
    "tpu.region"() ({
      %run_scoped3A = tpu.sem_alloc : memref<!tpu.dma_semaphore, #tpu.memory_space<semaphore_mem>>
      %dma_start3A = arith.constant 0 : i32
      %dma_start3A_15 = tpu.memref_slice %arg9[%multiple_of3A, %dma_start3A] : memref<10240x128xf32, #tpu.memory_space<vmem_shared>> -> memref<640x128xf32, #tpu.memory_space<vmem_shared>>
      %dma_start3A_16 = arith.constant 0 : i32
      %dma_start3A_17 = tpu.memref_slice %arg4[%multiple_of3A, %dma_start3A_16] : memref<10240x128xf32, #tpu.memory_space<hbm>> -> memref<640x128xf32, #tpu.memory_space<hbm>>
      tpu.enqueue_dma source(%dma_start3A_17 : memref<640x128xf32, #tpu.memory_space<hbm>>) target(%dma_start3A_15 : memref<640x128xf32, #tpu.memory_space<vmem_shared>>) target_semaphore(%run_scoped3A : memref<!tpu.dma_semaphore, #tpu.memory_space<semaphore_mem>>)
      %dma_wait3A = arith.constant 0 : i32
      %dma_wait3A_18 = tpu.memref_slice %arg9[%multiple_of3A, %dma_wait3A] : memref<10240x128xf32, #tpu.memory_space<vmem_shared>> -> memref<640x128xf32, #tpu.memory_space<vmem_shared>>
      %dma_wait3A_19 = arith.constant 0 : i32
      %dma_wait3A_20 = tpu.memref_slice %arg4[%multiple_of3A, %dma_wait3A_19] : memref<10240x128xf32, #tpu.memory_space<hbm>> -> memref<640x128xf32, #tpu.memory_space<hbm>>
      tpu.wait_dma2 semaphore(%run_scoped3A : memref<!tpu.dma_semaphore, #tpu.memory_space<semaphore_mem>>) src(%dma_wait3A_20 : memref<640x128xf32, #tpu.memory_space<hbm>>) dst(%dma_wait3A_18 : memref<640x128xf32, #tpu.memory_space<vmem_shared>>)
      tpu.yield
    }) : () -> ()
    %barrier3A = arith.constant 0 : index
    tpu.barrier barrier_id(%barrier3A)
    %mul3A_1 = arith.constant 2 : i32
    %mul3A_2 = arith.muli %arg1, %mul3A_1 : i32
    %add3A = arith.addi %mul3A_2, %arg0 : i32
    %mul3A_3 = arith.constant 10000 : i32
    %mul3A_4 = arith.muli %add3A, %mul3A_3 : i32
    %scan3A = arith.constant 0 : i32
    %scan3A_5 = arith.constant 0 : i32
    %scan3A_6 = arith.constant 125 : i32
    %scan3A_7 = arith.addi %scan3A_5, %scan3A_6 : i32
    %scan3A_8 = arith.constant 1 : i32
    %scan3A_9 = scf.for %scan3A_15 = %scan3A_5 to %scan3A_7 step %scan3A_8 iter_args(%scan3A_16 = %scan3A) -> (i32)  : i32 {
      %mul3A_17 = arith.constant 80 : i32
      %mul3A_18 = arith.muli %scan3A_15, %mul3A_17 : i32
      %add3A_19 = arith.addi %mul3A_4, %mul3A_18 : i32
      %multiple_of3A_20 = tpu.assume_multiple %add3A_19, 8 : i32
      "tpu.region"() ({
        %run_scoped3A = tpu.sem_alloc : memref<!tpu.dma_semaphore, #tpu.memory_space<semaphore_mem>>
        %dma_start3A = tpu.memref_slice %arg3[%multiple_of3A_20] : memref<320000xi32, #tpu.memory_space<hbm>> -> memref<80xi32, #tpu.memory_space<hbm>>
        %dma_start3A_31 = tpu.memref_slice %arg3[%multiple_of3A_20] : memref<320000xi32, #tpu.memory_space<hbm>> -> memref<80xi32, #tpu.memory_space<hbm>>
        tpu.enqueue_dma source(%dma_start3A_31 : memref<80xi32, #tpu.memory_space<hbm>>) target(%arg6 : memref<80xi32, #tpu.memory_space<vmem>>) target_semaphore(%run_scoped3A : memref<!tpu.dma_semaphore, #tpu.memory_space<semaphore_mem>>)
        %dma_wait3A = tpu.memref_slice %arg3[%multiple_of3A_20] : memref<320000xi32, #tpu.memory_space<hbm>> -> memref<80xi32, #tpu.memory_space<hbm>>
        %dma_wait3A_32 = tpu.memref_slice %arg3[%multiple_of3A_20] : memref<320000xi32, #tpu.memory_space<hbm>> -> memref<80xi32, #tpu.memory_space<hbm>>
        tpu.wait_dma2 semaphore(%run_scoped3A : memref<!tpu.dma_semaphore, #tpu.memory_space<semaphore_mem>>) src(%dma_wait3A_32 : memref<80xi32, #tpu.memory_space<hbm>>) dst(%arg6 : memref<80xi32, #tpu.memory_space<vmem>>)
        tpu.yield
      }) : () -> ()
      %mul3A_21 = arith.constant 16 : i32
      %mul3A_22 = arith.muli %multiple_of3A_20, %mul3A_21 : i32
      "tpu.region"() ({
        %run_scoped3A = tpu.sem_alloc : memref<!tpu.dma_semaphore, #tpu.memory_space<semaphore_mem>>
        %dma_start3A = tpu.memref_slice %arg2[%mul3A_22] : memref<5120000xf32, #tpu.memory_space<hbm>> -> memref<1280xf32, #tpu.memory_space<hbm>>
        %dma_start3A_31 = tpu.memref_slice %arg2[%mul3A_22] : memref<5120000xf32, #tpu.memory_space<hbm>> -> memref<1280xf32, #tpu.memory_space<hbm>>
        tpu.enqueue_dma source(%dma_start3A_31 : memref<1280xf32, #tpu.memory_space<hbm>>) target(%arg7 : memref<1280xf32, #tpu.memory_space<vmem>>) target_semaphore(%run_scoped3A : memref<!tpu.dma_semaphore, #tpu.memory_space<semaphore_mem>>)
        %dma_wait3A = tpu.memref_slice %arg2[%mul3A_22] : memref<5120000xf32, #tpu.memory_space<hbm>> -> memref<1280xf32, #tpu.memory_space<hbm>>
        %dma_wait3A_32 = tpu.memref_slice %arg2[%mul3A_22] : memref<5120000xf32, #tpu.memory_space<hbm>> -> memref<1280xf32, #tpu.memory_space<hbm>>
        tpu.wait_dma2 semaphore(%run_scoped3A : memref<!tpu.dma_semaphore, #tpu.memory_space<semaphore_mem>>) src(%dma_wait3A_32 : memref<1280xf32, #tpu.memory_space<hbm>>) dst(%arg7 : memref<1280xf32, #tpu.memory_space<vmem>>)
        tpu.yield
      }) : () -> ()
      %scan3A_23 = arith.constant 0 : i32
      %scan3A_24 = arith.constant 0 : i32
      %scan3A_25 = arith.constant 80 : i32
      %scan3A_26 = arith.addi %scan3A_24, %scan3A_25 : i32
      %scan3A_27 = arith.constant 1 : i32
      %scan3A_28 = scf.for %scan3A_31 = %scan3A_24 to %scan3A_26 step %scan3A_27 iter_args(%scan3A_32 = %scan3A_23) -> (i32)  : i32 {
        %mul3A_33 = arith.constant 16 : i32
        %mul3A_34 = arith.muli %scan3A_31, %mul3A_33 : i32
        %get3A = arith.index_cast %mul3A_34 : i32 to index
        %get3A_35 = tpu.vector_load %arg7[%get3A] {strides = array<i32>} : memref<1280xf32, #tpu.memory_space<vmem>>, vector<16xf32>,
        %get3A_36 = vector.shape_cast %get3A_35 : vector<16xf32> to vector<16xf32>
        %swap3A = arith.index_cast %scan3A_31 : i32 to index
        %swap3A_37 = arith.constant 0 : index
        %swap3A_38 = tpu.vector_load %arg8[%swap3A, %swap3A_37] {strides = array<i32>} : memref<80x128xf32, #tpu.memory_space<vmem>>, vector<1x16xf32>,
        %swap3A_39 = vector.shape_cast %swap3A_38 : vector<1x16xf32> to vector<16xf32>
        %swap3A_40 = vector.shape_cast %get3A_36 : vector<16xf32> to vector<1x16xf32>
        tpu.vector_store %arg8[%swap3A, %swap3A_37], %swap3A_40 {strides = array<i32>} : memref<80x128xf32, #tpu.memory_space<vmem>>, vector<1x16xf32>,
        %swap3A_41 = arith.index_cast %scan3A_31 : i32 to index
        %swap3A_42 = arith.constant 16 : index
        %swap3A_43 = tpu.vector_load %arg8[%swap3A_41, %swap3A_42] {strides = array<i32>} : memref<80x128xf32, #tpu.memory_space<vmem>>, vector<1x16xf32>,
        %swap3A_44 = vector.shape_cast %swap3A_43 : vector<1x16xf32> to vector<16xf32>
        %swap3A_45 = vector.shape_cast %get3A_36 : vector<16xf32> to vector<1x16xf32>
        tpu.vector_store %arg8[%swap3A_41, %swap3A_42], %swap3A_45 {strides = array<i32>} : memref<80x128xf32, #tpu.memory_space<vmem>>, vector<1x16xf32>,
        %swap3A_46 = arith.index_cast %scan3A_31 : i32 to index
        %swap3A_47 = arith.constant 32 : index
        %swap3A_48 = tpu.vector_load %arg8[%swap3A_46, %swap3A_47] {strides = array<i32>} : memref<80x128xf32, #tpu.memory_space<vmem>>, vector<1x16xf32>,
        %swap3A_49 = vector.shape_cast %swap3A_48 : vector<1x16xf32> to vector<16xf32>
        %swap3A_50 = vector.shape_cast %get3A_36 : vector<16xf32> to vector<1x16xf32>
        tpu.vector_store %arg8[%swap3A_46, %swap3A_47], %swap3A_50 {strides = array<i32>} : memref<80x128xf32, #tpu.memory_space<vmem>>, vector<1x16xf32>,
        %swap3A_51 = arith.index_cast %scan3A_31 : i32 to index
        %swap3A_52 = arith.constant 48 : index
        %swap3A_53 = tpu.vector_load %arg8[%swap3A_51, %swap3A_52] {strides = array<i32>} : memref<80x128xf32, #tpu.memory_space<vmem>>, vector<1x16xf32>,
        %swap3A_54 = vector.shape_cast %swap3A_53 : vector<1x16xf32> to vector<16xf32>
        %swap3A_55 = vector.shape_cast %get3A_36 : vector<16xf32> to vector<1x16xf32>
        tpu.vector_store %arg8[%swap3A_51, %swap3A_52], %swap3A_55 {strides = array<i32>} : memref<80x128xf32, #tpu.memory_space<vmem>>, vector<1x16xf32>,
        %swap3A_56 = arith.index_cast %scan3A_31 : i32 to index
        %swap3A_57 = arith.constant 64 : index
        %swap3A_58 = tpu.vector_load %arg8[%swap3A_56, %swap3A_57] {strides = array<i32>} : memref<80x128xf32, #tpu.memory_space<vmem>>, vector<1x16xf32>,
        %swap3A_59 = vector.shape_cast %swap3A_58 : vector<1x16xf32> to vector<16xf32>
        %swap3A_60 = vector.shape_cast %get3A_36 : vector<16xf32> to vector<1x16xf32>
        tpu.vector_store %arg8[%swap3A_56, %swap3A_57], %swap3A_60 {strides = array<i32>} : memref<80x128xf32, #tpu.memory_space<vmem>>, vector<1x16xf32>,
        %swap3A_61 = arith.index_cast %scan3A_31 : i32 to index
        %swap3A_62 = arith.constant 80 : index
        %swap3A_63 = tpu.vector_load %arg8[%swap3A_61, %swap3A_62] {strides = array<i32>} : memref<80x128xf32, #tpu.memory_space<vmem>>, vector<1x16xf32>,
        %swap3A_64 = vector.shape_cast %swap3A_63 : vector<1x16xf32> to vector<16xf32>
        %swap3A_65 = vector.shape_cast %get3A_36 : vector<16xf32> to vector<1x16xf32>
        tpu.vector_store %arg8[%swap3A_61, %swap3A_62], %swap3A_65 {strides = array<i32>} : memref<80x128xf32, #tpu.memory_space<vmem>>, vector<1x16xf32>,
        %swap3A_66 = arith.index_cast %scan3A_31 : i32 to index
        %swap3A_67 = arith.constant 96 : index
        %swap3A_68 = tpu.vector_load %arg8[%swap3A_66, %swap3A_67] {strides = array<i32>} : memref<80x128xf32, #tpu.memory_space<vmem>>, vector<1x16xf32>,
        %swap3A_69 = vector.shape_cast %swap3A_68 : vector<1x16xf32> to vector<16xf32>
        %swap3A_70 = vector.shape_cast %get3A_36 : vector<16xf32> to vector<1x16xf32>
        tpu.vector_store %arg8[%swap3A_66, %swap3A_67], %swap3A_70 {strides = array<i32>} : memref<80x128xf32, #tpu.memory_space<vmem>>, vector<1x16xf32>,
        %swap3A_71 = arith.index_cast %scan3A_31 : i32 to index
        %swap3A_72 = arith.constant 112 : index
        %swap3A_73 = tpu.vector_load %arg8[%swap3A_71, %swap3A_72] {strides = array<i32>} : memref<80x128xf32, #tpu.memory_space<vmem>>, vector<1x16xf32>,
        %swap3A_74 = vector.shape_cast %swap3A_73 : vector<1x16xf32> to vector<16xf32>
        %swap3A_75 = vector.shape_cast %get3A_36 : vector<16xf32> to vector<1x16xf32>
        tpu.vector_store %arg8[%swap3A_71, %swap3A_72], %swap3A_75 {strides = array<i32>} : memref<80x128xf32, #tpu.memory_space<vmem>>, vector<1x16xf32>,
        %scan3A_76 = arith.constant 0 : i32
        scf.yield %scan3A_76 : i32
      }
      %scan3A_29 = arith.constant 80 : i32
      "tpu.region"() ({
        %run_scoped3A = tpu.sem_alloc : memref<!tpu.dma_semaphore, #tpu.memory_space<semaphore_mem>>
        %dma_start3A = arith.constant 0 : i32
        %dma_start3A_31 = arith.constant 0 : i32
        %dma_start3A_32 = tpu.memref_slice %arg9[%dma_start3A, %dma_start3A_31] : memref<10240x128xf32, #tpu.memory_space<vmem_shared>> -> memref<10240x128xf32, #tpu.memory_space<vmem_shared>>
        tpu.enqueue_indirect_dma source(%arg8 : memref<80x128xf32, #tpu.memory_space<vmem>>) target(%dma_start3A_32 : memref<10240x128xf32, #tpu.memory_space<vmem_shared>>) offsets(%arg6 : memref<80xi32, #tpu.memory_space<vmem>>) semaphore(%run_scoped3A : memref<!tpu.dma_semaphore, #tpu.memory_space<semaphore_mem>>) {add = true}
        %dma_wait3A = arith.constant 0 : i32
        %dma_wait3A_33 = arith.constant 0 : i32
        %dma_wait3A_34 = tpu.memref_slice %arg9[%dma_wait3A, %dma_wait3A_33] : memref<10240x128xf32, #tpu.memory_space<vmem_shared>> -> memref<10240x128xf32, #tpu.memory_space<vmem_shared>>
        tpu.wait_indirect_dma semaphore(%run_scoped3A : memref<!tpu.dma_semaphore, #tpu.memory_space<semaphore_mem>>) src(%arg8 : memref<80x128xf32, #tpu.memory_space<vmem>>) dst(%dma_wait3A_34 : memref<10240x128xf32, #tpu.memory_space<vmem_shared>>)
        tpu.yield
      }) : () -> ()
      %scan3A_30 = arith.constant 0 : i32
      scf.yield %scan3A_30 : i32
    }
    %scan3A_10 = arith.constant 125 : i32
    %barrier3A_11 = arith.constant 0 : index
    tpu.barrier barrier_id(%barrier3A_11)
    %mul3A_12 = arith.constant 640 : i32
    %mul3A_13 = arith.muli %arg1, %mul3A_12 : i32
    %multiple_of3A_14 = tpu.assume_multiple %mul3A_13, 8 : i32
    "tpu.region"() ({
      %run_scoped3A = tpu.sem_alloc : memref<!tpu.dma_semaphore, #tpu.memory_space<semaphore_mem>>
      %dma_start3A = arith.constant 0 : i32
      %dma_start3A_15 = tpu.memref_slice %arg5[%arg0, %multiple_of3A_14, %dma_start3A] : memref<2x10240x128xf32, #tpu.memory_space<hbm>> -> memref<1x640x128xf32, #tpu.memory_space<hbm>>
      %dma_start3A_16 = tpu.memref_squeeze %dma_start3A_15 : memref<1x640x128xf32, #tpu.memory_space<hbm>> -> memref<640x128xf32, #tpu.memory_space<hbm>>
      %dma_start3A_17 = arith.constant 0 : i32
      %dma_start3A_18 = tpu.memref_slice %arg9[%multiple_of3A_14, %dma_start3A_17] : memref<10240x128xf32, #tpu.memory_space<vmem_shared>> -> memref<640x128xf32, #tpu.memory_space<vmem_shared>>
      tpu.enqueue_dma source(%dma_start3A_18 : memref<640x128xf32, #tpu.memory_space<vmem_shared>>) target(%dma_start3A_16 : memref<640x128xf32, #tpu.memory_space<hbm>>) target_semaphore(%run_scoped3A : memref<!tpu.dma_semaphore, #tpu.memory_space<semaphore_mem>>)
      %dma_wait3A = arith.constant 0 : i32
      %dma_wait3A_19 = tpu.memref_slice %arg5[%arg0, %multiple_of3A_14, %dma_wait3A] : memref<2x10240x128xf32, #tpu.memory_space<hbm>> -> memref<1x640x128xf32, #tpu.memory_space<hbm>>
      %dma_wait3A_20 = tpu.memref_squeeze %dma_wait3A_19 : memref<1x640x128xf32, #tpu.memory_space<hbm>> -> memref<640x128xf32, #tpu.memory_space<hbm>>
      %dma_wait3A_21 = arith.constant 0 : i32
      %dma_wait3A_22 = tpu.memref_slice %arg9[%multiple_of3A_14, %dma_wait3A_21] : memref<10240x128xf32, #tpu.memory_space<vmem_shared>> -> memref<640x128xf32, #tpu.memory_space<vmem_shared>>
      tpu.wait_dma2 semaphore(%run_scoped3A : memref<!tpu.dma_semaphore, #tpu.memory_space<semaphore_mem>>) src(%dma_wait3A_22 : memref<640x128xf32, #tpu.memory_space<vmem_shared>>) dst(%dma_wait3A_20 : memref<640x128xf32, #tpu.memory_space<hbm>>)
      tpu.yield
    }) : () -> ()
    return
  }
}

module attributes {stable_mosaic.version = 14 : i64} {
  func.func @_y_body(%arg0: i32, %arg1: memref<400x128xf32, #tpu.memory_space<vmem>>, %arg2: memref<2x400x128xf32, #tpu.memory_space<vmem>>, %arg3: memref<400x128xf32, #tpu.memory_space<vmem>>) attributes {dimension_semantics = [#tpu.dimension_semantics<arbitrary>], iteration_bounds = array<i64: 25>, scalar_prefetch = 0 : i64, scratch_operands = 0 : i64, tpu.core_type = #tpu.core_type<tc>, window_params = [{transform_indices = @transform_0, window_bounds = array<i64: 400, 128>}, {transform_indices = @transform_1, window_bounds = array<i64: 2, 400, 128>}, {transform_indices = @transform_2, window_bounds = array<i64: 400, 128>}]} {
    %get3A = arith.constant 0 : index
    %get3A_0 = arith.constant 0 : index
    %get3A_1 = arith.constant 0 : index
    %get3A_2 = vector.load %arg2[%get3A, %get3A_0, %get3A_1] : memref<2x400x128xf32, #tpu.memory_space<vmem>>, vector<1x400x128xf32>
    %get3A_3 = vector.shape_cast %get3A_2 : vector<1x400x128xf32> to vector<400x128xf32>
    %get3A_4 = arith.constant 1 : index
    %get3A_5 = arith.constant 0 : index
    %get3A_6 = arith.constant 0 : index
    %get3A_7 = vector.load %arg2[%get3A_4, %get3A_5, %get3A_6] : memref<2x400x128xf32, #tpu.memory_space<vmem>>, vector<1x400x128xf32>
    %get3A_8 = vector.shape_cast %get3A_7 : vector<1x400x128xf32> to vector<400x128xf32>
    %add3A = arith.addf %get3A_3, %get3A_8 : vector<400x128xf32>
    %slice3A = vector.extract_strided_slice %add3A {offsets = [0, 0], sizes = [400, 1], strides = [1, 1]} : vector<400x128xf32> to vector<400x1xf32>
    %add3A_9 = arith.constant 1.000000e+00 : f32
    %add3A_10 = vector.broadcast %add3A_9 : f32 to vector<400x1xf32>
    %add3A_11 = arith.addf %slice3A, %add3A_10 : vector<400x1xf32>
    %rsqrt3A = math.rsqrt %add3A_11 : vector<400x1xf32>
    %get3A_12 = arith.constant 0 : index
    %get3A_13 = arith.constant 0 : index
    %get3A_14 = vector.load %arg1[%get3A_12, %get3A_13] : memref<400x128xf32, #tpu.memory_space<vmem>>, vector<400x128xf32>
    %mul3A = vector.broadcast %rsqrt3A : vector<400x1xf32> to vector<400x128xf32>
    %mul3A_15 = arith.mulf %get3A_14, %mul3A : vector<400x128xf32>
    %swap3A = arith.constant 0 : index
    %swap3A_16 = arith.constant 0 : index
    %swap3A_17 = vector.load %arg3[%swap3A, %swap3A_16] : memref<400x128xf32, #tpu.memory_space<vmem>>, vector<400x128xf32>
    tpu.vector_store %arg3[%swap3A, %swap3A_16], %mul3A_15 {strides = array<i32>} : memref<400x128xf32, #tpu.memory_space<vmem>>, vector<400x128xf32>,
    return
  }
  func.func @transform_0(%arg0: i32) -> (i32, i32) {
    %c0_i32 = arith.constant 0 : i32
    %c0_i32_0 = arith.constant 0 : i32
    return %arg0, %c0_i32 : i32, i32
  }
  func.func @transform_1(%arg0: i32) -> (i32, i32, i32) {
    %c0_i32 = arith.constant 0 : i32
    %c0_i32_0 = arith.constant 0 : i32
    %c0_i32_1 = arith.constant 0 : i32
    return %c0_i32, %arg0, %c0_i32_0 : i32, i32, i32
  }
  func.func @transform_2(%arg0: i32) -> (i32, i32) {
    %c0_i32 = arith.constant 0 : i32
    %c0_i32_0 = arith.constant 0 : i32
    return %arg0, %c0_i32 : i32, i32
  }
}

module attributes {stable_mosaic.version = 14 : i64} {
  func.func @_mm_body(%arg0: i32, %arg1: memref<400x128xf32, #tpu.memory_space<vmem>>, %arg2: memref<128x128xf32, #tpu.memory_space<vmem>>, %arg3: memref<400x128xf32, #tpu.memory_space<vmem>>) attributes {dimension_semantics = [#tpu.dimension_semantics<arbitrary>], iteration_bounds = array<i64: 25>, scalar_prefetch = 0 : i64, scratch_operands = 0 : i64, tpu.core_type = #tpu.core_type<tc>, window_params = [{transform_indices = @transform_0, window_bounds = array<i64: 400, 128>}, {pipeline_mode = #tpu.pipeline_mode<synchronous>, transform_indices = @transform_1, window_bounds = array<i64: 128, 128>}, {transform_indices = @transform_2, window_bounds = array<i64: 400, 128>}]} {
    %get3A = arith.constant 0 : index
    %get3A_0 = arith.constant 0 : index
    %get3A_1 = vector.load %arg1[%get3A, %get3A_0] : memref<400x128xf32, #tpu.memory_space<vmem>>, vector<400x128xf32>
    %get3A_2 = arith.constant 0 : index
    %get3A_3 = arith.constant 0 : index
    %get3A_4 = vector.load %arg2[%get3A_2, %get3A_3] : memref<128x128xf32, #tpu.memory_space<vmem>>, vector<128x128xf32>
    %dot_general3A = arith.constant dense<0.000000e+00> : vector<400x128xf32>
    %dot_general3A_5 = tpu.matmul %get3A_1, %get3A_4, %dot_general3A {dimension_numbers = #tpu.dot_dimension_numbers<[1], [0], [0], [1], [0, 0, 1, 1], [], []>, transpose_lhs_hint = false} : vector<400x128xf32>, vector<128x128xf32>, vector<400x128xf32> -> vector<400x128xf32>
    %swap3A = arith.constant 0 : index
    %swap3A_6 = arith.constant 0 : index
    %swap3A_7 = vector.load %arg3[%swap3A, %swap3A_6] : memref<400x128xf32, #tpu.memory_space<vmem>>, vector<400x128xf32>
    tpu.vector_store %arg3[%swap3A, %swap3A_6], %dot_general3A_5 {strides = array<i32>} : memref<400x128xf32, #tpu.memory_space<vmem>>, vector<400x128xf32>,
    return
  }
  func.func @transform_0(%arg0: i32) -> (i32, i32) {
    %c0_i32 = arith.constant 0 : i32
    %c0_i32_0 = arith.constant 0 : i32
    return %arg0, %c0_i32 : i32, i32
  }
  func.func @transform_1(%arg0: i32) -> (i32, i32) {
    %c0_i32 = arith.constant 0 : i32
    %c0_i32_0 = arith.constant 0 : i32
    %c0_i32_1 = arith.constant 0 : i32
    return %c0_i32, %c0_i32_0 : i32, i32
  }
  func.func @transform_2(%arg0: i32) -> (i32, i32) {
    %c0_i32 = arith.constant 0 : i32
    %c0_i32_0 = arith.constant 0 : i32
    return %arg0, %c0_i32 : i32, i32
  }
}

module attributes {stable_mosaic.version = 14 : i64} {
  func.func @_norm_mm_body(%arg0: i32, %arg1: memref<400x128xf32, #tpu.memory_space<vmem>>, %arg2: memref<1x1xf32, #tpu.memory_space<smem>>, %arg3: memref<1x1xf32, #tpu.memory_space<smem>>, %arg4: memref<1x128xf32, #tpu.memory_space<vmem>>, %arg5: memref<1x128xf32, #tpu.memory_space<vmem>>, %arg6: memref<128x128xf32, #tpu.memory_space<vmem>>, %arg7: memref<128x128xf32, #tpu.memory_space<vmem>>, %arg8: memref<1x128xf32, #tpu.memory_space<vmem>>, %arg9: memref<400x128xf32, #tpu.memory_space<vmem>>, %arg10: memref<400x128xf32, #tpu.memory_space<vmem>>, %arg11: memref<400x128xf32, #tpu.memory_space<vmem>>, %arg12: memref<400x16xf32, #tpu.memory_space<vmem>>) attributes {dimension_semantics = [#tpu.dimension_semantics<arbitrary>], iteration_bounds = array<i64: 25>, scalar_prefetch = 0 : i64, scratch_operands = 0 : i64, tpu.core_type = #tpu.core_type<tc>, window_params = [{transform_indices = @transform_0, window_bounds = array<i64: 400, 128>}, {transform_indices = @transform_1, window_bounds = array<i64: 1, 1>}, {transform_indices = @transform_2, window_bounds = array<i64: 1, 1>}, {pipeline_mode = #tpu.pipeline_mode<synchronous>, transform_indices = @transform_3, window_bounds = array<i64: 1, 128>}, {pipeline_mode = #tpu.pipeline_mode<synchronous>, transform_indices = @transform_4, window_bounds = array<i64: 1, 128>}, {pipeline_mode = #tpu.pipeline_mode<synchronous>, transform_indices = @transform_5, window_bounds = array<i64: 128, 128>}, {pipeline_mode = #tpu.pipeline_mode<synchronous>, transform_indices = @transform_6, window_bounds = array<i64: 128, 128>}, {pipeline_mode = #tpu.pipeline_mode<synchronous>, transform_indices = @transform_7, window_bounds = array<i64: 1, 128>}, {transform_indices = @transform_8, window_bounds = array<i64: 400, 128>}, {transform_indices = @transform_9, window_bounds = array<i64: 400, 128>}, {transform_indices = @transform_10, window_bounds = array<i64: 400, 128>}, {transform_indices = @transform_11, window_bounds = array<i64: 400, 16>}]} {
    %get3A = arith.constant 0 : index
    %get3A_0 = arith.constant 0 : index
    %get3A_1 = vector.load %arg1[%get3A, %get3A_0] : memref<400x128xf32, #tpu.memory_space<vmem>>, vector<400x128xf32>
    %get3A_2 = arith.constant 0 : index
    %get3A_3 = arith.constant 0 : index
    %get3A_4 = memref.load %arg2[%get3A_2, %get3A_3] : memref<1x1xf32, #tpu.memory_space<smem>>
    %sub3A = vector.broadcast %get3A_4 : f32 to vector<400x128xf32>
    %sub3A_5 = arith.subf %get3A_1, %sub3A : vector<400x128xf32>
    %get3A_6 = arith.constant 0 : index
    %get3A_7 = arith.constant 0 : index
    %get3A_8 = memref.load %arg3[%get3A_6, %get3A_7] : memref<1x1xf32, #tpu.memory_space<smem>>
    %mul3A = vector.broadcast %get3A_8 : f32 to vector<400x128xf32>
    %mul3A_9 = arith.mulf %sub3A_5, %mul3A : vector<400x128xf32>
    %get3A_10 = arith.constant 0 : index
    %get3A_11 = arith.constant 0 : index
    %get3A_12 = vector.load %arg4[%get3A_10, %get3A_11] : memref<1x128xf32, #tpu.memory_space<vmem>>, vector<1x128xf32>
    %mul3A_13 = vector.broadcast %get3A_12 : vector<1x128xf32> to vector<400x128xf32>
    %mul3A_14 = arith.mulf %mul3A_9, %mul3A_13 : vector<400x128xf32>
    %get3A_15 = arith.constant 0 : index
    %get3A_16 = arith.constant 0 : index
    %get3A_17 = vector.load %arg5[%get3A_15, %get3A_16] : memref<1x128xf32, #tpu.memory_space<vmem>>, vector<1x128xf32>
    %add3A = vector.broadcast %get3A_17 : vector<1x128xf32> to vector<400x128xf32>
    %add3A_18 = arith.addf %mul3A_14, %add3A : vector<400x128xf32>
    %max3A = arith.constant 0.000000e+00 : f32
    %max3A_19 = vector.broadcast %max3A : f32 to vector<400x128xf32>
    %max3A_20 = arith.maximumf %add3A_18, %max3A_19 : vector<400x128xf32>
    %get3A_21 = arith.constant 0 : index
    %get3A_22 = arith.constant 0 : index
    %get3A_23 = vector.load %arg6[%get3A_21, %get3A_22] : memref<128x128xf32, #tpu.memory_space<vmem>>, vector<128x128xf32>
    %dot_general3A = arith.constant dense<0.000000e+00> : vector<400x128xf32>
    %dot_general3A_24 = tpu.matmul %max3A_20, %get3A_23, %dot_general3A {dimension_numbers = #tpu.dot_dimension_numbers<[1], [0], [0], [1], [0, 0, 1, 1], [], []>, transpose_lhs_hint = false} : vector<400x128xf32>, vector<128x128xf32>, vector<400x128xf32> -> vector<400x128xf32>
    %get3A_25 = arith.constant 0 : index
    %get3A_26 = arith.constant 0 : index
    %get3A_27 = vector.load %arg7[%get3A_25, %get3A_26] : memref<128x128xf32, #tpu.memory_space<vmem>>, vector<128x128xf32>
    %dot_general3A_28 = arith.constant dense<0.000000e+00> : vector<400x128xf32>
    %dot_general3A_29 = tpu.matmul %max3A_20, %get3A_27, %dot_general3A_28 {dimension_numbers = #tpu.dot_dimension_numbers<[1], [0], [0], [1], [0, 0, 1, 1], [], []>, transpose_lhs_hint = false} : vector<400x128xf32>, vector<128x128xf32>, vector<400x128xf32> -> vector<400x128xf32>
    %swap3A = arith.constant 0 : index
    %swap3A_30 = arith.constant 0 : index
    %swap3A_31 = vector.load %arg9[%swap3A, %swap3A_30] : memref<400x128xf32, #tpu.memory_space<vmem>>, vector<400x128xf32>
    tpu.vector_store %arg9[%swap3A, %swap3A_30], %dot_general3A_24 {strides = array<i32>} : memref<400x128xf32, #tpu.memory_space<vmem>>, vector<400x128xf32>,
    %swap3A_32 = arith.constant 0 : index
    %swap3A_33 = arith.constant 0 : index
    %swap3A_34 = vector.load %arg10[%swap3A_32, %swap3A_33] : memref<400x128xf32, #tpu.memory_space<vmem>>, vector<400x128xf32>
    tpu.vector_store %arg10[%swap3A_32, %swap3A_33], %dot_general3A_29 {strides = array<i32>} : memref<400x128xf32, #tpu.memory_space<vmem>>, vector<400x128xf32>,
    %add3A_35 = arith.addf %dot_general3A_24, %dot_general3A_29 : vector<400x128xf32>
    %mul3A_36 = arith.constant 2.000000e-01 : f32
    %mul3A_37 = vector.broadcast %mul3A_36 : f32 to vector<400x128xf32>
    %mul3A_38 = arith.mulf %mul3A_37, %add3A_35 : vector<400x128xf32>
    %max3A_39 = arith.maximumf %add3A_35, %mul3A_38 : vector<400x128xf32>
    %get3A_40 = arith.constant 0 : index
    %get3A_41 = arith.constant 0 : index
    %get3A_42 = vector.load %arg8[%get3A_40, %get3A_41] : memref<1x128xf32, #tpu.memory_space<vmem>>, vector<1x128xf32>
    %mul3A_43 = vector.broadcast %get3A_42 : vector<1x128xf32> to vector<400x128xf32>
    %mul3A_44 = arith.mulf %max3A_39, %mul3A_43 : vector<400x128xf32>
    %iota3A = tpu.iota {dimensions = array<i32: 0>} : vector<128x8xi32>
    %iota3A_45 = tpu.iota {dimensions = array<i32: 1>} : vector<128x8xi32>
    %jit3A = arith.constant 8 : i32
    %eq3A = arith.constant 0 : i32
    %eq3A_46 = arith.cmpi eq, %jit3A, %eq3A : i32
    %jit3A_47 = arith.constant 1 : i32
    %select_n3A = arith.select %eq3A_46, %jit3A_47, %jit3A : i32
    %rem3A = vector.broadcast %select_n3A : i32 to vector<128x8xi32>
    %rem3A_48 = arith.remsi %iota3A, %rem3A : vector<128x8xi32>
    %ne3A = arith.constant 0 : i32
    %ne3A_49 = vector.broadcast %ne3A : i32 to vector<128x8xi32>
    %ne3A_50 = arith.cmpi ne, %rem3A_48, %ne3A_49 : vector<128x8xi32>
    %lt3A = arith.constant 0 : i32
    %lt3A_51 = vector.broadcast %lt3A : i32 to vector<128x8xi32>
    %lt3A_52 = arith.cmpi slt, %rem3A_48, %lt3A_51 : vector<128x8xi32>
    %lt3A_53 = arith.constant 0 : i32
    %lt3A_54 = arith.cmpi slt, %select_n3A, %lt3A_53 : i32
    %ne3A_55 = vector.broadcast %lt3A_54 : i1 to vector<128x8xi1>
    %ne3A_56 = vector.broadcast %ne3A_55 : vector<128x8xi1> to vector<128x8xi1>
    %ne3A_57 = arith.xori %lt3A_52, %ne3A_56 : vector<128x8xi1>
    %and3A = arith.andi %ne3A_57, %ne3A_50 : vector<128x8xi1>
    %add3A_58 = vector.broadcast %select_n3A : i32 to vector<128x8xi32>
    %add3A_59 = arith.addi %rem3A_48, %add3A_58 : vector<128x8xi32>
    %select_n3A_60 = arith.select %and3A, %add3A_59, %rem3A_48 : vector<128x8xi1>, vector<128x8xi32>
    %eq3A_61 = arith.cmpi eq, %select_n3A_60, %iota3A_45 : vector<128x8xi32>
    %convert_element_type3A = arith.extui %eq3A_61 : vector<128x8xi1> to vector<128x8xi32>
    %convert_element_type3A_62 = arith.sitofp %convert_element_type3A : vector<128x8xi32> to vector<128x8xf32>
    %iota3A_63 = tpu.iota {dimensions = array<i32: 0>} : vector<8x128xi32>
    %iota3A_64 = tpu.iota {dimensions = array<i32: 1>} : vector<8x128xi32>
    %jit3A_65 = arith.constant 8 : i32
    %eq3A_66 = arith.constant 0 : i32
    %eq3A_67 = arith.cmpi eq, %jit3A_65, %eq3A_66 : i32
    %jit3A_68 = arith.constant 1 : i32
    %select_n3A_69 = arith.select %eq3A_67, %jit3A_68, %jit3A_65 : i32
    %rem3A_70 = vector.broadcast %select_n3A_69 : i32 to vector<8x128xi32>
    %rem3A_71 = arith.remsi %iota3A_64, %rem3A_70 : vector<8x128xi32>
    %ne3A_72 = arith.constant 0 : i32
    %ne3A_73 = vector.broadcast %ne3A_72 : i32 to vector<8x128xi32>
    %ne3A_74 = arith.cmpi ne, %rem3A_71, %ne3A_73 : vector<8x128xi32>
    %lt3A_75 = arith.constant 0 : i32
    %lt3A_76 = vector.broadcast %lt3A_75 : i32 to vector<8x128xi32>
    %lt3A_77 = arith.cmpi slt, %rem3A_71, %lt3A_76 : vector<8x128xi32>
    %lt3A_78 = arith.constant 0 : i32
    %lt3A_79 = arith.cmpi slt, %select_n3A_69, %lt3A_78 : i32
    %ne3A_80 = vector.broadcast %lt3A_79 : i1 to vector<8x128xi1>
    %ne3A_81 = vector.broadcast %ne3A_80 : vector<8x128xi1> to vector<8x128xi1>
    %ne3A_82 = arith.xori %lt3A_77, %ne3A_81 : vector<8x128xi1>
    %and3A_83 = arith.andi %ne3A_82, %ne3A_74 : vector<8x128xi1>
    %add3A_84 = vector.broadcast %select_n3A_69 : i32 to vector<8x128xi32>
    %add3A_85 = arith.addi %rem3A_71, %add3A_84 : vector<8x128xi32>
    %select_n3A_86 = arith.select %and3A_83, %add3A_85, %rem3A_71 : vector<8x128xi1>, vector<8x128xi32>
    %eq3A_87 = arith.cmpi eq, %select_n3A_86, %iota3A_63 : vector<8x128xi32>
    %convert_element_type3A_88 = arith.extui %eq3A_87 : vector<8x128xi1> to vector<8x128xi32>
    %convert_element_type3A_89 = arith.sitofp %convert_element_type3A_88 : vector<8x128xi32> to vector<8x128xf32>
    %dot_general3A_90 = arith.constant dense<0.000000e+00> : vector<400x8xf32>
    %dot_general3A_91 = tpu.matmul %mul3A_44, %convert_element_type3A_62, %dot_general3A_90 {dimension_numbers = #tpu.dot_dimension_numbers<[1], [0], [0], [1], [0, 0, 1, 1], [], []>, transpose_lhs_hint = false} : vector<400x128xf32>, vector<128x8xf32>, vector<400x8xf32> -> vector<400x8xf32>
    %exp3A = math.exp %dot_general3A_91 : vector<400x8xf32>
    %dot_general3A_92 = arith.constant dense<0.000000e+00> : vector<400x128xf32>
    %dot_general3A_93 = tpu.matmul %exp3A, %convert_element_type3A_89, %dot_general3A_92 {dimension_numbers = #tpu.dot_dimension_numbers<[1], [0], [0], [1], [0, 0, 1, 1], [], []>, transpose_lhs_hint = false} : vector<400x8xf32>, vector<8x128xf32>, vector<400x128xf32> -> vector<400x128xf32>
    %mul3A_94 = arith.mulf %dot_general3A_93, %dot_general3A_24 : vector<400x128xf32>
    %swap3A_95 = arith.constant 0 : index
    %swap3A_96 = arith.constant 0 : index
    %swap3A_97 = vector.load %arg11[%swap3A_95, %swap3A_96] : memref<400x128xf32, #tpu.memory_space<vmem>>, vector<400x128xf32>
    tpu.vector_store %arg11[%swap3A_95, %swap3A_96], %mul3A_94 {strides = array<i32>} : memref<400x128xf32, #tpu.memory_space<vmem>>, vector<400x128xf32>,
    %broadcast_in_dim3A = arith.constant 0.000000e+00 : f32
    %broadcast_in_dim3A_98 = vector.broadcast %broadcast_in_dim3A : f32 to vector<400x8xf32>
    %concatenate3A = tpu.concatenate %exp3A, %broadcast_in_dim3A_98 in 1 : vector<400x8xf32>, vector<400x8xf32> -> vector<400x16xf32>
    %swap3A_99 = arith.constant 0 : index
    %swap3A_100 = arith.constant 0 : index
    %swap3A_101 = vector.load %arg12[%swap3A_99, %swap3A_100] : memref<400x16xf32, #tpu.memory_space<vmem>>, vector<400x16xf32>
    tpu.vector_store %arg12[%swap3A_99, %swap3A_100], %concatenate3A {strides = array<i32>} : memref<400x16xf32, #tpu.memory_space<vmem>>, vector<400x16xf32>,
    return
  }
  func.func @transform_0(%arg0: i32) -> (i32, i32) {
    %c0_i32 = arith.constant 0 : i32
    %c0_i32_0 = arith.constant 0 : i32
    return %arg0, %c0_i32 : i32, i32
  }
  func.func @transform_1(%arg0: i32) -> (i32, i32) {
    %c0_i32 = arith.constant 0 : i32
    %c0_i32_0 = arith.constant 0 : i32
    %c0_i32_1 = arith.constant 0 : i32
    return %c0_i32, %c0_i32_0 : i32, i32
  }
  func.func @transform_2(%arg0: i32) -> (i32, i32) {
    %c0_i32 = arith.constant 0 : i32
    %c0_i32_0 = arith.constant 0 : i32
    %c0_i32_1 = arith.constant 0 : i32
    return %c0_i32, %c0_i32_0 : i32, i32
  }
  func.func @transform_3(%arg0: i32) -> (i32, i32) {
    %c0_i32 = arith.constant 0 : i32
    %c0_i32_0 = arith.constant 0 : i32
    %c0_i32_1 = arith.constant 0 : i32
    return %c0_i32, %c0_i32_0 : i32, i32
  }
  func.func @transform_4(%arg0: i32) -> (i32, i32) {
    %c0_i32 = arith.constant 0 : i32
    %c0_i32_0 = arith.constant 0 : i32
    %c0_i32_1 = arith.constant 0 : i32
    return %c0_i32, %c0_i32_0 : i32, i32
  }
  func.func @transform_5(%arg0: i32) -> (i32, i32) {
    %c0_i32 = arith.constant 0 : i32
    %c0_i32_0 = arith.constant 0 : i32
    %c0_i32_1 = arith.constant 0 : i32
    return %c0_i32, %c0_i32_0 : i32, i32
  }
  func.func @transform_6(%arg0: i32) -> (i32, i32) {
    %c0_i32 = arith.constant 0 : i32
    %c0_i32_0 = arith.constant 0 : i32
    %c0_i32_1 = arith.constant 0 : i32
    return %c0_i32, %c0_i32_0 : i32, i32
  }
  func.func @transform_7(%arg0: i32) -> (i32, i32) {
    %c0_i32 = arith.constant 0 : i32
    %c0_i32_0 = arith.constant 0 : i32
    %c0_i32_1 = arith.constant 0 : i32
    return %c0_i32, %c0_i32_0 : i32, i32
  }
  func.func @transform_8(%arg0: i32) -> (i32, i32) {
    %c0_i32 = arith.constant 0 : i32
    %c0_i32_0 = arith.constant 0 : i32
    return %arg0, %c0_i32 : i32, i32
  }
  func.func @transform_9(%arg0: i32) -> (i32, i32) {
    %c0_i32 = arith.constant 0 : i32
    %c0_i32_0 = arith.constant 0 : i32
    return %arg0, %c0_i32 : i32, i32
  }
  func.func @transform_10(%arg0: i32) -> (i32, i32) {
    %c0_i32 = arith.constant 0 : i32
    %c0_i32_0 = arith.constant 0 : i32
    return %arg0, %c0_i32 : i32, i32
  }
  func.func @transform_11(%arg0: i32) -> (i32, i32) {
    %c0_i32 = arith.constant 0 : i32
    %c0_i32_0 = arith.constant 0 : i32
    return %arg0, %c0_i32 : i32, i32
  }
}

module attributes {stable_mosaic.version = 14 : i64} {
  func.func @_h0_body(%arg0: i32, %arg1: memref<2x400x128xf32, #tpu.memory_space<vmem>>, %arg2: memref<400x128xf32, #tpu.memory_space<vmem>>, %arg3: memref<2x400x128xf32, #tpu.memory_space<vmem>>, %arg4: memref<1x128xf32, #tpu.memory_space<vmem>>, %arg5: memref<400x128xf32, #tpu.memory_space<vmem>>, %arg6: memref<2x128xf32, #tpu.memory_space<vmem>>, %arg7: memref<2x128xf32, #tpu.memory_space<vmem>>) attributes {dimension_semantics = [#tpu.dimension_semantics<arbitrary>], iteration_bounds = array<i64: 25>, scalar_prefetch = 0 : i64, scratch_operands = 1 : i64, tpu.core_type = #tpu.core_type<tc>, window_params = [{transform_indices = @transform_0, window_bounds = array<i64: 2, 400, 128>}, {transform_indices = @transform_1, window_bounds = array<i64: 400, 128>}, {transform_indices = @transform_2, window_bounds = array<i64: 2, 400, 128>}, {pipeline_mode = #tpu.pipeline_mode<synchronous>, transform_indices = @transform_3, window_bounds = array<i64: 1, 128>}, {transform_indices = @transform_4, window_bounds = array<i64: 400, 128>}, {pipeline_mode = #tpu.pipeline_mode<synchronous>, transform_indices = @transform_5, window_bounds = array<i64: 2, 128>}]} {
    %get3A = arith.constant 0 : index
    %get3A_0 = arith.constant 0 : index
    %get3A_1 = arith.constant 0 : index
    %get3A_2 = vector.load %arg3[%get3A, %get3A_0, %get3A_1] : memref<2x400x128xf32, #tpu.memory_space<vmem>>, vector<1x400x128xf32>
    %get3A_3 = vector.shape_cast %get3A_2 : vector<1x400x128xf32> to vector<400x128xf32>
    %get3A_4 = arith.constant 1 : index
    %get3A_5 = arith.constant 0 : index
    %get3A_6 = arith.constant 0 : index
    %get3A_7 = vector.load %arg3[%get3A_4, %get3A_5, %get3A_6] : memref<2x400x128xf32, #tpu.memory_space<vmem>>, vector<1x400x128xf32>
    %get3A_8 = vector.shape_cast %get3A_7 : vector<1x400x128xf32> to vector<400x128xf32>
    %add3A = arith.addf %get3A_3, %get3A_8 : vector<400x128xf32>
    %slice3A = vector.extract_strided_slice %add3A {offsets = [0, 0], sizes = [400, 1], strides = [1, 1]} : vector<400x128xf32> to vector<400x1xf32>
    %add3A_9 = arith.constant 1.000000e+00 : f32
    %add3A_10 = vector.broadcast %add3A_9 : f32 to vector<400x1xf32>
    %add3A_11 = arith.addf %slice3A, %add3A_10 : vector<400x1xf32>
    %rsqrt3A = math.rsqrt %add3A_11 : vector<400x1xf32>
    %get3A_12 = arith.constant 0 : index
    %get3A_13 = arith.constant 0 : index
    %get3A_14 = arith.constant 0 : index
    %get3A_15 = vector.load %arg1[%get3A_12, %get3A_13, %get3A_14] : memref<2x400x128xf32, #tpu.memory_space<vmem>>, vector<1x400x128xf32>
    %get3A_16 = vector.shape_cast %get3A_15 : vector<1x400x128xf32> to vector<400x128xf32>
    %get3A_17 = arith.constant 1 : index
    %get3A_18 = arith.constant 0 : index
    %get3A_19 = arith.constant 0 : index
    %get3A_20 = vector.load %arg1[%get3A_17, %get3A_18, %get3A_19] : memref<2x400x128xf32, #tpu.memory_space<vmem>>, vector<1x400x128xf32>
    %get3A_21 = vector.shape_cast %get3A_20 : vector<1x400x128xf32> to vector<400x128xf32>
    %add3A_22 = arith.addf %get3A_16, %get3A_21 : vector<400x128xf32>
    %get3A_23 = arith.constant 0 : index
    %get3A_24 = arith.constant 0 : index
    %get3A_25 = vector.load %arg2[%get3A_23, %get3A_24] : memref<400x128xf32, #tpu.memory_space<vmem>>, vector<400x128xf32>
    %add3A_26 = arith.addf %add3A_22, %get3A_25 : vector<400x128xf32>
    %mul3A = vector.broadcast %rsqrt3A : vector<400x1xf32> to vector<400x128xf32>
    %mul3A_27 = arith.mulf %mul3A, %add3A_26 : vector<400x128xf32>
    %get3A_28 = arith.constant 0 : index
    %get3A_29 = arith.constant 0 : index
    %get3A_30 = vector.load %arg4[%get3A_28, %get3A_29] : memref<1x128xf32, #tpu.memory_space<vmem>>, vector<1x128xf32>
    %add3A_31 = vector.broadcast %get3A_30 : vector<1x128xf32> to vector<400x128xf32>
    %add3A_32 = arith.addf %mul3A_27, %add3A_31 : vector<400x128xf32>
    %swap3A = arith.constant 0 : index
    %swap3A_33 = arith.constant 0 : index
    %swap3A_34 = vector.load %arg5[%swap3A, %swap3A_33] : memref<400x128xf32, #tpu.memory_space<vmem>>, vector<400x128xf32>
    tpu.vector_store %arg5[%swap3A, %swap3A_33], %add3A_32 {strides = array<i32>} : memref<400x128xf32, #tpu.memory_space<vmem>>, vector<400x128xf32>,
    %eq3A = arith.constant 0 : i32
    %eq3A_35 = arith.cmpi eq, %arg0, %eq3A : i32
    %convert_element_type3A = arith.extui %eq3A_35 : i1 to i32
    %cond3A = arith.constant 0 : i32
    %cond3A_36 = arith.cmpi ne, %convert_element_type3A, %cond3A : i32
    scf.if %cond3A_36 {
      %broadcast_in_dim3A = arith.constant 0.000000e+00 : f32
      %broadcast_in_dim3A_66 = vector.broadcast %broadcast_in_dim3A : f32 to vector<2x128xf32>
      %swap3A_67 = arith.constant 0 : index
      %swap3A_68 = arith.constant 0 : index
      %swap3A_69 = vector.load %arg7[%swap3A_67, %swap3A_68] : memref<2x128xf32, #tpu.memory_space<vmem>>, vector<2x128xf32>
      tpu.vector_store %arg7[%swap3A_67, %swap3A_68], %broadcast_in_dim3A_66 {strides = array<i32>} : memref<2x128xf32, #tpu.memory_space<vmem>>, vector<2x128xf32>,
    } else {
    }
    %get3A_37 = arith.constant 0 : index
    %get3A_38 = arith.constant 0 : index
    %get3A_39 = vector.load %arg7[%get3A_37, %get3A_38] : memref<2x128xf32, #tpu.memory_space<vmem>>, vector<1x128xf32>
    %get3A_40 = vector.shape_cast %get3A_39 : vector<1x128xf32> to vector<128xf32>
    %reduce_sum3A = arith.constant dense<0.000000e+00> : vector<128xf32>
    %reduce_sum3A_41 = vector.multi_reduction <add>, %add3A_32, %reduce_sum3A [0] : vector<400x128xf32> to vector<128xf32>
    %add3A_42 = arith.addf %get3A_40, %reduce_sum3A_41 : vector<128xf32>
    %swap3A_43 = arith.constant 0 : index
    %swap3A_44 = arith.constant 0 : index
    %swap3A_45 = vector.load %arg7[%swap3A_43, %swap3A_44] : memref<2x128xf32, #tpu.memory_space<vmem>>, vector<1x128xf32>
    %swap3A_46 = vector.shape_cast %swap3A_45 : vector<1x128xf32> to vector<128xf32>
    %swap3A_47 = vector.shape_cast %add3A_42 : vector<128xf32> to vector<1x128xf32>
    tpu.vector_store %arg7[%swap3A_43, %swap3A_44], %swap3A_47 {strides = array<i32>} : memref<2x128xf32, #tpu.memory_space<vmem>>, vector<1x128xf32>,
    %get3A_48 = arith.constant 1 : index
    %get3A_49 = arith.constant 0 : index
    %get3A_50 = vector.load %arg7[%get3A_48, %get3A_49] : memref<2x128xf32, #tpu.memory_space<vmem>>, vector<1x128xf32>
    %get3A_51 = vector.shape_cast %get3A_50 : vector<1x128xf32> to vector<128xf32>
    %mul3A_52 = arith.mulf %add3A_32, %add3A_32 : vector<400x128xf32>
    %reduce_sum3A_53 = arith.constant dense<0.000000e+00> : vector<128xf32>
    %reduce_sum3A_54 = vector.multi_reduction <add>, %mul3A_52, %reduce_sum3A_53 [0] : vector<400x128xf32> to vector<128xf32>
    %add3A_55 = arith.addf %get3A_51, %reduce_sum3A_54 : vector<128xf32>
    %swap3A_56 = arith.constant 1 : index
    %swap3A_57 = arith.constant 0 : index
    %swap3A_58 = vector.load %arg7[%swap3A_56, %swap3A_57] : memref<2x128xf32, #tpu.memory_space<vmem>>, vector<1x128xf32>
    %swap3A_59 = vector.shape_cast %swap3A_58 : vector<1x128xf32> to vector<128xf32>
    %swap3A_60 = vector.shape_cast %add3A_55 : vector<128xf32> to vector<1x128xf32>
    tpu.vector_store %arg7[%swap3A_56, %swap3A_57], %swap3A_60 {strides = array<i32>} : memref<2x128xf32, #tpu.memory_space<vmem>>, vector<1x128xf32>,
    %eq3A_61 = arith.constant 24 : i32
    %eq3A_62 = arith.cmpi eq, %arg0, %eq3A_61 : i32
    %convert_element_type3A_63 = arith.extui %eq3A_62 : i1 to i32
    %cond3A_64 = arith.constant 0 : i32
    %cond3A_65 = arith.cmpi ne, %convert_element_type3A_63, %cond3A_64 : i32
    scf.if %cond3A_65 {
      %get3A_66 = arith.constant 0 : index
      %get3A_67 = arith.constant 0 : index
      %get3A_68 = vector.load %arg7[%get3A_66, %get3A_67] : memref<2x128xf32, #tpu.memory_space<vmem>>, vector<2x128xf32>
      %swap3A_69 = arith.constant 0 : index
      %swap3A_70 = arith.constant 0 : index
      %swap3A_71 = vector.load %arg6[%swap3A_69, %swap3A_70] : memref<2x128xf32, #tpu.memory_space<vmem>>, vector<2x128xf32>
      tpu.vector_store %arg6[%swap3A_69, %swap3A_70], %get3A_68 {strides = array<i32>} : memref<2x128xf32, #tpu.memory_space<vmem>>, vector<2x128xf32>,
    } else {
    }
    return
  }
  func.func @transform_0(%arg0: i32) -> (i32, i32, i32) {
    %c0_i32 = arith.constant 0 : i32
    %c0_i32_0 = arith.constant 0 : i32
    %c0_i32_1 = arith.constant 0 : i32
    return %c0_i32, %arg0, %c0_i32_0 : i32, i32, i32
  }
  func.func @transform_1(%arg0: i32) -> (i32, i32) {
    %c0_i32 = arith.constant 0 : i32
    %c0_i32_0 = arith.constant 0 : i32
    return %arg0, %c0_i32 : i32, i32
  }
  func.func @transform_2(%arg0: i32) -> (i32, i32, i32) {
    %c0_i32 = arith.constant 0 : i32
    %c0_i32_0 = arith.constant 0 : i32
    %c0_i32_1 = arith.constant 0 : i32
    return %c0_i32, %arg0, %c0_i32_0 : i32, i32, i32
  }
  func.func @transform_3(%arg0: i32) -> (i32, i32) {
    %c0_i32 = arith.constant 0 : i32
    %c0_i32_0 = arith.constant 0 : i32
    %c0_i32_1 = arith.constant 0 : i32
    return %c0_i32, %c0_i32_0 : i32, i32
  }
  func.func @transform_4(%arg0: i32) -> (i32, i32) {
    %c0_i32 = arith.constant 0 : i32
    %c0_i32_0 = arith.constant 0 : i32
    return %arg0, %c0_i32 : i32, i32
  }
  func.func @transform_5(%arg0: i32) -> (i32, i32) {
    %c0_i32 = arith.constant 0 : i32
    %c0_i32_0 = arith.constant 0 : i32
    %c0_i32_1 = arith.constant 0 : i32
    return %c0_i32, %c0_i32_0 : i32, i32
  }
}

module attributes {stable_mosaic.version = 14 : i64} {
  func.func @_combine_body(%arg0: i32, %arg1: memref<2x400x128xf32, #tpu.memory_space<vmem>>, %arg2: memref<2x400x128xf32, #tpu.memory_space<vmem>>, %arg3: memref<400x128xf32, #tpu.memory_space<vmem>>, %arg4: memref<400x16xf32, #tpu.memory_space<vmem>>, %arg5: memref<1x128xf32, #tpu.memory_space<vmem>>, %arg6: memref<400x128xf32, #tpu.memory_space<vmem>>, %arg7: memref<2x128xf32, #tpu.memory_space<vmem>>, %arg8: memref<2x128xf32, #tpu.memory_space<vmem>>) attributes {dimension_semantics = [#tpu.dimension_semantics<arbitrary>], iteration_bounds = array<i64: 25>, scalar_prefetch = 0 : i64, scratch_operands = 1 : i64, tpu.core_type = #tpu.core_type<tc>, window_params = [{transform_indices = @transform_0, window_bounds = array<i64: 2, 400, 128>}, {transform_indices = @transform_1, window_bounds = array<i64: 2, 400, 128>}, {transform_indices = @transform_2, window_bounds = array<i64: 400, 128>}, {transform_indices = @transform_3, window_bounds = array<i64: 400, 16>}, {pipeline_mode = #tpu.pipeline_mode<synchronous>, transform_indices = @transform_4, window_bounds = array<i64: 1, 128>}, {transform_indices = @transform_5, window_bounds = array<i64: 400, 128>}, {pipeline_mode = #tpu.pipeline_mode<synchronous>, transform_indices = @transform_6, window_bounds = array<i64: 2, 128>}]} {
    %get3A = arith.constant 0 : index
    %get3A_0 = arith.constant 0 : index
    %get3A_1 = arith.constant 0 : index
    %get3A_2 = vector.load %arg1[%get3A, %get3A_0, %get3A_1] : memref<2x400x128xf32, #tpu.memory_space<vmem>>, vector<1x400x128xf32>
    %get3A_3 = vector.shape_cast %get3A_2 : vector<1x400x128xf32> to vector<400x128xf32>
    %get3A_4 = arith.constant 1 : index
    %get3A_5 = arith.constant 0 : index
    %get3A_6 = arith.constant 0 : index
    %get3A_7 = vector.load %arg1[%get3A_4, %get3A_5, %get3A_6] : memref<2x400x128xf32, #tpu.memory_space<vmem>>, vector<1x400x128xf32>
    %get3A_8 = vector.shape_cast %get3A_7 : vector<1x400x128xf32> to vector<400x128xf32>
    %add3A = arith.addf %get3A_3, %get3A_8 : vector<400x128xf32>
    %get3A_9 = arith.constant 0 : index
    %get3A_10 = arith.constant 0 : index
    %get3A_11 = vector.load %arg3[%get3A_9, %get3A_10] : memref<400x128xf32, #tpu.memory_space<vmem>>, vector<400x128xf32>
    %add3A_12 = arith.addf %add3A, %get3A_11 : vector<400x128xf32>
    %get3A_13 = arith.constant 0 : index
    %get3A_14 = arith.constant 0 : index
    %get3A_15 = arith.constant 0 : index
    %get3A_16 = vector.load %arg2[%get3A_13, %get3A_14, %get3A_15] : memref<2x400x128xf32, #tpu.memory_space<vmem>>, vector<1x400x128xf32>
    %get3A_17 = vector.shape_cast %get3A_16 : vector<1x400x128xf32> to vector<400x128xf32>
    %slice3A = vector.extract_strided_slice %get3A_17 {offsets = [0, 0], sizes = [400, 16], strides = [1, 1]} : vector<400x128xf32> to vector<400x16xf32>
    %get3A_18 = arith.constant 1 : index
    %get3A_19 = arith.constant 0 : index
    %get3A_20 = arith.constant 0 : index
    %get3A_21 = vector.load %arg2[%get3A_18, %get3A_19, %get3A_20] : memref<2x400x128xf32, #tpu.memory_space<vmem>>, vector<1x400x128xf32>
    %get3A_22 = vector.shape_cast %get3A_21 : vector<1x400x128xf32> to vector<400x128xf32>
    %slice3A_23 = vector.extract_strided_slice %get3A_22 {offsets = [0, 0], sizes = [400, 16], strides = [1, 1]} : vector<400x128xf32> to vector<400x16xf32>
    %add3A_24 = arith.addf %slice3A, %slice3A_23 : vector<400x16xf32>
    %get3A_25 = arith.constant 0 : index
    %get3A_26 = arith.constant 0 : index
    %get3A_27 = vector.load %arg4[%get3A_25, %get3A_26] : memref<400x16xf32, #tpu.memory_space<vmem>>, vector<400x16xf32>
    %add3A_28 = arith.addf %add3A_24, %get3A_27 : vector<400x16xf32>
    %iota3A = tpu.iota {dimensions = array<i32: 0>} : vector<8x128xi32>
    %iota3A_29 = tpu.iota {dimensions = array<i32: 1>} : vector<8x128xi32>
    %jit3A = arith.constant 8 : i32
    %eq3A = arith.constant 0 : i32
    %eq3A_30 = arith.cmpi eq, %jit3A, %eq3A : i32
    %jit3A_31 = arith.constant 1 : i32
    %select_n3A = arith.select %eq3A_30, %jit3A_31, %jit3A : i32
    %rem3A = vector.broadcast %select_n3A : i32 to vector<8x128xi32>
    %rem3A_32 = arith.remsi %iota3A_29, %rem3A : vector<8x128xi32>
    %ne3A = arith.constant 0 : i32
    %ne3A_33 = vector.broadcast %ne3A : i32 to vector<8x128xi32>
    %ne3A_34 = arith.cmpi ne, %rem3A_32, %ne3A_33 : vector<8x128xi32>
    %lt3A = arith.constant 0 : i32
    %lt3A_35 = vector.broadcast %lt3A : i32 to vector<8x128xi32>
    %lt3A_36 = arith.cmpi slt, %rem3A_32, %lt3A_35 : vector<8x128xi32>
    %lt3A_37 = arith.constant 0 : i32
    %lt3A_38 = arith.cmpi slt, %select_n3A, %lt3A_37 : i32
    %ne3A_39 = vector.broadcast %lt3A_38 : i1 to vector<8x128xi1>
    %ne3A_40 = vector.broadcast %ne3A_39 : vector<8x128xi1> to vector<8x128xi1>
    %ne3A_41 = arith.xori %lt3A_36, %ne3A_40 : vector<8x128xi1>
    %and3A = arith.andi %ne3A_41, %ne3A_34 : vector<8x128xi1>
    %add3A_42 = vector.broadcast %select_n3A : i32 to vector<8x128xi32>
    %add3A_43 = arith.addi %rem3A_32, %add3A_42 : vector<8x128xi32>
    %select_n3A_44 = arith.select %and3A, %add3A_43, %rem3A_32 : vector<8x128xi1>, vector<8x128xi32>
    %eq3A_45 = arith.cmpi eq, %select_n3A_44, %iota3A : vector<8x128xi32>
    %convert_element_type3A = arith.extui %eq3A_45 : vector<8x128xi1> to vector<8x128xi32>
    %convert_element_type3A_46 = arith.sitofp %convert_element_type3A : vector<8x128xi32> to vector<8x128xf32>
    %slice3A_47 = vector.extract_strided_slice %add3A_28 {offsets = [0, 0], sizes = [400, 8], strides = [1, 1]} : vector<400x16xf32> to vector<400x8xf32>
    %dot_general3A = arith.constant dense<0.000000e+00> : vector<400x128xf32>
    %dot_general3A_48 = tpu.matmul %slice3A_47, %convert_element_type3A_46, %dot_general3A {dimension_numbers = #tpu.dot_dimension_numbers<[1], [0], [0], [1], [0, 0, 1, 1], [], []>, transpose_lhs_hint = false} : vector<400x8xf32>, vector<8x128xf32>, vector<400x128xf32> -> vector<400x128xf32>
    %add3A_49 = arith.constant 1.000000e-16 : f32
    %add3A_50 = vector.broadcast %add3A_49 : f32 to vector<400x128xf32>
    %add3A_51 = arith.addf %dot_general3A_48, %add3A_50 : vector<400x128xf32>
    %div3A = arith.divf %add3A_12, %add3A_51 : vector<400x128xf32>
    %get3A_52 = arith.constant 0 : index
    %get3A_53 = arith.constant 0 : index
    %get3A_54 = vector.load %arg5[%get3A_52, %get3A_53] : memref<1x128xf32, #tpu.memory_space<vmem>>, vector<1x128xf32>
    %add3A_55 = vector.broadcast %get3A_54 : vector<1x128xf32> to vector<400x128xf32>
    %add3A_56 = arith.addf %div3A, %add3A_55 : vector<400x128xf32>
    %swap3A = arith.constant 0 : index
    %swap3A_57 = arith.constant 0 : index
    %swap3A_58 = vector.load %arg6[%swap3A, %swap3A_57] : memref<400x128xf32, #tpu.memory_space<vmem>>, vector<400x128xf32>
    tpu.vector_store %arg6[%swap3A, %swap3A_57], %add3A_56 {strides = array<i32>} : memref<400x128xf32, #tpu.memory_space<vmem>>, vector<400x128xf32>,
    %eq3A_59 = arith.constant 0 : i32
    %eq3A_60 = arith.cmpi eq, %arg0, %eq3A_59 : i32
    %convert_element_type3A_61 = arith.extui %eq3A_60 : i1 to i32
    %cond3A = arith.constant 0 : i32
    %cond3A_62 = arith.cmpi ne, %convert_element_type3A_61, %cond3A : i32
    scf.if %cond3A_62 {
      %broadcast_in_dim3A = arith.constant 0.000000e+00 : f32
      %broadcast_in_dim3A_91 = vector.broadcast %broadcast_in_dim3A : f32 to vector<2x128xf32>
      %swap3A_92 = arith.constant 0 : index
      %swap3A_93 = arith.constant 0 : index
      %swap3A_94 = vector.load %arg8[%swap3A_92, %swap3A_93] : memref<2x128xf32, #tpu.memory_space<vmem>>, vector<2x128xf32>
      tpu.vector_store %arg8[%swap3A_92, %swap3A_93], %broadcast_in_dim3A_91 {strides = array<i32>} : memref<2x128xf32, #tpu.memory_space<vmem>>, vector<2x128xf32>,
    } else {
    }
    %get3A_63 = arith.constant 0 : index
    %get3A_64 = arith.constant 0 : index
    %get3A_65 = vector.load %arg8[%get3A_63, %get3A_64] : memref<2x128xf32, #tpu.memory_space<vmem>>, vector<1x128xf32>
    %get3A_66 = vector.shape_cast %get3A_65 : vector<1x128xf32> to vector<128xf32>
    %reduce_sum3A = arith.constant dense<0.000000e+00> : vector<128xf32>
    %reduce_sum3A_67 = vector.multi_reduction <add>, %add3A_56, %reduce_sum3A [0] : vector<400x128xf32> to vector<128xf32>
    %add3A_68 = arith.addf %get3A_66, %reduce_sum3A_67 : vector<128xf32>
    %swap3A_69 = arith.constant 0 : index
    %swap3A_70 = arith.constant 0 : index
    %swap3A_71 = vector.load %arg8[%swap3A_69, %swap3A_70] : memref<2x128xf32, #tpu.memory_space<vmem>>, vector<1x128xf32>
    %swap3A_72 = vector.shape_cast %swap3A_71 : vector<1x128xf32> to vector<128xf32>
    %swap3A_73 = vector.shape_cast %add3A_68 : vector<128xf32> to vector<1x128xf32>
    tpu.vector_store %arg8[%swap3A_69, %swap3A_70], %swap3A_73 {strides = array<i32>} : memref<2x128xf32, #tpu.memory_space<vmem>>, vector<1x128xf32>,
    %get3A_74 = arith.constant 1 : index
    %get3A_75 = arith.constant 0 : index
    %get3A_76 = vector.load %arg8[%get3A_74, %get3A_75] : memref<2x128xf32, #tpu.memory_space<vmem>>, vector<1x128xf32>
    %get3A_77 = vector.shape_cast %get3A_76 : vector<1x128xf32> to vector<128xf32>
    %mul3A = arith.mulf %add3A_56, %add3A_56 : vector<400x128xf32>
    %reduce_sum3A_78 = arith.constant dense<0.000000e+00> : vector<128xf32>
    %reduce_sum3A_79 = vector.multi_reduction <add>, %mul3A, %reduce_sum3A_78 [0] : vector<400x128xf32> to vector<128xf32>
    %add3A_80 = arith.addf %get3A_77, %reduce_sum3A_79 : vector<128xf32>
    %swap3A_81 = arith.constant 1 : index
    %swap3A_82 = arith.constant 0 : index
    %swap3A_83 = vector.load %arg8[%swap3A_81, %swap3A_82] : memref<2x128xf32, #tpu.memory_space<vmem>>, vector<1x128xf32>
    %swap3A_84 = vector.shape_cast %swap3A_83 : vector<1x128xf32> to vector<128xf32>
    %swap3A_85 = vector.shape_cast %add3A_80 : vector<128xf32> to vector<1x128xf32>
    tpu.vector_store %arg8[%swap3A_81, %swap3A_82], %swap3A_85 {strides = array<i32>} : memref<2x128xf32, #tpu.memory_space<vmem>>, vector<1x128xf32>,
    %eq3A_86 = arith.constant 24 : i32
    %eq3A_87 = arith.cmpi eq, %arg0, %eq3A_86 : i32
    %convert_element_type3A_88 = arith.extui %eq3A_87 : i1 to i32
    %cond3A_89 = arith.constant 0 : i32
    %cond3A_90 = arith.cmpi ne, %convert_element_type3A_88, %cond3A_89 : i32
    scf.if %cond3A_90 {
      %get3A_91 = arith.constant 0 : index
      %get3A_92 = arith.constant 0 : index
      %get3A_93 = vector.load %arg8[%get3A_91, %get3A_92] : memref<2x128xf32, #tpu.memory_space<vmem>>, vector<2x128xf32>
      %swap3A_94 = arith.constant 0 : index
      %swap3A_95 = arith.constant 0 : index
      %swap3A_96 = vector.load %arg7[%swap3A_94, %swap3A_95] : memref<2x128xf32, #tpu.memory_space<vmem>>, vector<2x128xf32>
      tpu.vector_store %arg7[%swap3A_94, %swap3A_95], %get3A_93 {strides = array<i32>} : memref<2x128xf32, #tpu.memory_space<vmem>>, vector<2x128xf32>,
    } else {
    }
    return
  }
  func.func @transform_0(%arg0: i32) -> (i32, i32, i32) {
    %c0_i32 = arith.constant 0 : i32
    %c0_i32_0 = arith.constant 0 : i32
    %c0_i32_1 = arith.constant 0 : i32
    return %c0_i32, %arg0, %c0_i32_0 : i32, i32, i32
  }
  func.func @transform_1(%arg0: i32) -> (i32, i32, i32) {
    %c0_i32 = arith.constant 0 : i32
    %c0_i32_0 = arith.constant 0 : i32
    %c0_i32_1 = arith.constant 0 : i32
    return %c0_i32, %arg0, %c0_i32_0 : i32, i32, i32
  }
  func.func @transform_2(%arg0: i32) -> (i32, i32) {
    %c0_i32 = arith.constant 0 : i32
    %c0_i32_0 = arith.constant 0 : i32
    return %arg0, %c0_i32 : i32, i32
  }
  func.func @transform_3(%arg0: i32) -> (i32, i32) {
    %c0_i32 = arith.constant 0 : i32
    %c0_i32_0 = arith.constant 0 : i32
    return %arg0, %c0_i32 : i32, i32
  }
  func.func @transform_4(%arg0: i32) -> (i32, i32) {
    %c0_i32 = arith.constant 0 : i32
    %c0_i32_0 = arith.constant 0 : i32
    %c0_i32_1 = arith.constant 0 : i32
    return %c0_i32, %c0_i32_0 : i32, i32
  }
  func.func @transform_5(%arg0: i32) -> (i32, i32) {
    %c0_i32 = arith.constant 0 : i32
    %c0_i32_0 = arith.constant 0 : i32
    return %arg0, %c0_i32 : i32, i32
  }
  func.func @transform_6(%arg0: i32) -> (i32, i32) {
    %c0_i32 = arith.constant 0 : i32
    %c0_i32_0 = arith.constant 0 : i32
    %c0_i32_1 = arith.constant 0 : i32
    return %c0_i32, %c0_i32_0 : i32, i32
  }
}

module attributes {stable_mosaic.version = 14 : i64} {
  func.func @_norm_mm_body(%arg0: i32, %arg1: memref<400x128xf32, #tpu.memory_space<vmem>>, %arg2: memref<1x1xf32, #tpu.memory_space<smem>>, %arg3: memref<1x1xf32, #tpu.memory_space<smem>>, %arg4: memref<1x128xf32, #tpu.memory_space<vmem>>, %arg5: memref<1x128xf32, #tpu.memory_space<vmem>>, %arg6: memref<128x128xf32, #tpu.memory_space<vmem>>, %arg7: memref<128x128xf32, #tpu.memory_space<vmem>>, %arg8: memref<1x128xf32, #tpu.memory_space<vmem>>, %arg9: memref<400x128xf32, #tpu.memory_space<vmem>>, %arg10: memref<400x128xf32, #tpu.memory_space<vmem>>, %arg11: memref<400x128xf32, #tpu.memory_space<vmem>>, %arg12: memref<400x16xf32, #tpu.memory_space<vmem>>) attributes {dimension_semantics = [#tpu.dimension_semantics<arbitrary>], iteration_bounds = array<i64: 25>, scalar_prefetch = 0 : i64, scratch_operands = 0 : i64, tpu.core_type = #tpu.core_type<tc>, window_params = [{transform_indices = @transform_0, window_bounds = array<i64: 400, 128>}, {transform_indices = @transform_1, window_bounds = array<i64: 1, 1>}, {transform_indices = @transform_2, window_bounds = array<i64: 1, 1>}, {pipeline_mode = #tpu.pipeline_mode<synchronous>, transform_indices = @transform_3, window_bounds = array<i64: 1, 128>}, {pipeline_mode = #tpu.pipeline_mode<synchronous>, transform_indices = @transform_4, window_bounds = array<i64: 1, 128>}, {pipeline_mode = #tpu.pipeline_mode<synchronous>, transform_indices = @transform_5, window_bounds = array<i64: 128, 128>}, {pipeline_mode = #tpu.pipeline_mode<synchronous>, transform_indices = @transform_6, window_bounds = array<i64: 128, 128>}, {pipeline_mode = #tpu.pipeline_mode<synchronous>, transform_indices = @transform_7, window_bounds = array<i64: 1, 128>}, {transform_indices = @transform_8, window_bounds = array<i64: 400, 128>}, {transform_indices = @transform_9, window_bounds = array<i64: 400, 128>}, {transform_indices = @transform_10, window_bounds = array<i64: 400, 128>}, {transform_indices = @transform_11, window_bounds = array<i64: 400, 16>}]} {
    %get3A = arith.constant 0 : index
    %get3A_0 = arith.constant 0 : index
    %get3A_1 = vector.load %arg1[%get3A, %get3A_0] : memref<400x128xf32, #tpu.memory_space<vmem>>, vector<400x128xf32>
    %get3A_2 = arith.constant 0 : index
    %get3A_3 = arith.constant 0 : index
    %get3A_4 = memref.load %arg2[%get3A_2, %get3A_3] : memref<1x1xf32, #tpu.memory_space<smem>>
    %sub3A = vector.broadcast %get3A_4 : f32 to vector<400x128xf32>
    %sub3A_5 = arith.subf %get3A_1, %sub3A : vector<400x128xf32>
    %get3A_6 = arith.constant 0 : index
    %get3A_7 = arith.constant 0 : index
    %get3A_8 = memref.load %arg3[%get3A_6, %get3A_7] : memref<1x1xf32, #tpu.memory_space<smem>>
    %mul3A = vector.broadcast %get3A_8 : f32 to vector<400x128xf32>
    %mul3A_9 = arith.mulf %sub3A_5, %mul3A : vector<400x128xf32>
    %get3A_10 = arith.constant 0 : index
    %get3A_11 = arith.constant 0 : index
    %get3A_12 = vector.load %arg4[%get3A_10, %get3A_11] : memref<1x128xf32, #tpu.memory_space<vmem>>, vector<1x128xf32>
    %mul3A_13 = vector.broadcast %get3A_12 : vector<1x128xf32> to vector<400x128xf32>
    %mul3A_14 = arith.mulf %mul3A_9, %mul3A_13 : vector<400x128xf32>
    %get3A_15 = arith.constant 0 : index
    %get3A_16 = arith.constant 0 : index
    %get3A_17 = vector.load %arg5[%get3A_15, %get3A_16] : memref<1x128xf32, #tpu.memory_space<vmem>>, vector<1x128xf32>
    %add3A = vector.broadcast %get3A_17 : vector<1x128xf32> to vector<400x128xf32>
    %add3A_18 = arith.addf %mul3A_14, %add3A : vector<400x128xf32>
    %max3A = arith.constant 0.000000e+00 : f32
    %max3A_19 = vector.broadcast %max3A : f32 to vector<400x128xf32>
    %max3A_20 = arith.maximumf %add3A_18, %max3A_19 : vector<400x128xf32>
    %get3A_21 = arith.constant 0 : index
    %get3A_22 = arith.constant 0 : index
    %get3A_23 = vector.load %arg6[%get3A_21, %get3A_22] : memref<128x128xf32, #tpu.memory_space<vmem>>, vector<128x128xf32>
    %dot_general3A = arith.constant dense<0.000000e+00> : vector<400x128xf32>
    %dot_general3A_24 = tpu.matmul %max3A_20, %get3A_23, %dot_general3A {dimension_numbers = #tpu.dot_dimension_numbers<[1], [0], [0], [1], [0, 0, 1, 1], [], []>, transpose_lhs_hint = false} : vector<400x128xf32>, vector<128x128xf32>, vector<400x128xf32> -> vector<400x128xf32>
    %get3A_25 = arith.constant 0 : index
    %get3A_26 = arith.constant 0 : index
    %get3A_27 = vector.load %arg7[%get3A_25, %get3A_26] : memref<128x128xf32, #tpu.memory_space<vmem>>, vector<128x128xf32>
    %dot_general3A_28 = arith.constant dense<0.000000e+00> : vector<400x128xf32>
    %dot_general3A_29 = tpu.matmul %max3A_20, %get3A_27, %dot_general3A_28 {dimension_numbers = #tpu.dot_dimension_numbers<[1], [0], [0], [1], [0, 0, 1, 1], [], []>, transpose_lhs_hint = false} : vector<400x128xf32>, vector<128x128xf32>, vector<400x128xf32> -> vector<400x128xf32>
    %swap3A = arith.constant 0 : index
    %swap3A_30 = arith.constant 0 : index
    %swap3A_31 = vector.load %arg9[%swap3A, %swap3A_30] : memref<400x128xf32, #tpu.memory_space<vmem>>, vector<400x128xf32>
    tpu.vector_store %arg9[%swap3A, %swap3A_30], %dot_general3A_24 {strides = array<i32>} : memref<400x128xf32, #tpu.memory_space<vmem>>, vector<400x128xf32>,
    %swap3A_32 = arith.constant 0 : index
    %swap3A_33 = arith.constant 0 : index
    %swap3A_34 = vector.load %arg10[%swap3A_32, %swap3A_33] : memref<400x128xf32, #tpu.memory_space<vmem>>, vector<400x128xf32>
    tpu.vector_store %arg10[%swap3A_32, %swap3A_33], %dot_general3A_29 {strides = array<i32>} : memref<400x128xf32, #tpu.memory_space<vmem>>, vector<400x128xf32>,
    %add3A_35 = arith.addf %dot_general3A_24, %dot_general3A_29 : vector<400x128xf32>
    %mul3A_36 = arith.constant 2.000000e-01 : f32
    %mul3A_37 = vector.broadcast %mul3A_36 : f32 to vector<400x128xf32>
    %mul3A_38 = arith.mulf %mul3A_37, %add3A_35 : vector<400x128xf32>
    %max3A_39 = arith.maximumf %add3A_35, %mul3A_38 : vector<400x128xf32>
    %get3A_40 = arith.constant 0 : index
    %get3A_41 = arith.constant 0 : index
    %get3A_42 = vector.load %arg8[%get3A_40, %get3A_41] : memref<1x128xf32, #tpu.memory_space<vmem>>, vector<1x128xf32>
    %mul3A_43 = vector.broadcast %get3A_42 : vector<1x128xf32> to vector<400x128xf32>
    %mul3A_44 = arith.mulf %max3A_39, %mul3A_43 : vector<400x128xf32>
    %reduce_sum3A = arith.constant dense<0.000000e+00> : vector<400xf32>
    %reduce_sum3A_45 = vector.multi_reduction <add>, %mul3A_44, %reduce_sum3A [1] : vector<400x128xf32> to vector<400xf32>
    %broadcast_in_dim3A = vector.shape_cast %reduce_sum3A_45 : vector<400xf32> to vector<400x1xf32>
    %exp3A = math.exp %broadcast_in_dim3A : vector<400x1xf32>
    %mul3A_46 = vector.broadcast %exp3A : vector<400x1xf32> to vector<400x128xf32>
    %mul3A_47 = arith.mulf %mul3A_46, %dot_general3A_24 : vector<400x128xf32>
    %swap3A_48 = arith.constant 0 : index
    %swap3A_49 = arith.constant 0 : index
    %swap3A_50 = vector.load %arg11[%swap3A_48, %swap3A_49] : memref<400x128xf32, #tpu.memory_space<vmem>>, vector<400x128xf32>
    tpu.vector_store %arg11[%swap3A_48, %swap3A_49], %mul3A_47 {strides = array<i32>} : memref<400x128xf32, #tpu.memory_space<vmem>>, vector<400x128xf32>,
    %broadcast_in_dim3A_51 = arith.constant 1.000000e+00 : f32
    %broadcast_in_dim3A_52 = vector.broadcast %broadcast_in_dim3A_51 : f32 to vector<1x16xf32>
    %mul3A_53 = vector.broadcast %exp3A : vector<400x1xf32> to vector<400x16xf32>
    %mul3A_54 = vector.broadcast %broadcast_in_dim3A_52 : vector<1x16xf32> to vector<400x16xf32>
    %mul3A_55 = arith.mulf %mul3A_53, %mul3A_54 : vector<400x16xf32>
    %swap3A_56 = arith.constant 0 : index
    %swap3A_57 = arith.constant 0 : index
    %swap3A_58 = vector.load %arg12[%swap3A_56, %swap3A_57] : memref<400x16xf32, #tpu.memory_space<vmem>>, vector<400x16xf32>
    tpu.vector_store %arg12[%swap3A_56, %swap3A_57], %mul3A_55 {strides = array<i32>} : memref<400x16xf32, #tpu.memory_space<vmem>>, vector<400x16xf32>,
    return
  }
  func.func @transform_0(%arg0: i32) -> (i32, i32) {
    %c0_i32 = arith.constant 0 : i32
    %c0_i32_0 = arith.constant 0 : i32
    return %arg0, %c0_i32 : i32, i32
  }
  func.func @transform_1(%arg0: i32) -> (i32, i32) {
    %c0_i32 = arith.constant 0 : i32
    %c0_i32_0 = arith.constant 0 : i32
    %c0_i32_1 = arith.constant 0 : i32
    return %c0_i32, %c0_i32_0 : i32, i32
  }
  func.func @transform_2(%arg0: i32) -> (i32, i32) {
    %c0_i32 = arith.constant 0 : i32
    %c0_i32_0 = arith.constant 0 : i32
    %c0_i32_1 = arith.constant 0 : i32
    return %c0_i32, %c0_i32_0 : i32, i32
  }
  func.func @transform_3(%arg0: i32) -> (i32, i32) {
    %c0_i32 = arith.constant 0 : i32
    %c0_i32_0 = arith.constant 0 : i32
    %c0_i32_1 = arith.constant 0 : i32
    return %c0_i32, %c0_i32_0 : i32, i32
  }
  func.func @transform_4(%arg0: i32) -> (i32, i32) {
    %c0_i32 = arith.constant 0 : i32
    %c0_i32_0 = arith.constant 0 : i32
    %c0_i32_1 = arith.constant 0 : i32
    return %c0_i32, %c0_i32_0 : i32, i32
  }
  func.func @transform_5(%arg0: i32) -> (i32, i32) {
    %c0_i32 = arith.constant 0 : i32
    %c0_i32_0 = arith.constant 0 : i32
    %c0_i32_1 = arith.constant 0 : i32
    return %c0_i32, %c0_i32_0 : i32, i32
  }
  func.func @transform_6(%arg0: i32) -> (i32, i32) {
    %c0_i32 = arith.constant 0 : i32
    %c0_i32_0 = arith.constant 0 : i32
    %c0_i32_1 = arith.constant 0 : i32
    return %c0_i32, %c0_i32_0 : i32, i32
  }
  func.func @transform_7(%arg0: i32) -> (i32, i32) {
    %c0_i32 = arith.constant 0 : i32
    %c0_i32_0 = arith.constant 0 : i32
    %c0_i32_1 = arith.constant 0 : i32
    return %c0_i32, %c0_i32_0 : i32, i32
  }
  func.func @transform_8(%arg0: i32) -> (i32, i32) {
    %c0_i32 = arith.constant 0 : i32
    %c0_i32_0 = arith.constant 0 : i32
    return %arg0, %c0_i32 : i32, i32
  }
  func.func @transform_9(%arg0: i32) -> (i32, i32) {
    %c0_i32 = arith.constant 0 : i32
    %c0_i32_0 = arith.constant 0 : i32
    return %arg0, %c0_i32 : i32, i32
  }
  func.func @transform_10(%arg0: i32) -> (i32, i32) {
    %c0_i32 = arith.constant 0 : i32
    %c0_i32_0 = arith.constant 0 : i32
    return %arg0, %c0_i32 : i32, i32
  }
  func.func @transform_11(%arg0: i32) -> (i32, i32) {
    %c0_i32 = arith.constant 0 : i32
    %c0_i32_0 = arith.constant 0 : i32
    return %arg0, %c0_i32 : i32, i32
  }
}

module attributes {stable_mosaic.version = 14 : i64} {
  func.func @_combine_body(%arg0: i32, %arg1: memref<2x400x128xf32, #tpu.memory_space<vmem>>, %arg2: memref<2x400x128xf32, #tpu.memory_space<vmem>>, %arg3: memref<400x128xf32, #tpu.memory_space<vmem>>, %arg4: memref<400x16xf32, #tpu.memory_space<vmem>>, %arg5: memref<1x128xf32, #tpu.memory_space<vmem>>, %arg6: memref<400x128xf32, #tpu.memory_space<vmem>>, %arg7: memref<2x128xf32, #tpu.memory_space<vmem>>, %arg8: memref<2x128xf32, #tpu.memory_space<vmem>>) attributes {dimension_semantics = [#tpu.dimension_semantics<arbitrary>], iteration_bounds = array<i64: 25>, scalar_prefetch = 0 : i64, scratch_operands = 1 : i64, tpu.core_type = #tpu.core_type<tc>, window_params = [{transform_indices = @transform_0, window_bounds = array<i64: 2, 400, 128>}, {transform_indices = @transform_1, window_bounds = array<i64: 2, 400, 128>}, {transform_indices = @transform_2, window_bounds = array<i64: 400, 128>}, {transform_indices = @transform_3, window_bounds = array<i64: 400, 16>}, {pipeline_mode = #tpu.pipeline_mode<synchronous>, transform_indices = @transform_4, window_bounds = array<i64: 1, 128>}, {transform_indices = @transform_5, window_bounds = array<i64: 400, 128>}, {pipeline_mode = #tpu.pipeline_mode<synchronous>, transform_indices = @transform_6, window_bounds = array<i64: 2, 128>}]} {
    %get3A = arith.constant 0 : index
    %get3A_0 = arith.constant 0 : index
    %get3A_1 = arith.constant 0 : index
    %get3A_2 = vector.load %arg1[%get3A, %get3A_0, %get3A_1] : memref<2x400x128xf32, #tpu.memory_space<vmem>>, vector<1x400x128xf32>
    %get3A_3 = vector.shape_cast %get3A_2 : vector<1x400x128xf32> to vector<400x128xf32>
    %get3A_4 = arith.constant 1 : index
    %get3A_5 = arith.constant 0 : index
    %get3A_6 = arith.constant 0 : index
    %get3A_7 = vector.load %arg1[%get3A_4, %get3A_5, %get3A_6] : memref<2x400x128xf32, #tpu.memory_space<vmem>>, vector<1x400x128xf32>
    %get3A_8 = vector.shape_cast %get3A_7 : vector<1x400x128xf32> to vector<400x128xf32>
    %add3A = arith.addf %get3A_3, %get3A_8 : vector<400x128xf32>
    %get3A_9 = arith.constant 0 : index
    %get3A_10 = arith.constant 0 : index
    %get3A_11 = vector.load %arg3[%get3A_9, %get3A_10] : memref<400x128xf32, #tpu.memory_space<vmem>>, vector<400x128xf32>
    %add3A_12 = arith.addf %add3A, %get3A_11 : vector<400x128xf32>
    %get3A_13 = arith.constant 0 : index
    %get3A_14 = arith.constant 0 : index
    %get3A_15 = arith.constant 0 : index
    %get3A_16 = vector.load %arg2[%get3A_13, %get3A_14, %get3A_15] : memref<2x400x128xf32, #tpu.memory_space<vmem>>, vector<1x400x128xf32>
    %get3A_17 = vector.shape_cast %get3A_16 : vector<1x400x128xf32> to vector<400x128xf32>
    %slice3A = vector.extract_strided_slice %get3A_17 {offsets = [0, 0], sizes = [400, 16], strides = [1, 1]} : vector<400x128xf32> to vector<400x16xf32>
    %get3A_18 = arith.constant 1 : index
    %get3A_19 = arith.constant 0 : index
    %get3A_20 = arith.constant 0 : index
    %get3A_21 = vector.load %arg2[%get3A_18, %get3A_19, %get3A_20] : memref<2x400x128xf32, #tpu.memory_space<vmem>>, vector<1x400x128xf32>
    %get3A_22 = vector.shape_cast %get3A_21 : vector<1x400x128xf32> to vector<400x128xf32>
    %slice3A_23 = vector.extract_strided_slice %get3A_22 {offsets = [0, 0], sizes = [400, 16], strides = [1, 1]} : vector<400x128xf32> to vector<400x16xf32>
    %add3A_24 = arith.addf %slice3A, %slice3A_23 : vector<400x16xf32>
    %get3A_25 = arith.constant 0 : index
    %get3A_26 = arith.constant 0 : index
    %get3A_27 = vector.load %arg4[%get3A_25, %get3A_26] : memref<400x16xf32, #tpu.memory_space<vmem>>, vector<400x16xf32>
    %add3A_28 = arith.addf %add3A_24, %get3A_27 : vector<400x16xf32>
    %broadcast_in_dim3A = arith.constant 6.250000e-02 : f32
    %broadcast_in_dim3A_29 = vector.broadcast %broadcast_in_dim3A : f32 to vector<16x128xf32>
    %dot_general3A = arith.constant dense<0.000000e+00> : vector<400x128xf32>
    %dot_general3A_30 = tpu.matmul %add3A_28, %broadcast_in_dim3A_29, %dot_general3A {dimension_numbers = #tpu.dot_dimension_numbers<[1], [0], [0], [1], [0, 0, 1, 1], [], []>, transpose_lhs_hint = false} : vector<400x16xf32>, vector<16x128xf32>, vector<400x128xf32> -> vector<400x128xf32>
    %add3A_31 = arith.constant 1.000000e-16 : f32
    %add3A_32 = vector.broadcast %add3A_31 : f32 to vector<400x128xf32>
    %add3A_33 = arith.addf %dot_general3A_30, %add3A_32 : vector<400x128xf32>
    %div3A = arith.divf %add3A_12, %add3A_33 : vector<400x128xf32>
    %get3A_34 = arith.constant 0 : index
    %get3A_35 = arith.constant 0 : index
    %get3A_36 = vector.load %arg5[%get3A_34, %get3A_35] : memref<1x128xf32, #tpu.memory_space<vmem>>, vector<1x128xf32>
    %add3A_37 = vector.broadcast %get3A_36 : vector<1x128xf32> to vector<400x128xf32>
    %add3A_38 = arith.addf %div3A, %add3A_37 : vector<400x128xf32>
    %swap3A = arith.constant 0 : index
    %swap3A_39 = arith.constant 0 : index
    %swap3A_40 = vector.load %arg6[%swap3A, %swap3A_39] : memref<400x128xf32, #tpu.memory_space<vmem>>, vector<400x128xf32>
    tpu.vector_store %arg6[%swap3A, %swap3A_39], %add3A_38 {strides = array<i32>} : memref<400x128xf32, #tpu.memory_space<vmem>>, vector<400x128xf32>,
    %eq3A = arith.constant 0 : i32
    %eq3A_41 = arith.cmpi eq, %arg0, %eq3A : i32
    %convert_element_type3A = arith.extui %eq3A_41 : i1 to i32
    %cond3A = arith.constant 0 : i32
    %cond3A_42 = arith.cmpi ne, %convert_element_type3A, %cond3A : i32
    scf.if %cond3A_42 {
      %broadcast_in_dim3A_71 = arith.constant 0.000000e+00 : f32
      %broadcast_in_dim3A_72 = vector.broadcast %broadcast_in_dim3A_71 : f32 to vector<2x128xf32>
      %swap3A_73 = arith.constant 0 : index
      %swap3A_74 = arith.constant 0 : index
      %swap3A_75 = vector.load %arg8[%swap3A_73, %swap3A_74] : memref<2x128xf32, #tpu.memory_space<vmem>>, vector<2x128xf32>
      tpu.vector_store %arg8[%swap3A_73, %swap3A_74], %broadcast_in_dim3A_72 {strides = array<i32>} : memref<2x128xf32, #tpu.memory_space<vmem>>, vector<2x128xf32>,
    } else {
    }
    %get3A_43 = arith.constant 0 : index
    %get3A_44 = arith.constant 0 : index
    %get3A_45 = vector.load %arg8[%get3A_43, %get3A_44] : memref<2x128xf32, #tpu.memory_space<vmem>>, vector<1x128xf32>
    %get3A_46 = vector.shape_cast %get3A_45 : vector<1x128xf32> to vector<128xf32>
    %reduce_sum3A = arith.constant dense<0.000000e+00> : vector<128xf32>
    %reduce_sum3A_47 = vector.multi_reduction <add>, %add3A_38, %reduce_sum3A [0] : vector<400x128xf32> to vector<128xf32>
    %add3A_48 = arith.addf %get3A_46, %reduce_sum3A_47 : vector<128xf32>
    %swap3A_49 = arith.constant 0 : index
    %swap3A_50 = arith.constant 0 : index
    %swap3A_51 = vector.load %arg8[%swap3A_49, %swap3A_50] : memref<2x128xf32, #tpu.memory_space<vmem>>, vector<1x128xf32>
    %swap3A_52 = vector.shape_cast %swap3A_51 : vector<1x128xf32> to vector<128xf32>
    %swap3A_53 = vector.shape_cast %add3A_48 : vector<128xf32> to vector<1x128xf32>
    tpu.vector_store %arg8[%swap3A_49, %swap3A_50], %swap3A_53 {strides = array<i32>} : memref<2x128xf32, #tpu.memory_space<vmem>>, vector<1x128xf32>,
    %get3A_54 = arith.constant 1 : index
    %get3A_55 = arith.constant 0 : index
    %get3A_56 = vector.load %arg8[%get3A_54, %get3A_55] : memref<2x128xf32, #tpu.memory_space<vmem>>, vector<1x128xf32>
    %get3A_57 = vector.shape_cast %get3A_56 : vector<1x128xf32> to vector<128xf32>
    %mul3A = arith.mulf %add3A_38, %add3A_38 : vector<400x128xf32>
    %reduce_sum3A_58 = arith.constant dense<0.000000e+00> : vector<128xf32>
    %reduce_sum3A_59 = vector.multi_reduction <add>, %mul3A, %reduce_sum3A_58 [0] : vector<400x128xf32> to vector<128xf32>
    %add3A_60 = arith.addf %get3A_57, %reduce_sum3A_59 : vector<128xf32>
    %swap3A_61 = arith.constant 1 : index
    %swap3A_62 = arith.constant 0 : index
    %swap3A_63 = vector.load %arg8[%swap3A_61, %swap3A_62] : memref<2x128xf32, #tpu.memory_space<vmem>>, vector<1x128xf32>
    %swap3A_64 = vector.shape_cast %swap3A_63 : vector<1x128xf32> to vector<128xf32>
    %swap3A_65 = vector.shape_cast %add3A_60 : vector<128xf32> to vector<1x128xf32>
    tpu.vector_store %arg8[%swap3A_61, %swap3A_62], %swap3A_65 {strides = array<i32>} : memref<2x128xf32, #tpu.memory_space<vmem>>, vector<1x128xf32>,
    %eq3A_66 = arith.constant 24 : i32
    %eq3A_67 = arith.cmpi eq, %arg0, %eq3A_66 : i32
    %convert_element_type3A_68 = arith.extui %eq3A_67 : i1 to i32
    %cond3A_69 = arith.constant 0 : i32
    %cond3A_70 = arith.cmpi ne, %convert_element_type3A_68, %cond3A_69 : i32
    scf.if %cond3A_70 {
      %get3A_71 = arith.constant 0 : index
      %get3A_72 = arith.constant 0 : index
      %get3A_73 = vector.load %arg8[%get3A_71, %get3A_72] : memref<2x128xf32, #tpu.memory_space<vmem>>, vector<2x128xf32>
      %swap3A_74 = arith.constant 0 : index
      %swap3A_75 = arith.constant 0 : index
      %swap3A_76 = vector.load %arg7[%swap3A_74, %swap3A_75] : memref<2x128xf32, #tpu.memory_space<vmem>>, vector<2x128xf32>
      tpu.vector_store %arg7[%swap3A_74, %swap3A_75], %get3A_73 {strides = array<i32>} : memref<2x128xf32, #tpu.memory_space<vmem>>, vector<2x128xf32>,
    } else {
    }
    return
  }
  func.func @transform_0(%arg0: i32) -> (i32, i32, i32) {
    %c0_i32 = arith.constant 0 : i32
    %c0_i32_0 = arith.constant 0 : i32
    %c0_i32_1 = arith.constant 0 : i32
    return %c0_i32, %arg0, %c0_i32_0 : i32, i32, i32
  }
  func.func @transform_1(%arg0: i32) -> (i32, i32, i32) {
    %c0_i32 = arith.constant 0 : i32
    %c0_i32_0 = arith.constant 0 : i32
    %c0_i32_1 = arith.constant 0 : i32
    return %c0_i32, %arg0, %c0_i32_0 : i32, i32, i32
  }
  func.func @transform_2(%arg0: i32) -> (i32, i32) {
    %c0_i32 = arith.constant 0 : i32
    %c0_i32_0 = arith.constant 0 : i32
    return %arg0, %c0_i32 : i32, i32
  }
  func.func @transform_3(%arg0: i32) -> (i32, i32) {
    %c0_i32 = arith.constant 0 : i32
    %c0_i32_0 = arith.constant 0 : i32
    return %arg0, %c0_i32 : i32, i32
  }
  func.func @transform_4(%arg0: i32) -> (i32, i32) {
    %c0_i32 = arith.constant 0 : i32
    %c0_i32_0 = arith.constant 0 : i32
    %c0_i32_1 = arith.constant 0 : i32
    return %c0_i32, %c0_i32_0 : i32, i32
  }
  func.func @transform_5(%arg0: i32) -> (i32, i32) {
    %c0_i32 = arith.constant 0 : i32
    %c0_i32_0 = arith.constant 0 : i32
    return %arg0, %c0_i32 : i32, i32
  }
  func.func @transform_6(%arg0: i32) -> (i32, i32) {
    %c0_i32 = arith.constant 0 : i32
    %c0_i32_0 = arith.constant 0 : i32
    %c0_i32_1 = arith.constant 0 : i32
    return %c0_i32, %c0_i32_0 : i32, i32
  }
}

module attributes {stable_mosaic.version = 14 : i64} {
  func.func @_final_body(%arg0: i32, %arg1: memref<400x128xf32, #tpu.memory_space<vmem>>, %arg2: memref<1x1xf32, #tpu.memory_space<smem>>, %arg3: memref<1x1xf32, #tpu.memory_space<smem>>, %arg4: memref<1x128xf32, #tpu.memory_space<vmem>>, %arg5: memref<1x128xf32, #tpu.memory_space<vmem>>, %arg6: memref<400x128xf32, #tpu.memory_space<vmem>>) attributes {dimension_semantics = [#tpu.dimension_semantics<arbitrary>], iteration_bounds = array<i64: 25>, scalar_prefetch = 0 : i64, scratch_operands = 0 : i64, tpu.core_type = #tpu.core_type<tc>, window_params = [{transform_indices = @transform_0, window_bounds = array<i64: 400, 128>}, {transform_indices = @transform_1, window_bounds = array<i64: 1, 1>}, {transform_indices = @transform_2, window_bounds = array<i64: 1, 1>}, {pipeline_mode = #tpu.pipeline_mode<synchronous>, transform_indices = @transform_3, window_bounds = array<i64: 1, 128>}, {pipeline_mode = #tpu.pipeline_mode<synchronous>, transform_indices = @transform_4, window_bounds = array<i64: 1, 128>}, {transform_indices = @transform_5, window_bounds = array<i64: 400, 128>}]} {
    %get3A = arith.constant 0 : index
    %get3A_0 = arith.constant 0 : index
    %get3A_1 = vector.load %arg1[%get3A, %get3A_0] : memref<400x128xf32, #tpu.memory_space<vmem>>, vector<400x128xf32>
    %get3A_2 = arith.constant 0 : index
    %get3A_3 = arith.constant 0 : index
    %get3A_4 = memref.load %arg2[%get3A_2, %get3A_3] : memref<1x1xf32, #tpu.memory_space<smem>>
    %sub3A = vector.broadcast %get3A_4 : f32 to vector<400x128xf32>
    %sub3A_5 = arith.subf %get3A_1, %sub3A : vector<400x128xf32>
    %get3A_6 = arith.constant 0 : index
    %get3A_7 = arith.constant 0 : index
    %get3A_8 = memref.load %arg3[%get3A_6, %get3A_7] : memref<1x1xf32, #tpu.memory_space<smem>>
    %mul3A = vector.broadcast %get3A_8 : f32 to vector<400x128xf32>
    %mul3A_9 = arith.mulf %sub3A_5, %mul3A : vector<400x128xf32>
    %get3A_10 = arith.constant 0 : index
    %get3A_11 = arith.constant 0 : index
    %get3A_12 = vector.load %arg4[%get3A_10, %get3A_11] : memref<1x128xf32, #tpu.memory_space<vmem>>, vector<1x128xf32>
    %mul3A_13 = vector.broadcast %get3A_12 : vector<1x128xf32> to vector<400x128xf32>
    %mul3A_14 = arith.mulf %mul3A_9, %mul3A_13 : vector<400x128xf32>
    %get3A_15 = arith.constant 0 : index
    %get3A_16 = arith.constant 0 : index
    %get3A_17 = vector.load %arg5[%get3A_15, %get3A_16] : memref<1x128xf32, #tpu.memory_space<vmem>>, vector<1x128xf32>
    %add3A = vector.broadcast %get3A_17 : vector<1x128xf32> to vector<400x128xf32>
    %add3A_18 = arith.addf %mul3A_14, %add3A : vector<400x128xf32>
    %swap3A = arith.constant 0 : index
    %swap3A_19 = arith.constant 0 : index
    %swap3A_20 = vector.load %arg6[%swap3A, %swap3A_19] : memref<400x128xf32, #tpu.memory_space<vmem>>, vector<400x128xf32>
    tpu.vector_store %arg6[%swap3A, %swap3A_19], %add3A_18 {strides = array<i32>} : memref<400x128xf32, #tpu.memory_space<vmem>>, vector<400x128xf32>,
    return
  }
  func.func @transform_0(%arg0: i32) -> (i32, i32) {
    %c0_i32 = arith.constant 0 : i32
    %c0_i32_0 = arith.constant 0 : i32
    return %arg0, %c0_i32 : i32, i32
  }
  func.func @transform_1(%arg0: i32) -> (i32, i32) {
    %c0_i32 = arith.constant 0 : i32
    %c0_i32_0 = arith.constant 0 : i32
    %c0_i32_1 = arith.constant 0 : i32
    return %c0_i32, %c0_i32_0 : i32, i32
  }
  func.func @transform_2(%arg0: i32) -> (i32, i32) {
    %c0_i32 = arith.constant 0 : i32
    %c0_i32_0 = arith.constant 0 : i32
    %c0_i32_1 = arith.constant 0 : i32
    return %c0_i32, %c0_i32_0 : i32, i32
  }
  func.func @transform_3(%arg0: i32) -> (i32, i32) {
    %c0_i32 = arith.constant 0 : i32
    %c0_i32_0 = arith.constant 0 : i32
    %c0_i32_1 = arith.constant 0 : i32
    return %c0_i32, %c0_i32_0 : i32, i32
  }
  func.func @transform_4(%arg0: i32) -> (i32, i32) {
    %c0_i32 = arith.constant 0 : i32
    %c0_i32_0 = arith.constant 0 : i32
    %c0_i32_1 = arith.constant 0 : i32
    return %c0_i32, %c0_i32_0 : i32, i32
  }
  func.func @transform_5(%arg0: i32) -> (i32, i32) {
    %c0_i32 = arith.constant 0 : i32
    %c0_i32_0 = arith.constant 0 : i32
    return %arg0, %c0_i32 : i32, i32
  }
}

</mosaic_0001>

<sc_bundles>
// kernel: kernel.16.cloned.1.call-start
scs
__scs_entry_jumppad:
0x0: {  	(pc) =	sbr.rel $0x88, $3  }
0x1: {  	(tag) =	ssettag $0x0;
	lr =	simm.s32 $0x1  }
0x2: {  	[smem:$0x3F8F] =	sst lr;
	_ =	strace $0xD0000000  }
0x3: {  	_ = 	snop  }
0x4: {  	_ = 	snop  }
0x5: {  	_ = 	snop  }
0x6: {  	_ = 	snop  }
0x7: {  	_ = 	snop  }
__scs_overlays_trampoline_lowered:
0x8: {  	[smem:$0x3F9E] =	sst s0  }
0x9: {  	[smem:$0x3F9F] =	sst s1  }
0xa: {  	[smem:$0x3FA0] =	sst s2  }
0xb: {  	[smem:$0x3FA1] =	sst s3  }
0xc: {  	[smem:$0x3FA2] =	sst s4  }
0xd: {  	[smem:$0x3FA3] =	sst s5  }
0xe: {  	[smem:$0x3FA4] =	sst s6  }
0xf: {  	[smem:$0x3FA5] =	sst s7  }
0x10: {  	[smem:$0x3FA6] =	sst s8  }
0x11: {  	[smem:$0x3FA7] =	sst s9;
	s0 =	simm.s32 @!p0 $0x0  }
0x12: {  	s1 =	sld [smem:$0x3F8D];
	s0 =	simm.s32 @p0 $0x1  }
0x13: {  	[smem:$0x3FA8] =	sst s0;
	s0 =	simm.s32 @!p1 $0x0  }
0x14: {  	s2 =	sld [smem:$0x3F8C];
	s0 =	simm.s32 @p1 $0x1  }
0x15: {  	[smem:$0x3FA9] =	sst s0;
	s0 =	simm.s32 @!p2 $0x0  }
0x16: {  	s3 =	sld [smem:$0x3FDB];
	s0 =	simm.s32 @p2 $0x1  }
0x17: {  	s4 =	simm.s32 $0x1BF5;
	[smem:$0x3FAB] =	sst s0  }
0x18: {  	s0 =	sld [smem:$0x3F8E];
	_ =	swait.ge [sflag:s4], $0x0  }
0x19: {  	s7 =	sld [smem:$0x3F8F]  }
0x1a: {  	s8 =	sadd.s32 $0xFFFFE003, lr  }
0x1b: {  	s9 =	sadd.s32 $0xFFFFFEF7, lr;
	s5 =	simm.s32 $0xFFFFFFFF;
	p2 =	slt.u32 s8, $0xFFFFF086  }
0x1c: {  	p1 =	slt.u32 s9, $0xF7A;
	s5 =	simm.s32 @!p2 $0x0  }
0x1d: {  	s5 =	simm.s32 @p1 $0x1;
	p0 =	seq.s32 s7, s2  }
0x1e: {  	s7 =	smul.u32 @!p0 $0xF7A, s2;
	p2 =	seq.s32 @!p0 s5, $0x0  }
0x1f: {  	s9 =	smul.u32 $0xF7A, s1;
	s8 =	simm.s32 @!p0 $0x1BF5;
	p2 =	por !p2, p0  }
0x20: {  	[sflag:s8] =	ssyncset.s32 @!p0 $0xFFFFF086;
	s6 =	sadd.s32 @!p0 s3, s7;
	s7 =	simm.s32 @!p0 $0x108  }
0x21: {  	s3 =	sadd.s32 s3, s9;
	s6 =	sadd.s32 @!p0 $0x88, s6;
	s7 =	simm.s32 @p2 $0x1082  }
0x22: {  	[simem:s7], [sflag:s8] =	dma.local @!p0 [hbm:s6], $0xF7A  }
0x23: {  	s9 =	sor.u32 $0xD0000000, s2;
	s6 =	simm.s32 $0x108;
	_ =	swait.ge @!p0 [sflag:s8], $0x0  }
0x24: {  	s3 =	sadd.s32 $0x88, s3;
	s6 =	simm.s32 @!p1 $0x1082;
	[sflag:s4] =	ssyncset.s32 $0xFFFFF086  }
0x25: {  	[simem:s6], [sflag:s4] =	dma.local [hbm:s3], $0xF7A  }
0x26: {  	[smem:$0x3F8F] =	sst s1;
	(tag) =	ssettag s2;
	_ =	strace s9  }
0x27: {  	s1 =	sld [smem:$0x3F9F]  }
0x28: {  	s2 =	sld [smem:$0x3FA0]  }
0x29: {  	s4 =	sld [smem:$0x3FA2]  }
0x2a: {  	p0 =	seq.s32 s5, $0x0;
	s5 =	sld [smem:$0x3FA3]  }
0x2b: {  	s6 =	sld [smem:$0x3FA4]  }
0x2c: {  	s7 =	sld [smem:$0x3FA5]  }
0x2d: {  	s3 =	simm.s32 $0x108;
	s8 =	sld [smem:$0x3FA6]  }
0x2e: {  	s3 =	simm.s32 @!p0 $0x1082;
	s9 =	sld [smem:$0x3FA7]  }
0x2f: {  	lr =	sadd.s32 s0, s3;
	s0 =	sld [smem:$0x3F9E]  }
0x30: {  	s3 =	sld [smem:$0x3FA1]  }
0x31: {  	[smem:$0x3FAA] =	sst s10  }
0x32: {  	s10 =	sld [smem:$0x3FA8];
	_ =	sdelay $0x3  }
0x33: {  	p0 =	seq.s32 s10, $0x1;
	s10 =	sld [smem:$0x3FAA];
	_ =	sdelay $0x3  }
0x34: {  	[smem:$0x3FAA] =	sst s10  }
0x35: {  	s10 =	sld [smem:$0x3FA9];
	_ =	sdelay $0x3  }
0x36: {  	p1 =	seq.s32 s10, $0x1;
	s10 =	sld [smem:$0x3FAA];
	_ =	sdelay $0x3  }
0x37: {  	[smem:$0x3FAA] =	sst s10  }
0x38: {  	s10 =	sld [smem:$0x3FAB]  }
0x39: {  	_ = 	snop;
	(pc) =	sbr.ind lr, $3  }
0x3a: {  	_ = 	snop  }
0x3b: {  	_ = 	snop  }
0x3c: {  	p2 =	seq.s32 s10, $0x1;
	s10 =	sld [smem:$0x3FAA]  }
0x3d: {  	_ =	shalt  }
0x3e: {  	_ =	shalt  }
0x3f: {  	_ =	shalt  }
0x40: {  	_ =	shalt  }
0x41: {  	_ =	shalt  }
0x42: {  	_ =	shalt  }
0x43: {  	_ =	shalt  }
0x44: {  	_ =	shalt  }
0x45: {  	_ =	shalt  }
0x46: {  	_ =	shalt  }
0x47: {  	_ =	shalt  }
0x48: {  	_ =	shalt  }
0x49: {  	_ =	shalt  }
0x4a: {  	_ =	shalt  }
0x4b: {  	_ =	shalt  }
0x4c: {  	_ =	shalt  }
0x4d: {  	_ =	shalt  }
0x4e: {  	_ =	shalt  }
0x4f: {  	_ =	shalt  }
0x50: {  	_ =	shalt  }
0x51: {  	_ =	shalt  }
0x52: {  	_ =	shalt  }
0x53: {  	_ =	shalt  }
0x54: {  	_ =	shalt  }
0x55: {  	_ =	shalt  }
0x56: {  	_ =	shalt  }
0x57: {  	_ =	shalt  }
0x58: {  	_ =	shalt  }
0x59: {  	_ =	shalt  }
0x5a: {  	_ =	shalt  }
0x5b: {  	_ =	shalt  }
0x5c: {  	_ =	shalt  }
0x5d: {  	_ =	shalt  }
0x5e: {  	_ =	shalt  }
0x5f: {  	_ =	shalt  }
0x60: {  	_ =	shalt  }
0x61: {  	_ =	shalt  }
0x62: {  	_ =	shalt  }
0x63: {  	_ =	shalt  }
0x64: {  	_ =	shalt  }
0x65: {  	_ =	shalt  }
0x66: {  	_ =	shalt  }
0x67: {  	_ =	shalt  }
0x68: {  	_ =	shalt  }
0x69: {  	_ =	shalt  }
0x6a: {  	_ =	shalt  }
0x6b: {  	_ =	shalt  }
0x6c: {  	_ =	shalt  }
0x6d: {  	_ =	shalt  }
0x6e: {  	_ =	shalt  }
0x6f: {  	_ =	shalt  }
0x70: {  	_ =	shalt  }
0x71: {  	_ =	shalt  }
0x72: {  	_ =	shalt  }
0x73: {  	_ =	shalt  }
0x74: {  	_ =	shalt  }
0x75: {  	_ =	shalt  }
0x76: {  	_ =	shalt  }
0x77: {  	_ =	shalt  }
0x78: {  	_ =	shalt  }
0x79: {  	_ =	shalt  }
0x7a: {  	_ =	shalt  }
0x7b: {  	_ =	shalt  }
0x7c: {  	_ =	shalt  }
0x7d: {  	_ =	shalt  }
0x7e: {  	_ =	shalt  }
0x7f: {  	_ =	shalt  }
0x80: {  	_ =	shalt  }
0x81: {  	_ =	shalt  }
0x82: {  	_ =	shalt  }
0x83: {  	_ =	shalt  }
0x84: {  	_ =	shalt  }
0x85: {  	_ =	shalt  }
0x86: {  	_ =	shalt  }
0x87: {  	_ =	shalt  }
.Lfunc_end0:
.L_simem_size_0:
called_computation_lowered:
.L_overlay_start_0:
0x88: {  	s2 =	sld [smem:$0x3FD9]  }
0x89: {  	s3 =	sld [smem:$0x3FFE];
	_ =	sdelay $0x1  }
0x8a: {  	s1 =	srdreg.scid  }
0x8b: {  	s0 =	sand.u32 $0x1, s1  }
0x8c: {  	s16 =	sshll.u32 s0, $0xA;
	s2 =	sadd.s32 s3, s2  }
0x8d: {  	s2 =	sadd.s32 s2, s16  }
0x8e: {  	[smem:$0x3FB6] =	sst s2  }
0x8f: {  	_ = 	snop  }
0x90: {  	(tm) =	ssettm $0x1  }
0x91: {  	s17 =	sld [smem:$0x3FFB];
	_ =	sdelay $0x3  }
0x92: {  	_ =	strace s17  }
0x93: {  	s2 =	sld [smem:$0x3FFC];
	_ =	sdelay $0x3  }
0x94: {  	_ =	strace s2  }
0x95: {  	s2 =	sld [smem:$0x3FFD];
	_ =	sdelay $0x3  }
0x96: {  	_ =	strace s2  }
0x97: {  	_ =	strace $0x8FFFFFFF  }
0x98: {  	s18 =	sld [smem:$0x3FDB];
	_ =	sdelay $0x1  }
0x99: {  	s19 =	simm.s32 $_scs_section_size  }
0x9a: {  	s4 =	simm.s32 $_size__tile_overlayer_lowered;
	s5 =	simm.s32 $_tile_overlayer_lowered  }
0x9b: {  	s22 =	simm.s32 $0x1BFF;
	s21 =	sshll.u32 s5, $0x1;
	s2 =	sadd.s32 s19, s18  }
0x9c: {  	s6 =	simm.s32 $0x0;
	s20 =	sshll.u32 s4, $0x1;
	s4 =	sadd.s32 s21, s2  }
0x9d: {  	[timem:s6], [sflag:s22] =	dma.local [hbm:s4], s20  }
0x9e: {  	_ =	swait.ge [sflag:s22], s20  }
0x9f: {  	s3 =	ssub.s32 $0x0, s20;
	[sflag:s22] =	ssyncset.done $0x0  }
0xa0: {  	[sflag:s22] =	ssyncadd.s32 s3;
	_ =	sdelay $0x1  }
0xa1: {  	s23 =	simm.s32 $0x1B8B  }
0xa2: {  	_ =	swait.ge [sflag:s23], $0x1  }
0xa3: {  	[sflag:s23] =	ssyncset.done $0x0  }
0xa4: {  	s25 =	simm.s32 $0x1B8E;
	s24 =	sld [smem:$0x3FFE];
	[sflag:s23] =	ssyncadd.s32 $0xFFFFFFFF  }
0xa5: {  	s26 =	simm.s32 $execute0_lowered;
	[smem:$0x3FD2] =	sst s25  }
0xa6: {  	s4 =	sshll.u32 s26, $0x1;
	_ =	strace $0x80000046;
	[dreg:$0x1] =	wrdreg $0xFFFFFFFF  }
0xa7: {  	s28 =	simm.s32 $_size_execute0_lowered;
	s2 =	sadd.s32 s2, s4;
	[dreg:$0x0] =	wrdreg $0x0  }
0xa8: {  	s4 =	sshll.u32 s28, $0x1;
	[dreg:$0x2] =	wrdreg s2  }
0xa9: {  	[dreg:$0x3] =	wrdreg s4  }
0xaa: {  	[dreg:$0x4] =	wrdreg $0xC0  }
0xab: {  	_ =	task [dreg:s6], $0x5FFFF  }
0xac: {  	[dreg:$0x1] =	wrdreg $0xFFFFFFFF  }
0xad: {  	[dreg:$0x0] =	wrdreg $0x60  }
0xae: {  	[dreg:$0x2] =	wrdreg s24  }
0xaf: {  	[dreg:$0x3] =	wrdreg $0x28800  }
0xb0: {  	[dreg:$0x4] =	wrdreg $0x9  }
0xb1: {  	_ =	task.clear_ibuf [dreg:s6], $0x5FFFF;
	_ =	strace $0x90000046  }
0xb2: {  	s29 =	simm.s32 $0x9;
	_ =	strace $0x80000048  }
0xb3: {  	_ =	swait.ge [sflag:s29], $0x1  }
0xb4: {  	[sflag:s29] =	ssyncadd.s32 $0xFFFFFFFF  }
0xb5: {  	_ =	strace $0x90000048  }
0xb6: {  	_ =	sfence  }
0xb7: {  	s30 =	sld [smem:$0x0];
	_ =	sdelay $0x2  }
0xb8: {  	s31 =	sshll.u32 s1, $0xD;
	s1 =	sshrl.u32 s1, $0x2  }
0xb9: {  	s3 =	sand.u32 $0x4000, s31;
	s1 =	sadd.s32 s1, s30  }
0xba: {  	s0 =	sor.u32 s3, s0;
	s1 =	sshll.u32 s1, $0x11  }
0xbb: {  	s0 =	sor.u32 s1, s0  }
0xbc: {  	s0 =	sadd.s32 $0x8F2B, s0  }
0xbd: {  	[sflag:s0] =	ssyncadd.remote.s32 $0x1  }
0xbe: {  	_ =	sfence.sel $0xFFFF  }
0xbf: {  	[dreg:$0x0] =	wrdreg $0xFFFFFFFF;
	(pc) =	sbr.abs _section_cstart, $3  }
0xc0: {  	[dreg:$0x1] =	wrdreg $0xFFFFFFFF  }
0xc1: {  	_ =	task.clear_ibuf [dreg:s6], $0x2FFFF;
	_ =	strace $0x9FFFFFFF  }
0xc2: {  	(tm) =	ssettm $0x7FFFFFFF  }
0xc3: {  	_ =	shalt  }
tec
execute0_lowered:
.L_overlay_start_1:
0x0: {  	(tag) =	ssettag $0x1  }
0x1: {  	s1 =	srdreg.scid  }
0x2: {  	s0 =	stileid.u32;
	s4 =	rddreg [dreg:$0x0]  }
0x3: {  	s2 =	rddreg [dreg:$0x1];
	s6 =	smul.u32 $0x4E20, s0  }
0x4: {  	s3 =	simm.s32 $0x0;
	s12 =	simm.s32 $0x80;
	s26 =	smul.u32 $0x14000, s0  }
0x5: {  	s5 =	sand.u32 $0x1, s1;
	s1 =	rddreg [dreg:$0x2];
	s29 =	smul.u32 $0x50000, s0  }
0x6: {  	s13 =	simm.s32 $0x0;
	[smem:$0x7FF] =	sst s3;
	s7 =	smul.u32 $0x2710, s5  }
0x7: {  	s31 =	sshll.u32 s0, $0x6;
	s8 =	smul.u32 $0x140000, s5;
	s5 =	ssub.s32 $0x2, s5  }
0x8: {  	_ =	strace $0x80000047;
	s28 =	sshrl.u32 s26, $0x3;
	s10 =	sshrl.u32 s5, $0x1  }
0x9: {  	s30 =	sshrl.u32 s29, $0x2;
	s6 =	sadd.s32 s7, s6;
	s7 =	sadd.s32 s26, s8  }
0xa: {  	s10 =	ssub.s32 s5, s10;
	s11 =	sadd.s32 s30, s2;
	s6 =	sshrl.u32 s6, $0x3  }
0xb: {  	s7 =	sshrl.u32 s7, $0x3;
	s9 =	sadd.s32 s6, s4;
	s6 =	sadd.s32 s28, s4  }
0xc: {  	s5 =	sor.u32 $0x1C01, s31;
	s7 =	sadd.s32 s7, s4;
	s4 =	sadd.s32 $0x18600, s6  }
0xd: {  	s6 =	sadd.s32 $0x40600, s7;
	s7 =	smax.u32 s10, $0x1;
	s8 =	sadd.s32 $0xE800, s9  }
0xe: {  	v0 =	vimm.f32 $1.000000000e+00;
	s9 =	sshrl.u32 s11, $0x3;
	s10 =	simm.s32 $0x1;
	s11 =	simm.s32 $0x50  }
.LBB2_1:
0xf: {  	s14 =	simm.s32 $0x0;
	s15 =	simm.s32 $0x200  }
.LBB2_2:
0x10: {  	p0 =	sne.s32 s15, $0x9E00;
	[tilespmem:s14+$0xF0] =	vst v0  }
0x11: {  	[tilespmem:s14+$0x80] =	vst v0  }
0x12: {  	[tilespmem:s14+$0x90] =	vst v0  }
.Ltmp0:
0x13: {  	[tilespmem:s14+$0xA0] =	vst v0;
	(pc) =	sbr.rel @p0 .LBB2_2-.Ltmp0, $4  }
0x14: {  	[tilespmem:s14+$0xB0] =	vst v0  }
0x15: {  	[tilespmem:s14+$0xC0] =	vst v0  }
0x16: {  	[tilespmem:s14+$0xD0] =	vst v0  }
0x17: {  	[tilespmem:s14+$0xE0] =	vst v0;
	s14 =	sshra.s32 s15, $0x2;
	s15 =	sadd.s32 $0x200, s15  }
0x18: {  	[tilespmem:s14+$0xF0] =	vst v0  }
0x19: {  	[tilespmem:s14+$0x80] =	vst v0  }
0x1a: {  	[tilespmem:s14+$0x90] =	vst v0  }
0x1b: {  	[tilespmem:s14+$0xA0] =	vst v0  }
0x1c: {  	[tilespmem:s14+$0xB0] =	vst v0  }
0x1d: {  	[tilespmem:s14+$0xC0] =	vst v0  }
0x1e: {  	[tilespmem:s14+$0xD0] =	vst v0  }
0x1f: {  	[tilespmem:s14+$0xE0] =	vst v0  }
0x20: {  	[spmem:s9], [sflag:s5] =	dma.local [hbm:s4], $0x2800  }
0x21: {  	_ =	swait.ge [sflag:s10], $0x2800  }
0x22: {  	[sflag:s10] =	ssyncset.done $0x0  }
0x23: {  	[sflag:s10] =	ssyncadd.s32 $0xFFFFD800  }
0x24: {  	s31 =	sadd.s32 $0x0, s8;
	[bflag:$0x0] =	sbarrier.arrive $0xFFFF  }
0x25: {  	[tilespmem:s3], [sflag:$0x1] =	stream.linear.gather [hbm4b:s31+s3], $0x50, $0x38;
	[tilespmem:$0x16880] =	vst v63  }
0x26: {  	_ =	swait.ge [sflag:s10], $0x50  }
0x27: {  	[sflag:s10] =	ssyncset.done $0x0  }
0x28: {  	[sflag:s10] =	ssyncadd.s32 $0xFFFFFFB0  }
0x29: {  	[spmem:s2] =	stream.indirect.scatter.add.f32 [tilespmem:s12], [sflag:$0x1], $0x80, s3, s11, $0xb8;
	[tilespmem:$0x16880] =	vst v63  }
0x2a: {  	_ =	swait.ge [sflag:s10], $0x2800  }
0x2b: {  	s14 =	simm.s32 $0xA;
	s15 =	simm.s32 $0x14;
	[sflag:s10] =	ssyncset.done $0x0  }
.LBB2_4:
0x2c: {  	s16 =	sadd.s32 s14, s8  }
0x2d: {  	[sflag:s10] =	ssyncadd.s32 $0xFFFFD800;
	s14 =	smov.u32 s15;
	s17 =	sadd.s32 $0xA, s15  }
0x2e: {  	[tilespmem:s3], [sflag:$0x1] =	stream.linear.gather [hbm4b:s16+s3], $0x50, $0x38;
	[tilespmem:$0x16880] =	vst v63  }
0x2f: {  	p0 =	sne.s32 s15, $0x4D8;
	_ =	swait.ge [sflag:s10], $0x50  }
.Ltmp1:
0x30: {  	[sflag:s10] =	ssyncset.done $0x0;
	(pc) =	sbr.rel @p0 .LBB2_4-.Ltmp1, $4  }
0x31: {  	[sflag:s10] =	ssyncadd.s32 $0xFFFFFFB0  }
0x32: {  	[spmem:s2] =	stream.indirect.scatter.add.f32 [tilespmem:s12], [sflag:$0x1], $0x80, s3, s11, $0xb8;
	[tilespmem:$0x16880] =	vst v63  }
0x33: {  	_ =	swait.ge [sflag:s10], $0x2800  }
0x34: {  	s15 =	smov.u32 s17;
	[sflag:s10] =	ssyncset.done $0x0  }
0x35: {  	s14 =	sadd.s32 s14, s8;
	[sflag:s10] =	ssyncadd.s32 $0xFFFFD800  }
0x36: {  	[tilespmem:s3], [sflag:$0x1] =	stream.linear.gather [hbm4b:s14+s3], $0x50, $0x38;
	[tilespmem:$0x16880] =	vst v63  }
0x37: {  	_ =	swait.ge [sflag:s10], $0x50  }
0x38: {  	[sflag:s10] =	ssyncset.done $0x0  }
0x39: {  	[sflag:s10] =	ssyncadd.s32 $0xFFFFFFB0  }
0x3a: {  	[spmem:s2] =	stream.indirect.scatter.add.f32 [tilespmem:s12], [sflag:$0x1], $0x80, s3, s11, $0xb8;
	[tilespmem:$0x16880] =	vst v63  }
0x3b: {  	_ =	swait.ge [sflag:s10], $0x2800  }
0x3c: {  	s13 =	sadd.s32 $0x1, s13;
	[sflag:s10] =	ssyncset.done $0x0  }
0x3d: {  	p0 =	sne.s32 s13, s7;
	[sflag:s10] =	ssyncadd.s32 $0xFFFFD800  }
.Ltmp2:
0x3e: {  	[bflag:$0x0] =	sbarrier.arrive $0xFFFF;
	(pc) =	sbr.rel @p0 .LBB2_1-.Ltmp2, $4  }
0x3f: {  	[hbm:s6], [sflag:s5] =	dma.local [spmem:s9], $0x2800  }
0x40: {  	_ =	swait.ge [sflag:s10], $0x2800  }
0x41: {  	[sflag:s10] =	ssyncset.done $0x0  }
0x42: {  	[sflag:s10] =	ssyncadd.s32 $0xFFFFD800  }
0x43: {  	_ =	sfence.sel $0x180000  }
0x44: {  	[bflag:$0x0] =	sbarrier.arrive $0xFFFF  }
0x45: {  	p0 =	sne.s32 s0, $0x0;
	_ =	strace $0x90000047  }
0x46: {  	s0 =	sadd.s32 @!p0 $0x100000, s1;
	[bflag:$0x2] =	sbarrier.arrive $0xFFFF  }
0x47: {  	[sflag:s0] =	ssyncadd.tile.s32 @!p0 $0x1;
	_ =	shalt  }
.Lfunc_end2:
_tile_overlayer_lowered:
.L_overlay_start_2:
0x48: {  	(tag) =	ssettag $0x2  }
0x49: {  	s0 =	rddreg [dreg:$0x0];
	s2 =	stileid.u32  }
0x4a: {  	s1 =	rddreg [dreg:$0x1];
	p0 =	sne.s32 s2, $0x0  }
0x4b: {  	s3 =	rddreg [dreg:$0x2];
	[bflag:$0x3] =	sbarrier.arrive $0xFFFF;
	s2 =	simm.s32 @!p0 $0x1C01  }
0x4c: {  	[timem:s3], [sflag:s2] =	dma.local @!p0 [hbm:s0], s1  }
0x4d: {  	s0 =	simm.s32 @!p0 $0x1  }
0x4e: {  	_ =	swait.ge @!p0 [sflag:s0], s1  }
0x4f: {  	s1 =	ssub.s32 @!p0 $0x0, s1;
	[sflag:s0] =	ssyncset.done @!p0 $0x0  }
0x50: {  	[sflag:s0] =	ssyncadd.s32 @!p0 s1  }
0x51: {  	[bflag:$0x3] =	sbarrier.arrive $0xFFFF  }
0x52: {  	_ =	shalt  }

// kernel: kernel.19.cloned.1.call-start
scs
__scs_entry_jumppad:
0x0: {  	(pc) =	sbr.rel $0x88, $3  }
0x1: {  	(tag) =	ssettag $0x0;
	lr =	simm.s32 $0x1  }
0x2: {  	[smem:$0x3F8F] =	sst lr;
	_ =	strace $0xD0000000  }
0x3: {  	_ = 	snop  }
0x4: {  	_ = 	snop  }
0x5: {  	_ = 	snop  }
0x6: {  	_ = 	snop  }
0x7: {  	_ = 	snop  }
__scs_overlays_trampoline_lowered:
0x8: {  	[smem:$0x3F9E] =	sst s0  }
0x9: {  	[smem:$0x3F9F] =	sst s1  }
0xa: {  	[smem:$0x3FA0] =	sst s2  }
0xb: {  	[smem:$0x3FA1] =	sst s3  }
0xc: {  	[smem:$0x3FA2] =	sst s4  }
0xd: {  	[smem:$0x3FA3] =	sst s5  }
0xe: {  	[smem:$0x3FA4] =	sst s6  }
0xf: {  	[smem:$0x3FA5] =	sst s7  }
0x10: {  	[smem:$0x3FA6] =	sst s8  }
0x11: {  	[smem:$0x3FA7] =	sst s9;
	s0 =	simm.s32 @!p0 $0x0  }
0x12: {  	s1 =	sld [smem:$0x3F8D];
	s0 =	simm.s32 @p0 $0x1  }
0x13: {  	[smem:$0x3FA8] =	sst s0;
	s0 =	simm.s32 @!p1 $0x0  }
0x14: {  	s2 =	sld [smem:$0x3F8C];
	s0 =	simm.s32 @p1 $0x1  }
0x15: {  	[smem:$0x3FA9] =	sst s0;
	s0 =	simm.s32 @!p2 $0x0  }
0x16: {  	s3 =	sld [smem:$0x3FDB];
	s0 =	simm.s32 @p2 $0x1  }
0x17: {  	s4 =	simm.s32 $0x1BF5;
	[smem:$0x3FAB] =	sst s0  }
0x18: {  	s0 =	sld [smem:$0x3F8E];
	_ =	swait.ge [sflag:s4], $0x0  }
0x19: {  	s7 =	sld [smem:$0x3F8F]  }
0x1a: {  	s8 =	sadd.s32 $0xFFFFE003, lr  }
0x1b: {  	s9 =	sadd.s32 $0xFFFFFEF7, lr;
	s5 =	simm.s32 $0xFFFFFFFF;
	p2 =	slt.u32 s8, $0xFFFFF086  }
0x1c: {  	p1 =	slt.u32 s9, $0xF7A;
	s5 =	simm.s32 @!p2 $0x0  }
0x1d: {  	s5 =	simm.s32 @p1 $0x1;
	p0 =	seq.s32 s7, s2  }
0x1e: {  	s7 =	smul.u32 @!p0 $0xF7A, s2;
	p2 =	seq.s32 @!p0 s5, $0x0  }
0x1f: {  	s9 =	smul.u32 $0xF7A, s1;
	s8 =	simm.s32 @!p0 $0x1BF5;
	p2 =	por !p2, p0  }
0x20: {  	[sflag:s8] =	ssyncset.s32 @!p0 $0xFFFFF086;
	s6 =	sadd.s32 @!p0 s3, s7;
	s7 =	simm.s32 @!p0 $0x108  }
0x21: {  	s3 =	sadd.s32 s3, s9;
	s6 =	sadd.s32 @!p0 $0x88, s6;
	s7 =	simm.s32 @p2 $0x1082  }
0x22: {  	[simem:s7], [sflag:s8] =	dma.local @!p0 [hbm:s6], $0xF7A  }
0x23: {  	s9 =	sor.u32 $0xD0000000, s2;
	s6 =	simm.s32 $0x108;
	_ =	swait.ge @!p0 [sflag:s8], $0x0  }
0x24: {  	s3 =	sadd.s32 $0x88, s3;
	s6 =	simm.s32 @!p1 $0x1082;
	[sflag:s4] =	ssyncset.s32 $0xFFFFF086  }
0x25: {  	[simem:s6], [sflag:s4] =	dma.local [hbm:s3], $0xF7A  }
0x26: {  	[smem:$0x3F8F] =	sst s1;
	(tag) =	ssettag s2;
	_ =	strace s9  }
0x27: {  	s1 =	sld [smem:$0x3F9F]  }
0x28: {  	s2 =	sld [smem:$0x3FA0]  }
0x29: {  	s4 =	sld [smem:$0x3FA2]  }
0x2a: {  	p0 =	seq.s32 s5, $0x0;
	s5 =	sld [smem:$0x3FA3]  }
0x2b: {  	s6 =	sld [smem:$0x3FA4]  }
0x2c: {  	s7 =	sld [smem:$0x3FA5]  }
0x2d: {  	s3 =	simm.s32 $0x108;
	s8 =	sld [smem:$0x3FA6]  }
0x2e: {  	s3 =	simm.s32 @!p0 $0x1082;
	s9 =	sld [smem:$0x3FA7]  }
0x2f: {  	lr =	sadd.s32 s0, s3;
	s0 =	sld [smem:$0x3F9E]  }
0x30: {  	s3 =	sld [smem:$0x3FA1]  }
0x31: {  	[smem:$0x3FAA] =	sst s10  }
0x32: {  	s10 =	sld [smem:$0x3FA8];
	_ =	sdelay $0x3  }
0x33: {  	p0 =	seq.s32 s10, $0x1;
	s10 =	sld [smem:$0x3FAA];
	_ =	sdelay $0x3  }
0x34: {  	[smem:$0x3FAA] =	sst s10  }
0x35: {  	s10 =	sld [smem:$0x3FA9];
	_ =	sdelay $0x3  }
0x36: {  	p1 =	seq.s32 s10, $0x1;
	s10 =	sld [smem:$0x3FAA];
	_ =	sdelay $0x3  }
0x37: {  	[smem:$0x3FAA] =	sst s10  }
0x38: {  	s10 =	sld [smem:$0x3FAB]  }
0x39: {  	_ = 	snop;
	(pc) =	sbr.ind lr, $3  }
0x3a: {  	_ = 	snop  }
0x3b: {  	_ = 	snop  }
0x3c: {  	p2 =	seq.s32 s10, $0x1;
	s10 =	sld [smem:$0x3FAA]  }
0x3d: {  	_ =	shalt  }
0x3e: {  	_ =	shalt  }
0x3f: {  	_ =	shalt  }
0x40: {  	_ =	shalt  }
0x41: {  	_ =	shalt  }
0x42: {  	_ =	shalt  }
0x43: {  	_ =	shalt  }
0x44: {  	_ =	shalt  }
0x45: {  	_ =	shalt  }
0x46: {  	_ =	shalt  }
0x47: {  	_ =	shalt  }
0x48: {  	_ =	shalt  }
0x49: {  	_ =	shalt  }
0x4a: {  	_ =	shalt  }
0x4b: {  	_ =	shalt  }
0x4c: {  	_ =	shalt  }
0x4d: {  	_ =	shalt  }
0x4e: {  	_ =	shalt  }
0x4f: {  	_ =	shalt  }
0x50: {  	_ =	shalt  }
0x51: {  	_ =	shalt  }
0x52: {  	_ =	shalt  }
0x53: {  	_ =	shalt  }
0x54: {  	_ =	shalt  }
0x55: {  	_ =	shalt  }
0x56: {  	_ =	shalt  }
0x57: {  	_ =	shalt  }
0x58: {  	_ =	shalt  }
0x59: {  	_ =	shalt  }
0x5a: {  	_ =	shalt  }
0x5b: {  	_ =	shalt  }
0x5c: {  	_ =	shalt  }
0x5d: {  	_ =	shalt  }
0x5e: {  	_ =	shalt  }
0x5f: {  	_ =	shalt  }
0x60: {  	_ =	shalt  }
0x61: {  	_ =	shalt  }
0x62: {  	_ =	shalt  }
0x63: {  	_ =	shalt  }
0x64: {  	_ =	shalt  }
0x65: {  	_ =	shalt  }
0x66: {  	_ =	shalt  }
0x67: {  	_ =	shalt  }
0x68: {  	_ =	shalt  }
0x69: {  	_ =	shalt  }
0x6a: {  	_ =	shalt  }
0x6b: {  	_ =	shalt  }
0x6c: {  	_ =	shalt  }
0x6d: {  	_ =	shalt  }
0x6e: {  	_ =	shalt  }
0x6f: {  	_ =	shalt  }
0x70: {  	_ =	shalt  }
0x71: {  	_ =	shalt  }
0x72: {  	_ =	shalt  }
0x73: {  	_ =	shalt  }
0x74: {  	_ =	shalt  }
0x75: {  	_ =	shalt  }
0x76: {  	_ =	shalt  }
0x77: {  	_ =	shalt  }
0x78: {  	_ =	shalt  }
0x79: {  	_ =	shalt  }
0x7a: {  	_ =	shalt  }
0x7b: {  	_ =	shalt  }
0x7c: {  	_ =	shalt  }
0x7d: {  	_ =	shalt  }
0x7e: {  	_ =	shalt  }
0x7f: {  	_ =	shalt  }
0x80: {  	_ =	shalt  }
0x81: {  	_ =	shalt  }
0x82: {  	_ =	shalt  }
0x83: {  	_ =	shalt  }
0x84: {  	_ =	shalt  }
0x85: {  	_ =	shalt  }
0x86: {  	_ =	shalt  }
0x87: {  	_ =	shalt  }
.Lfunc_end0:
.L_simem_size_0:
called_computation.1_lowered:
.L_overlay_start_0:
0x88: {  	s2 =	sld [smem:$0x3FD9]  }
0x89: {  	s3 =	sld [smem:$0x3FFE];
	_ =	sdelay $0x1  }
0x8a: {  	s1 =	srdreg.scid  }
0x8b: {  	s0 =	sand.u32 $0x1, s1  }
0x8c: {  	s17 =	sshll.u32 s0, $0xA;
	s2 =	sadd.s32 s3, s2  }
0x8d: {  	s2 =	sadd.s32 s2, s17  }
0x8e: {  	[smem:$0x3FB6] =	sst s2  }
0x8f: {  	_ = 	snop  }
0x90: {  	s2 =	sld [smem:$0x3FD0];
	(tm) =	ssettm $0x1  }
0x91: {  	s18 =	sld [smem:$0x3FFB];
	_ =	sdelay $0x3  }
0x92: {  	_ =	strace s18  }
0x93: {  	s3 =	sld [smem:$0x3FFC];
	_ =	sdelay $0x3  }
0x94: {  	_ =	strace s3  }
0x95: {  	s3 =	sld [smem:$0x3FFD];
	_ =	sdelay $0x3  }
0x96: {  	_ =	strace s3  }
0x97: {  	_ =	strace $0x8FFFFFFF  }
0x98: {  	s19 =	sld [smem:$0x3FDB];
	_ =	sdelay $0x1  }
0x99: {  	s4 =	simm.s32 $_scs_section_size  }
0x9a: {  	s5 =	simm.s32 $_size__tile_overlayer_lowered;
	s6 =	simm.s32 $_tile_overlayer_lowered  }
0x9b: {  	s22 =	simm.s32 $0x1BFF;
	s21 =	sshll.u32 s6, $0x1;
	s3 =	sadd.s32 s4, s19  }
0x9c: {  	s7 =	simm.s32 $0x0;
	s20 =	sshll.u32 s5, $0x1;
	s5 =	sadd.s32 s21, s3  }
0x9d: {  	[timem:s7], [sflag:s22] =	dma.local [hbm:s5], s20  }
0x9e: {  	_ =	swait.ge [sflag:s22], s20  }
0x9f: {  	s4 =	ssub.s32 $0x0, s20;
	[sflag:s22] =	ssyncset.done $0x0  }
0xa0: {  	[sflag:s22] =	ssyncadd.s32 s4;
	_ =	sdelay $0x1  }
0xa1: {  	s23 =	simm.s32 $0x1B8B  }
0xa2: {  	_ =	swait.ge [sflag:s23], $0x1  }
0xa3: {  	[sflag:s23] =	ssyncset.done $0x0  }
0xa4: {  	s25 =	simm.s32 $0x1B8E;
	s24 =	sld [smem:$0x3FFE];
	[sflag:s23] =	ssyncadd.s32 $0xFFFFFFFF  }
0xa5: {  	s26 =	simm.s32 $execute0_lowered;
	[smem:$0x3FD2] =	sst s25  }
0xa6: {  	s5 =	sshll.u32 s26, $0x1;
	_ =	strace $0x80000049;
	[dreg:$0x1] =	wrdreg $0xFFFFFFFF  }
0xa7: {  	s28 =	simm.s32 $_size_execute0_lowered;
	s3 =	sadd.s32 s3, s5;
	[dreg:$0x0] =	wrdreg $0x0  }
0xa8: {  	s5 =	sshll.u32 s28, $0x1;
	[dreg:$0x2] =	wrdreg s3  }
0xa9: {  	[dreg:$0x3] =	wrdreg s5  }
0xaa: {  	[dreg:$0x4] =	wrdreg $0xC0  }
0xab: {  	_ =	task [dreg:s7], $0x5FFFF  }
0xac: {  	[dreg:$0x1] =	wrdreg $0xFFFFFFFF  }
0xad: {  	[dreg:$0x0] =	wrdreg $0x60  }
0xae: {  	[dreg:$0x2] =	wrdreg s2  }
0xaf: {  	[dreg:$0x3] =	wrdreg s24  }
0xb0: {  	[dreg:$0x4] =	wrdreg $0x29000  }
0xb1: {  	[dreg:$0x5] =	wrdreg $0x9  }
0xb2: {  	_ =	task.clear_ibuf [dreg:s7], $0x6FFFF;
	_ =	strace $0x90000049  }
0xb3: {  	s29 =	simm.s32 $0x9;
	_ =	strace $0x8000004B  }
0xb4: {  	_ =	swait.ge [sflag:s29], $0x1  }
0xb5: {  	[sflag:s29] =	ssyncadd.s32 $0xFFFFFFFF  }
0xb6: {  	_ =	strace $0x9000004B  }
0xb7: {  	_ =	sfence  }
0xb8: {  	s30 =	sld [smem:$0x0];
	_ =	sdelay $0x2  }
0xb9: {  	s31 =	sshll.u32 s1, $0xD;
	s1 =	sshrl.u32 s1, $0x2  }
0xba: {  	s3 =	sand.u32 $0x4000, s31;
	s1 =	sadd.s32 s1, s30  }
0xbb: {  	s0 =	sor.u32 s3, s0;
	s1 =	sshll.u32 s1, $0x11  }
0xbc: {  	s0 =	sor.u32 s1, s0  }
0xbd: {  	s0 =	sadd.s32 $0x8F2B, s0  }
0xbe: {  	[sflag:s0] =	ssyncadd.remote.s32 $0x1  }
0xbf: {  	_ =	sfence.sel $0xFFFF  }
0xc0: {  	[dreg:$0x0] =	wrdreg $0xFFFFFFFF;
	(pc) =	sbr.abs _section_cstart, $3  }
0xc1: {  	[dreg:$0x1] =	wrdreg $0xFFFFFFFF  }
0xc2: {  	_ =	task.clear_ibuf [dreg:s7], $0x2FFFF;
	_ =	strace $0x9FFFFFFF  }
0xc3: {  	(tm) =	ssettm $0x7FFFFFFF  }
tec
execute0_lowered:
.L_overlay_start_1:
0x0: {  	(tag) =	ssettag $0x1  }
0x1: {  	s1 =	rddreg [dreg:$0x0]  }
0x2: {  	s2 =	srdreg.scid;
	s5 =	rddreg [dreg:$0x1]  }
0x3: {  	s0 =	stileid.u32;
	s3 =	rddreg [dreg:$0x2]  }
0x4: {  	s4 =	simm.s32 $0x0;
	s13 =	simm.s32 $0x80;
	s7 =	smul.u32 $0x4E20, s0  }
0x5: {  	s14 =	simm.s32 $0x50;
	s15 =	simm.s32 $0x100;
	s26 =	smul.u32 $0x14000, s0  }
0x6: {  	s6 =	sand.u32 $0x1, s2;
	s2 =	rddreg [dreg:$0x3];
	s29 =	smul.u32 $0x50000, s0  }
0x7: {  	s16 =	simm.s32 $0x0;
	[smem:$0x7FF] =	sst s4;
	s8 =	smul.u32 $0x2710, s6  }
0x8: {  	s31 =	sshll.u32 s0, $0x6;
	s9 =	smul.u32 $0x140000, s6;
	s6 =	ssub.s32 $0x2, s6  }
0x9: {  	_ =	strace $0x8000004A;
	s28 =	sshrl.u32 s26, $0x3;
	s30 =	sshrl.u32 s6, $0x1  }
0xa: {  	s7 =	sadd.s32 s8, s7;
	s8 =	sadd.s32 s26, s9;
	s9 =	sshrl.u32 s29, $0x2  }
0xb: {  	s11 =	ssub.s32 s6, s30;
	s6 =	sor.u32 $0x1C01, s31;
	s7 =	sshrl.u32 s7, $0x3  }
0xc: {  	s8 =	sshrl.u32 s8, $0x3;
	s10 =	sadd.s32 s7, s5;
	s7 =	sadd.s32 s28, s5  }
0xd: {  	s12 =	sadd.s32 s9, s3;
	s8 =	sadd.s32 s8, s5;
	s5 =	sadd.s32 $0x18600, s7  }
0xe: {  	s7 =	sadd.s32 $0x90600, s8;
	s8 =	smax.u32 s11, $0x1;
	s9 =	sadd.s32 $0xE800, s10  }
0xf: {  	s10 =	sadd.s32 $0x4A00, s10;
	s11 =	sshrl.u32 s12, $0x3;
	s12 =	simm.s32 $0x1  }
.LBB2_1:
0x10: {  	[spmem:s11], [sflag:s6] =	dma.local [hbm:s5], $0x2800  }
0x11: {  	_ =	swait.ge [sflag:s12], $0x2800  }
0x12: {  	[sflag:s12] =	ssyncset.done $0x0  }
0x13: {  	[sflag:s12] =	ssyncadd.s32 $0xFFFFD800  }
0x14: {  	s17 =	sadd.s32 $0x0, s10;
	[bflag:$0x0] =	sbarrier.arrive $0xFFFF  }
0x15: {  	[tilespmem:s4], [sflag:$0x1] =	stream.linear.gather [hbm4b:s17+s4], $0x50, $0x38;
	[tilespmem:$0x16900] =	vst v63  }
0x16: {  	_ =	swait.ge [sflag:s12], $0x50  }
0x17: {  	[sflag:s12] =	ssyncset.done $0x0  }
0x18: {  	s31 =	sadd.s32 $0x0, s9;
	[sflag:s12] =	ssyncadd.s32 $0xFFFFFFB0  }
0x19: {  	[tilespmem:s13], [sflag:$0x1] =	stream.linear.gather [hbm4b:s31+s4], $0x50, $0x38;
	[tilespmem:$0x16900] =	vst v63  }
0x1a: {  	_ =	swait.ge [sflag:s12], $0x50  }
0x1b: {  	[sflag:s12] =	ssyncset.done $0x0  }
0x1c: {  	[sflag:s12] =	ssyncadd.s32 $0xFFFFFFB0  }
0x1d: {  	[tilespmem:s15], [sflag:$0x1] =	stream.indirect.gather [hbm4b:s1+s14], $0x80, s4, s14, $0xb8;
	[tilespmem:$0x16900] =	vst v63  }
0x1e: {  	_ =	swait.ge [sflag:s12], $0x2800  }
0x1f: {  	[sflag:s12] =	ssyncset.done $0x0  }
0x20: {  	[sflag:s12] =	ssyncadd.s32 $0xFFFFD800  }
0x21: {  	[spmem:s3] =	stream.indirect.scatter.add.f32 [tilespmem:s15], [sflag:$0x1], $0x80, s13, s14, $0xb8;
	[tilespmem:$0x16900] =	vst v63  }
0x22: {  	_ =	swait.ge [sflag:s12], $0x2800  }
0x23: {  	s18 =	simm.s32 $0x14;
	s17 =	simm.s32 $0xA;
	[sflag:s12] =	ssyncset.done $0x0  }
.LBB2_2:
0x24: {  	s19 =	sadd.s32 s17, s10  }
0x25: {  	[sflag:s12] =	ssyncadd.s32 $0xFFFFD800;
	s20 =	smov.u32 s18;
	s21 =	sadd.s32 $0xA, s18  }
0x26: {  	[tilespmem:s4], [sflag:$0x1] =	stream.linear.gather [hbm4b:s19+s4], $0x50, $0x38;
	[tilespmem:$0x16900] =	vst v63  }
0x27: {  	p0 =	sne.s32 s18, $0x4D8;
	_ =	swait.ge [sflag:s12], $0x50  }
0x28: {  	[sflag:s12] =	ssyncset.done $0x0  }
0x29: {  	s18 =	sadd.s32 s17, s9;
	s17 =	smov.u32 s20;
	[sflag:s12] =	ssyncadd.s32 $0xFFFFFFB0  }
0x2a: {  	[tilespmem:s13], [sflag:$0x1] =	stream.linear.gather [hbm4b:s18+s4], $0x50, $0x38;
	[tilespmem:$0x16900] =	vst v63  }
0x2b: {  	_ =	swait.ge [sflag:s12], $0x50  }
0x2c: {  	[sflag:s12] =	ssyncset.done $0x0  }
0x2d: {  	[sflag:s12] =	ssyncadd.s32 $0xFFFFFFB0  }
0x2e: {  	[tilespmem:s15], [sflag:$0x1] =	stream.indirect.gather [hbm4b:s1+s14], $0x80, s4, s14, $0xb8;
	[tilespmem:$0x16900] =	vst v63  }
0x2f: {  	_ =	swait.ge [sflag:s12], $0x2800  }
.Ltmp0:
0x30: {  	[sflag:s12] =	ssyncset.done $0x0;
	(pc) =	sbr.rel @p0 .LBB2_2-.Ltmp0, $4  }
0x31: {  	[sflag:s12] =	ssyncadd.s32 $0xFFFFD800  }
0x32: {  	[spmem:s3] =	stream.indirect.scatter.add.f32 [tilespmem:s15], [sflag:$0x1], $0x80, s13, s14, $0xb8;
	[tilespmem:$0x16900] =	vst v63  }
0x33: {  	_ =	swait.ge [sflag:s12], $0x2800  }
0x34: {  	s18 =	smov.u32 s21;
	[sflag:s12] =	ssyncset.done $0x0  }
0x35: {  	s18 =	sadd.s32 s17, s10;
	[sflag:s12] =	ssyncadd.s32 $0xFFFFD800  }
0x36: {  	[tilespmem:s4], [sflag:$0x1] =	stream.linear.gather [hbm4b:s18+s4], $0x50, $0x38;
	[tilespmem:$0x16900] =	vst v63  }
0x37: {  	_ =	swait.ge [sflag:s12], $0x50  }
0x38: {  	[sflag:s12] =	ssyncset.done $0x0  }
0x39: {  	s31 =	sadd.s32 s17, s9;
	[sflag:s12] =	ssyncadd.s32 $0xFFFFFFB0  }
0x3a: {  	[tilespmem:s13], [sflag:$0x1] =	stream.linear.gather [hbm4b:s31+s4], $0x50, $0x38;
	[tilespmem:$0x16900] =	vst v63  }
0x3b: {  	_ =	swait.ge [sflag:s12], $0x50  }
0x3c: {  	[sflag:s12] =	ssyncset.done $0x0  }
0x3d: {  	[sflag:s12] =	ssyncadd.s32 $0xFFFFFFB0  }
0x3e: {  	[tilespmem:s15], [sflag:$0x1] =	stream.indirect.gather [hbm4b:s1+s14], $0x80, s4, s14, $0xb8;
	[tilespmem:$0x16900] =	vst v63  }
0x3f: {  	_ =	swait.ge [sflag:s12], $0x2800  }
0x40: {  	[sflag:s12] =	ssyncset.done $0x0  }
0x41: {  	[sflag:s12] =	ssyncadd.s32 $0xFFFFD800  }
0x42: {  	[spmem:s3] =	stream.indirect.scatter.add.f32 [tilespmem:s15], [sflag:$0x1], $0x80, s13, s14, $0xb8;
	[tilespmem:$0x16900] =	vst v63  }
0x43: {  	_ =	swait.ge [sflag:s12], $0x2800  }
0x44: {  	s16 =	sadd.s32 $0x1, s16;
	[sflag:s12] =	ssyncset.done $0x0  }
0x45: {  	p0 =	sne.s32 s16, s8;
	[sflag:s12] =	ssyncadd.s32 $0xFFFFD800  }
.Ltmp1:
0x46: {  	[bflag:$0x0] =	sbarrier.arrive $0xFFFF;
	(pc) =	sbr.rel @p0 .LBB2_1-.Ltmp1, $4  }
0x47: {  	[hbm:s7], [sflag:s6] =	dma.local [spmem:s11], $0x2800  }
0x48: {  	_ =	swait.ge [sflag:s12], $0x2800  }
0x49: {  	[sflag:s12] =	ssyncset.done $0x0  }
0x4a: {  	[sflag:s12] =	ssyncadd.s32 $0xFFFFD800  }
0x4b: {  	_ =	sfence.sel $0x180000  }
0x4c: {  	[bflag:$0x0] =	sbarrier.arrive $0xFFFF  }
0x4d: {  	p0 =	sne.s32 s0, $0x0;
	_ =	strace $0x9000004A  }
0x4e: {  	s0 =	sadd.s32 @!p0 $0x100000, s2;
	[bflag:$0x2] =	sbarrier.arrive $0xFFFF  }
0x4f: {  	[sflag:s0] =	ssyncadd.tile.s32 @!p0 $0x1;
	_ =	shalt  }
.Lfunc_end2:
_tile_overlayer_lowered:
.L_overlay_start_2:
0x50: {  	(tag) =	ssettag $0x2  }
0x51: {  	s0 =	rddreg [dreg:$0x0];
	s2 =	stileid.u32  }
0x52: {  	s1 =	rddreg [dreg:$0x1];
	p0 =	sne.s32 s2, $0x0  }
0x53: {  	s3 =	rddreg [dreg:$0x2];
	[bflag:$0x3] =	sbarrier.arrive $0xFFFF;
	s2 =	simm.s32 @!p0 $0x1C01  }
0x54: {  	[timem:s3], [sflag:s2] =	dma.local @!p0 [hbm:s0], s1  }
0x55: {  	s0 =	simm.s32 @!p0 $0x1  }
0x56: {  	_ =	swait.ge @!p0 [sflag:s0], s1  }
0x57: {  	s1 =	ssub.s32 @!p0 $0x0, s1;
	[sflag:s0] =	ssyncset.done @!p0 $0x0  }
0x58: {  	[sflag:s0] =	ssyncadd.s32 @!p0 s1  }
0x59: {  	[bflag:$0x3] =	sbarrier.arrive $0xFFFF  }
0x5a: {  	_ =	shalt  }

// kernel: kernel.22.cloned.1.call-start
scs
__scs_entry_jumppad:
0x0: {  	(pc) =	sbr.rel $0x88, $3  }
0x1: {  	(tag) =	ssettag $0x0;
	lr =	simm.s32 $0x1  }
0x2: {  	[smem:$0x3F8F] =	sst lr;
	_ =	strace $0xD0000000  }
0x3: {  	_ = 	snop  }
0x4: {  	_ = 	snop  }
0x5: {  	_ = 	snop  }
0x6: {  	_ = 	snop  }
0x7: {  	_ = 	snop  }
__scs_overlays_trampoline_lowered:
0x8: {  	[smem:$0x3F9E] =	sst s0  }
0x9: {  	[smem:$0x3F9F] =	sst s1  }
0xa: {  	[smem:$0x3FA0] =	sst s2  }
0xb: {  	[smem:$0x3FA1] =	sst s3  }
0xc: {  	[smem:$0x3FA2] =	sst s4  }
0xd: {  	[smem:$0x3FA3] =	sst s5  }
0xe: {  	[smem:$0x3FA4] =	sst s6  }
0xf: {  	[smem:$0x3FA5] =	sst s7  }
0x10: {  	[smem:$0x3FA6] =	sst s8  }
0x11: {  	[smem:$0x3FA7] =	sst s9;
	s0 =	simm.s32 @!p0 $0x0  }
0x12: {  	s1 =	sld [smem:$0x3F8D];
	s0 =	simm.s32 @p0 $0x1  }
0x13: {  	[smem:$0x3FA8] =	sst s0;
	s0 =	simm.s32 @!p1 $0x0  }
0x14: {  	s2 =	sld [smem:$0x3F8C];
	s0 =	simm.s32 @p1 $0x1  }
0x15: {  	[smem:$0x3FA9] =	sst s0;
	s0 =	simm.s32 @!p2 $0x0  }
0x16: {  	s3 =	sld [smem:$0x3FDB];
	s0 =	simm.s32 @p2 $0x1  }
0x17: {  	s4 =	simm.s32 $0x1BF5;
	[smem:$0x3FAB] =	sst s0  }
0x18: {  	s0 =	sld [smem:$0x3F8E];
	_ =	swait.ge [sflag:s4], $0x0  }
0x19: {  	s7 =	sld [smem:$0x3F8F]  }
0x1a: {  	s8 =	sadd.s32 $0xFFFFE003, lr  }
0x1b: {  	s9 =	sadd.s32 $0xFFFFFEF7, lr;
	s5 =	simm.s32 $0xFFFFFFFF;
	p2 =	slt.u32 s8, $0xFFFFF086  }
0x1c: {  	p1 =	slt.u32 s9, $0xF7A;
	s5 =	simm.s32 @!p2 $0x0  }
0x1d: {  	s5 =	simm.s32 @p1 $0x1;
	p0 =	seq.s32 s7, s2  }
0x1e: {  	s7 =	smul.u32 @!p0 $0xF7A, s2;
	p2 =	seq.s32 @!p0 s5, $0x0  }
0x1f: {  	s9 =	smul.u32 $0xF7A, s1;
	s8 =	simm.s32 @!p0 $0x1BF5;
	p2 =	por !p2, p0  }
0x20: {  	[sflag:s8] =	ssyncset.s32 @!p0 $0xFFFFF086;
	s6 =	sadd.s32 @!p0 s3, s7;
	s7 =	simm.s32 @!p0 $0x108  }
0x21: {  	s3 =	sadd.s32 s3, s9;
	s6 =	sadd.s32 @!p0 $0x88, s6;
	s7 =	simm.s32 @p2 $0x1082  }
0x22: {  	[simem:s7], [sflag:s8] =	dma.local @!p0 [hbm:s6], $0xF7A  }
0x23: {  	s9 =	sor.u32 $0xD0000000, s2;
	s6 =	simm.s32 $0x108;
	_ =	swait.ge @!p0 [sflag:s8], $0x0  }
0x24: {  	s3 =	sadd.s32 $0x88, s3;
	s6 =	simm.s32 @!p1 $0x1082;
	[sflag:s4] =	ssyncset.s32 $0xFFFFF086  }
0x25: {  	[simem:s6], [sflag:s4] =	dma.local [hbm:s3], $0xF7A  }
0x26: {  	[smem:$0x3F8F] =	sst s1;
	(tag) =	ssettag s2;
	_ =	strace s9  }
0x27: {  	s1 =	sld [smem:$0x3F9F]  }
0x28: {  	s2 =	sld [smem:$0x3FA0]  }
0x29: {  	s4 =	sld [smem:$0x3FA2]  }
0x2a: {  	p0 =	seq.s32 s5, $0x0;
	s5 =	sld [smem:$0x3FA3]  }
0x2b: {  	s6 =	sld [smem:$0x3FA4]  }
0x2c: {  	s7 =	sld [smem:$0x3FA5]  }
0x2d: {  	s3 =	simm.s32 $0x108;
	s8 =	sld [smem:$0x3FA6]  }
0x2e: {  	s3 =	simm.s32 @!p0 $0x1082;
	s9 =	sld [smem:$0x3FA7]  }
0x2f: {  	lr =	sadd.s32 s0, s3;
	s0 =	sld [smem:$0x3F9E]  }
0x30: {  	s3 =	sld [smem:$0x3FA1]  }
0x31: {  	[smem:$0x3FAA] =	sst s10  }
0x32: {  	s10 =	sld [smem:$0x3FA8];
	_ =	sdelay $0x3  }
0x33: {  	p0 =	seq.s32 s10, $0x1;
	s10 =	sld [smem:$0x3FAA];
	_ =	sdelay $0x3  }
0x34: {  	[smem:$0x3FAA] =	sst s10  }
0x35: {  	s10 =	sld [smem:$0x3FA9];
	_ =	sdelay $0x3  }
0x36: {  	p1 =	seq.s32 s10, $0x1;
	s10 =	sld [smem:$0x3FAA];
	_ =	sdelay $0x3  }
0x37: {  	[smem:$0x3FAA] =	sst s10  }
0x38: {  	s10 =	sld [smem:$0x3FAB]  }
0x39: {  	_ = 	snop;
	(pc) =	sbr.ind lr, $3  }
0x3a: {  	_ = 	snop  }
0x3b: {  	_ = 	snop  }
0x3c: {  	p2 =	seq.s32 s10, $0x1;
	s10 =	sld [smem:$0x3FAA]  }
0x3d: {  	_ =	shalt  }
0x3e: {  	_ =	shalt  }
0x3f: {  	_ =	shalt  }
0x40: {  	_ =	shalt  }
0x41: {  	_ =	shalt  }
0x42: {  	_ =	shalt  }
0x43: {  	_ =	shalt  }
0x44: {  	_ =	shalt  }
0x45: {  	_ =	shalt  }
0x46: {  	_ =	shalt  }
0x47: {  	_ =	shalt  }
0x48: {  	_ =	shalt  }
0x49: {  	_ =	shalt  }
0x4a: {  	_ =	shalt  }
0x4b: {  	_ =	shalt  }
0x4c: {  	_ =	shalt  }
0x4d: {  	_ =	shalt  }
0x4e: {  	_ =	shalt  }
0x4f: {  	_ =	shalt  }
0x50: {  	_ =	shalt  }
0x51: {  	_ =	shalt  }
0x52: {  	_ =	shalt  }
0x53: {  	_ =	shalt  }
0x54: {  	_ =	shalt  }
0x55: {  	_ =	shalt  }
0x56: {  	_ =	shalt  }
0x57: {  	_ =	shalt  }
0x58: {  	_ =	shalt  }
0x59: {  	_ =	shalt  }
0x5a: {  	_ =	shalt  }
0x5b: {  	_ =	shalt  }
0x5c: {  	_ =	shalt  }
0x5d: {  	_ =	shalt  }
0x5e: {  	_ =	shalt  }
0x5f: {  	_ =	shalt  }
0x60: {  	_ =	shalt  }
0x61: {  	_ =	shalt  }
0x62: {  	_ =	shalt  }
0x63: {  	_ =	shalt  }
0x64: {  	_ =	shalt  }
0x65: {  	_ =	shalt  }
0x66: {  	_ =	shalt  }
0x67: {  	_ =	shalt  }
0x68: {  	_ =	shalt  }
0x69: {  	_ =	shalt  }
0x6a: {  	_ =	shalt  }
0x6b: {  	_ =	shalt  }
0x6c: {  	_ =	shalt  }
0x6d: {  	_ =	shalt  }
0x6e: {  	_ =	shalt  }
0x6f: {  	_ =	shalt  }
0x70: {  	_ =	shalt  }
0x71: {  	_ =	shalt  }
0x72: {  	_ =	shalt  }
0x73: {  	_ =	shalt  }
0x74: {  	_ =	shalt  }
0x75: {  	_ =	shalt  }
0x76: {  	_ =	shalt  }
0x77: {  	_ =	shalt  }
0x78: {  	_ =	shalt  }
0x79: {  	_ =	shalt  }
0x7a: {  	_ =	shalt  }
0x7b: {  	_ =	shalt  }
0x7c: {  	_ =	shalt  }
0x7d: {  	_ =	shalt  }
0x7e: {  	_ =	shalt  }
0x7f: {  	_ =	shalt  }
0x80: {  	_ =	shalt  }
0x81: {  	_ =	shalt  }
0x82: {  	_ =	shalt  }
0x83: {  	_ =	shalt  }
0x84: {  	_ =	shalt  }
0x85: {  	_ =	shalt  }
0x86: {  	_ =	shalt  }
0x87: {  	_ =	shalt  }
.Lfunc_end0:
.L_simem_size_0:
called_computation.2_lowered:
.L_overlay_start_0:
0x88: {  	s2 =	sld [smem:$0x3FD9]  }
0x89: {  	s3 =	sld [smem:$0x3FFE];
	_ =	sdelay $0x1  }
0x8a: {  	s1 =	srdreg.scid  }
0x8b: {  	s0 =	sand.u32 $0x1, s1  }
0x8c: {  	s17 =	sshll.u32 s0, $0xA;
	s2 =	sadd.s32 s3, s2  }
0x8d: {  	s2 =	sadd.s32 s2, s17  }
0x8e: {  	[smem:$0x3FB6] =	sst s2  }
0x8f: {  	_ = 	snop  }
0x90: {  	s2 =	sld [smem:$0x3FD0];
	(tm) =	ssettm $0x1  }
0x91: {  	s18 =	sld [smem:$0x3FFB];
	_ =	sdelay $0x3  }
0x92: {  	_ =	strace s18  }
0x93: {  	s3 =	sld [smem:$0x3FFC];
	_ =	sdelay $0x3  }
0x94: {  	_ =	strace s3  }
0x95: {  	s3 =	sld [smem:$0x3FFD];
	_ =	sdelay $0x3  }
0x96: {  	_ =	strace s3  }
0x97: {  	_ =	strace $0x8FFFFFFF  }
0x98: {  	s19 =	sld [smem:$0x3FDB];
	_ =	sdelay $0x1  }
0x99: {  	s4 =	simm.s32 $_scs_section_size  }
0x9a: {  	s5 =	simm.s32 $_size__tile_overlayer_lowered;
	s6 =	simm.s32 $_tile_overlayer_lowered  }
0x9b: {  	s22 =	simm.s32 $0x1BFF;
	s21 =	sshll.u32 s6, $0x1;
	s3 =	sadd.s32 s4, s19  }
0x9c: {  	s7 =	simm.s32 $0x0;
	s20 =	sshll.u32 s5, $0x1;
	s5 =	sadd.s32 s21, s3  }
0x9d: {  	[timem:s7], [sflag:s22] =	dma.local [hbm:s5], s20  }
0x9e: {  	_ =	swait.ge [sflag:s22], s20  }
0x9f: {  	s4 =	ssub.s32 $0x0, s20;
	[sflag:s22] =	ssyncset.done $0x0  }
0xa0: {  	[sflag:s22] =	ssyncadd.s32 s4;
	_ =	sdelay $0x1  }
0xa1: {  	s23 =	simm.s32 $0x1B8B  }
0xa2: {  	_ =	swait.ge [sflag:s23], $0x1  }
0xa3: {  	[sflag:s23] =	ssyncset.done $0x0  }
0xa4: {  	s25 =	simm.s32 $0x1B8E;
	s24 =	sld [smem:$0x3FFE];
	[sflag:s23] =	ssyncadd.s32 $0xFFFFFFFF  }
0xa5: {  	s26 =	simm.s32 $execute0_lowered;
	[smem:$0x3FD2] =	sst s25  }
0xa6: {  	s5 =	sshll.u32 s26, $0x1;
	_ =	strace $0x8000004C;
	[dreg:$0x1] =	wrdreg $0xFFFFFFFF  }
0xa7: {  	s28 =	simm.s32 $_size_execute0_lowered;
	s3 =	sadd.s32 s3, s5;
	[dreg:$0x0] =	wrdreg $0x0  }
0xa8: {  	s5 =	sshll.u32 s28, $0x1;
	[dreg:$0x2] =	wrdreg s3  }
0xa9: {  	[dreg:$0x3] =	wrdreg s5  }
0xaa: {  	[dreg:$0x4] =	wrdreg $0xC0  }
0xab: {  	_ =	task [dreg:s7], $0x5FFFF  }
0xac: {  	[dreg:$0x1] =	wrdreg $0xFFFFFFFF  }
0xad: {  	[dreg:$0x0] =	wrdreg $0x60  }
0xae: {  	[dreg:$0x2] =	wrdreg s2  }
0xaf: {  	[dreg:$0x3] =	wrdreg s24  }
0xb0: {  	[dreg:$0x4] =	wrdreg $0x57000  }
0xb1: {  	[dreg:$0x5] =	wrdreg $0x9  }
0xb2: {  	_ =	task.clear_ibuf [dreg:s7], $0x6FFFF;
	_ =	strace $0x9000004C  }
0xb3: {  	s29 =	simm.s32 $0x9;
	_ =	strace $0x8000004E  }
0xb4: {  	_ =	swait.ge [sflag:s29], $0x1  }
0xb5: {  	[sflag:s29] =	ssyncadd.s32 $0xFFFFFFFF  }
0xb6: {  	_ =	strace $0x9000004E  }
0xb7: {  	_ =	sfence  }
0xb8: {  	s30 =	sld [smem:$0x0];
	_ =	sdelay $0x2  }
0xb9: {  	s31 =	sshll.u32 s1, $0xD;
	s1 =	sshrl.u32 s1, $0x2  }
0xba: {  	s3 =	sand.u32 $0x4000, s31;
	s1 =	sadd.s32 s1, s30  }
0xbb: {  	s0 =	sor.u32 s3, s0;
	s1 =	sshll.u32 s1, $0x11  }
0xbc: {  	s0 =	sor.u32 s1, s0  }
0xbd: {  	s0 =	sadd.s32 $0x8F2B, s0  }
0xbe: {  	[sflag:s0] =	ssyncadd.remote.s32 $0x1  }
0xbf: {  	_ =	sfence.sel $0xFFFF  }
0xc0: {  	[dreg:$0x0] =	wrdreg $0xFFFFFFFF;
	(pc) =	sbr.abs _section_cstart, $3  }
0xc1: {  	[dreg:$0x1] =	wrdreg $0xFFFFFFFF  }
0xc2: {  	_ =	task.clear_ibuf [dreg:s7], $0x2FFFF;
	_ =	strace $0x9FFFFFFF  }
0xc3: {  	(tm) =	ssettm $0x7FFFFFFF  }
tec
execute0_lowered:
.L_overlay_start_1:
0x0: {  	(tag) =	ssettag $0x1  }
0x1: {  	s1 =	rddreg [dreg:$0x0]  }
0x2: {  	s9 =	rddreg [dreg:$0x1]  }
0x3: {  	s3 =	rddreg [dreg:$0x2]  }
0x4: {  	s0 =	rddreg [dreg:$0x3];
	s4 =	simm.s32 $0x0;
	s2 =	stileid.u32  }
0x5: {  	s5 =	srdreg.scid;
	s18 =	simm.s32 $0x80;
	s19 =	simm.s32 $0x50  }
0x6: {  	s20 =	simm.s32 $0x100;
	s21 =	simm.s32 $0x2900;
	s22 =	simm.s32 $0x5100  }
0x7: {  	s23 =	simm.s32 $0x0;
	[smem:$0x7FF] =	sst s4;
	s10 =	smul.u32 $0x14000, s2  }
0x8: {  	s11 =	sand.u32 $0x1, s5;
	s5 =	sadd.s32 $0x40600, s9;
	s6 =	sadd.s32 $0xE0600, s9  }
0x9: {  	s7 =	sadd.s32 $0x4A00, s9;
	s8 =	sadd.s32 $0xE800, s9;
	s29 =	smul.u32 $0x50000, s2  }
0xa: {  	s16 =	sshll.u32 s2, $0x1;
	s31 =	sshll.u32 s2, $0x6;
	_ =	strace $0x8000004D  }
0xb: {  	s12 =	smul.u32 $0x140000, s11;
	s30 =	ssub.s32 $0x2, s11;
	s11 =	sor.u32 s11, s16  }
0xc: {  	s16 =	sor.u32 $0x1C01, s31;
	s13 =	sshrl.u32 s10, $0x3;
	s15 =	sshrl.u32 s30, $0x1  }
0xd: {  	s11 =	smul.u32 $0x2710, s11;
	s10 =	sadd.s32 s10, s12;
	s28 =	sadd.s32 s13, s9  }
0xe: {  	s13 =	sshrl.u32 s29, $0x2;
	s15 =	ssub.s32 s30, s15;
	s10 =	sshrl.u32 s10, $0x3  }
0xf: {  	s17 =	sadd.s32 s13, s3;
	s13 =	smax.u32 s15, $0x1;
	s15 =	simm.s32 $0x1  }
0x10: {  	s14 =	sadd.s32 s10, s9;
	s9 =	sadd.s32 $0xE0800, s9;
	s10 =	sadd.s32 $0x18600, s28  }
0x11: {  	v0 =	vimm.f32 $0.0e+00;
	s17 =	sshrl.u32 s17, $0x3;
	s12 =	sadd.s32 $0x67800, s14;
	s14 =	simm.s32 $0x5600  }
.LBB2_1:
0x12: {  	[tilespmem:s14], [sflag:$0x1] =	stream.linear.gather [hbm4b:s6+s4], $0x80, $0x38;
	[tilespmem:$0x19700] =	vst v63  }
0x13: {  	_ =	swait.ge [sflag:s15], $0x80  }
0x14: {  	[sflag:s15] =	ssyncset.done $0x0  }
0x15: {  	[sflag:s15] =	ssyncadd.s32 $0xFFFFFF80  }
0x16: {  	[spmem:s17], [sflag:s16] =	dma.local [hbm:s10], $0x2800  }
0x17: {  	_ =	swait.ge [sflag:s15], $0x2800  }
0x18: {  	[sflag:s15] =	ssyncset.done $0x0  }
0x19: {  	[sflag:s15] =	ssyncadd.s32 $0xFFFFD800  }
0x1a: {  	[tilespmem:$0x5680] =	vst v0  }
0x1b: {  	[tilespmem:$0x5690] =	vst v0  }
0x1c: {  	[tilespmem:$0x56A0] =	vst v0  }
0x1d: {  	s24 =	simm.s32 $0x0;
	[bflag:$0x0] =	sbarrier.arrive $0xFFFF  }
.LBB2_2:
0x1e: {  	s25 =	smul.u32 $0x50, s24;
	_ =	sdelay $0x1  }
0x1f: {  	s25 =	sadd.s32 s11, s25  }
0x20: {  	s26 =	sshrl.u32 s25, $0x3  }
0x21: {  	s29 =	simm.s32 $0x0;
	s28 =	sadd.s32 s7, s26  }
0x22: {  	[tilespmem:s29], [sflag:$0x1] =	stream.linear.gather [hbm4b:s28+s29], $0x50, $0x38;
	[tilespmem:$0x19700] =	vst v63  }
0x23: {  	_ =	swait.ge [sflag:s15], $0x50  }
0x24: {  	[sflag:s15] =	ssyncset.done $0x0  }
0x25: {  	s26 =	sadd.s32 s8, s26;
	[sflag:s15] =	ssyncadd.s32 $0xFFFFFFB0  }
0x26: {  	[tilespmem:s18], [sflag:$0x1] =	stream.linear.gather [hbm4b:s26+s29], $0x50, $0x38;
	[tilespmem:$0x19700] =	vst v63  }
0x27: {  	_ =	swait.ge [sflag:s15], $0x50  }
0x28: {  	[sflag:s15] =	ssyncset.done $0x0  }
0x29: {  	[sflag:s15] =	ssyncadd.s32 $0xFFFFFFB0  }
0x2a: {  	[tilespmem:s20], [sflag:$0x1] =	stream.indirect.gather [hbm4b:s1+s19], $0x80, s29, s19, $0xb8;
	[tilespmem:$0x19700] =	vst v63  }
0x2b: {  	_ =	swait.ge [sflag:s15], $0x2800  }
0x2c: {  	[sflag:s15] =	ssyncset.done $0x0  }
0x2d: {  	[sflag:s15] =	ssyncadd.s32 $0xFFFFD800  }
0x2e: {  	[tilespmem:s21], [sflag:$0x1] =	stream.indirect.gather [hbm4b:s5+s19], $0x80, s18, s19, $0xb8;
	[tilespmem:$0x19700] =	vst v63  }
0x2f: {  	_ =	swait.ge [sflag:s15], $0x2800  }
0x30: {  	[sflag:s15] =	ssyncset.done $0x0  }
0x31: {  	[sflag:s15] =	ssyncadd.s32 $0xFFFFD800  }
0x32: {  	v9 =	vld [tilespmem:$0x5640]  }
0x33: {  	v10 =	vld [tilespmem:$0x5630]  }
0x34: {  	v8 =	vld [tilespmem:$0x5620]  }
0x35: {  	s26 =	simm.s32 $0x0;
	v7 =	vld [tilespmem:$0x5610]  }
0x36: {  	v5 =	vld [tilespmem:s26+$0x2910]  }
0x37: {  	v1 =	vld [tilespmem:s26+$0x100]  }
0x38: {  	v4 =	vld [tilespmem:s26+$0x2900]  }
0x39: {  	v11 =	vld [tilespmem:$0x5600]  }
0x3a: {  	v2 =	vld [tilespmem:s26+$0x110]  }
0x3b: {  	v12 =	vld [tilespmem:s26+$0x2920]  }
0x3c: {  	v3 =	vld [tilespmem:s26+$0x120]  }
0x3d: {  	v14 =	vld [tilespmem:s26+$0x2930];
	v13 =	vadd.f32 v4, v1  }
0x3e: {  	v4 =	vld [tilespmem:s26+$0x130]  }
0x3f: {  	v17 =	vld [tilespmem:s26+$0x2940];
	v16 =	vadd.f32 v5, v2;
	v15 =	vmul.f32 $2.000000030e-01, v13  }
0x40: {  	v6 =	vld [tilespmem:s26+$0x140]  }
0x41: {  	v50 =	vld [tilespmem:s26+$0x2950];
	v12 =	vadd.f32 v12, v3;
	v49 =	vmul.f32 $2.000000030e-01, v16;
	v5 =	vmax.f32 v13, v15  }
0x42: {  	v11 =	vmul.f32 v5, v11;
	v5 =	vld [tilespmem:s26+$0x150]  }
0x43: {  	v18 =	vld [tilespmem:s26+$0x2960];
	v51 =	vmul.f32 $2.000000030e-01, v12;
	v13 =	vmax.f32 v16, v49;
	v14 =	vadd.f32 v14, v4  }
0x44: {  	v13 =	vmul.f32 v13, v7;
	v7 =	vld [tilespmem:s26+$0x160];
	v11 =	vadd.f32 $0.0e+00, v11  }
0x45: {  	v19 =	vld [tilespmem:s26+$0x2970];
	v17 =	vadd.f32 v17, v6;
	v12 =	vmax.f32 v12, v51;
	v52 =	vmul.f32 $2.000000030e-01, v14  }
0x46: {  	v12 =	vmul.f32 v12, v8;
	v8 =	vld [tilespmem:s26+$0x170];
	v11 =	vadd.f32 v13, v11  }
0x47: {  	v55 =	vld [tilespmem:$0x5650];
	v54 =	vmul.f32 $2.000000030e-01, v17;
	v53 =	vmax.f32 v14, v52;
	v15 =	vadd.f32 v50, v5  }
0x48: {  	v10 =	vmul.f32 v53, v10;
	v11 =	vadd.f32 v12, v11  }
0x49: {  	v59 =	vld [tilespmem:$0x5660];
	v56 =	vmax.f32 v17, v54;
	v58 =	vadd.f32 v18, v7;
	v57 =	vmul.f32 $2.000000030e-01, v15  }
0x4a: {  	v9 =	vmul.f32 v56, v9;
	v10 =	vadd.f32 v10, v11  }
0x4b: {  	v62 =	vld [tilespmem:$0x5670];
	v61 =	vadd.f32 v19, v8;
	v60 =	vmul.f32 $2.000000030e-01, v58;
	v11 =	vmax.f32 v15, v57  }
0x4c: {  	v9 =	vadd.f32 v9, v10;
	v10 =	vmul.f32 v11, v55  }
0x4d: {  	v63 =	vmul.f32 $2.000000030e-01, v61;
	v11 =	vmax.f32 v58, v60  }
0x4e: {  	v9 =	vadd.f32 v10, v9;
	v10 =	vmul.f32 v11, v59  }
0x4f: {  	v11 =	vmax.f32 v61, v63  }
0x50: {  	v9 =	vadd.f32 v10, v9;
	v10 =	vmul.f32 v11, v62;
	_ =	sdelay $0x1  }
0x51: {  	v9 =	vadd.f32 v10, v9;
	_ =	sdelay $0x1  }
0x52: {  	[tilespmem:$0x5690] =	vst v9  }
0x53: {  	v10 =	vld [tilespmem:$0x5698]  }
0x54: {  	v11 =	vld [tilespmem:$0x5688];
	_ =	sdelay $0x4  }
0x55: {  	v10 =	vadd.f32 v11, v10;
	_ =	sdelay $0x1  }
0x56: {  	v9 =	vadd.f32 v10, v9;
	_ =	sdelay $0x1  }
0x57: {  	v9 =	vmul.f32 $1.442695020e+00, v9;
	_ =	sdelay $0x1  }
0x58: {  	(erf) = vpow2.f32 v9;
	_ =	sdelay $0x8  }
0x59: {  	s30 =	simm.s32 $0x200;
	s28 =	simm.s32 $0x5100;
	s29 =	simm.s32 $0x5100;
	v9 =	vpop (erf)  }
.LBB2_3:
0x5a: {  	p0 =	sne.s32 s30, $0x9E00  }
0x5b: {  	v4 =	vmul.f32 v9, v4;
	v6 =	vmul.f32 v9, v6;
	s29 =	sadd.s32 $0x10, s29;
	s31 =	smov.u32 s30;
	s30 =	sadd.s32 $0x200, s30  }
0x5c: {  	v3 =	vmul.f32 v9, v3;
	v7 =	vmul.f32 v9, v7  }
0x5d: {  	v1 =	vmul.f32 v9, v1;
	v2 =	vmul.f32 v9, v2;
	[tilespmem:s26+$0x140] =	vst v6  }
0x5e: {  	[tilespmem:s26+$0x120] =	vst v3;
	v3 =	vmul.f32 v9, v5;
	v5 =	vmul.f32 v9, v8  }
0x5f: {  	[tilespmem:s26+$0x130] =	vst v4  }
0x60: {  	[tilespmem:s26+$0x100] =	vst v1  }
0x61: {  	[tilespmem:s26+$0x170] =	vst v5  }
0x62: {  	[tilespmem:s26+$0x160] =	vst v7  }
0x63: {  	[tilespmem:s26+$0x150] =	vst v3  }
0x64: {  	[tilespmem:s26+$0x110] =	vst v2  }
0x65: {  	[tilespmem:s28+$0x0] =	vst v9;
	s28 =	smov.u32 s29  }
0x66: {  	v9 =	vld [tilespmem:$0x5640]  }
0x67: {  	v10 =	vld [tilespmem:$0x5630]  }
0x68: {  	v8 =	vld [tilespmem:$0x5620]  }
0x69: {  	s26 =	sshra.s32 s31, $0x2;
	v7 =	vld [tilespmem:$0x5610]  }
0x6a: {  	v5 =	vld [tilespmem:s26+$0x2910]  }
0x6b: {  	v1 =	vld [tilespmem:s26+$0x100]  }
0x6c: {  	v4 =	vld [tilespmem:s26+$0x2900]  }
0x6d: {  	v11 =	vld [tilespmem:$0x5600]  }
0x6e: {  	v2 =	vld [tilespmem:s26+$0x110]  }
0x6f: {  	v12 =	vld [tilespmem:s26+$0x2920]  }
0x70: {  	v3 =	vld [tilespmem:s26+$0x120]  }
0x71: {  	v13 =	vadd.f32 v4, v1;
	v14 =	vld [tilespmem:s26+$0x2930]  }
0x72: {  	v4 =	vld [tilespmem:s26+$0x130]  }
0x73: {  	v15 =	vmul.f32 $2.000000030e-01, v13;
	v16 =	vadd.f32 v5, v2;
	v17 =	vld [tilespmem:s26+$0x2940]  }
0x74: {  	v6 =	vld [tilespmem:s26+$0x140]  }
0x75: {  	v5 =	vmax.f32 v13, v15;
	v13 =	vmul.f32 $2.000000030e-01, v16;
	v12 =	vadd.f32 v12, v3;
	v15 =	vld [tilespmem:s26+$0x2950]  }
0x76: {  	v11 =	vmul.f32 v5, v11;
	v5 =	vld [tilespmem:s26+$0x150]  }
0x77: {  	v13 =	vmax.f32 v16, v13;
	v16 =	vmul.f32 $2.000000030e-01, v12;
	v14 =	vadd.f32 v14, v4;
	v18 =	vld [tilespmem:s26+$0x2960]  }
0x78: {  	v11 =	vadd.f32 $0.0e+00, v11;
	v13 =	vmul.f32 v13, v7;
	v7 =	vld [tilespmem:s26+$0x160]  }
0x79: {  	v12 =	vmax.f32 v12, v16;
	v16 =	vmul.f32 $2.000000030e-01, v14;
	v17 =	vadd.f32 v17, v6;
	v19 =	vld [tilespmem:s26+$0x2970]  }
0x7a: {  	v11 =	vadd.f32 v13, v11;
	v12 =	vmul.f32 v12, v8;
	v8 =	vld [tilespmem:s26+$0x170]  }
0x7b: {  	v13 =	vmax.f32 v14, v16;
	v14 =	vmul.f32 $2.000000030e-01, v17;
	v15 =	vadd.f32 v15, v5;
	v16 =	vld [tilespmem:$0x5650]  }
0x7c: {  	v11 =	vadd.f32 v12, v11;
	v10 =	vmul.f32 v13, v10  }
0x7d: {  	v12 =	vmax.f32 v17, v14;
	v13 =	vmul.f32 $2.000000030e-01, v15;
	v14 =	vadd.f32 v18, v7;
	v17 =	vld [tilespmem:$0x5660]  }
0x7e: {  	v10 =	vadd.f32 v10, v11;
	v9 =	vmul.f32 v12, v9  }
0x7f: {  	v11 =	vmax.f32 v15, v13;
	v12 =	vmul.f32 $2.000000030e-01, v14;
	v13 =	vadd.f32 v19, v8;
	v15 =	vld [tilespmem:$0x5670]  }
0x80: {  	v9 =	vadd.f32 v9, v10;
	v10 =	vmul.f32 v11, v16  }
0x81: {  	v11 =	vmax.f32 v14, v12;
	v12 =	vmul.f32 $2.000000030e-01, v13  }
0x82: {  	v9 =	vadd.f32 v10, v9;
	v10 =	vmul.f32 v11, v17  }
0x83: {  	v11 =	vmax.f32 v13, v12  }
0x84: {  	v9 =	vadd.f32 v10, v9;
	v10 =	vmul.f32 v11, v15;
	_ =	sdelay $0x1  }
0x85: {  	v9 =	vadd.f32 v10, v9;
	_ =	sdelay $0x1  }
0x86: {  	[tilespmem:$0x5690] =	vst v9  }
0x87: {  	v10 =	vld [tilespmem:$0x5698]  }
0x88: {  	v11 =	vld [tilespmem:$0x5688];
	_ =	sdelay $0x4  }
0x89: {  	v10 =	vadd.f32 v11, v10;
	_ =	sdelay $0x1  }
0x8a: {  	v9 =	vadd.f32 v10, v9;
	_ =	sdelay $0x1  }
0x8b: {  	v9 =	vmul.f32 $1.442695020e+00, v9;
	_ =	sdelay $0x1  }
0x8c: {  	(erf) = vpow2.f32 v9;
	_ =	sdelay $0x4  }
.Ltmp0:
0x8d: {  	(pc) =	sbr.rel @p0 .LBB2_3-.Ltmp0, $2  }
0x8e: {  	_ =	sdelay $0x2  }
0x8f: {  	v9 =	vpop (erf)  }
0x90: {  	v6 =	vmul.f32 v9, v6  }
0x91: {  	v3 =	vmul.f32 v9, v3  }
0x92: {  	v4 =	vmul.f32 v9, v4;
	[tilespmem:s26+$0x140] =	vst v6  }
0x93: {  	v1 =	vmul.f32 v9, v1;
	[tilespmem:s26+$0x120] =	vst v3  }
0x94: {  	v63 =	vmul.f32 v9, v7;
	[tilespmem:s26+$0x130] =	vst v4  }
0x95: {  	v2 =	vmul.f32 v9, v2;
	[tilespmem:s26+$0x100] =	vst v1  }
0x96: {  	v3 =	vmul.f32 v9, v8;
	[tilespmem:s26+$0x160] =	vst v63  }
0x97: {  	v1 =	vmul.f32 v9, v5;
	[tilespmem:s26+$0x110] =	vst v2  }
0x98: {  	[tilespmem:s26+$0x170] =	vst v3  }
0x99: {  	[tilespmem:s26+$0x150] =	vst v1  }
0x9a: {  	[tilespmem:s28+$0x0] =	vst v9  }
0x9b: {  	[spmem:s3] =	stream.indirect.scatter.add.f32 [tilespmem:s20], [sflag:$0x1], $0x80, s18, s19, $0xb8;
	[tilespmem:$0x19700] =	vst v63  }
0x9c: {  	s24 =	sadd.s32 $0x1, s24;
	_ =	swait.ge [sflag:s15], $0x2800  }
0x9d: {  	s25 =	sshll.u32 s25, $0x1;
	p0 =	sne.s32 s24, $0x7D;
	[sflag:s15] =	ssyncset.done $0x0  }
.Ltmp1:
0x9e: {  	s25 =	sadd.s32 s9, s25;
	[sflag:s15] =	ssyncadd.s32 $0xFFFFD800;
	(pc) =	sbr.rel @p0 .LBB2_2-.Ltmp1, $4  }
0x9f: {  	[hbm4b:s25+s4] =	stream.linear.scatter [tilespmem:s22], [sflag:$0x1], $0x500, $0x38;
	[tilespmem:$0x19700] =	vst v63  }
0xa0: {  	_ =	swait.ge [sflag:s15], $0x500  }
0xa1: {  	[sflag:s15] =	ssyncset.done $0x0  }
0xa2: {  	[sflag:s15] =	ssyncadd.s32 $0xFFFFFB00  }
0xa3: {  	s23 =	sadd.s32 $0x1, s23  }
0xa4: {  	p0 =	sne.s32 s23, s13  }
.Ltmp2:
0xa5: {  	[bflag:$0x0] =	sbarrier.arrive $0xFFFF;
	(pc) =	sbr.rel @p0 .LBB2_1-.Ltmp2, $4  }
0xa6: {  	[hbm:s12], [sflag:s16] =	dma.local [spmem:s17], $0x2800  }
0xa7: {  	_ =	swait.ge [sflag:s15], $0x2800  }
0xa8: {  	[sflag:s15] =	ssyncset.done $0x0  }
0xa9: {  	[sflag:s15] =	ssyncadd.s32 $0xFFFFD800  }
0xaa: {  	_ =	sfence.sel $0x180000  }
0xab: {  	[bflag:$0x0] =	sbarrier.arrive $0xFFFF  }
0xac: {  	p0 =	sne.s32 s2, $0x0;
	_ =	strace $0x9000004D  }
0xad: {  	s0 =	sadd.s32 @!p0 $0x100000, s0;
	[bflag:$0x2] =	sbarrier.arrive $0xFFFF  }
0xae: {  	[sflag:s0] =	ssyncadd.tile.s32 @!p0 $0x1;
	_ =	shalt  }
.Lfunc_end2:
_tile_overlayer_lowered:
.L_overlay_start_2:
0xaf: {  	(tag) =	ssettag $0x2  }
0xb0: {  	s0 =	rddreg [dreg:$0x0];
	s2 =	stileid.u32  }
0xb1: {  	s1 =	rddreg [dreg:$0x1];
	p0 =	sne.s32 s2, $0x0  }
0xb2: {  	s3 =	rddreg [dreg:$0x2];
	[bflag:$0x3] =	sbarrier.arrive $0xFFFF;
	s2 =	simm.s32 @!p0 $0x1C01  }
0xb3: {  	[timem:s3], [sflag:s2] =	dma.local @!p0 [hbm:s0], s1  }
0xb4: {  	s0 =	simm.s32 @!p0 $0x1  }
0xb5: {  	_ =	swait.ge @!p0 [sflag:s0], s1  }
0xb6: {  	s1 =	ssub.s32 @!p0 $0x0, s1;
	[sflag:s0] =	ssyncset.done @!p0 $0x0  }
0xb7: {  	[sflag:s0] =	ssyncadd.s32 @!p0 s1  }
0xb8: {  	[bflag:$0x3] =	sbarrier.arrive $0xFFFF  }
0xb9: {  	_ =	shalt  }

// kernel: kernel.25.cloned.1.call-start
scs
__scs_entry_jumppad:
0x0: {  	(pc) =	sbr.rel $0x88, $3  }
0x1: {  	(tag) =	ssettag $0x0;
	lr =	simm.s32 $0x1  }
0x2: {  	[smem:$0x3F8F] =	sst lr;
	_ =	strace $0xD0000000  }
0x3: {  	_ = 	snop  }
0x4: {  	_ = 	snop  }
0x5: {  	_ = 	snop  }
0x6: {  	_ = 	snop  }
0x7: {  	_ = 	snop  }
__scs_overlays_trampoline_lowered:
0x8: {  	[smem:$0x3F9E] =	sst s0  }
0x9: {  	[smem:$0x3F9F] =	sst s1  }
0xa: {  	[smem:$0x3FA0] =	sst s2  }
0xb: {  	[smem:$0x3FA1] =	sst s3  }
0xc: {  	[smem:$0x3FA2] =	sst s4  }
0xd: {  	[smem:$0x3FA3] =	sst s5  }
0xe: {  	[smem:$0x3FA4] =	sst s6  }
0xf: {  	[smem:$0x3FA5] =	sst s7  }
0x10: {  	[smem:$0x3FA6] =	sst s8  }
0x11: {  	[smem:$0x3FA7] =	sst s9;
	s0 =	simm.s32 @!p0 $0x0  }
0x12: {  	s1 =	sld [smem:$0x3F8D];
	s0 =	simm.s32 @p0 $0x1  }
0x13: {  	[smem:$0x3FA8] =	sst s0;
	s0 =	simm.s32 @!p1 $0x0  }
0x14: {  	s2 =	sld [smem:$0x3F8C];
	s0 =	simm.s32 @p1 $0x1  }
0x15: {  	[smem:$0x3FA9] =	sst s0;
	s0 =	simm.s32 @!p2 $0x0  }
0x16: {  	s3 =	sld [smem:$0x3FDB];
	s0 =	simm.s32 @p2 $0x1  }
0x17: {  	s4 =	simm.s32 $0x1BF5;
	[smem:$0x3FAB] =	sst s0  }
0x18: {  	s0 =	sld [smem:$0x3F8E];
	_ =	swait.ge [sflag:s4], $0x0  }
0x19: {  	s7 =	sld [smem:$0x3F8F]  }
0x1a: {  	s8 =	sadd.s32 $0xFFFFE003, lr  }
0x1b: {  	s9 =	sadd.s32 $0xFFFFFEF7, lr;
	s5 =	simm.s32 $0xFFFFFFFF;
	p2 =	slt.u32 s8, $0xFFFFF086  }
0x1c: {  	p1 =	slt.u32 s9, $0xF7A;
	s5 =	simm.s32 @!p2 $0x0  }
0x1d: {  	s5 =	simm.s32 @p1 $0x1;
	p0 =	seq.s32 s7, s2  }
0x1e: {  	s7 =	smul.u32 @!p0 $0xF7A, s2;
	p2 =	seq.s32 @!p0 s5, $0x0  }
0x1f: {  	s9 =	smul.u32 $0xF7A, s1;
	s8 =	simm.s32 @!p0 $0x1BF5;
	p2 =	por !p2, p0  }
0x20: {  	[sflag:s8] =	ssyncset.s32 @!p0 $0xFFFFF086;
	s6 =	sadd.s32 @!p0 s3, s7;
	s7 =	simm.s32 @!p0 $0x108  }
0x21: {  	s3 =	sadd.s32 s3, s9;
	s6 =	sadd.s32 @!p0 $0x88, s6;
	s7 =	simm.s32 @p2 $0x1082  }
0x22: {  	[simem:s7], [sflag:s8] =	dma.local @!p0 [hbm:s6], $0xF7A  }
0x23: {  	s9 =	sor.u32 $0xD0000000, s2;
	s6 =	simm.s32 $0x108;
	_ =	swait.ge @!p0 [sflag:s8], $0x0  }
0x24: {  	s3 =	sadd.s32 $0x88, s3;
	s6 =	simm.s32 @!p1 $0x1082;
	[sflag:s4] =	ssyncset.s32 $0xFFFFF086  }
0x25: {  	[simem:s6], [sflag:s4] =	dma.local [hbm:s3], $0xF7A  }
0x26: {  	[smem:$0x3F8F] =	sst s1;
	(tag) =	ssettag s2;
	_ =	strace s9  }
0x27: {  	s1 =	sld [smem:$0x3F9F]  }
0x28: {  	s2 =	sld [smem:$0x3FA0]  }
0x29: {  	s4 =	sld [smem:$0x3FA2]  }
0x2a: {  	p0 =	seq.s32 s5, $0x0;
	s5 =	sld [smem:$0x3FA3]  }
0x2b: {  	s6 =	sld [smem:$0x3FA4]  }
0x2c: {  	s7 =	sld [smem:$0x3FA5]  }
0x2d: {  	s3 =	simm.s32 $0x108;
	s8 =	sld [smem:$0x3FA6]  }
0x2e: {  	s3 =	simm.s32 @!p0 $0x1082;
	s9 =	sld [smem:$0x3FA7]  }
0x2f: {  	lr =	sadd.s32 s0, s3;
	s0 =	sld [smem:$0x3F9E]  }
0x30: {  	s3 =	sld [smem:$0x3FA1]  }
0x31: {  	[smem:$0x3FAA] =	sst s10  }
0x32: {  	s10 =	sld [smem:$0x3FA8];
	_ =	sdelay $0x3  }
0x33: {  	p0 =	seq.s32 s10, $0x1;
	s10 =	sld [smem:$0x3FAA];
	_ =	sdelay $0x3  }
0x34: {  	[smem:$0x3FAA] =	sst s10  }
0x35: {  	s10 =	sld [smem:$0x3FA9];
	_ =	sdelay $0x3  }
0x36: {  	p1 =	seq.s32 s10, $0x1;
	s10 =	sld [smem:$0x3FAA];
	_ =	sdelay $0x3  }
0x37: {  	[smem:$0x3FAA] =	sst s10  }
0x38: {  	s10 =	sld [smem:$0x3FAB]  }
0x39: {  	_ = 	snop;
	(pc) =	sbr.ind lr, $3  }
0x3a: {  	_ = 	snop  }
0x3b: {  	_ = 	snop  }
0x3c: {  	p2 =	seq.s32 s10, $0x1;
	s10 =	sld [smem:$0x3FAA]  }
0x3d: {  	_ =	shalt  }
0x3e: {  	_ =	shalt  }
0x3f: {  	_ =	shalt  }
0x40: {  	_ =	shalt  }
0x41: {  	_ =	shalt  }
0x42: {  	_ =	shalt  }
0x43: {  	_ =	shalt  }
0x44: {  	_ =	shalt  }
0x45: {  	_ =	shalt  }
0x46: {  	_ =	shalt  }
0x47: {  	_ =	shalt  }
0x48: {  	_ =	shalt  }
0x49: {  	_ =	shalt  }
0x4a: {  	_ =	shalt  }
0x4b: {  	_ =	shalt  }
0x4c: {  	_ =	shalt  }
0x4d: {  	_ =	shalt  }
0x4e: {  	_ =	shalt  }
0x4f: {  	_ =	shalt  }
0x50: {  	_ =	shalt  }
0x51: {  	_ =	shalt  }
0x52: {  	_ =	shalt  }
0x53: {  	_ =	shalt  }
0x54: {  	_ =	shalt  }
0x55: {  	_ =	shalt  }
0x56: {  	_ =	shalt  }
0x57: {  	_ =	shalt  }
0x58: {  	_ =	shalt  }
0x59: {  	_ =	shalt  }
0x5a: {  	_ =	shalt  }
0x5b: {  	_ =	shalt  }
0x5c: {  	_ =	shalt  }
0x5d: {  	_ =	shalt  }
0x5e: {  	_ =	shalt  }
0x5f: {  	_ =	shalt  }
0x60: {  	_ =	shalt  }
0x61: {  	_ =	shalt  }
0x62: {  	_ =	shalt  }
0x63: {  	_ =	shalt  }
0x64: {  	_ =	shalt  }
0x65: {  	_ =	shalt  }
0x66: {  	_ =	shalt  }
0x67: {  	_ =	shalt  }
0x68: {  	_ =	shalt  }
0x69: {  	_ =	shalt  }
0x6a: {  	_ =	shalt  }
0x6b: {  	_ =	shalt  }
0x6c: {  	_ =	shalt  }
0x6d: {  	_ =	shalt  }
0x6e: {  	_ =	shalt  }
0x6f: {  	_ =	shalt  }
0x70: {  	_ =	shalt  }
0x71: {  	_ =	shalt  }
0x72: {  	_ =	shalt  }
0x73: {  	_ =	shalt  }
0x74: {  	_ =	shalt  }
0x75: {  	_ =	shalt  }
0x76: {  	_ =	shalt  }
0x77: {  	_ =	shalt  }
0x78: {  	_ =	shalt  }
0x79: {  	_ =	shalt  }
0x7a: {  	_ =	shalt  }
0x7b: {  	_ =	shalt  }
0x7c: {  	_ =	shalt  }
0x7d: {  	_ =	shalt  }
0x7e: {  	_ =	shalt  }
0x7f: {  	_ =	shalt  }
0x80: {  	_ =	shalt  }
0x81: {  	_ =	shalt  }
0x82: {  	_ =	shalt  }
0x83: {  	_ =	shalt  }
0x84: {  	_ =	shalt  }
0x85: {  	_ =	shalt  }
0x86: {  	_ =	shalt  }
0x87: {  	_ =	shalt  }
.Lfunc_end0:
.L_simem_size_0:
called_computation.3_lowered:
.L_overlay_start_0:
0x88: {  	s2 =	sld [smem:$0x3FD9]  }
0x89: {  	s3 =	sld [smem:$0x3FFE];
	_ =	sdelay $0x1  }
0x8a: {  	s1 =	srdreg.scid  }
0x8b: {  	s0 =	sand.u32 $0x1, s1  }
0x8c: {  	s16 =	sshll.u32 s0, $0xA;
	s2 =	sadd.s32 s3, s2  }
0x8d: {  	s2 =	sadd.s32 s2, s16  }
0x8e: {  	[smem:$0x3FB6] =	sst s2  }
0x8f: {  	_ = 	snop  }
0x90: {  	(tm) =	ssettm $0x1  }
0x91: {  	s17 =	sld [smem:$0x3FFB];
	_ =	sdelay $0x3  }
0x92: {  	_ =	strace s17  }
0x93: {  	s2 =	sld [smem:$0x3FFC];
	_ =	sdelay $0x3  }
0x94: {  	_ =	strace s2  }
0x95: {  	s2 =	sld [smem:$0x3FFD];
	_ =	sdelay $0x3  }
0x96: {  	_ =	strace s2  }
0x97: {  	_ =	strace $0x8FFFFFFF  }
0x98: {  	s18 =	sld [smem:$0x3FDB];
	_ =	sdelay $0x1  }
0x99: {  	s19 =	simm.s32 $_scs_section_size  }
0x9a: {  	s4 =	simm.s32 $_size__tile_overlayer_lowered;
	s5 =	simm.s32 $_tile_overlayer_lowered  }
0x9b: {  	s22 =	simm.s32 $0x1BFF;
	s21 =	sshll.u32 s5, $0x1;
	s2 =	sadd.s32 s19, s18  }
0x9c: {  	s6 =	simm.s32 $0x0;
	s20 =	sshll.u32 s4, $0x1;
	s4 =	sadd.s32 s21, s2  }
0x9d: {  	[timem:s6], [sflag:s22] =	dma.local [hbm:s4], s20  }
0x9e: {  	_ =	swait.ge [sflag:s22], s20  }
0x9f: {  	s3 =	ssub.s32 $0x0, s20;
	[sflag:s22] =	ssyncset.done $0x0  }
0xa0: {  	[sflag:s22] =	ssyncadd.s32 s3;
	_ =	sdelay $0x1  }
0xa1: {  	s23 =	simm.s32 $0x1B8B  }
0xa2: {  	_ =	swait.ge [sflag:s23], $0x1  }
0xa3: {  	[sflag:s23] =	ssyncset.done $0x0  }
0xa4: {  	s25 =	simm.s32 $0x1B8E;
	s24 =	sld [smem:$0x3FFE];
	[sflag:s23] =	ssyncadd.s32 $0xFFFFFFFF  }
0xa5: {  	s26 =	simm.s32 $execute0_lowered;
	[smem:$0x3FD2] =	sst s25  }
0xa6: {  	s4 =	sshll.u32 s26, $0x1;
	_ =	strace $0x8000004F;
	[dreg:$0x1] =	wrdreg $0xFFFFFFFF  }
0xa7: {  	s28 =	simm.s32 $_size_execute0_lowered;
	s2 =	sadd.s32 s2, s4;
	[dreg:$0x0] =	wrdreg $0x0  }
0xa8: {  	s4 =	sshll.u32 s28, $0x1;
	[dreg:$0x2] =	wrdreg s2  }
0xa9: {  	[dreg:$0x3] =	wrdreg s4  }
0xaa: {  	[dreg:$0x4] =	wrdreg $0xC0  }
0xab: {  	_ =	task [dreg:s6], $0x5FFFF  }
0xac: {  	[dreg:$0x1] =	wrdreg $0xFFFFFFFF  }
0xad: {  	[dreg:$0x0] =	wrdreg $0x60  }
0xae: {  	[dreg:$0x2] =	wrdreg s24  }
0xaf: {  	[dreg:$0x3] =	wrdreg $0x2D800  }
0xb0: {  	[dreg:$0x4] =	wrdreg $0x9  }
0xb1: {  	_ =	task.clear_ibuf [dreg:s6], $0x5FFFF;
	_ =	strace $0x9000004F  }
0xb2: {  	s29 =	simm.s32 $0x9;
	_ =	strace $0x80000051  }
0xb3: {  	_ =	swait.ge [sflag:s29], $0x1  }
0xb4: {  	[sflag:s29] =	ssyncadd.s32 $0xFFFFFFFF  }
0xb5: {  	_ =	strace $0x90000051  }
0xb6: {  	_ =	sfence  }
0xb7: {  	s30 =	sld [smem:$0x0];
	_ =	sdelay $0x2  }
0xb8: {  	s31 =	sshll.u32 s1, $0xD;
	s1 =	sshrl.u32 s1, $0x2  }
0xb9: {  	s3 =	sand.u32 $0x4000, s31;
	s1 =	sadd.s32 s1, s30  }
0xba: {  	s0 =	sor.u32 s3, s0;
	s1 =	sshll.u32 s1, $0x11  }
0xbb: {  	s0 =	sor.u32 s1, s0  }
0xbc: {  	s0 =	sadd.s32 $0x8F2B, s0  }
0xbd: {  	[sflag:s0] =	ssyncadd.remote.s32 $0x1  }
0xbe: {  	_ =	sfence.sel $0xFFFF  }
0xbf: {  	[dreg:$0x0] =	wrdreg $0xFFFFFFFF;
	(pc) =	sbr.abs _section_cstart, $3  }
0xc0: {  	[dreg:$0x1] =	wrdreg $0xFFFFFFFF  }
0xc1: {  	_ =	task.clear_ibuf [dreg:s6], $0x2FFFF;
	_ =	strace $0x9FFFFFFF  }
0xc2: {  	(tm) =	ssettm $0x7FFFFFFF  }
0xc3: {  	_ =	shalt  }
tec
execute0_lowered:
.L_overlay_start_1:
0x0: {  	(tag) =	ssettag $0x1  }
0x1: {  	s6 =	rddreg [dreg:$0x0]  }
0x2: {  	s2 =	rddreg [dreg:$0x1]  }
0x3: {  	s0 =	rddreg [dreg:$0x2];
	s3 =	simm.s32 $0x0;
	s1 =	stileid.u32  }
0x4: {  	s4 =	srdreg.scid;
	s14 =	simm.s32 $0x50;
	s15 =	simm.s32 $0x580  }
0x5: {  	s16 =	simm.s32 $0x0;
	[smem:$0x7FF] =	sst s3;
	s7 =	smul.u32 $0x14000, s1  }
0x6: {  	s8 =	sand.u32 $0x1, s4;
	s4 =	sadd.s32 $0xE0800, s6;
	s5 =	sadd.s32 $0xE800, s6  }
0x7: {  	s11 =	smul.u32 $0x50000, s1;
	s30 =	sshll.u32 s1, $0x6;
	s31 =	sshll.u32 s1, $0x1  }
0x8: {  	_ =	strace $0x80000050;
	s9 =	smul.u32 $0x140000, s8;
	s28 =	ssub.s32 $0x2, s8  }
0x9: {  	s8 =	sor.u32 s8, s31;
	s10 =	sshrl.u32 s7, $0x3;
	s12 =	sshrl.u32 s28, $0x1  }
0xa: {  	s29 =	sshrl.u32 s11, $0x2;
	s8 =	smul.u32 $0x2710, s8;
	s7 =	sadd.s32 s7, s9  }
0xb: {  	s10 =	sadd.s32 s10, s6;
	s11 =	sadd.s32 s29, s2;
	s7 =	sshrl.u32 s7, $0x3  }
0xc: {  	s12 =	ssub.s32 s28, s12;
	s11 =	sshrl.u32 s11, $0x3;
	s13 =	sadd.s32 s7, s6  }
0xd: {  	s6 =	sadd.s32 $0x18600, s10;
	s7 =	sor.u32 $0x1C01, s30;
	s10 =	smax.u32 s12, $0x1  }
0xe: {  	s12 =	simm.s32 $0x1;
	s9 =	sadd.s32 $0x17CC00, s13;
	s13 =	simm.s32 $0x80  }
.LBB2_1:
0xf: {  	[spmem:s11], [sflag:s7] =	dma.local [hbm:s6], $0x2800  }
0x10: {  	_ =	swait.ge [sflag:s12], $0x2800  }
0x11: {  	[sflag:s12] =	ssyncset.done $0x0  }
0x12: {  	[sflag:s12] =	ssyncadd.s32 $0xFFFFD800  }
0x13: {  	s17 =	simm.s32 $0x0;
	[bflag:$0x0] =	sbarrier.arrive $0xFFFF  }
.LBB2_2:
0x14: {  	s18 =	smul.u32 $0x50, s17;
	_ =	sdelay $0x1  }
0x15: {  	s18 =	sadd.s32 s8, s18  }
0x16: {  	s19 =	sshrl.u32 s18, $0x3  }
0x17: {  	s20 =	simm.s32 $0x0;
	s19 =	sadd.s32 s5, s19  }
0x18: {  	[tilespmem:s20], [sflag:$0x1] =	stream.linear.gather [hbm4b:s19+s20], $0x50, $0x38;
	[tilespmem:$0x16D80] =	vst v63  }
0x19: {  	_ =	swait.ge [sflag:s12], $0x50  }
0x1a: {  	s18 =	sshll.u32 s18, $0x1;
	[sflag:s12] =	ssyncset.done $0x0  }
0x1b: {  	s18 =	sadd.s32 s4, s18;
	[sflag:s12] =	ssyncadd.s32 $0xFFFFFFB0  }
0x1c: {  	[tilespmem:s13], [sflag:$0x1] =	stream.linear.gather [hbm4b:s18+s20], $0x500, $0x38;
	[tilespmem:$0x16D80] =	vst v63  }
0x1d: {  	_ =	swait.ge [sflag:s12], $0x500  }
0x1e: {  	[sflag:s12] =	ssyncset.done $0x0  }
0x1f: {  	s31 =	simm.s32 $0x0;
	[sflag:s12] =	ssyncadd.s32 $0xFFFFFB00  }
0x20: {  	v0 =	vld [tilespmem:s31+$0x80];
	_ =	sdelay $0x3  }
0x21: {  	s18 =	simm.s32 $0x5C0  }
0x22: {  	[tilespmem:s18+$0xFFFFFFC0] =	vst v0  }
0x23: {  	[tilespmem:s18+$0xFFFFFFD0] =	vst v0  }
0x24: {  	[tilespmem:s18+$0xFFFFFFE0] =	vst v0  }
0x25: {  	[tilespmem:s18+$0xFFFFFFF0] =	vst v0  }
0x26: {  	[tilespmem:s18+$0x0] =	vst v0  }
0x27: {  	[tilespmem:s18+$0x10] =	vst v0  }
0x28: {  	[tilespmem:s18+$0x20] =	vst v0  }
0x29: {  	s19 =	simm.s32 $0x80;
	s20 =	simm.s32 $0x10;
	[tilespmem:s18+$0x30] =	vst v0  }
.LBB2_3:
0x2a: {  	p0 =	sne.s32 s19, $0x13C0;
	v0 =	vld [tilespmem:s20+$0x80];
	_ =	sdelay $0x3  }
0x2b: {  	s18 =	sadd.s32 $0x80, s18  }
0x2c: {  	[tilespmem:s18+$0xFFFFFFC0] =	vst v0  }
0x2d: {  	[tilespmem:s18+$0xFFFFFFD0] =	vst v0  }
0x2e: {  	[tilespmem:s18+$0xFFFFFFE0] =	vst v0  }
.Ltmp0:
0x2f: {  	[tilespmem:s18+$0xFFFFFFF0] =	vst v0;
	(pc) =	sbr.rel @p0 .LBB2_3-.Ltmp0, $4  }
0x30: {  	[tilespmem:s18+$0x0] =	vst v0  }
0x31: {  	[tilespmem:s18+$0x10] =	vst v0  }
0x32: {  	[tilespmem:s18+$0x20] =	vst v0  }
0x33: {  	s20 =	sshra.s32 s19, $0x2;
	s19 =	sadd.s32 $0x40, s19;
	[tilespmem:s18+$0x30] =	vst v0  }
0x34: {  	v0 =	vld [tilespmem:s20+$0x80];
	_ =	sdelay $0x3  }
0x35: {  	s18 =	sadd.s32 $0x80, s18  }
0x36: {  	[tilespmem:s18+$0xFFFFFFC0] =	vst v0  }
0x37: {  	[tilespmem:s18+$0xFFFFFFD0] =	vst v0  }
0x38: {  	[tilespmem:s18+$0xFFFFFFE0] =	vst v0  }
0x39: {  	[tilespmem:s18+$0xFFFFFFF0] =	vst v0  }
0x3a: {  	[tilespmem:s18+$0x0] =	vst v0  }
0x3b: {  	s17 =	sadd.s32 $0x1, s17;
	[tilespmem:s18+$0x10] =	vst v0  }
0x3c: {  	p0 =	sne.s32 s17, $0x7D;
	[tilespmem:s18+$0x20] =	vst v0  }
.Ltmp1:
0x3d: {  	[tilespmem:s18+$0x30] =	vst v0;
	(pc) =	sbr.rel @p0 .LBB2_2-.Ltmp1, $4  }
0x3e: {  	[spmem:s2] =	stream.indirect.scatter.add.f32 [tilespmem:s15], [sflag:$0x1], $0x80, s3, s14, $0xb8;
	[tilespmem:$0x16D80] =	vst v63  }
0x3f: {  	_ =	swait.ge [sflag:s12], $0x2800  }
0x40: {  	[sflag:s12] =	ssyncset.done $0x0  }
0x41: {  	[sflag:s12] =	ssyncadd.s32 $0xFFFFD800  }
0x42: {  	s16 =	sadd.s32 $0x1, s16  }
0x43: {  	p0 =	sne.s32 s16, s10  }
.Ltmp2:
0x44: {  	[bflag:$0x0] =	sbarrier.arrive $0xFFFF;
	(pc) =	sbr.rel @p0 .LBB2_1-.Ltmp2, $4  }
0x45: {  	[hbm:s9], [sflag:s7] =	dma.local [spmem:s11], $0x2800  }
0x46: {  	_ =	swait.ge [sflag:s12], $0x2800  }
0x47: {  	[sflag:s12] =	ssyncset.done $0x0  }
0x48: {  	[sflag:s12] =	ssyncadd.s32 $0xFFFFD800  }
0x49: {  	_ =	sfence.sel $0x180000  }
0x4a: {  	[bflag:$0x0] =	sbarrier.arrive $0xFFFF  }
0x4b: {  	p0 =	sne.s32 s1, $0x0;
	_ =	strace $0x90000050  }
0x4c: {  	s0 =	sadd.s32 @!p0 $0x100000, s0;
	[bflag:$0x2] =	sbarrier.arrive $0xFFFF  }
0x4d: {  	[sflag:s0] =	ssyncadd.tile.s32 @!p0 $0x1;
	_ =	shalt  }
.Lfunc_end2:
_tile_overlayer_lowered:
.L_overlay_start_2:
0x4e: {  	(tag) =	ssettag $0x2  }
0x4f: {  	s0 =	rddreg [dreg:$0x0];
	s2 =	stileid.u32  }
0x50: {  	s1 =	rddreg [dreg:$0x1];
	p0 =	sne.s32 s2, $0x0  }
0x51: {  	s3 =	rddreg [dreg:$0x2];
	[bflag:$0x3] =	sbarrier.arrive $0xFFFF;
	s2 =	simm.s32 @!p0 $0x1C01  }
0x52: {  	[timem:s3], [sflag:s2] =	dma.local @!p0 [hbm:s0], s1  }
0x53: {  	s0 =	simm.s32 @!p0 $0x1  }
0x54: {  	_ =	swait.ge @!p0 [sflag:s0], s1  }
0x55: {  	s1 =	ssub.s32 @!p0 $0x0, s1;
	[sflag:s0] =	ssyncset.done @!p0 $0x0  }
0x56: {  	[sflag:s0] =	ssyncadd.s32 @!p0 s1  }
0x57: {  	[bflag:$0x3] =	sbarrier.arrive $0xFFFF  }
0x58: {  	_ =	shalt  }

// kernel: kernel.28.cloned.1.call-start
scs
__scs_entry_jumppad:
0x0: {  	(pc) =	sbr.rel $0x88, $3  }
0x1: {  	(tag) =	ssettag $0x0;
	lr =	simm.s32 $0x1  }
0x2: {  	[smem:$0x3F8F] =	sst lr;
	_ =	strace $0xD0000000  }
0x3: {  	_ = 	snop  }
0x4: {  	_ = 	snop  }
0x5: {  	_ = 	snop  }
0x6: {  	_ = 	snop  }
0x7: {  	_ = 	snop  }
__scs_overlays_trampoline_lowered:
0x8: {  	[smem:$0x3F9E] =	sst s0  }
0x9: {  	[smem:$0x3F9F] =	sst s1  }
0xa: {  	[smem:$0x3FA0] =	sst s2  }
0xb: {  	[smem:$0x3FA1] =	sst s3  }
0xc: {  	[smem:$0x3FA2] =	sst s4  }
0xd: {  	[smem:$0x3FA3] =	sst s5  }
0xe: {  	[smem:$0x3FA4] =	sst s6  }
0xf: {  	[smem:$0x3FA5] =	sst s7  }
0x10: {  	[smem:$0x3FA6] =	sst s8  }
0x11: {  	[smem:$0x3FA7] =	sst s9;
	s0 =	simm.s32 @!p0 $0x0  }
0x12: {  	s1 =	sld [smem:$0x3F8D];
	s0 =	simm.s32 @p0 $0x1  }
0x13: {  	[smem:$0x3FA8] =	sst s0;
	s0 =	simm.s32 @!p1 $0x0  }
0x14: {  	s2 =	sld [smem:$0x3F8C];
	s0 =	simm.s32 @p1 $0x1  }
0x15: {  	[smem:$0x3FA9] =	sst s0;
	s0 =	simm.s32 @!p2 $0x0  }
0x16: {  	s3 =	sld [smem:$0x3FDB];
	s0 =	simm.s32 @p2 $0x1  }
0x17: {  	s4 =	simm.s32 $0x1BF5;
	[smem:$0x3FAB] =	sst s0  }
0x18: {  	s0 =	sld [smem:$0x3F8E];
	_ =	swait.ge [sflag:s4], $0x0  }
0x19: {  	s7 =	sld [smem:$0x3F8F]  }
0x1a: {  	s8 =	sadd.s32 $0xFFFFE003, lr  }
0x1b: {  	s9 =	sadd.s32 $0xFFFFFEF7, lr;
	s5 =	simm.s32 $0xFFFFFFFF;
	p2 =	slt.u32 s8, $0xFFFFF086  }
0x1c: {  	p1 =	slt.u32 s9, $0xF7A;
	s5 =	simm.s32 @!p2 $0x0  }
0x1d: {  	s5 =	simm.s32 @p1 $0x1;
	p0 =	seq.s32 s7, s2  }
0x1e: {  	s7 =	smul.u32 @!p0 $0xF7A, s2;
	p2 =	seq.s32 @!p0 s5, $0x0  }
0x1f: {  	s9 =	smul.u32 $0xF7A, s1;
	s8 =	simm.s32 @!p0 $0x1BF5;
	p2 =	por !p2, p0  }
0x20: {  	[sflag:s8] =	ssyncset.s32 @!p0 $0xFFFFF086;
	s6 =	sadd.s32 @!p0 s3, s7;
	s7 =	simm.s32 @!p0 $0x108  }
0x21: {  	s3 =	sadd.s32 s3, s9;
	s6 =	sadd.s32 @!p0 $0x88, s6;
	s7 =	simm.s32 @p2 $0x1082  }
0x22: {  	[simem:s7], [sflag:s8] =	dma.local @!p0 [hbm:s6], $0xF7A  }
0x23: {  	s9 =	sor.u32 $0xD0000000, s2;
	s6 =	simm.s32 $0x108;
	_ =	swait.ge @!p0 [sflag:s8], $0x0  }
0x24: {  	s3 =	sadd.s32 $0x88, s3;
	s6 =	simm.s32 @!p1 $0x1082;
	[sflag:s4] =	ssyncset.s32 $0xFFFFF086  }
0x25: {  	[simem:s6], [sflag:s4] =	dma.local [hbm:s3], $0xF7A  }
0x26: {  	[smem:$0x3F8F] =	sst s1;
	(tag) =	ssettag s2;
	_ =	strace s9  }
0x27: {  	s1 =	sld [smem:$0x3F9F]  }
0x28: {  	s2 =	sld [smem:$0x3FA0]  }
0x29: {  	s4 =	sld [smem:$0x3FA2]  }
0x2a: {  	p0 =	seq.s32 s5, $0x0;
	s5 =	sld [smem:$0x3FA3]  }
0x2b: {  	s6 =	sld [smem:$0x3FA4]  }
0x2c: {  	s7 =	sld [smem:$0x3FA5]  }
0x2d: {  	s3 =	simm.s32 $0x108;
	s8 =	sld [smem:$0x3FA6]  }
0x2e: {  	s3 =	simm.s32 @!p0 $0x1082;
	s9 =	sld [smem:$0x3FA7]  }
0x2f: {  	lr =	sadd.s32 s0, s3;
	s0 =	sld [smem:$0x3F9E]  }
0x30: {  	s3 =	sld [smem:$0x3FA1]  }
0x31: {  	[smem:$0x3FAA] =	sst s10  }
0x32: {  	s10 =	sld [smem:$0x3FA8];
	_ =	sdelay $0x3  }
0x33: {  	p0 =	seq.s32 s10, $0x1;
	s10 =	sld [smem:$0x3FAA];
	_ =	sdelay $0x3  }
0x34: {  	[smem:$0x3FAA] =	sst s10  }
0x35: {  	s10 =	sld [smem:$0x3FA9];
	_ =	sdelay $0x3  }
0x36: {  	p1 =	seq.s32 s10, $0x1;
	s10 =	sld [smem:$0x3FAA];
	_ =	sdelay $0x3  }
0x37: {  	[smem:$0x3FAA] =	sst s10  }
0x38: {  	s10 =	sld [smem:$0x3FAB]  }
0x39: {  	_ = 	snop;
	(pc) =	sbr.ind lr, $3  }
0x3a: {  	_ = 	snop  }
0x3b: {  	_ = 	snop  }
0x3c: {  	p2 =	seq.s32 s10, $0x1;
	s10 =	sld [smem:$0x3FAA]  }
0x3d: {  	_ =	shalt  }
0x3e: {  	_ =	shalt  }
0x3f: {  	_ =	shalt  }
0x40: {  	_ =	shalt  }
0x41: {  	_ =	shalt  }
0x42: {  	_ =	shalt  }
0x43: {  	_ =	shalt  }
0x44: {  	_ =	shalt  }
0x45: {  	_ =	shalt  }
0x46: {  	_ =	shalt  }
0x47: {  	_ =	shalt  }
0x48: {  	_ =	shalt  }
0x49: {  	_ =	shalt  }
0x4a: {  	_ =	shalt  }
0x4b: {  	_ =	shalt  }
0x4c: {  	_ =	shalt  }
0x4d: {  	_ =	shalt  }
0x4e: {  	_ =	shalt  }
0x4f: {  	_ =	shalt  }
0x50: {  	_ =	shalt  }
0x51: {  	_ =	shalt  }
0x52: {  	_ =	shalt  }
0x53: {  	_ =	shalt  }
0x54: {  	_ =	shalt  }
0x55: {  	_ =	shalt  }
0x56: {  	_ =	shalt  }
0x57: {  	_ =	shalt  }
0x58: {  	_ =	shalt  }
0x59: {  	_ =	shalt  }
0x5a: {  	_ =	shalt  }
0x5b: {  	_ =	shalt  }
0x5c: {  	_ =	shalt  }
0x5d: {  	_ =	shalt  }
0x5e: {  	_ =	shalt  }
0x5f: {  	_ =	shalt  }
0x60: {  	_ =	shalt  }
0x61: {  	_ =	shalt  }
0x62: {  	_ =	shalt  }
0x63: {  	_ =	shalt  }
0x64: {  	_ =	shalt  }
0x65: {  	_ =	shalt  }
0x66: {  	_ =	shalt  }
0x67: {  	_ =	shalt  }
0x68: {  	_ =	shalt  }
0x69: {  	_ =	shalt  }
0x6a: {  	_ =	shalt  }
0x6b: {  	_ =	shalt  }
0x6c: {  	_ =	shalt  }
0x6d: {  	_ =	shalt  }
0x6e: {  	_ =	shalt  }
0x6f: {  	_ =	shalt  }
0x70: {  	_ =	shalt  }
0x71: {  	_ =	shalt  }
0x72: {  	_ =	shalt  }
0x73: {  	_ =	shalt  }
0x74: {  	_ =	shalt  }
0x75: {  	_ =	shalt  }
0x76: {  	_ =	shalt  }
0x77: {  	_ =	shalt  }
0x78: {  	_ =	shalt  }
0x79: {  	_ =	shalt  }
0x7a: {  	_ =	shalt  }
0x7b: {  	_ =	shalt  }
0x7c: {  	_ =	shalt  }
0x7d: {  	_ =	shalt  }
0x7e: {  	_ =	shalt  }
0x7f: {  	_ =	shalt  }
0x80: {  	_ =	shalt  }
0x81: {  	_ =	shalt  }
0x82: {  	_ =	shalt  }
0x83: {  	_ =	shalt  }
0x84: {  	_ =	shalt  }
0x85: {  	_ =	shalt  }
0x86: {  	_ =	shalt  }
0x87: {  	_ =	shalt  }
.Lfunc_end0:
.L_simem_size_0:
called_computation.4_lowered:
.L_overlay_start_0:
0x88: {  	s2 =	sld [smem:$0x3FD9]  }
0x89: {  	s3 =	sld [smem:$0x3FFE];
	_ =	sdelay $0x1  }
0x8a: {  	s1 =	srdreg.scid  }
0x8b: {  	s0 =	sand.u32 $0x1, s1  }
0x8c: {  	s17 =	sshll.u32 s0, $0xA;
	s2 =	sadd.s32 s3, s2  }
0x8d: {  	s2 =	sadd.s32 s2, s17  }
0x8e: {  	[smem:$0x3FB6] =	sst s2  }
0x8f: {  	_ = 	snop  }
0x90: {  	s2 =	sld [smem:$0x3FBB]  }
0x91: {  	s18 =	sld [smem:$0x3FD0];
	(tm) =	ssettm $0x1  }
0x92: {  	s4 =	sld [smem:$0x3FFB];
	_ =	sdelay $0x3  }
0x93: {  	_ =	strace s4  }
0x94: {  	s4 =	sld [smem:$0x3FFC];
	_ =	sdelay $0x3  }
0x95: {  	_ =	strace s4  }
0x96: {  	s4 =	sld [smem:$0x3FFD];
	_ =	sdelay $0x3  }
0x97: {  	_ =	strace s4  }
0x98: {  	_ =	strace $0x8FFFFFFF  }
0x99: {  	s19 =	sld [smem:$0x3FDB];
	_ =	sdelay $0x1  }
0x9a: {  	s5 =	simm.s32 $_scs_section_size  }
0x9b: {  	s6 =	simm.s32 $_size__tile_overlayer_lowered;
	s7 =	simm.s32 $_tile_overlayer_lowered  }
0x9c: {  	s22 =	simm.s32 $0x1BFF;
	s21 =	sshll.u32 s7, $0x1;
	s4 =	sadd.s32 s5, s19  }
0x9d: {  	s8 =	simm.s32 $0x0;
	s20 =	sshll.u32 s6, $0x1;
	s6 =	sadd.s32 s21, s4  }
0x9e: {  	[timem:s8], [sflag:s22] =	dma.local [hbm:s6], s20  }
0x9f: {  	_ =	swait.ge [sflag:s22], s20  }
0xa0: {  	s5 =	ssub.s32 $0x0, s20;
	[sflag:s22] =	ssyncset.done $0x0  }
0xa1: {  	[sflag:s22] =	ssyncadd.s32 s5;
	_ =	sdelay $0x1  }
0xa2: {  	s23 =	simm.s32 $0x1B8B  }
0xa3: {  	_ =	swait.ge [sflag:s23], $0x1  }
0xa4: {  	[sflag:s23] =	ssyncset.done $0x0  }
0xa5: {  	s25 =	simm.s32 $0x1B8E;
	s24 =	sld [smem:$0x3FFE];
	[sflag:s23] =	ssyncadd.s32 $0xFFFFFFFF  }
0xa6: {  	s26 =	simm.s32 $execute0_lowered;
	[smem:$0x3FD2] =	sst s25  }
0xa7: {  	s6 =	sshll.u32 s26, $0x1;
	_ =	strace $0x80000052;
	[dreg:$0x1] =	wrdreg $0xFFFFFFFF  }
0xa8: {  	s28 =	simm.s32 $_size_execute0_lowered;
	s4 =	sadd.s32 s4, s6;
	[dreg:$0x0] =	wrdreg $0x0  }
0xa9: {  	s6 =	sshll.u32 s28, $0x1;
	[dreg:$0x2] =	wrdreg s4  }
0xaa: {  	[dreg:$0x3] =	wrdreg s6  }
0xab: {  	[dreg:$0x4] =	wrdreg $0xC0  }
0xac: {  	_ =	task [dreg:s8], $0x5FFFF  }
0xad: {  	[dreg:$0x1] =	wrdreg $0xFFFFFFFF  }
0xae: {  	[dreg:$0x0] =	wrdreg $0x60  }
0xaf: {  	[dreg:$0x2] =	wrdreg s18  }
0xb0: {  	[dreg:$0x3] =	wrdreg s24  }
0xb1: {  	[dreg:$0x4] =	wrdreg s2  }
0xb2: {  	[dreg:$0x5] =	wrdreg $0x57000  }
0xb3: {  	[dreg:$0x6] =	wrdreg $0x9  }
0xb4: {  	_ =	task.clear_ibuf [dreg:s8], $0x7FFFF;
	_ =	strace $0x90000052  }
0xb5: {  	s29 =	simm.s32 $0x9;
	_ =	strace $0x80000054  }
0xb6: {  	_ =	swait.ge [sflag:s29], $0x1  }
0xb7: {  	[sflag:s29] =	ssyncadd.s32 $0xFFFFFFFF  }
0xb8: {  	_ =	strace $0x90000054  }
0xb9: {  	_ =	sfence  }
0xba: {  	s30 =	sld [smem:$0x0];
	_ =	sdelay $0x2  }
0xbb: {  	s31 =	sshll.u32 s1, $0xD;
	s1 =	sshrl.u32 s1, $0x2  }
0xbc: {  	s3 =	sand.u32 $0x4000, s31;
	s1 =	sadd.s32 s1, s30  }
0xbd: {  	s0 =	sor.u32 s3, s0;
	s1 =	sshll.u32 s1, $0x11  }
0xbe: {  	s0 =	sor.u32 s1, s0  }
0xbf: {  	s0 =	sadd.s32 $0x8F2B, s0  }
0xc0: {  	[sflag:s0] =	ssyncadd.remote.s32 $0x1  }
0xc1: {  	_ =	sfence.sel $0xFFFF  }
0xc2: {  	[dreg:$0x0] =	wrdreg $0xFFFFFFFF;
	(pc) =	sbr.abs _section_cstart, $3  }
0xc3: {  	[dreg:$0x1] =	wrdreg $0xFFFFFFFF  }
0xc4: {  	_ =	task.clear_ibuf [dreg:s8], $0x2FFFF;
	_ =	strace $0x9FFFFFFF  }
0xc5: {  	(tm) =	ssettm $0x7FFFFFFF  }
tec
execute0_lowered:
.L_overlay_start_1:
0x0: {  	(tag) =	ssettag $0x1  }
0x1: {  	s1 =	rddreg [dreg:$0x0]  }
0x2: {  	s9 =	rddreg [dreg:$0x1]  }
0x3: {  	s3 =	rddreg [dreg:$0x2]  }
0x4: {  	s4 =	rddreg [dreg:$0x3];
	s2 =	stileid.u32  }
0x5: {  	s6 =	srdreg.scid;
	s5 =	simm.s32 $0x0;
	s18 =	simm.s32 $0x80  }
0x6: {  	s19 =	simm.s32 $0x50;
	s20 =	simm.s32 $0x100;
	s21 =	simm.s32 $0x2900  }
0x7: {  	s22 =	simm.s32 $0x5100;
	s23 =	simm.s32 $0x0;
	s10 =	smul.u32 $0x14000, s2  }
0x8: {  	s11 =	sand.u32 $0x1, s6;
	[smem:$0x7FF] =	sst s5;
	s6 =	sadd.s32 $0x40600, s9  }
0x9: {  	s7 =	sadd.s32 $0x4A00, s9;
	s8 =	sadd.s32 $0xE800, s9;
	s29 =	smul.u32 $0x50000, s2  }
0xa: {  	s16 =	sshll.u32 s2, $0x1;
	s31 =	sshll.u32 s2, $0x6;
	s12 =	smul.u32 $0x140000, s11  }
0xb: {  	_ =	strace $0x80000053;
	s30 =	ssub.s32 $0x2, s11;
	s11 =	sor.u32 s11, s16  }
0xc: {  	s16 =	sor.u32 $0x1C01, s31;
	s13 =	sshrl.u32 s10, $0x3;
	s15 =	sshrl.u32 s30, $0x1  }
0xd: {  	s11 =	smul.u32 $0x2710, s11;
	s10 =	sadd.s32 s10, s12;
	s28 =	sadd.s32 s13, s9  }
0xe: {  	s13 =	sshrl.u32 s29, $0x2;
	s15 =	ssub.s32 s30, s15;
	s10 =	sshrl.u32 s10, $0x3  }
0xf: {  	s17 =	sadd.s32 s13, s4;
	s13 =	smax.u32 s15, $0x1;
	s15 =	simm.s32 $0x1  }
0x10: {  	s14 =	sadd.s32 s10, s9;
	s9 =	sadd.s32 $0x67800, s9;
	s10 =	sadd.s32 $0x18600, s28  }
0x11: {  	v0 =	vimm.f32 $0.0e+00;
	s17 =	sshrl.u32 s17, $0x3;
	s12 =	sadd.s32 $0x103C00, s14;
	s14 =	simm.s32 $0x5600  }
.LBB2_1:
0x12: {  	[tilespmem:s14], [sflag:$0x1] =	stream.linear.gather [hbm4b:s3+s5], $0x80, $0x38;
	[tilespmem:$0x19700] =	vst v63  }
0x13: {  	_ =	swait.ge [sflag:s15], $0x80  }
0x14: {  	[sflag:s15] =	ssyncset.done $0x0  }
0x15: {  	[sflag:s15] =	ssyncadd.s32 $0xFFFFFF80  }
0x16: {  	[spmem:s17], [sflag:s16] =	dma.local [hbm:s10], $0x2800  }
0x17: {  	_ =	swait.ge [sflag:s15], $0x2800  }
0x18: {  	[sflag:s15] =	ssyncset.done $0x0  }
0x19: {  	[sflag:s15] =	ssyncadd.s32 $0xFFFFD800  }
0x1a: {  	[tilespmem:$0x5680] =	vst v0  }
0x1b: {  	[tilespmem:$0x5690] =	vst v0  }
0x1c: {  	[tilespmem:$0x56A0] =	vst v0  }
0x1d: {  	s24 =	simm.s32 $0x0;
	[bflag:$0x0] =	sbarrier.arrive $0xFFFF  }
.LBB2_2:
0x1e: {  	s25 =	smul.u32 $0x50, s24;
	_ =	sdelay $0x1  }
0x1f: {  	s25 =	sadd.s32 s11, s25  }
0x20: {  	s26 =	sshrl.u32 s25, $0x3  }
0x21: {  	s29 =	simm.s32 $0x0;
	s28 =	sadd.s32 s7, s26  }
0x22: {  	[tilespmem:s29], [sflag:$0x1] =	stream.linear.gather [hbm4b:s28+s29], $0x50, $0x38;
	[tilespmem:$0x19700] =	vst v63  }
0x23: {  	_ =	swait.ge [sflag:s15], $0x50  }
0x24: {  	[sflag:s15] =	ssyncset.done $0x0  }
0x25: {  	s26 =	sadd.s32 s8, s26;
	[sflag:s15] =	ssyncadd.s32 $0xFFFFFFB0  }
0x26: {  	[tilespmem:s18], [sflag:$0x1] =	stream.linear.gather [hbm4b:s26+s29], $0x50, $0x38;
	[tilespmem:$0x19700] =	vst v63  }
0x27: {  	_ =	swait.ge [sflag:s15], $0x50  }
0x28: {  	[sflag:s15] =	ssyncset.done $0x0  }
0x29: {  	[sflag:s15] =	ssyncadd.s32 $0xFFFFFFB0  }
0x2a: {  	[tilespmem:s20], [sflag:$0x1] =	stream.indirect.gather [hbm4b:s1+s19], $0x80, s29, s19, $0xb8;
	[tilespmem:$0x19700] =	vst v63  }
0x2b: {  	_ =	swait.ge [sflag:s15], $0x2800  }
0x2c: {  	[sflag:s15] =	ssyncset.done $0x0  }
0x2d: {  	[sflag:s15] =	ssyncadd.s32 $0xFFFFD800  }
0x2e: {  	[tilespmem:s21], [sflag:$0x1] =	stream.indirect.gather [hbm4b:s6+s19], $0x80, s18, s19, $0xb8;
	[tilespmem:$0x19700] =	vst v63  }
0x2f: {  	_ =	swait.ge [sflag:s15], $0x2800  }
0x30: {  	[sflag:s15] =	ssyncset.done $0x0  }
0x31: {  	[sflag:s15] =	ssyncadd.s32 $0xFFFFD800  }
0x32: {  	v9 =	vld [tilespmem:$0x5640]  }
0x33: {  	v10 =	vld [tilespmem:$0x5630]  }
0x34: {  	v8 =	vld [tilespmem:$0x5620]  }
0x35: {  	s26 =	simm.s32 $0x0;
	v7 =	vld [tilespmem:$0x5610]  }
0x36: {  	v5 =	vld [tilespmem:s26+$0x2910]  }
0x37: {  	v1 =	vld [tilespmem:s26+$0x100]  }
0x38: {  	v4 =	vld [tilespmem:s26+$0x2900]  }
0x39: {  	v2 =	vld [tilespmem:s26+$0x110]  }
0x3a: {  	v6 =	vld [tilespmem:$0x5600]  }
0x3b: {  	v11 =	vld [tilespmem:s26+$0x2920]  }
0x3c: {  	v3 =	vld [tilespmem:s26+$0x120]  }
0x3d: {  	v13 =	vld [tilespmem:s26+$0x2930];
	v12 =	vadd.f32 v4, v1  }
0x3e: {  	v4 =	vld [tilespmem:s26+$0x130]  }
0x3f: {  	v16 =	vld [tilespmem:s26+$0x2940];
	v14 =	vadd.f32 v5, v2;
	v15 =	vmul.f32 $2.000000030e-01, v12  }
0x40: {  	v5 =	vld [tilespmem:s26+$0x140]  }
0x41: {  	v51 =	vld [tilespmem:s26+$0x2950];
	v11 =	vadd.f32 v11, v3;
	v17 =	vmul.f32 $2.000000030e-01, v14;
	v12 =	vmax.f32 v12, v15  }
0x42: {  	v12 =	vmul.f32 v12, v6;
	v6 =	vld [tilespmem:s26+$0x150]  }
0x43: {  	v18 =	vld [tilespmem:s26+$0x2960];
	v52 =	vmul.f32 $2.000000030e-01, v11;
	v14 =	vmax.f32 v14, v17;
	v13 =	vadd.f32 v13, v4  }
0x44: {  	v14 =	vmul.f32 v14, v7;
	v7 =	vld [tilespmem:s26+$0x160];
	v12 =	vadd.f32 $0.0e+00, v12  }
0x45: {  	v19 =	vld [tilespmem:s26+$0x2970];
	v11 =	vmax.f32 v11, v52;
	v16 =	vadd.f32 v16, v5;
	v53 =	vmul.f32 $2.000000030e-01, v13  }
0x46: {  	v11 =	vmul.f32 v11, v8;
	v8 =	vld [tilespmem:s26+$0x170];
	v12 =	vadd.f32 v14, v12  }
0x47: {  	v55 =	vld [tilespmem:$0x5650];
	v54 =	vmul.f32 $2.000000030e-01, v16;
	v13 =	vmax.f32 v13, v53;
	v15 =	vadd.f32 v51, v6  }
0x48: {  	v10 =	vmul.f32 v13, v10;
	v11 =	vadd.f32 v11, v12  }
0x49: {  	v59 =	vld [tilespmem:$0x5660];
	v56 =	vmax.f32 v16, v54;
	v58 =	vadd.f32 v18, v7;
	v57 =	vmul.f32 $2.000000030e-01, v15  }
0x4a: {  	v9 =	vmul.f32 v56, v9;
	v10 =	vadd.f32 v10, v11  }
0x4b: {  	v62 =	vld [tilespmem:$0x5670];
	v61 =	vadd.f32 v19, v8;
	v60 =	vmul.f32 $2.000000030e-01, v58;
	v11 =	vmax.f32 v15, v57  }
0x4c: {  	v9 =	vadd.f32 v9, v10;
	v10 =	vmul.f32 v11, v55  }
0x4d: {  	v63 =	vmul.f32 $2.000000030e-01, v61;
	v11 =	vmax.f32 v58, v60  }
0x4e: {  	v9 =	vadd.f32 v10, v9;
	v10 =	vmul.f32 v11, v59  }
0x4f: {  	v11 =	vmax.f32 v61, v63  }
0x50: {  	v9 =	vadd.f32 v10, v9;
	v10 =	vmul.f32 v11, v62;
	_ =	sdelay $0x1  }
0x51: {  	v9 =	vadd.f32 v10, v9;
	_ =	sdelay $0x1  }
0x52: {  	[tilespmem:$0x5690] =	vst v9  }
0x53: {  	v10 =	vld [tilespmem:$0x5698]  }
0x54: {  	v11 =	vld [tilespmem:$0x5688];
	_ =	sdelay $0x4  }
0x55: {  	v10 =	vadd.f32 v11, v10;
	_ =	sdelay $0x1  }
0x56: {  	v9 =	vadd.f32 v10, v9;
	_ =	sdelay $0x1  }
0x57: {  	(v2sf) =	vpush v9, $0x0  }
0x58: {  	(v2sf) =	vpush v9, $0x1;
	_ =	sdelay $0x1  }
0x59: {  	(v2sf) =	vpush v9, $0x2;
	_ =	sdelay $0x1  }
0x5a: {  	(v2sf) =	vpush v9, $0x3;
	_ =	sdelay $0x1  }
0x5b: {  	(v2sf) =	vpush v9, $0x4;
	_ =	sdelay $0x1  }
0x5c: {  	(v2sf) =	vpush v9, $0x5;
	_ =	sdelay $0x1  }
0x5d: {  	(v2sf) =	vpush v9, $0x6;
	_ =	sdelay $0x1  }
0x5e: {  	(v2sf) =	vpush v9, $0x7;
	_ =	sdelay $0x1  }
0x5f: {  	s28 =	spop (v2sf)  }
0x60: {  	s29 =	spop (v2sf)  }
0x61: {  	s28 =	sadd.f32 s29, s28  }
0x62: {  	s29 =	spop (v2sf)  }
0x63: {  	s28 =	sadd.f32 s28, s29  }
0x64: {  	s29 =	spop (v2sf)  }
0x65: {  	s28 =	sadd.f32 s28, s29  }
0x66: {  	s29 =	spop (v2sf)  }
0x67: {  	s28 =	sadd.f32 s28, s29  }
0x68: {  	s29 =	spop (v2sf)  }
0x69: {  	s28 =	sadd.f32 s28, s29  }
0x6a: {  	s29 =	spop (v2sf)  }
0x6b: {  	s28 =	sadd.f32 s28, s29  }
0x6c: {  	s29 =	spop (v2sf)  }
0x6d: {  	s28 =	sadd.f32 s28, s29;
	_ =	sdelay $0x1  }
0x6e: {  	v9 =	vmov s28  }
0x6f: {  	v9 =	vmul.f32 $1.442695020e+00, v9;
	_ =	sdelay $0x1  }
0x70: {  	v9 =	vbroadcast v9, $0x0;
	_ =	sdelay $0x1  }
0x71: {  	s30 =	simm.s32 $0x200;
	s29 =	simm.s32 $0x5100;
	s28 =	simm.s32 $0x5100;
	(erf) = vpow2.f32 v9  }
.LBB2_3:
0x72: {  	_ =	sdelay $0x6  }
0x73: {  	p0 =	sne.s32 s30, $0x9E00  }
0x74: {  	s29 =	sadd.s32 $0x10, s29;
	s31 =	smov.u32 s30;
	s30 =	sadd.s32 $0x200, s30;
	v9 =	vpop (erf)  }
0x75: {  	v1 =	vmul.f32 v9, v1;
	v8 =	vmul.f32 v9, v8  }
0x76: {  	v2 =	vmul.f32 v9, v2;
	v3 =	vmul.f32 v9, v3  }
0x77: {  	[tilespmem:s26+$0x100] =	vst v1;
	v1 =	vmul.f32 v9, v4;
	v4 =	vmul.f32 v9, v5  }
0x78: {  	v5 =	vmul.f32 v9, v7;
	[tilespmem:s26+$0x110] =	vst v2;
	v2 =	vmul.f32 v9, v6  }
0x79: {  	[tilespmem:s26+$0x170] =	vst v8  }
0x7a: {  	[tilespmem:s26+$0x120] =	vst v3  }
0x7b: {  	[tilespmem:s26+$0x150] =	vst v2  }
0x7c: {  	[tilespmem:s26+$0x130] =	vst v1  }
0x7d: {  	[tilespmem:s26+$0x140] =	vst v4  }
0x7e: {  	[tilespmem:s26+$0x160] =	vst v5  }
0x7f: {  	[tilespmem:s28+$0x0] =	vst v9;
	s28 =	smov.u32 s29  }
0x80: {  	v9 =	vld [tilespmem:$0x5640]  }
0x81: {  	v10 =	vld [tilespmem:$0x5630]  }
0x82: {  	v8 =	vld [tilespmem:$0x5620]  }
0x83: {  	s26 =	sshra.s32 s31, $0x2;
	v7 =	vld [tilespmem:$0x5610]  }
0x84: {  	v4 =	vld [tilespmem:s26+$0x2910]  }
0x85: {  	v1 =	vld [tilespmem:s26+$0x100]  }
0x86: {  	v5 =	vld [tilespmem:s26+$0x2900]  }
0x87: {  	v2 =	vld [tilespmem:s26+$0x110]  }
0x88: {  	v6 =	vld [tilespmem:$0x5600]  }
0x89: {  	v11 =	vld [tilespmem:s26+$0x2920]  }
0x8a: {  	v3 =	vld [tilespmem:s26+$0x120]  }
0x8b: {  	v12 =	vadd.f32 v5, v1;
	v13 =	vld [tilespmem:s26+$0x2930]  }
0x8c: {  	v14 =	vadd.f32 v4, v2;
	v4 =	vld [tilespmem:s26+$0x130]  }
0x8d: {  	v15 =	vmul.f32 $2.000000030e-01, v12;
	v16 =	vld [tilespmem:s26+$0x2940]  }
0x8e: {  	v17 =	vmul.f32 $2.000000030e-01, v14;
	v5 =	vld [tilespmem:s26+$0x140]  }
0x8f: {  	v12 =	vmax.f32 v12, v15;
	v11 =	vadd.f32 v11, v3;
	v15 =	vld [tilespmem:s26+$0x2950]  }
0x90: {  	v12 =	vmul.f32 v12, v6;
	v14 =	vmax.f32 v14, v17;
	v6 =	vld [tilespmem:s26+$0x150]  }
0x91: {  	v17 =	vmul.f32 $2.000000030e-01, v11;
	v13 =	vadd.f32 v13, v4;
	v18 =	vld [tilespmem:s26+$0x2960]  }
0x92: {  	v14 =	vmul.f32 v14, v7;
	v12 =	vadd.f32 $0.0e+00, v12;
	v7 =	vld [tilespmem:s26+$0x160]  }
0x93: {  	v11 =	vmax.f32 v11, v17;
	v17 =	vmul.f32 $2.000000030e-01, v13;
	v16 =	vadd.f32 v16, v5;
	v19 =	vld [tilespmem:s26+$0x2970]  }
0x94: {  	v12 =	vadd.f32 v14, v12;
	v11 =	vmul.f32 v11, v8;
	v8 =	vld [tilespmem:s26+$0x170]  }
0x95: {  	v13 =	vmax.f32 v13, v17;
	v14 =	vmul.f32 $2.000000030e-01, v16;
	v15 =	vadd.f32 v15, v6;
	v17 =	vld [tilespmem:$0x5650]  }
0x96: {  	v11 =	vadd.f32 v11, v12;
	v10 =	vmul.f32 v13, v10  }
0x97: {  	v12 =	vmax.f32 v16, v14;
	v13 =	vmul.f32 $2.000000030e-01, v15;
	v14 =	vadd.f32 v18, v7;
	v16 =	vld [tilespmem:$0x5660]  }
0x98: {  	v10 =	vadd.f32 v10, v11;
	v9 =	vmul.f32 v12, v9  }
0x99: {  	v11 =	vmax.f32 v15, v13;
	v12 =	vmul.f32 $2.000000030e-01, v14;
	v13 =	vadd.f32 v19, v8;
	v15 =	vld [tilespmem:$0x5670]  }
0x9a: {  	v9 =	vadd.f32 v9, v10;
	v10 =	vmul.f32 v11, v17  }
0x9b: {  	v11 =	vmax.f32 v14, v12;
	v12 =	vmul.f32 $2.000000030e-01, v13  }
0x9c: {  	v9 =	vadd.f32 v10, v9;
	v10 =	vmul.f32 v11, v16  }
0x9d: {  	v11 =	vmax.f32 v13, v12  }
0x9e: {  	v9 =	vadd.f32 v10, v9;
	v10 =	vmul.f32 v11, v15;
	_ =	sdelay $0x1  }
0x9f: {  	v9 =	vadd.f32 v10, v9;
	_ =	sdelay $0x1  }
0xa0: {  	[tilespmem:$0x5690] =	vst v9  }
0xa1: {  	v10 =	vld [tilespmem:$0x5698]  }
0xa2: {  	v11 =	vld [tilespmem:$0x5688];
	_ =	sdelay $0x4  }
0xa3: {  	v10 =	vadd.f32 v11, v10;
	_ =	sdelay $0x1  }
0xa4: {  	v9 =	vadd.f32 v10, v9;
	_ =	sdelay $0x1  }
0xa5: {  	(v2sf) =	vpush v9, $0x0  }
0xa6: {  	(v2sf) =	vpush v9, $0x1;
	_ =	sdelay $0x1  }
0xa7: {  	(v2sf) =	vpush v9, $0x2;
	_ =	sdelay $0x1  }
0xa8: {  	(v2sf) =	vpush v9, $0x3;
	_ =	sdelay $0x1  }
0xa9: {  	(v2sf) =	vpush v9, $0x4;
	_ =	sdelay $0x1  }
0xaa: {  	(v2sf) =	vpush v9, $0x5;
	_ =	sdelay $0x1  }
0xab: {  	(v2sf) =	vpush v9, $0x6;
	_ =	sdelay $0x1  }
0xac: {  	(v2sf) =	vpush v9, $0x7;
	_ =	sdelay $0x1  }
0xad: {  	s31 =	spop (v2sf)  }
0xae: {  	s0 =	spop (v2sf)  }
0xaf: {  	s0 =	sadd.f32 s0, s31  }
0xb0: {  	s31 =	spop (v2sf)  }
0xb1: {  	s0 =	sadd.f32 s0, s31  }
0xb2: {  	s31 =	spop (v2sf)  }
0xb3: {  	s0 =	sadd.f32 s0, s31  }
0xb4: {  	s31 =	spop (v2sf)  }
0xb5: {  	s0 =	sadd.f32 s0, s31  }
0xb6: {  	s31 =	spop (v2sf)  }
0xb7: {  	s0 =	sadd.f32 s0, s31  }
0xb8: {  	s31 =	spop (v2sf)  }
0xb9: {  	s0 =	sadd.f32 s0, s31  }
0xba: {  	s31 =	spop (v2sf)  }
0xbb: {  	s0 =	sadd.f32 s0, s31;
	_ =	sdelay $0x1  }
0xbc: {  	v9 =	vmov s0  }
.Ltmp0:
0xbd: {  	v9 =	vmul.f32 $1.442695020e+00, v9;
	(pc) =	sbr.rel @p0 .LBB2_3-.Ltmp0, $3  }
0xbe: {  	_ = 	snop  }
0xbf: {  	v9 =	vbroadcast v9, $0x0;
	_ =	sdelay $0x1  }
0xc0: {  	(erf) = vpow2.f32 v9  }
0xc1: {  	_ =	sdelay $0x7  }
0xc2: {  	v9 =	vpop (erf)  }
0xc3: {  	v1 =	vmul.f32 v9, v1  }
0xc4: {  	v2 =	vmul.f32 v9, v2  }
0xc5: {  	v8 =	vmul.f32 v9, v8;
	[tilespmem:s26+$0x100] =	vst v1  }
0xc6: {  	v1 =	vmul.f32 v9, v3;
	[tilespmem:s26+$0x110] =	vst v2  }
0xc7: {  	v2 =	vmul.f32 v9, v6;
	[tilespmem:s26+$0x170] =	vst v8  }
0xc8: {  	v3 =	vmul.f32 v9, v4;
	[tilespmem:s26+$0x120] =	vst v1  }
0xc9: {  	v1 =	vmul.f32 v9, v5;
	[tilespmem:s26+$0x150] =	vst v2  }
0xca: {  	v2 =	vmul.f32 v9, v7;
	[tilespmem:s26+$0x130] =	vst v3  }
0xcb: {  	[tilespmem:s26+$0x140] =	vst v1  }
0xcc: {  	[tilespmem:s26+$0x160] =	vst v2  }
0xcd: {  	[tilespmem:s28+$0x0] =	vst v9  }
0xce: {  	[spmem:s4] =	stream.indirect.scatter.add.f32 [tilespmem:s20], [sflag:$0x1], $0x80, s18, s19, $0xb8;
	[tilespmem:$0x19700] =	vst v63  }
0xcf: {  	s24 =	sadd.s32 $0x1, s24;
	_ =	swait.ge [sflag:s15], $0x2800  }
0xd0: {  	s0 =	sshll.u32 s25, $0x1;
	p0 =	sne.s32 s24, $0x7D;
	[sflag:s15] =	ssyncset.done $0x0  }
.Ltmp1:
0xd1: {  	s0 =	sadd.s32 s9, s0;
	[sflag:s15] =	ssyncadd.s32 $0xFFFFD800;
	(pc) =	sbr.rel @p0 .LBB2_2-.Ltmp1, $4  }
0xd2: {  	[hbm4b:s0+s5] =	stream.linear.scatter [tilespmem:s22], [sflag:$0x1], $0x500, $0x38;
	[tilespmem:$0x19700] =	vst v63  }
0xd3: {  	_ =	swait.ge [sflag:s15], $0x500  }
0xd4: {  	[sflag:s15] =	ssyncset.done $0x0  }
0xd5: {  	[sflag:s15] =	ssyncadd.s32 $0xFFFFFB00  }
0xd6: {  	s23 =	sadd.s32 $0x1, s23  }
0xd7: {  	p0 =	sne.s32 s23, s13  }
.Ltmp2:
0xd8: {  	[bflag:$0x0] =	sbarrier.arrive $0xFFFF;
	(pc) =	sbr.rel @p0 .LBB2_1-.Ltmp2, $4  }
0xd9: {  	[hbm:s12], [sflag:s16] =	dma.local [spmem:s17], $0x2800  }
0xda: {  	_ =	swait.ge [sflag:s15], $0x2800  }
0xdb: {  	[sflag:s15] =	ssyncset.done $0x0  }
0xdc: {  	[sflag:s15] =	ssyncadd.s32 $0xFFFFD800  }
0xdd: {  	_ =	sfence.sel $0x180000  }
0xde: {  	[bflag:$0x0] =	sbarrier.arrive $0xFFFF  }
0xdf: {  	_ =	strace $0x90000053  }
0xe0: {  	[bflag:$0x2] =	sbarrier.arrive $0xFFFF  }
0xe1: {  	p0 =	sne.s32 s2, $0x0;
	s0 =	rddreg [dreg:$0x4]  }
0xe2: {  	s0 =	sadd.s32 @!p0 $0x100000, s0  }
0xe3: {  	[sflag:s0] =	ssyncadd.tile.s32 @!p0 $0x1;
	_ =	shalt  }
.Lfunc_end2:
_tile_overlayer_lowered:
.L_overlay_start_2:
0xe4: {  	(tag) =	ssettag $0x2  }
0xe5: {  	s0 =	rddreg [dreg:$0x0];
	s2 =	stileid.u32  }
0xe6: {  	s1 =	rddreg [dreg:$0x1];
	p0 =	sne.s32 s2, $0x0  }
0xe7: {  	s3 =	rddreg [dreg:$0x2];
	[bflag:$0x3] =	sbarrier.arrive $0xFFFF;
	s2 =	simm.s32 @!p0 $0x1C01  }
0xe8: {  	[timem:s3], [sflag:s2] =	dma.local @!p0 [hbm:s0], s1  }
0xe9: {  	s0 =	simm.s32 @!p0 $0x1  }
0xea: {  	_ =	swait.ge @!p0 [sflag:s0], s1  }
0xeb: {  	s1 =	ssub.s32 @!p0 $0x0, s1;
	[sflag:s0] =	ssyncset.done @!p0 $0x0  }
0xec: {  	[sflag:s0] =	ssyncadd.s32 @!p0 s1  }
0xed: {  	[bflag:$0x3] =	sbarrier.arrive $0xFFFF  }
0xee: {  	_ =	shalt  }

// kernel: kernel.31.cloned.1.call-start
scs
__scs_entry_jumppad:
0x0: {  	(pc) =	sbr.rel $0x88, $3  }
0x1: {  	(tag) =	ssettag $0x0;
	lr =	simm.s32 $0x1  }
0x2: {  	[smem:$0x3F8F] =	sst lr;
	_ =	strace $0xD0000000  }
0x3: {  	_ = 	snop  }
0x4: {  	_ = 	snop  }
0x5: {  	_ = 	snop  }
0x6: {  	_ = 	snop  }
0x7: {  	_ = 	snop  }
__scs_overlays_trampoline_lowered:
0x8: {  	[smem:$0x3F9E] =	sst s0  }
0x9: {  	[smem:$0x3F9F] =	sst s1  }
0xa: {  	[smem:$0x3FA0] =	sst s2  }
0xb: {  	[smem:$0x3FA1] =	sst s3  }
0xc: {  	[smem:$0x3FA2] =	sst s4  }
0xd: {  	[smem:$0x3FA3] =	sst s5  }
0xe: {  	[smem:$0x3FA4] =	sst s6  }
0xf: {  	[smem:$0x3FA5] =	sst s7  }
0x10: {  	[smem:$0x3FA6] =	sst s8  }
0x11: {  	[smem:$0x3FA7] =	sst s9;
	s0 =	simm.s32 @!p0 $0x0  }
0x12: {  	s1 =	sld [smem:$0x3F8D];
	s0 =	simm.s32 @p0 $0x1  }
0x13: {  	[smem:$0x3FA8] =	sst s0;
	s0 =	simm.s32 @!p1 $0x0  }
0x14: {  	s2 =	sld [smem:$0x3F8C];
	s0 =	simm.s32 @p1 $0x1  }
0x15: {  	[smem:$0x3FA9] =	sst s0;
	s0 =	simm.s32 @!p2 $0x0  }
0x16: {  	s3 =	sld [smem:$0x3FDB];
	s0 =	simm.s32 @p2 $0x1  }
0x17: {  	s4 =	simm.s32 $0x1BF5;
	[smem:$0x3FAB] =	sst s0  }
0x18: {  	s0 =	sld [smem:$0x3F8E];
	_ =	swait.ge [sflag:s4], $0x0  }
0x19: {  	s7 =	sld [smem:$0x3F8F]  }
0x1a: {  	s8 =	sadd.s32 $0xFFFFE003, lr  }
0x1b: {  	s9 =	sadd.s32 $0xFFFFFEF7, lr;
	s5 =	simm.s32 $0xFFFFFFFF;
	p2 =	slt.u32 s8, $0xFFFFF086  }
0x1c: {  	p1 =	slt.u32 s9, $0xF7A;
	s5 =	simm.s32 @!p2 $0x0  }
0x1d: {  	s5 =	simm.s32 @p1 $0x1;
	p0 =	seq.s32 s7, s2  }
0x1e: {  	s7 =	smul.u32 @!p0 $0xF7A, s2;
	p2 =	seq.s32 @!p0 s5, $0x0  }
0x1f: {  	s9 =	smul.u32 $0xF7A, s1;
	s8 =	simm.s32 @!p0 $0x1BF5;
	p2 =	por !p2, p0  }
0x20: {  	[sflag:s8] =	ssyncset.s32 @!p0 $0xFFFFF086;
	s6 =	sadd.s32 @!p0 s3, s7;
	s7 =	simm.s32 @!p0 $0x108  }
0x21: {  	s3 =	sadd.s32 s3, s9;
	s6 =	sadd.s32 @!p0 $0x88, s6;
	s7 =	simm.s32 @p2 $0x1082  }
0x22: {  	[simem:s7], [sflag:s8] =	dma.local @!p0 [hbm:s6], $0xF7A  }
0x23: {  	s9 =	sor.u32 $0xD0000000, s2;
	s6 =	simm.s32 $0x108;
	_ =	swait.ge @!p0 [sflag:s8], $0x0  }
0x24: {  	s3 =	sadd.s32 $0x88, s3;
	s6 =	simm.s32 @!p1 $0x1082;
	[sflag:s4] =	ssyncset.s32 $0xFFFFF086  }
0x25: {  	[simem:s6], [sflag:s4] =	dma.local [hbm:s3], $0xF7A  }
0x26: {  	[smem:$0x3F8F] =	sst s1;
	(tag) =	ssettag s2;
	_ =	strace s9  }
0x27: {  	s1 =	sld [smem:$0x3F9F]  }
0x28: {  	s2 =	sld [smem:$0x3FA0]  }
0x29: {  	s4 =	sld [smem:$0x3FA2]  }
0x2a: {  	p0 =	seq.s32 s5, $0x0;
	s5 =	sld [smem:$0x3FA3]  }
0x2b: {  	s6 =	sld [smem:$0x3FA4]  }
0x2c: {  	s7 =	sld [smem:$0x3FA5]  }
0x2d: {  	s3 =	simm.s32 $0x108;
	s8 =	sld [smem:$0x3FA6]  }
0x2e: {  	s3 =	simm.s32 @!p0 $0x1082;
	s9 =	sld [smem:$0x3FA7]  }
0x2f: {  	lr =	sadd.s32 s0, s3;
	s0 =	sld [smem:$0x3F9E]  }
0x30: {  	s3 =	sld [smem:$0x3FA1]  }
0x31: {  	[smem:$0x3FAA] =	sst s10  }
0x32: {  	s10 =	sld [smem:$0x3FA8];
	_ =	sdelay $0x3  }
0x33: {  	p0 =	seq.s32 s10, $0x1;
	s10 =	sld [smem:$0x3FAA];
	_ =	sdelay $0x3  }
0x34: {  	[smem:$0x3FAA] =	sst s10  }
0x35: {  	s10 =	sld [smem:$0x3FA9];
	_ =	sdelay $0x3  }
0x36: {  	p1 =	seq.s32 s10, $0x1;
	s10 =	sld [smem:$0x3FAA];
	_ =	sdelay $0x3  }
0x37: {  	[smem:$0x3FAA] =	sst s10  }
0x38: {  	s10 =	sld [smem:$0x3FAB]  }
0x39: {  	_ = 	snop;
	(pc) =	sbr.ind lr, $3  }
0x3a: {  	_ = 	snop  }
0x3b: {  	_ = 	snop  }
0x3c: {  	p2 =	seq.s32 s10, $0x1;
	s10 =	sld [smem:$0x3FAA]  }
0x3d: {  	_ =	shalt  }
0x3e: {  	_ =	shalt  }
0x3f: {  	_ =	shalt  }
0x40: {  	_ =	shalt  }
0x41: {  	_ =	shalt  }
0x42: {  	_ =	shalt  }
0x43: {  	_ =	shalt  }
0x44: {  	_ =	shalt  }
0x45: {  	_ =	shalt  }
0x46: {  	_ =	shalt  }
0x47: {  	_ =	shalt  }
0x48: {  	_ =	shalt  }
0x49: {  	_ =	shalt  }
0x4a: {  	_ =	shalt  }
0x4b: {  	_ =	shalt  }
0x4c: {  	_ =	shalt  }
0x4d: {  	_ =	shalt  }
0x4e: {  	_ =	shalt  }
0x4f: {  	_ =	shalt  }
0x50: {  	_ =	shalt  }
0x51: {  	_ =	shalt  }
0x52: {  	_ =	shalt  }
0x53: {  	_ =	shalt  }
0x54: {  	_ =	shalt  }
0x55: {  	_ =	shalt  }
0x56: {  	_ =	shalt  }
0x57: {  	_ =	shalt  }
0x58: {  	_ =	shalt  }
0x59: {  	_ =	shalt  }
0x5a: {  	_ =	shalt  }
0x5b: {  	_ =	shalt  }
0x5c: {  	_ =	shalt  }
0x5d: {  	_ =	shalt  }
0x5e: {  	_ =	shalt  }
0x5f: {  	_ =	shalt  }
0x60: {  	_ =	shalt  }
0x61: {  	_ =	shalt  }
0x62: {  	_ =	shalt  }
0x63: {  	_ =	shalt  }
0x64: {  	_ =	shalt  }
0x65: {  	_ =	shalt  }
0x66: {  	_ =	shalt  }
0x67: {  	_ =	shalt  }
0x68: {  	_ =	shalt  }
0x69: {  	_ =	shalt  }
0x6a: {  	_ =	shalt  }
0x6b: {  	_ =	shalt  }
0x6c: {  	_ =	shalt  }
0x6d: {  	_ =	shalt  }
0x6e: {  	_ =	shalt  }
0x6f: {  	_ =	shalt  }
0x70: {  	_ =	shalt  }
0x71: {  	_ =	shalt  }
0x72: {  	_ =	shalt  }
0x73: {  	_ =	shalt  }
0x74: {  	_ =	shalt  }
0x75: {  	_ =	shalt  }
0x76: {  	_ =	shalt  }
0x77: {  	_ =	shalt  }
0x78: {  	_ =	shalt  }
0x79: {  	_ =	shalt  }
0x7a: {  	_ =	shalt  }
0x7b: {  	_ =	shalt  }
0x7c: {  	_ =	shalt  }
0x7d: {  	_ =	shalt  }
0x7e: {  	_ =	shalt  }
0x7f: {  	_ =	shalt  }
0x80: {  	_ =	shalt  }
0x81: {  	_ =	shalt  }
0x82: {  	_ =	shalt  }
0x83: {  	_ =	shalt  }
0x84: {  	_ =	shalt  }
0x85: {  	_ =	shalt  }
0x86: {  	_ =	shalt  }
0x87: {  	_ =	shalt  }
.Lfunc_end0:
.L_simem_size_0:
called_computation.5_lowered:
.L_overlay_start_0:
0x88: {  	s2 =	sld [smem:$0x3FD9]  }
0x89: {  	s3 =	sld [smem:$0x3FFE];
	_ =	sdelay $0x1  }
0x8a: {  	s1 =	srdreg.scid  }
0x8b: {  	s0 =	sand.u32 $0x1, s1  }
0x8c: {  	s16 =	sshll.u32 s0, $0xA;
	s2 =	sadd.s32 s3, s2  }
0x8d: {  	s2 =	sadd.s32 s2, s16  }
0x8e: {  	[smem:$0x3FB6] =	sst s2  }
0x8f: {  	_ = 	snop  }
0x90: {  	(tm) =	ssettm $0x1  }
0x91: {  	s17 =	sld [smem:$0x3FFB];
	_ =	sdelay $0x3  }
0x92: {  	_ =	strace s17  }
0x93: {  	s2 =	sld [smem:$0x3FFC];
	_ =	sdelay $0x3  }
0x94: {  	_ =	strace s2  }
0x95: {  	s2 =	sld [smem:$0x3FFD];
	_ =	sdelay $0x3  }
0x96: {  	_ =	strace s2  }
0x97: {  	_ =	strace $0x8FFFFFFF  }
0x98: {  	s18 =	sld [smem:$0x3FDB];
	_ =	sdelay $0x1  }
0x99: {  	s19 =	simm.s32 $_scs_section_size  }
0x9a: {  	s4 =	simm.s32 $_size__tile_overlayer_lowered;
	s5 =	simm.s32 $_tile_overlayer_lowered  }
0x9b: {  	s22 =	simm.s32 $0x1BFF;
	s21 =	sshll.u32 s5, $0x1;
	s2 =	sadd.s32 s19, s18  }
0x9c: {  	s6 =	simm.s32 $0x0;
	s20 =	sshll.u32 s4, $0x1;
	s4 =	sadd.s32 s21, s2  }
0x9d: {  	[timem:s6], [sflag:s22] =	dma.local [hbm:s4], s20  }
0x9e: {  	_ =	swait.ge [sflag:s22], s20  }
0x9f: {  	s3 =	ssub.s32 $0x0, s20;
	[sflag:s22] =	ssyncset.done $0x0  }
0xa0: {  	[sflag:s22] =	ssyncadd.s32 s3;
	_ =	sdelay $0x1  }
0xa1: {  	s23 =	simm.s32 $0x1B8B  }
0xa2: {  	_ =	swait.ge [sflag:s23], $0x1  }
0xa3: {  	[sflag:s23] =	ssyncset.done $0x0  }
0xa4: {  	s25 =	simm.s32 $0x1B8E;
	s24 =	sld [smem:$0x3FFE];
	[sflag:s23] =	ssyncadd.s32 $0xFFFFFFFF  }
0xa5: {  	s26 =	simm.s32 $execute0_lowered;
	[smem:$0x3FD2] =	sst s25  }
0xa6: {  	s4 =	sshll.u32 s26, $0x1;
	_ =	strace $0x80000055;
	[dreg:$0x1] =	wrdreg $0xFFFFFFFF  }
0xa7: {  	s28 =	simm.s32 $_size_execute0_lowered;
	s2 =	sadd.s32 s2, s4;
	[dreg:$0x0] =	wrdreg $0x0  }
0xa8: {  	s4 =	sshll.u32 s28, $0x1;
	[dreg:$0x2] =	wrdreg s2  }
0xa9: {  	[dreg:$0x3] =	wrdreg s4  }
0xaa: {  	[dreg:$0x4] =	wrdreg $0xC0  }
0xab: {  	_ =	task [dreg:s6], $0x5FFFF  }
0xac: {  	[dreg:$0x1] =	wrdreg $0xFFFFFFFF  }
0xad: {  	[dreg:$0x0] =	wrdreg $0x60  }
0xae: {  	[dreg:$0x2] =	wrdreg s24  }
0xaf: {  	[dreg:$0x3] =	wrdreg $0x2D800  }
0xb0: {  	[dreg:$0x4] =	wrdreg $0x9  }
0xb1: {  	_ =	task.clear_ibuf [dreg:s6], $0x5FFFF;
	_ =	strace $0x90000055  }
0xb2: {  	s29 =	simm.s32 $0x9;
	_ =	strace $0x80000057  }
0xb3: {  	_ =	swait.ge [sflag:s29], $0x1  }
0xb4: {  	[sflag:s29] =	ssyncadd.s32 $0xFFFFFFFF  }
0xb5: {  	_ =	strace $0x90000057  }
0xb6: {  	_ =	sfence  }
0xb7: {  	s30 =	sld [smem:$0x0];
	_ =	sdelay $0x2  }
0xb8: {  	s31 =	sshll.u32 s1, $0xD;
	s1 =	sshrl.u32 s1, $0x2  }
0xb9: {  	s3 =	sand.u32 $0x4000, s31;
	s1 =	sadd.s32 s1, s30  }
0xba: {  	s0 =	sor.u32 s3, s0;
	s1 =	sshll.u32 s1, $0x11  }
0xbb: {  	s0 =	sor.u32 s1, s0  }
0xbc: {  	s0 =	sadd.s32 $0x8F2B, s0  }
0xbd: {  	[sflag:s0] =	ssyncadd.remote.s32 $0x1  }
0xbe: {  	_ =	sfence.sel $0xFFFF  }
0xbf: {  	[dreg:$0x0] =	wrdreg $0xFFFFFFFF;
	(pc) =	sbr.abs _section_cstart, $3  }
0xc0: {  	[dreg:$0x1] =	wrdreg $0xFFFFFFFF  }
0xc1: {  	_ =	task.clear_ibuf [dreg:s6], $0x2FFFF;
	_ =	strace $0x9FFFFFFF  }
0xc2: {  	(tm) =	ssettm $0x7FFFFFFF  }
0xc3: {  	_ =	shalt  }
tec
execute0_lowered:
.L_overlay_start_1:
0x0: {  	(tag) =	ssettag $0x1  }
0x1: {  	s6 =	rddreg [dreg:$0x0]  }
0x2: {  	s2 =	rddreg [dreg:$0x1]  }
0x3: {  	s0 =	rddreg [dreg:$0x2];
	s3 =	simm.s32 $0x0;
	s1 =	stileid.u32  }
0x4: {  	s4 =	srdreg.scid;
	s14 =	simm.s32 $0x50;
	s15 =	simm.s32 $0x580  }
0x5: {  	s16 =	simm.s32 $0x0;
	[smem:$0x7FF] =	sst s3;
	s7 =	smul.u32 $0x14000, s1  }
0x6: {  	s8 =	sand.u32 $0x1, s4;
	s4 =	sadd.s32 $0x67800, s6;
	s5 =	sadd.s32 $0xE800, s6  }
0x7: {  	s11 =	smul.u32 $0x50000, s1;
	s30 =	sshll.u32 s1, $0x6;
	s31 =	sshll.u32 s1, $0x1  }
0x8: {  	_ =	strace $0x80000056;
	s9 =	smul.u32 $0x140000, s8;
	s28 =	ssub.s32 $0x2, s8  }
0x9: {  	s8 =	sor.u32 s8, s31;
	s10 =	sshrl.u32 s7, $0x3;
	s12 =	sshrl.u32 s28, $0x1  }
0xa: {  	s29 =	sshrl.u32 s11, $0x2;
	s8 =	smul.u32 $0x2710, s8;
	s7 =	sadd.s32 s7, s9  }
0xb: {  	s10 =	sadd.s32 s10, s6;
	s11 =	sadd.s32 s29, s2;
	s7 =	sshrl.u32 s7, $0x3  }
0xc: {  	s12 =	ssub.s32 s28, s12;
	s11 =	sshrl.u32 s11, $0x3;
	s13 =	sadd.s32 s7, s6  }
0xd: {  	s6 =	sadd.s32 $0x18600, s10;
	s7 =	sor.u32 $0x1C01, s30;
	s10 =	smax.u32 s12, $0x1  }
0xe: {  	s12 =	simm.s32 $0x1;
	s9 =	sadd.s32 $0x153C00, s13;
	s13 =	simm.s32 $0x80  }
.LBB2_1:
0xf: {  	[spmem:s11], [sflag:s7] =	dma.local [hbm:s6], $0x2800  }
0x10: {  	_ =	swait.ge [sflag:s12], $0x2800  }
0x11: {  	[sflag:s12] =	ssyncset.done $0x0  }
0x12: {  	[sflag:s12] =	ssyncadd.s32 $0xFFFFD800  }
0x13: {  	s17 =	simm.s32 $0x0;
	[bflag:$0x0] =	sbarrier.arrive $0xFFFF  }
.LBB2_2:
0x14: {  	s18 =	smul.u32 $0x50, s17;
	_ =	sdelay $0x1  }
0x15: {  	s18 =	sadd.s32 s8, s18  }
0x16: {  	s19 =	sshrl.u32 s18, $0x3  }
0x17: {  	s20 =	simm.s32 $0x0;
	s19 =	sadd.s32 s5, s19  }
0x18: {  	[tilespmem:s20], [sflag:$0x1] =	stream.linear.gather [hbm4b:s19+s20], $0x50, $0x38;
	[tilespmem:$0x16D80] =	vst v63  }
0x19: {  	_ =	swait.ge [sflag:s12], $0x50  }
0x1a: {  	s18 =	sshll.u32 s18, $0x1;
	[sflag:s12] =	ssyncset.done $0x0  }
0x1b: {  	s18 =	sadd.s32 s4, s18;
	[sflag:s12] =	ssyncadd.s32 $0xFFFFFFB0  }
0x1c: {  	[tilespmem:s13], [sflag:$0x1] =	stream.linear.gather [hbm4b:s18+s20], $0x500, $0x38;
	[tilespmem:$0x16D80] =	vst v63  }
0x1d: {  	_ =	swait.ge [sflag:s12], $0x500  }
0x1e: {  	[sflag:s12] =	ssyncset.done $0x0  }
0x1f: {  	s31 =	simm.s32 $0x0;
	[sflag:s12] =	ssyncadd.s32 $0xFFFFFB00  }
0x20: {  	v0 =	vld [tilespmem:s31+$0x80];
	_ =	sdelay $0x3  }
0x21: {  	s18 =	simm.s32 $0x5C0  }
0x22: {  	[tilespmem:s18+$0xFFFFFFC0] =	vst v0  }
0x23: {  	[tilespmem:s18+$0xFFFFFFD0] =	vst v0  }
0x24: {  	[tilespmem:s18+$0xFFFFFFE0] =	vst v0  }
0x25: {  	[tilespmem:s18+$0xFFFFFFF0] =	vst v0  }
0x26: {  	[tilespmem:s18+$0x0] =	vst v0  }
0x27: {  	[tilespmem:s18+$0x10] =	vst v0  }
0x28: {  	[tilespmem:s18+$0x20] =	vst v0  }
0x29: {  	s19 =	simm.s32 $0x80;
	s20 =	simm.s32 $0x10;
	[tilespmem:s18+$0x30] =	vst v0  }
.LBB2_3:
0x2a: {  	p0 =	sne.s32 s19, $0x13C0;
	v0 =	vld [tilespmem:s20+$0x80];
	_ =	sdelay $0x3  }
0x2b: {  	s18 =	sadd.s32 $0x80, s18  }
0x2c: {  	[tilespmem:s18+$0xFFFFFFC0] =	vst v0  }
0x2d: {  	[tilespmem:s18+$0xFFFFFFD0] =	vst v0  }
0x2e: {  	[tilespmem:s18+$0xFFFFFFE0] =	vst v0  }
.Ltmp0:
0x2f: {  	[tilespmem:s18+$0xFFFFFFF0] =	vst v0;
	(pc) =	sbr.rel @p0 .LBB2_3-.Ltmp0, $4  }
0x30: {  	[tilespmem:s18+$0x0] =	vst v0  }
0x31: {  	[tilespmem:s18+$0x10] =	vst v0  }
0x32: {  	[tilespmem:s18+$0x20] =	vst v0  }
0x33: {  	s20 =	sshra.s32 s19, $0x2;
	s19 =	sadd.s32 $0x40, s19;
	[tilespmem:s18+$0x30] =	vst v0  }
0x34: {  	v0 =	vld [tilespmem:s20+$0x80];
	_ =	sdelay $0x3  }
0x35: {  	s18 =	sadd.s32 $0x80, s18  }
0x36: {  	[tilespmem:s18+$0xFFFFFFC0] =	vst v0  }
0x37: {  	[tilespmem:s18+$0xFFFFFFD0] =	vst v0  }
0x38: {  	[tilespmem:s18+$0xFFFFFFE0] =	vst v0  }
0x39: {  	[tilespmem:s18+$0xFFFFFFF0] =	vst v0  }
0x3a: {  	[tilespmem:s18+$0x0] =	vst v0  }
0x3b: {  	s17 =	sadd.s32 $0x1, s17;
	[tilespmem:s18+$0x10] =	vst v0  }
0x3c: {  	p0 =	sne.s32 s17, $0x7D;
	[tilespmem:s18+$0x20] =	vst v0  }
.Ltmp1:
0x3d: {  	[tilespmem:s18+$0x30] =	vst v0;
	(pc) =	sbr.rel @p0 .LBB2_2-.Ltmp1, $4  }
0x3e: {  	[spmem:s2] =	stream.indirect.scatter.add.f32 [tilespmem:s15], [sflag:$0x1], $0x80, s3, s14, $0xb8;
	[tilespmem:$0x16D80] =	vst v63  }
0x3f: {  	_ =	swait.ge [sflag:s12], $0x2800  }
0x40: {  	[sflag:s12] =	ssyncset.done $0x0  }
0x41: {  	[sflag:s12] =	ssyncadd.s32 $0xFFFFD800  }
0x42: {  	s16 =	sadd.s32 $0x1, s16  }
0x43: {  	p0 =	sne.s32 s16, s10  }
.Ltmp2:
0x44: {  	[bflag:$0x0] =	sbarrier.arrive $0xFFFF;
	(pc) =	sbr.rel @p0 .LBB2_1-.Ltmp2, $4  }
0x45: {  	[hbm:s9], [sflag:s7] =	dma.local [spmem:s11], $0x2800  }
0x46: {  	_ =	swait.ge [sflag:s12], $0x2800  }
0x47: {  	[sflag:s12] =	ssyncset.done $0x0  }
0x48: {  	[sflag:s12] =	ssyncadd.s32 $0xFFFFD800  }
0x49: {  	_ =	sfence.sel $0x180000  }
0x4a: {  	[bflag:$0x0] =	sbarrier.arrive $0xFFFF  }
0x4b: {  	p0 =	sne.s32 s1, $0x0;
	_ =	strace $0x90000056  }
0x4c: {  	s0 =	sadd.s32 @!p0 $0x100000, s0;
	[bflag:$0x2] =	sbarrier.arrive $0xFFFF  }
0x4d: {  	[sflag:s0] =	ssyncadd.tile.s32 @!p0 $0x1;
	_ =	shalt  }
.Lfunc_end2:
_tile_overlayer_lowered:
.L_overlay_start_2:
0x4e: {  	(tag) =	ssettag $0x2  }
0x4f: {  	s0 =	rddreg [dreg:$0x0];
	s2 =	stileid.u32  }
0x50: {  	s1 =	rddreg [dreg:$0x1];
	p0 =	sne.s32 s2, $0x0  }
0x51: {  	s3 =	rddreg [dreg:$0x2];
	[bflag:$0x3] =	sbarrier.arrive $0xFFFF;
	s2 =	simm.s32 @!p0 $0x1C01  }
0x52: {  	[timem:s3], [sflag:s2] =	dma.local @!p0 [hbm:s0], s1  }
0x53: {  	s0 =	simm.s32 @!p0 $0x1  }
0x54: {  	_ =	swait.ge @!p0 [sflag:s0], s1  }
0x55: {  	s1 =	ssub.s32 @!p0 $0x0, s1;
	[sflag:s0] =	ssyncset.done @!p0 $0x0  }
0x56: {  	[sflag:s0] =	ssyncadd.s32 @!p0 s1  }
0x57: {  	[bflag:$0x3] =	sbarrier.arrive $0xFFFF  }
0x58: {  	_ =	shalt  }

</sc_bundles>
